<compile_context>
chip_gen: v7x
topology: tpu7x:2x2x1
jax: 0.10.2.dev20260603
libtpu: 0.0.44.dev20260713+nightly
codegen_flags: <defaults>
</compile_context>

<pallas_src>
import functools

import jax
import jax.numpy as jnp
from jax import lax
from jax.experimental import pallas as pl
from jax.experimental.pallas import tpu as pltpu
from jax.experimental.pallas import tpu_sc as plsc

F = 26
V = 100000
E = 16
A = 16
B = 4096

NC = 2
NS = 16
NW = NC * NS
N = B * F
N_PER_W = N // NW
CH = 128
N_CH = N_PER_W // CH
BS = B // NW

BT = 256
FP = 32
EW = 512


@functools.lru_cache(maxsize=None)
def _get_sc_gather():
    mesh = plsc.VectorSubcoreMesh(core_axis_name="c", subcore_axis_name="s")

    @functools.partial(
        pl.kernel,
        mesh=mesh,
        compiler_params=pltpu.CompilerParams(use_tc_tiling_on_sc=False),
        out_type=jax.ShapeDtypeStruct((B, EW), jnp.float32),
        scratch_types=[
            pltpu.VMEM((F, BS), jnp.int32),
            pltpu.VMEM((F, BS, E), jnp.float32),
            pltpu.SemaphoreType.DMA,
            pltpu.SemaphoreType.DMA,
        ],
    )
    def _sc_gather(tbl_hbm, idx_hbm, rows_out, idx_v, buf, sem, sem2):
        wid = lax.axis_index("s") * NC + lax.axis_index("c")
        base = wid * BS
        pltpu.sync_copy(idx_hbm.at[wid], idx_v)
        cps = []
        for f in range(F):
            cps.append(pltpu.async_copy(
                tbl_hbm.at[idx_v.at[f]], buf.at[f], sem))
        outs = []
        for f in range(F):
            cps[f].wait()
            outs.append(pltpu.async_copy(
                buf.at[f],
                rows_out.at[pl.ds(base, BS), pl.ds(f * E, E)], sem2))
        for cp in outs:
            cp.wait()

    return _sc_gather


@functools.lru_cache(maxsize=None)
def _get_sc_gather_e1():
    mesh = plsc.VectorSubcoreMesh(core_axis_name="c", subcore_axis_name="s")

    @functools.partial(
        pl.kernel,
        mesh=mesh,
        compiler_params=pltpu.CompilerParams(use_tc_tiling_on_sc=False),
        out_type=jax.ShapeDtypeStruct((N,), jnp.float32),
        scratch_types=[
            pltpu.VMEM((N_PER_W,), jnp.int32),
            pltpu.VMEM((N_PER_W,), jnp.float32),
            pltpu.SemaphoreType.DMA,
        ],
    )
    def _sc_gather_e1(emb1_hbm, idx_hbm, e1_out, idx_v, e1_v, sem):
        wid = lax.axis_index("s") * NC + lax.axis_index("c")
        base = wid * N_PER_W
        pltpu.sync_copy(idx_hbm.at[wid], idx_v)
        pltpu.async_copy(emb1_hbm.at[idx_v], e1_v, sem).wait()
        pltpu.sync_copy(e1_v, e1_out.at[pl.ds(base, N_PER_W)])

    return _sc_gather_e1


def _tr(m):
    chunks = []
    L = m.shape[1]
    for c in range(0, L, 128):
        w = min(128, L - c)
        chunks.append(jnp.transpose(m[:, c:c + w]))
    return jnp.concatenate(chunks, axis=0) if len(chunks) > 1 else chunks[0]


def _tc_body(rows_ref, xvb_ref, e1b_ref, w1t_ref, h_ref, p_ref, b_ref, out_ref):
    w_col = jnp.sum(w1t_ref[...] * h_ref[...], axis=1, keepdims=True)
    p_col = p_ref[...]
    zpad = jnp.zeros((BT, FP - F), jnp.float32)
    xv = _tr(jnp.concatenate([xvb_ref[...], zpad], axis=1))
    e1t = _tr(jnp.concatenate([e1b_ref[...], zpad], axis=1))
    first = jnp.sum(e1t * xv, axis=0, keepdims=True)
    t = _tr(rows_ref[...][:, :F * E])
    s_all = jnp.concatenate(
        [t[f * E:(f + 1) * E, :] * xv[f:f + 1, :] for f in range(F)], axis=0)
    num = jnp.zeros_like(first)
    den = jnp.zeros_like(first)
    for i in range(F - 1):
        nj = F - 1 - i
        si = s_all[i * E:(i + 1) * E, :]
        swi = si * w_col
        spi = si * p_col
        rest = s_all[(i + 1) * E:, :]
        gw = jnp.sum((rest * jnp.tile(swi, (nj, 1))).reshape(nj, E, BT), axis=1)
        gp = jnp.sum((rest * jnp.tile(spi, (nj, 1))).reshape(nj, E, BT), axis=1)
        ew = jnp.exp(gw)
        den = den + jnp.sum(ew, axis=0, keepdims=True)
        num = num + jnp.sum(gp * ew, axis=0, keepdims=True)
    out_ref[...] = b_ref[...] + first + num / den


_tc_compute = pl.pallas_call(
    _tc_body,
    grid=(B // BT,),
    in_specs=[
        pl.BlockSpec((BT, EW), lambda i: (i, 0)),
        pl.BlockSpec((BT, F), lambda i: (i, 0)),
        pl.BlockSpec((BT, F), lambda i: (i, 0)),
        pl.BlockSpec((E, A), lambda i: (0, 0)),
        pl.BlockSpec((1, A), lambda i: (0, 0)),
        pl.BlockSpec((E, 1), lambda i: (0, 0)),
        pl.BlockSpec((1, 1), lambda i: (0, 0)),
    ],
    out_specs=pl.BlockSpec((1, BT), lambda i: (0, i)),
    out_shape=jax.ShapeDtypeStruct((1, B), jnp.float32),
)


def kernel(Xi, Xv, emb1, emb2, W1, b1, H, P, bias):
    del b1
    idx = Xi[:, :, 0].astype(jnp.int32)
    flat_idx = (idx + (jnp.arange(F, dtype=jnp.int32) * V)[None, :])
    gw = flat_idx.reshape(NW, N_PER_W)
    idxt = flat_idx.reshape(NW, BS, F).transpose(0, 2, 1)
    rows = _get_sc_gather()(emb2.reshape(F * V, E), idxt)
    e1 = _get_sc_gather_e1()(emb1.reshape(F * V), gw)
    out = _tc_compute(rows, Xv, e1.reshape(B, F), W1.T,
                      H.reshape(1, A), P.reshape(E, 1), bias.reshape(1, 1))
    return out.reshape(B)

# --- scband reference (transcript-rebuilt; emitter-appended) ---
"""Pipeline reference for scband-afm-62156766707846 (READ-ONLY COPY).

The authoritative reference and input builder live on the scoring server;
editing this copy changes nothing except your own understanding.
"""

import jax, jax.numpy as jnp
import numpy as np

F = 26
V = 100000
E = 16
A = 16
B = 4096


def setup_inputs(seed: int = 0) -> dict:
    key = jax.random.key(seed)
    ks = jax.random.split(key, 10)
    Xi = jax.random.randint(ks[0], (B, F, 1), 0, V)
    Xv = jax.random.uniform(ks[1], (B, F), dtype=jnp.float32)
    emb1 = jax.random.normal(ks[2], (F, V, 1), dtype=jnp.float32) * 0.01
    emb2 = jax.random.normal(ks[3], (F, V, E), dtype=jnp.float32) * 0.01
    W1 = jax.random.normal(ks[4], (A, E), dtype=jnp.float32) * 0.1
    b1 = jnp.zeros((A,), dtype=jnp.float32)
    H = jax.random.normal(ks[5], (A,), dtype=jnp.float32)
    P = jax.random.normal(ks[6], (E,), dtype=jnp.float32)
    bias = jax.random.normal(ks[7], (1,), dtype=jnp.float32)
    return {"Xi": Xi, "Xv": Xv, "emb1": emb1, "emb2": emb2, "W1": W1, "b1": b1, "H": H, "P": P, "bias": bias}


def reference(Xi, Xv, emb1, emb2, W1, b1, H, P, bias):
    # Xi: [B, F, 1] int indices, Xv: [B, F] float values
    idx = Xi[:, :, 0]  # [B, F]
    # per-field embedding gather: emb tables stacked along field axis
    gather = jax.vmap(lambda table, ids: jnp.take(table, ids, axis=0), in_axes=(0, 1), out_axes=1)
    # fm first order: [B, F, 1] -> sum over k (k=1) -> scale by Xv -> concat => [B, F]
    first = gather(emb1, idx)[..., 0] * Xv  # [B, F]
    # fm second order embeddings scaled by feature values: [B, F, E]
    second = gather(emb2, idx) * Xv[:, :, None]
    # pairwise interactions i<j
    iu, ju = np.triu_indices(F, k=1)
    npairs = iu.shape[0]  # F*(F-1)/2 = 325
    inter = second[:, iu, :] * second[:, ju, :]  # [B, npairs, E]
    flat = inter.reshape(-1, E)  # [B*npairs, E]
    # attention network
    attn = (flat @ W1.T + b1) * H  # [B*npairs, A]
    attn_val = jnp.sum(attn, axis=1).reshape(-1, npairs)  # [B, npairs]
    attention_weight = jax.nn.softmax(attn_val, axis=1)
    attention_output = jnp.sum(flat * P, axis=1).reshape(-1, npairs) * attention_weight  # [B, npairs]
    total_sum = bias[0] + jnp.sum(first, axis=1) + jnp.sum(attention_output, axis=1)
    return total_sum

if __name__ == "__main__":
    import jax
    _d = setup_inputs()
    print(jax.jit(kernel)(*tuple(_d.values())))

</pallas_src>

<mosaic_0001>
#map = affine_map<(d0, d1) -> (0, 0)>
#map1 = affine_map<(d0, d1) -> (0, 0, 0)>
module attributes {stable_mosaic.version = 14 : i64} {
  func.func @_sc_gather(%arg0: i32, %arg1: i32, %arg2: memref<2600000x16xf32, #tpu.memory_space<hbm>>, %arg3: memref<32x26x128xi32, #tpu.memory_space<hbm>>, %arg4: memref<4096x512xf32, #tpu.memory_space<hbm>>, %arg5: memref<26x128xi32, #tpu.memory_space<vmem>>, %arg6: memref<26x128x16xf32, #tpu.memory_space<vmem>>, %arg7: memref<!tpu.dma_semaphore, #tpu.memory_space<semaphore_mem>>, %arg8: memref<!tpu.dma_semaphore, #tpu.memory_space<semaphore_mem>>) attributes {dimension_semantics = [#tpu.dimension_semantics<core_parallel>, #tpu.dimension_semantics<subcore_parallel>], iteration_bounds = array<i64: 2, 16>, scalar_prefetch = 0 : i64, scratch_operands = 4 : i64, tpu.core_type = #tpu.core_type<sc_vector_subcore>, window_params = [{transform_indices = #map}, {transform_indices = #map1}, {transform_indices = #map}]} {
    %mul3A = arith.constant 2 : i32
    %mul3A_0 = arith.muli %arg1, %mul3A : i32
    %add3A = arith.addi %mul3A_0, %arg0 : i32
    %mul3A_1 = arith.constant 128 : i32
    %mul3A_2 = arith.muli %add3A, %mul3A_1 : i32
    "tpu.region"() ({
      %run_scoped3A = tpu.sem_alloc : memref<!tpu.dma_semaphore, #tpu.memory_space<semaphore_mem>>
      %dma_start3A_1301 = arith.constant 0 : i32
      %dma_start3A_1302 = arith.constant 0 : i32
      %dma_start3A_1303 = tpu.memref_slice %arg3[%add3A, %dma_start3A_1301, %dma_start3A_1302] : memref<32x26x128xi32, #tpu.memory_space<hbm>> -> memref<1x26x128xi32, #tpu.memory_space<hbm>>
      %dma_start3A_1304 = tpu.memref_squeeze %dma_start3A_1303 : memref<1x26x128xi32, #tpu.memory_space<hbm>> -> memref<26x128xi32, #tpu.memory_space<hbm>>
      %dma_start3A_1305 = arith.constant 0 : i32
      %dma_start3A_1306 = arith.constant 0 : i32
      %dma_start3A_1307 = tpu.memref_slice %arg3[%add3A, %dma_start3A_1305, %dma_start3A_1306] : memref<32x26x128xi32, #tpu.memory_space<hbm>> -> memref<1x26x128xi32, #tpu.memory_space<hbm>>
      %dma_start3A_1308 = tpu.memref_squeeze %dma_start3A_1307 : memref<1x26x128xi32, #tpu.memory_space<hbm>> -> memref<26x128xi32, #tpu.memory_space<hbm>>
      tpu.enqueue_dma source(%dma_start3A_1308 : memref<26x128xi32, #tpu.memory_space<hbm>>) target(%arg5 : memref<26x128xi32, #tpu.memory_space<vmem>>) target_semaphore(%run_scoped3A : memref<!tpu.dma_semaphore, #tpu.memory_space<semaphore_mem>>)
      %dma_wait3A_1309 = arith.constant 0 : i32
      %dma_wait3A_1310 = arith.constant 0 : i32
      %dma_wait3A_1311 = tpu.memref_slice %arg3[%add3A, %dma_wait3A_1309, %dma_wait3A_1310] : memref<32x26x128xi32, #tpu.memory_space<hbm>> -> memref<1x26x128xi32, #tpu.memory_space<hbm>>
      %dma_wait3A_1312 = tpu.memref_squeeze %dma_wait3A_1311 : memref<1x26x128xi32, #tpu.memory_space<hbm>> -> memref<26x128xi32, #tpu.memory_space<hbm>>
      %dma_wait3A_1313 = arith.constant 0 : i32
      %dma_wait3A_1314 = arith.constant 0 : i32
      %dma_wait3A_1315 = tpu.memref_slice %arg3[%add3A, %dma_wait3A_1313, %dma_wait3A_1314] : memref<32x26x128xi32, #tpu.memory_space<hbm>> -> memref<1x26x128xi32, #tpu.memory_space<hbm>>
      %dma_wait3A_1316 = tpu.memref_squeeze %dma_wait3A_1315 : memref<1x26x128xi32, #tpu.memory_space<hbm>> -> memref<26x128xi32, #tpu.memory_space<hbm>>
      tpu.wait_dma2 semaphore(%run_scoped3A : memref<!tpu.dma_semaphore, #tpu.memory_space<semaphore_mem>>) src(%dma_wait3A_1316 : memref<26x128xi32, #tpu.memory_space<hbm>>) dst(%arg5 : memref<26x128xi32, #tpu.memory_space<vmem>>)
      tpu.yield
    }) : () -> ()
    %dma_start3A = arith.constant 0 : i32
    %dma_start3A_3 = arith.constant 0 : i32
    %dma_start3A_4 = arith.constant 0 : i32
    %dma_start3A_5 = arith.constant 0 : i32
    %dma_start3A_6 = tpu.memref_slice %arg6[%dma_start3A_3, %dma_start3A_4, %dma_start3A_5] : memref<26x128x16xf32, #tpu.memory_space<vmem>> -> memref<1x128x16xf32, #tpu.memory_space<vmem>>
    %dma_start3A_7 = tpu.memref_squeeze %dma_start3A_6 : memref<1x128x16xf32, #tpu.memory_space<vmem>> -> memref<128x16xf32, #tpu.memory_space<vmem>>
    %dma_start3A_8 = arith.constant 0 : i32
    %dma_start3A_9 = tpu.memref_slice %arg5[%dma_start3A, %dma_start3A_8] : memref<26x128xi32, #tpu.memory_space<vmem>> -> memref<1x128xi32, #tpu.memory_space<vmem>>
    %dma_start3A_10 = tpu.memref_squeeze %dma_start3A_9 : memref<1x128xi32, #tpu.memory_space<vmem>> -> memref<128xi32, #tpu.memory_space<vmem>>
    %dma_start3A_11 = arith.constant 0 : i32
    %dma_start3A_12 = arith.constant 0 : i32
    %dma_start3A_13 = tpu.memref_slice %arg2[%dma_start3A_11, %dma_start3A_12] : memref<2600000x16xf32, #tpu.memory_space<hbm>> -> memref<2600000x16xf32, #tpu.memory_space<hbm>>
    tpu.enqueue_indirect_dma source(%dma_start3A_13 : memref<2600000x16xf32, #tpu.memory_space<hbm>>) target(%dma_start3A_7 : memref<128x16xf32, #tpu.memory_space<vmem>>) offsets(%dma_start3A_10 : memref<128xi32, #tpu.memory_space<vmem>>) semaphore(%arg7 : memref<!tpu.dma_semaphore, #tpu.memory_space<semaphore_mem>>)
    %dma_start3A_14 = arith.constant 1 : i32
    %dma_start3A_15 = arith.constant 1 : i32
    %dma_start3A_16 = arith.constant 0 : i32
    %dma_start3A_17 = arith.constant 0 : i32
    %dma_start3A_18 = tpu.memref_slice %arg6[%dma_start3A_15, %dma_start3A_16, %dma_start3A_17] : memref<26x128x16xf32, #tpu.memory_space<vmem>> -> memref<1x128x16xf32, #tpu.memory_space<vmem>>
    %dma_start3A_19 = tpu.memref_squeeze %dma_start3A_18 : memref<1x128x16xf32, #tpu.memory_space<vmem>> -> memref<128x16xf32, #tpu.memory_space<vmem>>
    %dma_start3A_20 = arith.constant 0 : i32
    %dma_start3A_21 = tpu.memref_slice %arg5[%dma_start3A_14, %dma_start3A_20] : memref<26x128xi32, #tpu.memory_space<vmem>> -> memref<1x128xi32, #tpu.memory_space<vmem>>
    %dma_start3A_22 = tpu.memref_squeeze %dma_start3A_21 : memref<1x128xi32, #tpu.memory_space<vmem>> -> memref<128xi32, #tpu.memory_space<vmem>>
    %dma_start3A_23 = arith.constant 0 : i32
    %dma_start3A_24 = arith.constant 0 : i32
    %dma_start3A_25 = tpu.memref_slice %arg2[%dma_start3A_23, %dma_start3A_24] : memref<2600000x16xf32, #tpu.memory_space<hbm>> -> memref<2600000x16xf32, #tpu.memory_space<hbm>>
    tpu.enqueue_indirect_dma source(%dma_start3A_25 : memref<2600000x16xf32, #tpu.memory_space<hbm>>) target(%dma_start3A_19 : memref<128x16xf32, #tpu.memory_space<vmem>>) offsets(%dma_start3A_22 : memref<128xi32, #tpu.memory_space<vmem>>) semaphore(%arg7 : memref<!tpu.dma_semaphore, #tpu.memory_space<semaphore_mem>>)
    %dma_start3A_26 = arith.constant 2 : i32
    %dma_start3A_27 = arith.constant 2 : i32
    %dma_start3A_28 = arith.constant 0 : i32
    %dma_start3A_29 = arith.constant 0 : i32
    %dma_start3A_30 = tpu.memref_slice %arg6[%dma_start3A_27, %dma_start3A_28, %dma_start3A_29] : memref<26x128x16xf32, #tpu.memory_space<vmem>> -> memref<1x128x16xf32, #tpu.memory_space<vmem>>
    %dma_start3A_31 = tpu.memref_squeeze %dma_start3A_30 : memref<1x128x16xf32, #tpu.memory_space<vmem>> -> memref<128x16xf32, #tpu.memory_space<vmem>>
    %dma_start3A_32 = arith.constant 0 : i32
    %dma_start3A_33 = tpu.memref_slice %arg5[%dma_start3A_26, %dma_start3A_32] : memref<26x128xi32, #tpu.memory_space<vmem>> -> memref<1x128xi32, #tpu.memory_space<vmem>>
    %dma_start3A_34 = tpu.memref_squeeze %dma_start3A_33 : memref<1x128xi32, #tpu.memory_space<vmem>> -> memref<128xi32, #tpu.memory_space<vmem>>
    %dma_start3A_35 = arith.constant 0 : i32
    %dma_start3A_36 = arith.constant 0 : i32
    %dma_start3A_37 = tpu.memref_slice %arg2[%dma_start3A_35, %dma_start3A_36] : memref<2600000x16xf32, #tpu.memory_space<hbm>> -> memref<2600000x16xf32, #tpu.memory_space<hbm>>
    tpu.enqueue_indirect_dma source(%dma_start3A_37 : memref<2600000x16xf32, #tpu.memory_space<hbm>>) target(%dma_start3A_31 : memref<128x16xf32, #tpu.memory_space<vmem>>) offsets(%dma_start3A_34 : memref<128xi32, #tpu.memory_space<vmem>>) semaphore(%arg7 : memref<!tpu.dma_semaphore, #tpu.memory_space<semaphore_mem>>)
    %dma_start3A_38 = arith.constant 3 : i32
    %dma_start3A_39 = arith.constant 3 : i32
    %dma_start3A_40 = arith.constant 0 : i32
    %dma_start3A_41 = arith.constant 0 : i32
    %dma_start3A_42 = tpu.memref_slice %arg6[%dma_start3A_39, %dma_start3A_40, %dma_start3A_41] : memref<26x128x16xf32, #tpu.memory_space<vmem>> -> memref<1x128x16xf32, #tpu.memory_space<vmem>>
    %dma_start3A_43 = tpu.memref_squeeze %dma_start3A_42 : memref<1x128x16xf32, #tpu.memory_space<vmem>> -> memref<128x16xf32, #tpu.memory_space<vmem>>
    %dma_start3A_44 = arith.constant 0 : i32
    %dma_start3A_45 = tpu.memref_slice %arg5[%dma_start3A_38, %dma_start3A_44] : memref<26x128xi32, #tpu.memory_space<vmem>> -> memref<1x128xi32, #tpu.memory_space<vmem>>
    %dma_start3A_46 = tpu.memref_squeeze %dma_start3A_45 : memref<1x128xi32, #tpu.memory_space<vmem>> -> memref<128xi32, #tpu.memory_space<vmem>>
    %dma_start3A_47 = arith.constant 0 : i32
    %dma_start3A_48 = arith.constant 0 : i32
    %dma_start3A_49 = tpu.memref_slice %arg2[%dma_start3A_47, %dma_start3A_48] : memref<2600000x16xf32, #tpu.memory_space<hbm>> -> memref<2600000x16xf32, #tpu.memory_space<hbm>>
    tpu.enqueue_indirect_dma source(%dma_start3A_49 : memref<2600000x16xf32, #tpu.memory_space<hbm>>) target(%dma_start3A_43 : memref<128x16xf32, #tpu.memory_space<vmem>>) offsets(%dma_start3A_46 : memref<128xi32, #tpu.memory_space<vmem>>) semaphore(%arg7 : memref<!tpu.dma_semaphore, #tpu.memory_space<semaphore_mem>>)
    %dma_start3A_50 = arith.constant 4 : i32
    %dma_start3A_51 = arith.constant 4 : i32
    %dma_start3A_52 = arith.constant 0 : i32
    %dma_start3A_53 = arith.constant 0 : i32
    %dma_start3A_54 = tpu.memref_slice %arg6[%dma_start3A_51, %dma_start3A_52, %dma_start3A_53] : memref<26x128x16xf32, #tpu.memory_space<vmem>> -> memref<1x128x16xf32, #tpu.memory_space<vmem>>
    %dma_start3A_55 = tpu.memref_squeeze %dma_start3A_54 : memref<1x128x16xf32, #tpu.memory_space<vmem>> -> memref<128x16xf32, #tpu.memory_space<vmem>>
    %dma_start3A_56 = arith.constant 0 : i32
    %dma_start3A_57 = tpu.memref_slice %arg5[%dma_start3A_50, %dma_start3A_56] : memref<26x128xi32, #tpu.memory_space<vmem>> -> memref<1x128xi32, #tpu.memory_space<vmem>>
    %dma_start3A_58 = tpu.memref_squeeze %dma_start3A_57 : memref<1x128xi32, #tpu.memory_space<vmem>> -> memref<128xi32, #tpu.memory_space<vmem>>
    %dma_start3A_59 = arith.constant 0 : i32
    %dma_start3A_60 = arith.constant 0 : i32
    %dma_start3A_61 = tpu.memref_slice %arg2[%dma_start3A_59, %dma_start3A_60] : memref<2600000x16xf32, #tpu.memory_space<hbm>> -> memref<2600000x16xf32, #tpu.memory_space<hbm>>
    tpu.enqueue_indirect_dma source(%dma_start3A_61 : memref<2600000x16xf32, #tpu.memory_space<hbm>>) target(%dma_start3A_55 : memref<128x16xf32, #tpu.memory_space<vmem>>) offsets(%dma_start3A_58 : memref<128xi32, #tpu.memory_space<vmem>>) semaphore(%arg7 : memref<!tpu.dma_semaphore, #tpu.memory_space<semaphore_mem>>)
    %dma_start3A_62 = arith.constant 5 : i32
    %dma_start3A_63 = arith.constant 5 : i32
    %dma_start3A_64 = arith.constant 0 : i32
    %dma_start3A_65 = arith.constant 0 : i32
    %dma_start3A_66 = tpu.memref_slice %arg6[%dma_start3A_63, %dma_start3A_64, %dma_start3A_65] : memref<26x128x16xf32, #tpu.memory_space<vmem>> -> memref<1x128x16xf32, #tpu.memory_space<vmem>>
    %dma_start3A_67 = tpu.memref_squeeze %dma_start3A_66 : memref<1x128x16xf32, #tpu.memory_space<vmem>> -> memref<128x16xf32, #tpu.memory_space<vmem>>
    %dma_start3A_68 = arith.constant 0 : i32
    %dma_start3A_69 = tpu.memref_slice %arg5[%dma_start3A_62, %dma_start3A_68] : memref<26x128xi32, #tpu.memory_space<vmem>> -> memref<1x128xi32, #tpu.memory_space<vmem>>
    %dma_start3A_70 = tpu.memref_squeeze %dma_start3A_69 : memref<1x128xi32, #tpu.memory_space<vmem>> -> memref<128xi32, #tpu.memory_space<vmem>>
    %dma_start3A_71 = arith.constant 0 : i32
    %dma_start3A_72 = arith.constant 0 : i32
    %dma_start3A_73 = tpu.memref_slice %arg2[%dma_start3A_71, %dma_start3A_72] : memref<2600000x16xf32, #tpu.memory_space<hbm>> -> memref<2600000x16xf32, #tpu.memory_space<hbm>>
    tpu.enqueue_indirect_dma source(%dma_start3A_73 : memref<2600000x16xf32, #tpu.memory_space<hbm>>) target(%dma_start3A_67 : memref<128x16xf32, #tpu.memory_space<vmem>>) offsets(%dma_start3A_70 : memref<128xi32, #tpu.memory_space<vmem>>) semaphore(%arg7 : memref<!tpu.dma_semaphore, #tpu.memory_space<semaphore_mem>>)
    %dma_start3A_74 = arith.constant 6 : i32
    %dma_start3A_75 = arith.constant 6 : i32
    %dma_start3A_76 = arith.constant 0 : i32
    %dma_start3A_77 = arith.constant 0 : i32
    %dma_start3A_78 = tpu.memref_slice %arg6[%dma_start3A_75, %dma_start3A_76, %dma_start3A_77] : memref<26x128x16xf32, #tpu.memory_space<vmem>> -> memref<1x128x16xf32, #tpu.memory_space<vmem>>
    %dma_start3A_79 = tpu.memref_squeeze %dma_start3A_78 : memref<1x128x16xf32, #tpu.memory_space<vmem>> -> memref<128x16xf32, #tpu.memory_space<vmem>>
    %dma_start3A_80 = arith.constant 0 : i32
    %dma_start3A_81 = tpu.memref_slice %arg5[%dma_start3A_74, %dma_start3A_80] : memref<26x128xi32, #tpu.memory_space<vmem>> -> memref<1x128xi32, #tpu.memory_space<vmem>>
    %dma_start3A_82 = tpu.memref_squeeze %dma_start3A_81 : memref<1x128xi32, #tpu.memory_space<vmem>> -> memref<128xi32, #tpu.memory_space<vmem>>
    %dma_start3A_83 = arith.constant 0 : i32
    %dma_start3A_84 = arith.constant 0 : i32
    %dma_start3A_85 = tpu.memref_slice %arg2[%dma_start3A_83, %dma_start3A_84] : memref<2600000x16xf32, #tpu.memory_space<hbm>> -> memref<2600000x16xf32, #tpu.memory_space<hbm>>
    tpu.enqueue_indirect_dma source(%dma_start3A_85 : memref<2600000x16xf32, #tpu.memory_space<hbm>>) target(%dma_start3A_79 : memref<128x16xf32, #tpu.memory_space<vmem>>) offsets(%dma_start3A_82 : memref<128xi32, #tpu.memory_space<vmem>>) semaphore(%arg7 : memref<!tpu.dma_semaphore, #tpu.memory_space<semaphore_mem>>)
    %dma_start3A_86 = arith.constant 7 : i32
    %dma_start3A_87 = arith.constant 7 : i32
    %dma_start3A_88 = arith.constant 0 : i32
    %dma_start3A_89 = arith.constant 0 : i32
    %dma_start3A_90 = tpu.memref_slice %arg6[%dma_start3A_87, %dma_start3A_88, %dma_start3A_89] : memref<26x128x16xf32, #tpu.memory_space<vmem>> -> memref<1x128x16xf32, #tpu.memory_space<vmem>>
    %dma_start3A_91 = tpu.memref_squeeze %dma_start3A_90 : memref<1x128x16xf32, #tpu.memory_space<vmem>> -> memref<128x16xf32, #tpu.memory_space<vmem>>
    %dma_start3A_92 = arith.constant 0 : i32
    %dma_start3A_93 = tpu.memref_slice %arg5[%dma_start3A_86, %dma_start3A_92] : memref<26x128xi32, #tpu.memory_space<vmem>> -> memref<1x128xi32, #tpu.memory_space<vmem>>
    %dma_start3A_94 = tpu.memref_squeeze %dma_start3A_93 : memref<1x128xi32, #tpu.memory_space<vmem>> -> memref<128xi32, #tpu.memory_space<vmem>>
    %dma_start3A_95 = arith.constant 0 : i32
    %dma_start3A_96 = arith.constant 0 : i32
    %dma_start3A_97 = tpu.memref_slice %arg2[%dma_start3A_95, %dma_start3A_96] : memref<2600000x16xf32, #tpu.memory_space<hbm>> -> memref<2600000x16xf32, #tpu.memory_space<hbm>>
    tpu.enqueue_indirect_dma source(%dma_start3A_97 : memref<2600000x16xf32, #tpu.memory_space<hbm>>) target(%dma_start3A_91 : memref<128x16xf32, #tpu.memory_space<vmem>>) offsets(%dma_start3A_94 : memref<128xi32, #tpu.memory_space<vmem>>) semaphore(%arg7 : memref<!tpu.dma_semaphore, #tpu.memory_space<semaphore_mem>>)
    %dma_start3A_98 = arith.constant 8 : i32
    %dma_start3A_99 = arith.constant 8 : i32
    %dma_start3A_100 = arith.constant 0 : i32
    %dma_start3A_101 = arith.constant 0 : i32
    %dma_start3A_102 = tpu.memref_slice %arg6[%dma_start3A_99, %dma_start3A_100, %dma_start3A_101] : memref<26x128x16xf32, #tpu.memory_space<vmem>> -> memref<1x128x16xf32, #tpu.memory_space<vmem>>
    %dma_start3A_103 = tpu.memref_squeeze %dma_start3A_102 : memref<1x128x16xf32, #tpu.memory_space<vmem>> -> memref<128x16xf32, #tpu.memory_space<vmem>>
    %dma_start3A_104 = arith.constant 0 : i32
    %dma_start3A_105 = tpu.memref_slice %arg5[%dma_start3A_98, %dma_start3A_104] : memref<26x128xi32, #tpu.memory_space<vmem>> -> memref<1x128xi32, #tpu.memory_space<vmem>>
    %dma_start3A_106 = tpu.memref_squeeze %dma_start3A_105 : memref<1x128xi32, #tpu.memory_space<vmem>> -> memref<128xi32, #tpu.memory_space<vmem>>
    %dma_start3A_107 = arith.constant 0 : i32
    %dma_start3A_108 = arith.constant 0 : i32
    %dma_start3A_109 = tpu.memref_slice %arg2[%dma_start3A_107, %dma_start3A_108] : memref<2600000x16xf32, #tpu.memory_space<hbm>> -> memref<2600000x16xf32, #tpu.memory_space<hbm>>
    tpu.enqueue_indirect_dma source(%dma_start3A_109 : memref<2600000x16xf32, #tpu.memory_space<hbm>>) target(%dma_start3A_103 : memref<128x16xf32, #tpu.memory_space<vmem>>) offsets(%dma_start3A_106 : memref<128xi32, #tpu.memory_space<vmem>>) semaphore(%arg7 : memref<!tpu.dma_semaphore, #tpu.memory_space<semaphore_mem>>)
    %dma_start3A_110 = arith.constant 9 : i32
    %dma_start3A_111 = arith.constant 9 : i32
    %dma_start3A_112 = arith.constant 0 : i32
    %dma_start3A_113 = arith.constant 0 : i32
    %dma_start3A_114 = tpu.memref_slice %arg6[%dma_start3A_111, %dma_start3A_112, %dma_start3A_113] : memref<26x128x16xf32, #tpu.memory_space<vmem>> -> memref<1x128x16xf32, #tpu.memory_space<vmem>>
    %dma_start3A_115 = tpu.memref_squeeze %dma_start3A_114 : memref<1x128x16xf32, #tpu.memory_space<vmem>> -> memref<128x16xf32, #tpu.memory_space<vmem>>
    %dma_start3A_116 = arith.constant 0 : i32
    %dma_start3A_117 = tpu.memref_slice %arg5[%dma_start3A_110, %dma_start3A_116] : memref<26x128xi32, #tpu.memory_space<vmem>> -> memref<1x128xi32, #tpu.memory_space<vmem>>
    %dma_start3A_118 = tpu.memref_squeeze %dma_start3A_117 : memref<1x128xi32, #tpu.memory_space<vmem>> -> memref<128xi32, #tpu.memory_space<vmem>>
    %dma_start3A_119 = arith.constant 0 : i32
    %dma_start3A_120 = arith.constant 0 : i32
    %dma_start3A_121 = tpu.memref_slice %arg2[%dma_start3A_119, %dma_start3A_120] : memref<2600000x16xf32, #tpu.memory_space<hbm>> -> memref<2600000x16xf32, #tpu.memory_space<hbm>>
    tpu.enqueue_indirect_dma source(%dma_start3A_121 : memref<2600000x16xf32, #tpu.memory_space<hbm>>) target(%dma_start3A_115 : memref<128x16xf32, #tpu.memory_space<vmem>>) offsets(%dma_start3A_118 : memref<128xi32, #tpu.memory_space<vmem>>) semaphore(%arg7 : memref<!tpu.dma_semaphore, #tpu.memory_space<semaphore_mem>>)
    %dma_start3A_122 = arith.constant 10 : i32
    %dma_start3A_123 = arith.constant 10 : i32
    %dma_start3A_124 = arith.constant 0 : i32
    %dma_start3A_125 = arith.constant 0 : i32
    %dma_start3A_126 = tpu.memref_slice %arg6[%dma_start3A_123, %dma_start3A_124, %dma_start3A_125] : memref<26x128x16xf32, #tpu.memory_space<vmem>> -> memref<1x128x16xf32, #tpu.memory_space<vmem>>
    %dma_start3A_127 = tpu.memref_squeeze %dma_start3A_126 : memref<1x128x16xf32, #tpu.memory_space<vmem>> -> memref<128x16xf32, #tpu.memory_space<vmem>>
    %dma_start3A_128 = arith.constant 0 : i32
    %dma_start3A_129 = tpu.memref_slice %arg5[%dma_start3A_122, %dma_start3A_128] : memref<26x128xi32, #tpu.memory_space<vmem>> -> memref<1x128xi32, #tpu.memory_space<vmem>>
    %dma_start3A_130 = tpu.memref_squeeze %dma_start3A_129 : memref<1x128xi32, #tpu.memory_space<vmem>> -> memref<128xi32, #tpu.memory_space<vmem>>
    %dma_start3A_131 = arith.constant 0 : i32
    %dma_start3A_132 = arith.constant 0 : i32
    %dma_start3A_133 = tpu.memref_slice %arg2[%dma_start3A_131, %dma_start3A_132] : memref<2600000x16xf32, #tpu.memory_space<hbm>> -> memref<2600000x16xf32, #tpu.memory_space<hbm>>
    tpu.enqueue_indirect_dma source(%dma_start3A_133 : memref<2600000x16xf32, #tpu.memory_space<hbm>>) target(%dma_start3A_127 : memref<128x16xf32, #tpu.memory_space<vmem>>) offsets(%dma_start3A_130 : memref<128xi32, #tpu.memory_space<vmem>>) semaphore(%arg7 : memref<!tpu.dma_semaphore, #tpu.memory_space<semaphore_mem>>)
    %dma_start3A_134 = arith.constant 11 : i32
    %dma_start3A_135 = arith.constant 11 : i32
    %dma_start3A_136 = arith.constant 0 : i32
    %dma_start3A_137 = arith.constant 0 : i32
    %dma_start3A_138 = tpu.memref_slice %arg6[%dma_start3A_135, %dma_start3A_136, %dma_start3A_137] : memref<26x128x16xf32, #tpu.memory_space<vmem>> -> memref<1x128x16xf32, #tpu.memory_space<vmem>>
    %dma_start3A_139 = tpu.memref_squeeze %dma_start3A_138 : memref<1x128x16xf32, #tpu.memory_space<vmem>> -> memref<128x16xf32, #tpu.memory_space<vmem>>
    %dma_start3A_140 = arith.constant 0 : i32
    %dma_start3A_141 = tpu.memref_slice %arg5[%dma_start3A_134, %dma_start3A_140] : memref<26x128xi32, #tpu.memory_space<vmem>> -> memref<1x128xi32, #tpu.memory_space<vmem>>
    %dma_start3A_142 = tpu.memref_squeeze %dma_start3A_141 : memref<1x128xi32, #tpu.memory_space<vmem>> -> memref<128xi32, #tpu.memory_space<vmem>>
    %dma_start3A_143 = arith.constant 0 : i32
    %dma_start3A_144 = arith.constant 0 : i32
    %dma_start3A_145 = tpu.memref_slice %arg2[%dma_start3A_143, %dma_start3A_144] : memref<2600000x16xf32, #tpu.memory_space<hbm>> -> memref<2600000x16xf32, #tpu.memory_space<hbm>>
    tpu.enqueue_indirect_dma source(%dma_start3A_145 : memref<2600000x16xf32, #tpu.memory_space<hbm>>) target(%dma_start3A_139 : memref<128x16xf32, #tpu.memory_space<vmem>>) offsets(%dma_start3A_142 : memref<128xi32, #tpu.memory_space<vmem>>) semaphore(%arg7 : memref<!tpu.dma_semaphore, #tpu.memory_space<semaphore_mem>>)
    %dma_start3A_146 = arith.constant 12 : i32
    %dma_start3A_147 = arith.constant 12 : i32
    %dma_start3A_148 = arith.constant 0 : i32
    %dma_start3A_149 = arith.constant 0 : i32
    %dma_start3A_150 = tpu.memref_slice %arg6[%dma_start3A_147, %dma_start3A_148, %dma_start3A_149] : memref<26x128x16xf32, #tpu.memory_space<vmem>> -> memref<1x128x16xf32, #tpu.memory_space<vmem>>
    %dma_start3A_151 = tpu.memref_squeeze %dma_start3A_150 : memref<1x128x16xf32, #tpu.memory_space<vmem>> -> memref<128x16xf32, #tpu.memory_space<vmem>>
    %dma_start3A_152 = arith.constant 0 : i32
    %dma_start3A_153 = tpu.memref_slice %arg5[%dma_start3A_146, %dma_start3A_152] : memref<26x128xi32, #tpu.memory_space<vmem>> -> memref<1x128xi32, #tpu.memory_space<vmem>>
    %dma_start3A_154 = tpu.memref_squeeze %dma_start3A_153 : memref<1x128xi32, #tpu.memory_space<vmem>> -> memref<128xi32, #tpu.memory_space<vmem>>
    %dma_start3A_155 = arith.constant 0 : i32
    %dma_start3A_156 = arith.constant 0 : i32
    %dma_start3A_157 = tpu.memref_slice %arg2[%dma_start3A_155, %dma_start3A_156] : memref<2600000x16xf32, #tpu.memory_space<hbm>> -> memref<2600000x16xf32, #tpu.memory_space<hbm>>
    tpu.enqueue_indirect_dma source(%dma_start3A_157 : memref<2600000x16xf32, #tpu.memory_space<hbm>>) target(%dma_start3A_151 : memref<128x16xf32, #tpu.memory_space<vmem>>) offsets(%dma_start3A_154 : memref<128xi32, #tpu.memory_space<vmem>>) semaphore(%arg7 : memref<!tpu.dma_semaphore, #tpu.memory_space<semaphore_mem>>)
    %dma_start3A_158 = arith.constant 13 : i32
    %dma_start3A_159 = arith.constant 13 : i32
    %dma_start3A_160 = arith.constant 0 : i32
    %dma_start3A_161 = arith.constant 0 : i32
    %dma_start3A_162 = tpu.memref_slice %arg6[%dma_start3A_159, %dma_start3A_160, %dma_start3A_161] : memref<26x128x16xf32, #tpu.memory_space<vmem>> -> memref<1x128x16xf32, #tpu.memory_space<vmem>>
    %dma_start3A_163 = tpu.memref_squeeze %dma_start3A_162 : memref<1x128x16xf32, #tpu.memory_space<vmem>> -> memref<128x16xf32, #tpu.memory_space<vmem>>
    %dma_start3A_164 = arith.constant 0 : i32
    %dma_start3A_165 = tpu.memref_slice %arg5[%dma_start3A_158, %dma_start3A_164] : memref<26x128xi32, #tpu.memory_space<vmem>> -> memref<1x128xi32, #tpu.memory_space<vmem>>
    %dma_start3A_166 = tpu.memref_squeeze %dma_start3A_165 : memref<1x128xi32, #tpu.memory_space<vmem>> -> memref<128xi32, #tpu.memory_space<vmem>>
    %dma_start3A_167 = arith.constant 0 : i32
    %dma_start3A_168 = arith.constant 0 : i32
    %dma_start3A_169 = tpu.memref_slice %arg2[%dma_start3A_167, %dma_start3A_168] : memref<2600000x16xf32, #tpu.memory_space<hbm>> -> memref<2600000x16xf32, #tpu.memory_space<hbm>>
    tpu.enqueue_indirect_dma source(%dma_start3A_169 : memref<2600000x16xf32, #tpu.memory_space<hbm>>) target(%dma_start3A_163 : memref<128x16xf32, #tpu.memory_space<vmem>>) offsets(%dma_start3A_166 : memref<128xi32, #tpu.memory_space<vmem>>) semaphore(%arg7 : memref<!tpu.dma_semaphore, #tpu.memory_space<semaphore_mem>>)
    %dma_start3A_170 = arith.constant 14 : i32
    %dma_start3A_171 = arith.constant 14 : i32
    %dma_start3A_172 = arith.constant 0 : i32
    %dma_start3A_173 = arith.constant 0 : i32
    %dma_start3A_174 = tpu.memref_slice %arg6[%dma_start3A_171, %dma_start3A_172, %dma_start3A_173] : memref<26x128x16xf32, #tpu.memory_space<vmem>> -> memref<1x128x16xf32, #tpu.memory_space<vmem>>
    %dma_start3A_175 = tpu.memref_squeeze %dma_start3A_174 : memref<1x128x16xf32, #tpu.memory_space<vmem>> -> memref<128x16xf32, #tpu.memory_space<vmem>>
    %dma_start3A_176 = arith.constant 0 : i32
    %dma_start3A_177 = tpu.memref_slice %arg5[%dma_start3A_170, %dma_start3A_176] : memref<26x128xi32, #tpu.memory_space<vmem>> -> memref<1x128xi32, #tpu.memory_space<vmem>>
    %dma_start3A_178 = tpu.memref_squeeze %dma_start3A_177 : memref<1x128xi32, #tpu.memory_space<vmem>> -> memref<128xi32, #tpu.memory_space<vmem>>
    %dma_start3A_179 = arith.constant 0 : i32
    %dma_start3A_180 = arith.constant 0 : i32
    %dma_start3A_181 = tpu.memref_slice %arg2[%dma_start3A_179, %dma_start3A_180] : memref<2600000x16xf32, #tpu.memory_space<hbm>> -> memref<2600000x16xf32, #tpu.memory_space<hbm>>
    tpu.enqueue_indirect_dma source(%dma_start3A_181 : memref<2600000x16xf32, #tpu.memory_space<hbm>>) target(%dma_start3A_175 : memref<128x16xf32, #tpu.memory_space<vmem>>) offsets(%dma_start3A_178 : memref<128xi32, #tpu.memory_space<vmem>>) semaphore(%arg7 : memref<!tpu.dma_semaphore, #tpu.memory_space<semaphore_mem>>)
    %dma_start3A_182 = arith.constant 15 : i32
    %dma_start3A_183 = arith.constant 15 : i32
    %dma_start3A_184 = arith.constant 0 : i32
    %dma_start3A_185 = arith.constant 0 : i32
    %dma_start3A_186 = tpu.memref_slice %arg6[%dma_start3A_183, %dma_start3A_184, %dma_start3A_185] : memref<26x128x16xf32, #tpu.memory_space<vmem>> -> memref<1x128x16xf32, #tpu.memory_space<vmem>>
    %dma_start3A_187 = tpu.memref_squeeze %dma_start3A_186 : memref<1x128x16xf32, #tpu.memory_space<vmem>> -> memref<128x16xf32, #tpu.memory_space<vmem>>
    %dma_start3A_188 = arith.constant 0 : i32
    %dma_start3A_189 = tpu.memref_slice %arg5[%dma_start3A_182, %dma_start3A_188] : memref<26x128xi32, #tpu.memory_space<vmem>> -> memref<1x128xi32, #tpu.memory_space<vmem>>
    %dma_start3A_190 = tpu.memref_squeeze %dma_start3A_189 : memref<1x128xi32, #tpu.memory_space<vmem>> -> memref<128xi32, #tpu.memory_space<vmem>>
    %dma_start3A_191 = arith.constant 0 : i32
    %dma_start3A_192 = arith.constant 0 : i32
    %dma_start3A_193 = tpu.memref_slice %arg2[%dma_start3A_191, %dma_start3A_192] : memref<2600000x16xf32, #tpu.memory_space<hbm>> -> memref<2600000x16xf32, #tpu.memory_space<hbm>>
    tpu.enqueue_indirect_dma source(%dma_start3A_193 : memref<2600000x16xf32, #tpu.memory_space<hbm>>) target(%dma_start3A_187 : memref<128x16xf32, #tpu.memory_space<vmem>>) offsets(%dma_start3A_190 : memref<128xi32, #tpu.memory_space<vmem>>) semaphore(%arg7 : memref<!tpu.dma_semaphore, #tpu.memory_space<semaphore_mem>>)
    %dma_start3A_194 = arith.constant 16 : i32
    %dma_start3A_195 = arith.constant 16 : i32
    %dma_start3A_196 = arith.constant 0 : i32
    %dma_start3A_197 = arith.constant 0 : i32
    %dma_start3A_198 = tpu.memref_slice %arg6[%dma_start3A_195, %dma_start3A_196, %dma_start3A_197] : memref<26x128x16xf32, #tpu.memory_space<vmem>> -> memref<1x128x16xf32, #tpu.memory_space<vmem>>
    %dma_start3A_199 = tpu.memref_squeeze %dma_start3A_198 : memref<1x128x16xf32, #tpu.memory_space<vmem>> -> memref<128x16xf32, #tpu.memory_space<vmem>>
    %dma_start3A_200 = arith.constant 0 : i32
    %dma_start3A_201 = tpu.memref_slice %arg5[%dma_start3A_194, %dma_start3A_200] : memref<26x128xi32, #tpu.memory_space<vmem>> -> memref<1x128xi32, #tpu.memory_space<vmem>>
    %dma_start3A_202 = tpu.memref_squeeze %dma_start3A_201 : memref<1x128xi32, #tpu.memory_space<vmem>> -> memref<128xi32, #tpu.memory_space<vmem>>
    %dma_start3A_203 = arith.constant 0 : i32
    %dma_start3A_204 = arith.constant 0 : i32
    %dma_start3A_205 = tpu.memref_slice %arg2[%dma_start3A_203, %dma_start3A_204] : memref<2600000x16xf32, #tpu.memory_space<hbm>> -> memref<2600000x16xf32, #tpu.memory_space<hbm>>
    tpu.enqueue_indirect_dma source(%dma_start3A_205 : memref<2600000x16xf32, #tpu.memory_space<hbm>>) target(%dma_start3A_199 : memref<128x16xf32, #tpu.memory_space<vmem>>) offsets(%dma_start3A_202 : memref<128xi32, #tpu.memory_space<vmem>>) semaphore(%arg7 : memref<!tpu.dma_semaphore, #tpu.memory_space<semaphore_mem>>)
    %dma_start3A_206 = arith.constant 17 : i32
    %dma_start3A_207 = arith.constant 17 : i32
    %dma_start3A_208 = arith.constant 0 : i32
    %dma_start3A_209 = arith.constant 0 : i32
    %dma_start3A_210 = tpu.memref_slice %arg6[%dma_start3A_207, %dma_start3A_208, %dma_start3A_209] : memref<26x128x16xf32, #tpu.memory_space<vmem>> -> memref<1x128x16xf32, #tpu.memory_space<vmem>>
    %dma_start3A_211 = tpu.memref_squeeze %dma_start3A_210 : memref<1x128x16xf32, #tpu.memory_space<vmem>> -> memref<128x16xf32, #tpu.memory_space<vmem>>
    %dma_start3A_212 = arith.constant 0 : i32
    %dma_start3A_213 = tpu.memref_slice %arg5[%dma_start3A_206, %dma_start3A_212] : memref<26x128xi32, #tpu.memory_space<vmem>> -> memref<1x128xi32, #tpu.memory_space<vmem>>
    %dma_start3A_214 = tpu.memref_squeeze %dma_start3A_213 : memref<1x128xi32, #tpu.memory_space<vmem>> -> memref<128xi32, #tpu.memory_space<vmem>>
    %dma_start3A_215 = arith.constant 0 : i32
    %dma_start3A_216 = arith.constant 0 : i32
    %dma_start3A_217 = tpu.memref_slice %arg2[%dma_start3A_215, %dma_start3A_216] : memref<2600000x16xf32, #tpu.memory_space<hbm>> -> memref<2600000x16xf32, #tpu.memory_space<hbm>>
    tpu.enqueue_indirect_dma source(%dma_start3A_217 : memref<2600000x16xf32, #tpu.memory_space<hbm>>) target(%dma_start3A_211 : memref<128x16xf32, #tpu.memory_space<vmem>>) offsets(%dma_start3A_214 : memref<128xi32, #tpu.memory_space<vmem>>) semaphore(%arg7 : memref<!tpu.dma_semaphore, #tpu.memory_space<semaphore_mem>>)
    %dma_start3A_218 = arith.constant 18 : i32
    %dma_start3A_219 = arith.constant 18 : i32
    %dma_start3A_220 = arith.constant 0 : i32
    %dma_start3A_221 = arith.constant 0 : i32
    %dma_start3A_222 = tpu.memref_slice %arg6[%dma_start3A_219, %dma_start3A_220, %dma_start3A_221] : memref<26x128x16xf32, #tpu.memory_space<vmem>> -> memref<1x128x16xf32, #tpu.memory_space<vmem>>
    %dma_start3A_223 = tpu.memref_squeeze %dma_start3A_222 : memref<1x128x16xf32, #tpu.memory_space<vmem>> -> memref<128x16xf32, #tpu.memory_space<vmem>>
    %dma_start3A_224 = arith.constant 0 : i32
    %dma_start3A_225 = tpu.memref_slice %arg5[%dma_start3A_218, %dma_start3A_224] : memref<26x128xi32, #tpu.memory_space<vmem>> -> memref<1x128xi32, #tpu.memory_space<vmem>>
    %dma_start3A_226 = tpu.memref_squeeze %dma_start3A_225 : memref<1x128xi32, #tpu.memory_space<vmem>> -> memref<128xi32, #tpu.memory_space<vmem>>
    %dma_start3A_227 = arith.constant 0 : i32
    %dma_start3A_228 = arith.constant 0 : i32
    %dma_start3A_229 = tpu.memref_slice %arg2[%dma_start3A_227, %dma_start3A_228] : memref<2600000x16xf32, #tpu.memory_space<hbm>> -> memref<2600000x16xf32, #tpu.memory_space<hbm>>
    tpu.enqueue_indirect_dma source(%dma_start3A_229 : memref<2600000x16xf32, #tpu.memory_space<hbm>>) target(%dma_start3A_223 : memref<128x16xf32, #tpu.memory_space<vmem>>) offsets(%dma_start3A_226 : memref<128xi32, #tpu.memory_space<vmem>>) semaphore(%arg7 : memref<!tpu.dma_semaphore, #tpu.memory_space<semaphore_mem>>)
    %dma_start3A_230 = arith.constant 19 : i32
    %dma_start3A_231 = arith.constant 19 : i32
    %dma_start3A_232 = arith.constant 0 : i32
    %dma_start3A_233 = arith.constant 0 : i32
    %dma_start3A_234 = tpu.memref_slice %arg6[%dma_start3A_231, %dma_start3A_232, %dma_start3A_233] : memref<26x128x16xf32, #tpu.memory_space<vmem>> -> memref<1x128x16xf32, #tpu.memory_space<vmem>>
    %dma_start3A_235 = tpu.memref_squeeze %dma_start3A_234 : memref<1x128x16xf32, #tpu.memory_space<vmem>> -> memref<128x16xf32, #tpu.memory_space<vmem>>
    %dma_start3A_236 = arith.constant 0 : i32
    %dma_start3A_237 = tpu.memref_slice %arg5[%dma_start3A_230, %dma_start3A_236] : memref<26x128xi32, #tpu.memory_space<vmem>> -> memref<1x128xi32, #tpu.memory_space<vmem>>
    %dma_start3A_238 = tpu.memref_squeeze %dma_start3A_237 : memref<1x128xi32, #tpu.memory_space<vmem>> -> memref<128xi32, #tpu.memory_space<vmem>>
    %dma_start3A_239 = arith.constant 0 : i32
    %dma_start3A_240 = arith.constant 0 : i32
    %dma_start3A_241 = tpu.memref_slice %arg2[%dma_start3A_239, %dma_start3A_240] : memref<2600000x16xf32, #tpu.memory_space<hbm>> -> memref<2600000x16xf32, #tpu.memory_space<hbm>>
    tpu.enqueue_indirect_dma source(%dma_start3A_241 : memref<2600000x16xf32, #tpu.memory_space<hbm>>) target(%dma_start3A_235 : memref<128x16xf32, #tpu.memory_space<vmem>>) offsets(%dma_start3A_238 : memref<128xi32, #tpu.memory_space<vmem>>) semaphore(%arg7 : memref<!tpu.dma_semaphore, #tpu.memory_space<semaphore_mem>>)
    %dma_start3A_242 = arith.constant 20 : i32
    %dma_start3A_243 = arith.constant 20 : i32
    %dma_start3A_244 = arith.constant 0 : i32
    %dma_start3A_245 = arith.constant 0 : i32
    %dma_start3A_246 = tpu.memref_slice %arg6[%dma_start3A_243, %dma_start3A_244, %dma_start3A_245] : memref<26x128x16xf32, #tpu.memory_space<vmem>> -> memref<1x128x16xf32, #tpu.memory_space<vmem>>
    %dma_start3A_247 = tpu.memref_squeeze %dma_start3A_246 : memref<1x128x16xf32, #tpu.memory_space<vmem>> -> memref<128x16xf32, #tpu.memory_space<vmem>>
    %dma_start3A_248 = arith.constant 0 : i32
    %dma_start3A_249 = tpu.memref_slice %arg5[%dma_start3A_242, %dma_start3A_248] : memref<26x128xi32, #tpu.memory_space<vmem>> -> memref<1x128xi32, #tpu.memory_space<vmem>>
    %dma_start3A_250 = tpu.memref_squeeze %dma_start3A_249 : memref<1x128xi32, #tpu.memory_space<vmem>> -> memref<128xi32, #tpu.memory_space<vmem>>
    %dma_start3A_251 = arith.constant 0 : i32
    %dma_start3A_252 = arith.constant 0 : i32
    %dma_start3A_253 = tpu.memref_slice %arg2[%dma_start3A_251, %dma_start3A_252] : memref<2600000x16xf32, #tpu.memory_space<hbm>> -> memref<2600000x16xf32, #tpu.memory_space<hbm>>
    tpu.enqueue_indirect_dma source(%dma_start3A_253 : memref<2600000x16xf32, #tpu.memory_space<hbm>>) target(%dma_start3A_247 : memref<128x16xf32, #tpu.memory_space<vmem>>) offsets(%dma_start3A_250 : memref<128xi32, #tpu.memory_space<vmem>>) semaphore(%arg7 : memref<!tpu.dma_semaphore, #tpu.memory_space<semaphore_mem>>)
    %dma_start3A_254 = arith.constant 21 : i32
    %dma_start3A_255 = arith.constant 21 : i32
    %dma_start3A_256 = arith.constant 0 : i32
    %dma_start3A_257 = arith.constant 0 : i32
    %dma_start3A_258 = tpu.memref_slice %arg6[%dma_start3A_255, %dma_start3A_256, %dma_start3A_257] : memref<26x128x16xf32, #tpu.memory_space<vmem>> -> memref<1x128x16xf32, #tpu.memory_space<vmem>>
    %dma_start3A_259 = tpu.memref_squeeze %dma_start3A_258 : memref<1x128x16xf32, #tpu.memory_space<vmem>> -> memref<128x16xf32, #tpu.memory_space<vmem>>
    %dma_start3A_260 = arith.constant 0 : i32
    %dma_start3A_261 = tpu.memref_slice %arg5[%dma_start3A_254, %dma_start3A_260] : memref<26x128xi32, #tpu.memory_space<vmem>> -> memref<1x128xi32, #tpu.memory_space<vmem>>
    %dma_start3A_262 = tpu.memref_squeeze %dma_start3A_261 : memref<1x128xi32, #tpu.memory_space<vmem>> -> memref<128xi32, #tpu.memory_space<vmem>>
    %dma_start3A_263 = arith.constant 0 : i32
    %dma_start3A_264 = arith.constant 0 : i32
    %dma_start3A_265 = tpu.memref_slice %arg2[%dma_start3A_263, %dma_start3A_264] : memref<2600000x16xf32, #tpu.memory_space<hbm>> -> memref<2600000x16xf32, #tpu.memory_space<hbm>>
    tpu.enqueue_indirect_dma source(%dma_start3A_265 : memref<2600000x16xf32, #tpu.memory_space<hbm>>) target(%dma_start3A_259 : memref<128x16xf32, #tpu.memory_space<vmem>>) offsets(%dma_start3A_262 : memref<128xi32, #tpu.memory_space<vmem>>) semaphore(%arg7 : memref<!tpu.dma_semaphore, #tpu.memory_space<semaphore_mem>>)
    %dma_start3A_266 = arith.constant 22 : i32
    %dma_start3A_267 = arith.constant 22 : i32
    %dma_start3A_268 = arith.constant 0 : i32
    %dma_start3A_269 = arith.constant 0 : i32
    %dma_start3A_270 = tpu.memref_slice %arg6[%dma_start3A_267, %dma_start3A_268, %dma_start3A_269] : memref<26x128x16xf32, #tpu.memory_space<vmem>> -> memref<1x128x16xf32, #tpu.memory_space<vmem>>
    %dma_start3A_271 = tpu.memref_squeeze %dma_start3A_270 : memref<1x128x16xf32, #tpu.memory_space<vmem>> -> memref<128x16xf32, #tpu.memory_space<vmem>>
    %dma_start3A_272 = arith.constant 0 : i32
    %dma_start3A_273 = tpu.memref_slice %arg5[%dma_start3A_266, %dma_start3A_272] : memref<26x128xi32, #tpu.memory_space<vmem>> -> memref<1x128xi32, #tpu.memory_space<vmem>>
    %dma_start3A_274 = tpu.memref_squeeze %dma_start3A_273 : memref<1x128xi32, #tpu.memory_space<vmem>> -> memref<128xi32, #tpu.memory_space<vmem>>
    %dma_start3A_275 = arith.constant 0 : i32
    %dma_start3A_276 = arith.constant 0 : i32
    %dma_start3A_277 = tpu.memref_slice %arg2[%dma_start3A_275, %dma_start3A_276] : memref<2600000x16xf32, #tpu.memory_space<hbm>> -> memref<2600000x16xf32, #tpu.memory_space<hbm>>
    tpu.enqueue_indirect_dma source(%dma_start3A_277 : memref<2600000x16xf32, #tpu.memory_space<hbm>>) target(%dma_start3A_271 : memref<128x16xf32, #tpu.memory_space<vmem>>) offsets(%dma_start3A_274 : memref<128xi32, #tpu.memory_space<vmem>>) semaphore(%arg7 : memref<!tpu.dma_semaphore, #tpu.memory_space<semaphore_mem>>)
    %dma_start3A_278 = arith.constant 23 : i32
    %dma_start3A_279 = arith.constant 23 : i32
    %dma_start3A_280 = arith.constant 0 : i32
    %dma_start3A_281 = arith.constant 0 : i32
    %dma_start3A_282 = tpu.memref_slice %arg6[%dma_start3A_279, %dma_start3A_280, %dma_start3A_281] : memref<26x128x16xf32, #tpu.memory_space<vmem>> -> memref<1x128x16xf32, #tpu.memory_space<vmem>>
    %dma_start3A_283 = tpu.memref_squeeze %dma_start3A_282 : memref<1x128x16xf32, #tpu.memory_space<vmem>> -> memref<128x16xf32, #tpu.memory_space<vmem>>
    %dma_start3A_284 = arith.constant 0 : i32
    %dma_start3A_285 = tpu.memref_slice %arg5[%dma_start3A_278, %dma_start3A_284] : memref<26x128xi32, #tpu.memory_space<vmem>> -> memref<1x128xi32, #tpu.memory_space<vmem>>
    %dma_start3A_286 = tpu.memref_squeeze %dma_start3A_285 : memref<1x128xi32, #tpu.memory_space<vmem>> -> memref<128xi32, #tpu.memory_space<vmem>>
    %dma_start3A_287 = arith.constant 0 : i32
    %dma_start3A_288 = arith.constant 0 : i32
    %dma_start3A_289 = tpu.memref_slice %arg2[%dma_start3A_287, %dma_start3A_288] : memref<2600000x16xf32, #tpu.memory_space<hbm>> -> memref<2600000x16xf32, #tpu.memory_space<hbm>>
    tpu.enqueue_indirect_dma source(%dma_start3A_289 : memref<2600000x16xf32, #tpu.memory_space<hbm>>) target(%dma_start3A_283 : memref<128x16xf32, #tpu.memory_space<vmem>>) offsets(%dma_start3A_286 : memref<128xi32, #tpu.memory_space<vmem>>) semaphore(%arg7 : memref<!tpu.dma_semaphore, #tpu.memory_space<semaphore_mem>>)
    %dma_start3A_290 = arith.constant 24 : i32
    %dma_start3A_291 = arith.constant 24 : i32
    %dma_start3A_292 = arith.constant 0 : i32
    %dma_start3A_293 = arith.constant 0 : i32
    %dma_start3A_294 = tpu.memref_slice %arg6[%dma_start3A_291, %dma_start3A_292, %dma_start3A_293] : memref<26x128x16xf32, #tpu.memory_space<vmem>> -> memref<1x128x16xf32, #tpu.memory_space<vmem>>
    %dma_start3A_295 = tpu.memref_squeeze %dma_start3A_294 : memref<1x128x16xf32, #tpu.memory_space<vmem>> -> memref<128x16xf32, #tpu.memory_space<vmem>>
    %dma_start3A_296 = arith.constant 0 : i32
    %dma_start3A_297 = tpu.memref_slice %arg5[%dma_start3A_290, %dma_start3A_296] : memref<26x128xi32, #tpu.memory_space<vmem>> -> memref<1x128xi32, #tpu.memory_space<vmem>>
    %dma_start3A_298 = tpu.memref_squeeze %dma_start3A_297 : memref<1x128xi32, #tpu.memory_space<vmem>> -> memref<128xi32, #tpu.memory_space<vmem>>
    %dma_start3A_299 = arith.constant 0 : i32
    %dma_start3A_300 = arith.constant 0 : i32
    %dma_start3A_301 = tpu.memref_slice %arg2[%dma_start3A_299, %dma_start3A_300] : memref<2600000x16xf32, #tpu.memory_space<hbm>> -> memref<2600000x16xf32, #tpu.memory_space<hbm>>
    tpu.enqueue_indirect_dma source(%dma_start3A_301 : memref<2600000x16xf32, #tpu.memory_space<hbm>>) target(%dma_start3A_295 : memref<128x16xf32, #tpu.memory_space<vmem>>) offsets(%dma_start3A_298 : memref<128xi32, #tpu.memory_space<vmem>>) semaphore(%arg7 : memref<!tpu.dma_semaphore, #tpu.memory_space<semaphore_mem>>)
    %dma_start3A_302 = arith.constant 25 : i32
    %dma_start3A_303 = arith.constant 25 : i32
    %dma_start3A_304 = arith.constant 0 : i32
    %dma_start3A_305 = arith.constant 0 : i32
    %dma_start3A_306 = tpu.memref_slice %arg6[%dma_start3A_303, %dma_start3A_304, %dma_start3A_305] : memref<26x128x16xf32, #tpu.memory_space<vmem>> -> memref<1x128x16xf32, #tpu.memory_space<vmem>>
    %dma_start3A_307 = tpu.memref_squeeze %dma_start3A_306 : memref<1x128x16xf32, #tpu.memory_space<vmem>> -> memref<128x16xf32, #tpu.memory_space<vmem>>
    %dma_start3A_308 = arith.constant 0 : i32
    %dma_start3A_309 = tpu.memref_slice %arg5[%dma_start3A_302, %dma_start3A_308] : memref<26x128xi32, #tpu.memory_space<vmem>> -> memref<1x128xi32, #tpu.memory_space<vmem>>
    %dma_start3A_310 = tpu.memref_squeeze %dma_start3A_309 : memref<1x128xi32, #tpu.memory_space<vmem>> -> memref<128xi32, #tpu.memory_space<vmem>>
    %dma_start3A_311 = arith.constant 0 : i32
    %dma_start3A_312 = arith.constant 0 : i32
    %dma_start3A_313 = tpu.memref_slice %arg2[%dma_start3A_311, %dma_start3A_312] : memref<2600000x16xf32, #tpu.memory_space<hbm>> -> memref<2600000x16xf32, #tpu.memory_space<hbm>>
    tpu.enqueue_indirect_dma source(%dma_start3A_313 : memref<2600000x16xf32, #tpu.memory_space<hbm>>) target(%dma_start3A_307 : memref<128x16xf32, #tpu.memory_space<vmem>>) offsets(%dma_start3A_310 : memref<128xi32, #tpu.memory_space<vmem>>) semaphore(%arg7 : memref<!tpu.dma_semaphore, #tpu.memory_space<semaphore_mem>>)
    %dma_wait3A = arith.constant 0 : i32
    %dma_wait3A_314 = arith.constant 0 : i32
    %dma_wait3A_315 = arith.constant 0 : i32
    %dma_wait3A_316 = arith.constant 0 : i32
    %dma_wait3A_317 = tpu.memref_slice %arg6[%dma_wait3A_314, %dma_wait3A_315, %dma_wait3A_316] : memref<26x128x16xf32, #tpu.memory_space<vmem>> -> memref<1x128x16xf32, #tpu.memory_space<vmem>>
    %dma_wait3A_318 = tpu.memref_squeeze %dma_wait3A_317 : memref<1x128x16xf32, #tpu.memory_space<vmem>> -> memref<128x16xf32, #tpu.memory_space<vmem>>
    %dma_wait3A_319 = arith.constant 0 : i32
    %dma_wait3A_320 = tpu.memref_slice %arg5[%dma_wait3A, %dma_wait3A_319] : memref<26x128xi32, #tpu.memory_space<vmem>> -> memref<1x128xi32, #tpu.memory_space<vmem>>
    %dma_wait3A_321 = tpu.memref_squeeze %dma_wait3A_320 : memref<1x128xi32, #tpu.memory_space<vmem>> -> memref<128xi32, #tpu.memory_space<vmem>>
    %dma_wait3A_322 = arith.constant 0 : i32
    %dma_wait3A_323 = arith.constant 0 : i32
    %dma_wait3A_324 = tpu.memref_slice %arg2[%dma_wait3A_322, %dma_wait3A_323] : memref<2600000x16xf32, #tpu.memory_space<hbm>> -> memref<2600000x16xf32, #tpu.memory_space<hbm>>
    tpu.wait_indirect_dma semaphore(%arg7 : memref<!tpu.dma_semaphore, #tpu.memory_space<semaphore_mem>>) src(%dma_wait3A_324 : memref<2600000x16xf32, #tpu.memory_space<hbm>>) dst(%dma_wait3A_318 : memref<128x16xf32, #tpu.memory_space<vmem>>)
    %dma_start3A_325 = arith.constant 0 : i32
    %dma_start3A_326 = arith.constant 0 : i32
    %dma_start3A_327 = arith.constant 0 : i32
    %dma_start3A_328 = tpu.memref_slice %arg6[%dma_start3A_325, %dma_start3A_326, %dma_start3A_327] : memref<26x128x16xf32, #tpu.memory_space<vmem>> -> memref<1x128x16xf32, #tpu.memory_space<vmem>>
    %dma_start3A_329 = tpu.memref_squeeze %dma_start3A_328 : memref<1x128x16xf32, #tpu.memory_space<vmem>> -> memref<128x16xf32, #tpu.memory_space<vmem>>
    %dma_start3A_330 = arith.constant 0 : i32
    %dma_start3A_331 = tpu.memref_slice %arg4[%mul3A_2, %dma_start3A_330] : memref<4096x512xf32, #tpu.memory_space<hbm>> -> memref<128x16xf32, #tpu.memory_space<hbm>>
    %dma_start3A_332 = arith.constant 0 : i32
    %dma_start3A_333 = tpu.memref_slice %arg4[%mul3A_2, %dma_start3A_332] : memref<4096x512xf32, #tpu.memory_space<hbm>> -> memref<128x16xf32, #tpu.memory_space<hbm>>
    %dma_start3A_334 = arith.constant 0 : i32
    %dma_start3A_335 = arith.constant 0 : i32
    %dma_start3A_336 = tpu.memref_slice %arg6[%dma_start3A_325, %dma_start3A_334, %dma_start3A_335] : memref<26x128x16xf32, #tpu.memory_space<vmem>> -> memref<1x128x16xf32, #tpu.memory_space<vmem>>
    %dma_start3A_337 = tpu.memref_squeeze %dma_start3A_336 : memref<1x128x16xf32, #tpu.memory_space<vmem>> -> memref<128x16xf32, #tpu.memory_space<vmem>>
    tpu.enqueue_dma source(%dma_start3A_337 : memref<128x16xf32, #tpu.memory_space<vmem>>) target(%dma_start3A_333 : memref<128x16xf32, #tpu.memory_space<hbm>>) target_semaphore(%arg8 : memref<!tpu.dma_semaphore, #tpu.memory_space<semaphore_mem>>)
    %dma_wait3A_338 = arith.constant 1 : i32
    %dma_wait3A_339 = arith.constant 1 : i32
    %dma_wait3A_340 = arith.constant 0 : i32
    %dma_wait3A_341 = arith.constant 0 : i32
    %dma_wait3A_342 = tpu.memref_slice %arg6[%dma_wait3A_339, %dma_wait3A_340, %dma_wait3A_341] : memref<26x128x16xf32, #tpu.memory_space<vmem>> -> memref<1x128x16xf32, #tpu.memory_space<vmem>>
    %dma_wait3A_343 = tpu.memref_squeeze %dma_wait3A_342 : memref<1x128x16xf32, #tpu.memory_space<vmem>> -> memref<128x16xf32, #tpu.memory_space<vmem>>
    %dma_wait3A_344 = arith.constant 0 : i32
    %dma_wait3A_345 = tpu.memref_slice %arg5[%dma_wait3A_338, %dma_wait3A_344] : memref<26x128xi32, #tpu.memory_space<vmem>> -> memref<1x128xi32, #tpu.memory_space<vmem>>
    %dma_wait3A_346 = tpu.memref_squeeze %dma_wait3A_345 : memref<1x128xi32, #tpu.memory_space<vmem>> -> memref<128xi32, #tpu.memory_space<vmem>>
    %dma_wait3A_347 = arith.constant 0 : i32
    %dma_wait3A_348 = arith.constant 0 : i32
    %dma_wait3A_349 = tpu.memref_slice %arg2[%dma_wait3A_347, %dma_wait3A_348] : memref<2600000x16xf32, #tpu.memory_space<hbm>> -> memref<2600000x16xf32, #tpu.memory_space<hbm>>
    tpu.wait_indirect_dma semaphore(%arg7 : memref<!tpu.dma_semaphore, #tpu.memory_space<semaphore_mem>>) src(%dma_wait3A_349 : memref<2600000x16xf32, #tpu.memory_space<hbm>>) dst(%dma_wait3A_343 : memref<128x16xf32, #tpu.memory_space<vmem>>)
    %dma_start3A_350 = arith.constant 1 : i32
    %dma_start3A_351 = arith.constant 0 : i32
    %dma_start3A_352 = arith.constant 0 : i32
    %dma_start3A_353 = tpu.memref_slice %arg6[%dma_start3A_350, %dma_start3A_351, %dma_start3A_352] : memref<26x128x16xf32, #tpu.memory_space<vmem>> -> memref<1x128x16xf32, #tpu.memory_space<vmem>>
    %dma_start3A_354 = tpu.memref_squeeze %dma_start3A_353 : memref<1x128x16xf32, #tpu.memory_space<vmem>> -> memref<128x16xf32, #tpu.memory_space<vmem>>
    %dma_start3A_355 = arith.constant 16 : i32
    %dma_start3A_356 = tpu.memref_slice %arg4[%mul3A_2, %dma_start3A_355] : memref<4096x512xf32, #tpu.memory_space<hbm>> -> memref<128x16xf32, #tpu.memory_space<hbm>>
    %dma_start3A_357 = arith.constant 16 : i32
    %dma_start3A_358 = tpu.memref_slice %arg4[%mul3A_2, %dma_start3A_357] : memref<4096x512xf32, #tpu.memory_space<hbm>> -> memref<128x16xf32, #tpu.memory_space<hbm>>
    %dma_start3A_359 = arith.constant 0 : i32
    %dma_start3A_360 = arith.constant 0 : i32
    %dma_start3A_361 = tpu.memref_slice %arg6[%dma_start3A_350, %dma_start3A_359, %dma_start3A_360] : memref<26x128x16xf32, #tpu.memory_space<vmem>> -> memref<1x128x16xf32, #tpu.memory_space<vmem>>
    %dma_start3A_362 = tpu.memref_squeeze %dma_start3A_361 : memref<1x128x16xf32, #tpu.memory_space<vmem>> -> memref<128x16xf32, #tpu.memory_space<vmem>>
    tpu.enqueue_dma source(%dma_start3A_362 : memref<128x16xf32, #tpu.memory_space<vmem>>) target(%dma_start3A_358 : memref<128x16xf32, #tpu.memory_space<hbm>>) target_semaphore(%arg8 : memref<!tpu.dma_semaphore, #tpu.memory_space<semaphore_mem>>)
    %dma_wait3A_363 = arith.constant 2 : i32
    %dma_wait3A_364 = arith.constant 2 : i32
    %dma_wait3A_365 = arith.constant 0 : i32
    %dma_wait3A_366 = arith.constant 0 : i32
    %dma_wait3A_367 = tpu.memref_slice %arg6[%dma_wait3A_364, %dma_wait3A_365, %dma_wait3A_366] : memref<26x128x16xf32, #tpu.memory_space<vmem>> -> memref<1x128x16xf32, #tpu.memory_space<vmem>>
    %dma_wait3A_368 = tpu.memref_squeeze %dma_wait3A_367 : memref<1x128x16xf32, #tpu.memory_space<vmem>> -> memref<128x16xf32, #tpu.memory_space<vmem>>
    %dma_wait3A_369 = arith.constant 0 : i32
    %dma_wait3A_370 = tpu.memref_slice %arg5[%dma_wait3A_363, %dma_wait3A_369] : memref<26x128xi32, #tpu.memory_space<vmem>> -> memref<1x128xi32, #tpu.memory_space<vmem>>
    %dma_wait3A_371 = tpu.memref_squeeze %dma_wait3A_370 : memref<1x128xi32, #tpu.memory_space<vmem>> -> memref<128xi32, #tpu.memory_space<vmem>>
    %dma_wait3A_372 = arith.constant 0 : i32
    %dma_wait3A_373 = arith.constant 0 : i32
    %dma_wait3A_374 = tpu.memref_slice %arg2[%dma_wait3A_372, %dma_wait3A_373] : memref<2600000x16xf32, #tpu.memory_space<hbm>> -> memref<2600000x16xf32, #tpu.memory_space<hbm>>
    tpu.wait_indirect_dma semaphore(%arg7 : memref<!tpu.dma_semaphore, #tpu.memory_space<semaphore_mem>>) src(%dma_wait3A_374 : memref<2600000x16xf32, #tpu.memory_space<hbm>>) dst(%dma_wait3A_368 : memref<128x16xf32, #tpu.memory_space<vmem>>)
    %dma_start3A_375 = arith.constant 2 : i32
    %dma_start3A_376 = arith.constant 0 : i32
    %dma_start3A_377 = arith.constant 0 : i32
    %dma_start3A_378 = tpu.memref_slice %arg6[%dma_start3A_375, %dma_start3A_376, %dma_start3A_377] : memref<26x128x16xf32, #tpu.memory_space<vmem>> -> memref<1x128x16xf32, #tpu.memory_space<vmem>>
    %dma_start3A_379 = tpu.memref_squeeze %dma_start3A_378 : memref<1x128x16xf32, #tpu.memory_space<vmem>> -> memref<128x16xf32, #tpu.memory_space<vmem>>
    %dma_start3A_380 = arith.constant 32 : i32
    %dma_start3A_381 = tpu.memref_slice %arg4[%mul3A_2, %dma_start3A_380] : memref<4096x512xf32, #tpu.memory_space<hbm>> -> memref<128x16xf32, #tpu.memory_space<hbm>>
    %dma_start3A_382 = arith.constant 32 : i32
    %dma_start3A_383 = tpu.memref_slice %arg4[%mul3A_2, %dma_start3A_382] : memref<4096x512xf32, #tpu.memory_space<hbm>> -> memref<128x16xf32, #tpu.memory_space<hbm>>
    %dma_start3A_384 = arith.constant 0 : i32
    %dma_start3A_385 = arith.constant 0 : i32
    %dma_start3A_386 = tpu.memref_slice %arg6[%dma_start3A_375, %dma_start3A_384, %dma_start3A_385] : memref<26x128x16xf32, #tpu.memory_space<vmem>> -> memref<1x128x16xf32, #tpu.memory_space<vmem>>
    %dma_start3A_387 = tpu.memref_squeeze %dma_start3A_386 : memref<1x128x16xf32, #tpu.memory_space<vmem>> -> memref<128x16xf32, #tpu.memory_space<vmem>>
    tpu.enqueue_dma source(%dma_start3A_387 : memref<128x16xf32, #tpu.memory_space<vmem>>) target(%dma_start3A_383 : memref<128x16xf32, #tpu.memory_space<hbm>>) target_semaphore(%arg8 : memref<!tpu.dma_semaphore, #tpu.memory_space<semaphore_mem>>)
    %dma_wait3A_388 = arith.constant 3 : i32
    %dma_wait3A_389 = arith.constant 3 : i32
    %dma_wait3A_390 = arith.constant 0 : i32
    %dma_wait3A_391 = arith.constant 0 : i32
    %dma_wait3A_392 = tpu.memref_slice %arg6[%dma_wait3A_389, %dma_wait3A_390, %dma_wait3A_391] : memref<26x128x16xf32, #tpu.memory_space<vmem>> -> memref<1x128x16xf32, #tpu.memory_space<vmem>>
    %dma_wait3A_393 = tpu.memref_squeeze %dma_wait3A_392 : memref<1x128x16xf32, #tpu.memory_space<vmem>> -> memref<128x16xf32, #tpu.memory_space<vmem>>
    %dma_wait3A_394 = arith.constant 0 : i32
    %dma_wait3A_395 = tpu.memref_slice %arg5[%dma_wait3A_388, %dma_wait3A_394] : memref<26x128xi32, #tpu.memory_space<vmem>> -> memref<1x128xi32, #tpu.memory_space<vmem>>
    %dma_wait3A_396 = tpu.memref_squeeze %dma_wait3A_395 : memref<1x128xi32, #tpu.memory_space<vmem>> -> memref<128xi32, #tpu.memory_space<vmem>>
    %dma_wait3A_397 = arith.constant 0 : i32
    %dma_wait3A_398 = arith.constant 0 : i32
    %dma_wait3A_399 = tpu.memref_slice %arg2[%dma_wait3A_397, %dma_wait3A_398] : memref<2600000x16xf32, #tpu.memory_space<hbm>> -> memref<2600000x16xf32, #tpu.memory_space<hbm>>
    tpu.wait_indirect_dma semaphore(%arg7 : memref<!tpu.dma_semaphore, #tpu.memory_space<semaphore_mem>>) src(%dma_wait3A_399 : memref<2600000x16xf32, #tpu.memory_space<hbm>>) dst(%dma_wait3A_393 : memref<128x16xf32, #tpu.memory_space<vmem>>)
    %dma_start3A_400 = arith.constant 3 : i32
    %dma_start3A_401 = arith.constant 0 : i32
    %dma_start3A_402 = arith.constant 0 : i32
    %dma_start3A_403 = tpu.memref_slice %arg6[%dma_start3A_400, %dma_start3A_401, %dma_start3A_402] : memref<26x128x16xf32, #tpu.memory_space<vmem>> -> memref<1x128x16xf32, #tpu.memory_space<vmem>>
    %dma_start3A_404 = tpu.memref_squeeze %dma_start3A_403 : memref<1x128x16xf32, #tpu.memory_space<vmem>> -> memref<128x16xf32, #tpu.memory_space<vmem>>
    %dma_start3A_405 = arith.constant 48 : i32
    %dma_start3A_406 = tpu.memref_slice %arg4[%mul3A_2, %dma_start3A_405] : memref<4096x512xf32, #tpu.memory_space<hbm>> -> memref<128x16xf32, #tpu.memory_space<hbm>>
    %dma_start3A_407 = arith.constant 48 : i32
    %dma_start3A_408 = tpu.memref_slice %arg4[%mul3A_2, %dma_start3A_407] : memref<4096x512xf32, #tpu.memory_space<hbm>> -> memref<128x16xf32, #tpu.memory_space<hbm>>
    %dma_start3A_409 = arith.constant 0 : i32
    %dma_start3A_410 = arith.constant 0 : i32
    %dma_start3A_411 = tpu.memref_slice %arg6[%dma_start3A_400, %dma_start3A_409, %dma_start3A_410] : memref<26x128x16xf32, #tpu.memory_space<vmem>> -> memref<1x128x16xf32, #tpu.memory_space<vmem>>
    %dma_start3A_412 = tpu.memref_squeeze %dma_start3A_411 : memref<1x128x16xf32, #tpu.memory_space<vmem>> -> memref<128x16xf32, #tpu.memory_space<vmem>>
    tpu.enqueue_dma source(%dma_start3A_412 : memref<128x16xf32, #tpu.memory_space<vmem>>) target(%dma_start3A_408 : memref<128x16xf32, #tpu.memory_space<hbm>>) target_semaphore(%arg8 : memref<!tpu.dma_semaphore, #tpu.memory_space<semaphore_mem>>)
    %dma_wait3A_413 = arith.constant 4 : i32
    %dma_wait3A_414 = arith.constant 4 : i32
    %dma_wait3A_415 = arith.constant 0 : i32
    %dma_wait3A_416 = arith.constant 0 : i32
    %dma_wait3A_417 = tpu.memref_slice %arg6[%dma_wait3A_414, %dma_wait3A_415, %dma_wait3A_416] : memref<26x128x16xf32, #tpu.memory_space<vmem>> -> memref<1x128x16xf32, #tpu.memory_space<vmem>>
    %dma_wait3A_418 = tpu.memref_squeeze %dma_wait3A_417 : memref<1x128x16xf32, #tpu.memory_space<vmem>> -> memref<128x16xf32, #tpu.memory_space<vmem>>
    %dma_wait3A_419 = arith.constant 0 : i32
    %dma_wait3A_420 = tpu.memref_slice %arg5[%dma_wait3A_413, %dma_wait3A_419] : memref<26x128xi32, #tpu.memory_space<vmem>> -> memref<1x128xi32, #tpu.memory_space<vmem>>
    %dma_wait3A_421 = tpu.memref_squeeze %dma_wait3A_420 : memref<1x128xi32, #tpu.memory_space<vmem>> -> memref<128xi32, #tpu.memory_space<vmem>>
    %dma_wait3A_422 = arith.constant 0 : i32
    %dma_wait3A_423 = arith.constant 0 : i32
    %dma_wait3A_424 = tpu.memref_slice %arg2[%dma_wait3A_422, %dma_wait3A_423] : memref<2600000x16xf32, #tpu.memory_space<hbm>> -> memref<2600000x16xf32, #tpu.memory_space<hbm>>
    tpu.wait_indirect_dma semaphore(%arg7 : memref<!tpu.dma_semaphore, #tpu.memory_space<semaphore_mem>>) src(%dma_wait3A_424 : memref<2600000x16xf32, #tpu.memory_space<hbm>>) dst(%dma_wait3A_418 : memref<128x16xf32, #tpu.memory_space<vmem>>)
    %dma_start3A_425 = arith.constant 4 : i32
    %dma_start3A_426 = arith.constant 0 : i32
    %dma_start3A_427 = arith.constant 0 : i32
    %dma_start3A_428 = tpu.memref_slice %arg6[%dma_start3A_425, %dma_start3A_426, %dma_start3A_427] : memref<26x128x16xf32, #tpu.memory_space<vmem>> -> memref<1x128x16xf32, #tpu.memory_space<vmem>>
    %dma_start3A_429 = tpu.memref_squeeze %dma_start3A_428 : memref<1x128x16xf32, #tpu.memory_space<vmem>> -> memref<128x16xf32, #tpu.memory_space<vmem>>
    %dma_start3A_430 = arith.constant 64 : i32
    %dma_start3A_431 = tpu.memref_slice %arg4[%mul3A_2, %dma_start3A_430] : memref<4096x512xf32, #tpu.memory_space<hbm>> -> memref<128x16xf32, #tpu.memory_space<hbm>>
    %dma_start3A_432 = arith.constant 64 : i32
    %dma_start3A_433 = tpu.memref_slice %arg4[%mul3A_2, %dma_start3A_432] : memref<4096x512xf32, #tpu.memory_space<hbm>> -> memref<128x16xf32, #tpu.memory_space<hbm>>
    %dma_start3A_434 = arith.constant 0 : i32
    %dma_start3A_435 = arith.constant 0 : i32
    %dma_start3A_436 = tpu.memref_slice %arg6[%dma_start3A_425, %dma_start3A_434, %dma_start3A_435] : memref<26x128x16xf32, #tpu.memory_space<vmem>> -> memref<1x128x16xf32, #tpu.memory_space<vmem>>
    %dma_start3A_437 = tpu.memref_squeeze %dma_start3A_436 : memref<1x128x16xf32, #tpu.memory_space<vmem>> -> memref<128x16xf32, #tpu.memory_space<vmem>>
    tpu.enqueue_dma source(%dma_start3A_437 : memref<128x16xf32, #tpu.memory_space<vmem>>) target(%dma_start3A_433 : memref<128x16xf32, #tpu.memory_space<hbm>>) target_semaphore(%arg8 : memref<!tpu.dma_semaphore, #tpu.memory_space<semaphore_mem>>)
    %dma_wait3A_438 = arith.constant 5 : i32
    %dma_wait3A_439 = arith.constant 5 : i32
    %dma_wait3A_440 = arith.constant 0 : i32
    %dma_wait3A_441 = arith.constant 0 : i32
    %dma_wait3A_442 = tpu.memref_slice %arg6[%dma_wait3A_439, %dma_wait3A_440, %dma_wait3A_441] : memref<26x128x16xf32, #tpu.memory_space<vmem>> -> memref<1x128x16xf32, #tpu.memory_space<vmem>>
    %dma_wait3A_443 = tpu.memref_squeeze %dma_wait3A_442 : memref<1x128x16xf32, #tpu.memory_space<vmem>> -> memref<128x16xf32, #tpu.memory_space<vmem>>
    %dma_wait3A_444 = arith.constant 0 : i32
    %dma_wait3A_445 = tpu.memref_slice %arg5[%dma_wait3A_438, %dma_wait3A_444] : memref<26x128xi32, #tpu.memory_space<vmem>> -> memref<1x128xi32, #tpu.memory_space<vmem>>
    %dma_wait3A_446 = tpu.memref_squeeze %dma_wait3A_445 : memref<1x128xi32, #tpu.memory_space<vmem>> -> memref<128xi32, #tpu.memory_space<vmem>>
    %dma_wait3A_447 = arith.constant 0 : i32
    %dma_wait3A_448 = arith.constant 0 : i32
    %dma_wait3A_449 = tpu.memref_slice %arg2[%dma_wait3A_447, %dma_wait3A_448] : memref<2600000x16xf32, #tpu.memory_space<hbm>> -> memref<2600000x16xf32, #tpu.memory_space<hbm>>
    tpu.wait_indirect_dma semaphore(%arg7 : memref<!tpu.dma_semaphore, #tpu.memory_space<semaphore_mem>>) src(%dma_wait3A_449 : memref<2600000x16xf32, #tpu.memory_space<hbm>>) dst(%dma_wait3A_443 : memref<128x16xf32, #tpu.memory_space<vmem>>)
    %dma_start3A_450 = arith.constant 5 : i32
    %dma_start3A_451 = arith.constant 0 : i32
    %dma_start3A_452 = arith.constant 0 : i32
    %dma_start3A_453 = tpu.memref_slice %arg6[%dma_start3A_450, %dma_start3A_451, %dma_start3A_452] : memref<26x128x16xf32, #tpu.memory_space<vmem>> -> memref<1x128x16xf32, #tpu.memory_space<vmem>>
    %dma_start3A_454 = tpu.memref_squeeze %dma_start3A_453 : memref<1x128x16xf32, #tpu.memory_space<vmem>> -> memref<128x16xf32, #tpu.memory_space<vmem>>
    %dma_start3A_455 = arith.constant 80 : i32
    %dma_start3A_456 = tpu.memref_slice %arg4[%mul3A_2, %dma_start3A_455] : memref<4096x512xf32, #tpu.memory_space<hbm>> -> memref<128x16xf32, #tpu.memory_space<hbm>>
    %dma_start3A_457 = arith.constant 80 : i32
    %dma_start3A_458 = tpu.memref_slice %arg4[%mul3A_2, %dma_start3A_457] : memref<4096x512xf32, #tpu.memory_space<hbm>> -> memref<128x16xf32, #tpu.memory_space<hbm>>
    %dma_start3A_459 = arith.constant 0 : i32
    %dma_start3A_460 = arith.constant 0 : i32
    %dma_start3A_461 = tpu.memref_slice %arg6[%dma_start3A_450, %dma_start3A_459, %dma_start3A_460] : memref<26x128x16xf32, #tpu.memory_space<vmem>> -> memref<1x128x16xf32, #tpu.memory_space<vmem>>
    %dma_start3A_462 = tpu.memref_squeeze %dma_start3A_461 : memref<1x128x16xf32, #tpu.memory_space<vmem>> -> memref<128x16xf32, #tpu.memory_space<vmem>>
    tpu.enqueue_dma source(%dma_start3A_462 : memref<128x16xf32, #tpu.memory_space<vmem>>) target(%dma_start3A_458 : memref<128x16xf32, #tpu.memory_space<hbm>>) target_semaphore(%arg8 : memref<!tpu.dma_semaphore, #tpu.memory_space<semaphore_mem>>)
    %dma_wait3A_463 = arith.constant 6 : i32
    %dma_wait3A_464 = arith.constant 6 : i32
    %dma_wait3A_465 = arith.constant 0 : i32
    %dma_wait3A_466 = arith.constant 0 : i32
    %dma_wait3A_467 = tpu.memref_slice %arg6[%dma_wait3A_464, %dma_wait3A_465, %dma_wait3A_466] : memref<26x128x16xf32, #tpu.memory_space<vmem>> -> memref<1x128x16xf32, #tpu.memory_space<vmem>>
    %dma_wait3A_468 = tpu.memref_squeeze %dma_wait3A_467 : memref<1x128x16xf32, #tpu.memory_space<vmem>> -> memref<128x16xf32, #tpu.memory_space<vmem>>
    %dma_wait3A_469 = arith.constant 0 : i32
    %dma_wait3A_470 = tpu.memref_slice %arg5[%dma_wait3A_463, %dma_wait3A_469] : memref<26x128xi32, #tpu.memory_space<vmem>> -> memref<1x128xi32, #tpu.memory_space<vmem>>
    %dma_wait3A_471 = tpu.memref_squeeze %dma_wait3A_470 : memref<1x128xi32, #tpu.memory_space<vmem>> -> memref<128xi32, #tpu.memory_space<vmem>>
    %dma_wait3A_472 = arith.constant 0 : i32
    %dma_wait3A_473 = arith.constant 0 : i32
    %dma_wait3A_474 = tpu.memref_slice %arg2[%dma_wait3A_472, %dma_wait3A_473] : memref<2600000x16xf32, #tpu.memory_space<hbm>> -> memref<2600000x16xf32, #tpu.memory_space<hbm>>
    tpu.wait_indirect_dma semaphore(%arg7 : memref<!tpu.dma_semaphore, #tpu.memory_space<semaphore_mem>>) src(%dma_wait3A_474 : memref<2600000x16xf32, #tpu.memory_space<hbm>>) dst(%dma_wait3A_468 : memref<128x16xf32, #tpu.memory_space<vmem>>)
    %dma_start3A_475 = arith.constant 6 : i32
    %dma_start3A_476 = arith.constant 0 : i32
    %dma_start3A_477 = arith.constant 0 : i32
    %dma_start3A_478 = tpu.memref_slice %arg6[%dma_start3A_475, %dma_start3A_476, %dma_start3A_477] : memref<26x128x16xf32, #tpu.memory_space<vmem>> -> memref<1x128x16xf32, #tpu.memory_space<vmem>>
    %dma_start3A_479 = tpu.memref_squeeze %dma_start3A_478 : memref<1x128x16xf32, #tpu.memory_space<vmem>> -> memref<128x16xf32, #tpu.memory_space<vmem>>
    %dma_start3A_480 = arith.constant 96 : i32
    %dma_start3A_481 = tpu.memref_slice %arg4[%mul3A_2, %dma_start3A_480] : memref<4096x512xf32, #tpu.memory_space<hbm>> -> memref<128x16xf32, #tpu.memory_space<hbm>>
    %dma_start3A_482 = arith.constant 96 : i32
    %dma_start3A_483 = tpu.memref_slice %arg4[%mul3A_2, %dma_start3A_482] : memref<4096x512xf32, #tpu.memory_space<hbm>> -> memref<128x16xf32, #tpu.memory_space<hbm>>
    %dma_start3A_484 = arith.constant 0 : i32
    %dma_start3A_485 = arith.constant 0 : i32
    %dma_start3A_486 = tpu.memref_slice %arg6[%dma_start3A_475, %dma_start3A_484, %dma_start3A_485] : memref<26x128x16xf32, #tpu.memory_space<vmem>> -> memref<1x128x16xf32, #tpu.memory_space<vmem>>
    %dma_start3A_487 = tpu.memref_squeeze %dma_start3A_486 : memref<1x128x16xf32, #tpu.memory_space<vmem>> -> memref<128x16xf32, #tpu.memory_space<vmem>>
    tpu.enqueue_dma source(%dma_start3A_487 : memref<128x16xf32, #tpu.memory_space<vmem>>) target(%dma_start3A_483 : memref<128x16xf32, #tpu.memory_space<hbm>>) target_semaphore(%arg8 : memref<!tpu.dma_semaphore, #tpu.memory_space<semaphore_mem>>)
    %dma_wait3A_488 = arith.constant 7 : i32
    %dma_wait3A_489 = arith.constant 7 : i32
    %dma_wait3A_490 = arith.constant 0 : i32
    %dma_wait3A_491 = arith.constant 0 : i32
    %dma_wait3A_492 = tpu.memref_slice %arg6[%dma_wait3A_489, %dma_wait3A_490, %dma_wait3A_491] : memref<26x128x16xf32, #tpu.memory_space<vmem>> -> memref<1x128x16xf32, #tpu.memory_space<vmem>>
    %dma_wait3A_493 = tpu.memref_squeeze %dma_wait3A_492 : memref<1x128x16xf32, #tpu.memory_space<vmem>> -> memref<128x16xf32, #tpu.memory_space<vmem>>
    %dma_wait3A_494 = arith.constant 0 : i32
    %dma_wait3A_495 = tpu.memref_slice %arg5[%dma_wait3A_488, %dma_wait3A_494] : memref<26x128xi32, #tpu.memory_space<vmem>> -> memref<1x128xi32, #tpu.memory_space<vmem>>
    %dma_wait3A_496 = tpu.memref_squeeze %dma_wait3A_495 : memref<1x128xi32, #tpu.memory_space<vmem>> -> memref<128xi32, #tpu.memory_space<vmem>>
    %dma_wait3A_497 = arith.constant 0 : i32
    %dma_wait3A_498 = arith.constant 0 : i32
    %dma_wait3A_499 = tpu.memref_slice %arg2[%dma_wait3A_497, %dma_wait3A_498] : memref<2600000x16xf32, #tpu.memory_space<hbm>> -> memref<2600000x16xf32, #tpu.memory_space<hbm>>
    tpu.wait_indirect_dma semaphore(%arg7 : memref<!tpu.dma_semaphore, #tpu.memory_space<semaphore_mem>>) src(%dma_wait3A_499 : memref<2600000x16xf32, #tpu.memory_space<hbm>>) dst(%dma_wait3A_493 : memref<128x16xf32, #tpu.memory_space<vmem>>)
    %dma_start3A_500 = arith.constant 7 : i32
    %dma_start3A_501 = arith.constant 0 : i32
    %dma_start3A_502 = arith.constant 0 : i32
    %dma_start3A_503 = tpu.memref_slice %arg6[%dma_start3A_500, %dma_start3A_501, %dma_start3A_502] : memref<26x128x16xf32, #tpu.memory_space<vmem>> -> memref<1x128x16xf32, #tpu.memory_space<vmem>>
    %dma_start3A_504 = tpu.memref_squeeze %dma_start3A_503 : memref<1x128x16xf32, #tpu.memory_space<vmem>> -> memref<128x16xf32, #tpu.memory_space<vmem>>
    %dma_start3A_505 = arith.constant 112 : i32
    %dma_start3A_506 = tpu.memref_slice %arg4[%mul3A_2, %dma_start3A_505] : memref<4096x512xf32, #tpu.memory_space<hbm>> -> memref<128x16xf32, #tpu.memory_space<hbm>>
    %dma_start3A_507 = arith.constant 112 : i32
    %dma_start3A_508 = tpu.memref_slice %arg4[%mul3A_2, %dma_start3A_507] : memref<4096x512xf32, #tpu.memory_space<hbm>> -> memref<128x16xf32, #tpu.memory_space<hbm>>
    %dma_start3A_509 = arith.constant 0 : i32
    %dma_start3A_510 = arith.constant 0 : i32
    %dma_start3A_511 = tpu.memref_slice %arg6[%dma_start3A_500, %dma_start3A_509, %dma_start3A_510] : memref<26x128x16xf32, #tpu.memory_space<vmem>> -> memref<1x128x16xf32, #tpu.memory_space<vmem>>
    %dma_start3A_512 = tpu.memref_squeeze %dma_start3A_511 : memref<1x128x16xf32, #tpu.memory_space<vmem>> -> memref<128x16xf32, #tpu.memory_space<vmem>>
    tpu.enqueue_dma source(%dma_start3A_512 : memref<128x16xf32, #tpu.memory_space<vmem>>) target(%dma_start3A_508 : memref<128x16xf32, #tpu.memory_space<hbm>>) target_semaphore(%arg8 : memref<!tpu.dma_semaphore, #tpu.memory_space<semaphore_mem>>)
    %dma_wait3A_513 = arith.constant 8 : i32
    %dma_wait3A_514 = arith.constant 8 : i32
    %dma_wait3A_515 = arith.constant 0 : i32
    %dma_wait3A_516 = arith.constant 0 : i32
    %dma_wait3A_517 = tpu.memref_slice %arg6[%dma_wait3A_514, %dma_wait3A_515, %dma_wait3A_516] : memref<26x128x16xf32, #tpu.memory_space<vmem>> -> memref<1x128x16xf32, #tpu.memory_space<vmem>>
    %dma_wait3A_518 = tpu.memref_squeeze %dma_wait3A_517 : memref<1x128x16xf32, #tpu.memory_space<vmem>> -> memref<128x16xf32, #tpu.memory_space<vmem>>
    %dma_wait3A_519 = arith.constant 0 : i32
    %dma_wait3A_520 = tpu.memref_slice %arg5[%dma_wait3A_513, %dma_wait3A_519] : memref<26x128xi32, #tpu.memory_space<vmem>> -> memref<1x128xi32, #tpu.memory_space<vmem>>
    %dma_wait3A_521 = tpu.memref_squeeze %dma_wait3A_520 : memref<1x128xi32, #tpu.memory_space<vmem>> -> memref<128xi32, #tpu.memory_space<vmem>>
    %dma_wait3A_522 = arith.constant 0 : i32
    %dma_wait3A_523 = arith.constant 0 : i32
    %dma_wait3A_524 = tpu.memref_slice %arg2[%dma_wait3A_522, %dma_wait3A_523] : memref<2600000x16xf32, #tpu.memory_space<hbm>> -> memref<2600000x16xf32, #tpu.memory_space<hbm>>
    tpu.wait_indirect_dma semaphore(%arg7 : memref<!tpu.dma_semaphore, #tpu.memory_space<semaphore_mem>>) src(%dma_wait3A_524 : memref<2600000x16xf32, #tpu.memory_space<hbm>>) dst(%dma_wait3A_518 : memref<128x16xf32, #tpu.memory_space<vmem>>)
    %dma_start3A_525 = arith.constant 8 : i32
    %dma_start3A_526 = arith.constant 0 : i32
    %dma_start3A_527 = arith.constant 0 : i32
    %dma_start3A_528 = tpu.memref_slice %arg6[%dma_start3A_525, %dma_start3A_526, %dma_start3A_527] : memref<26x128x16xf32, #tpu.memory_space<vmem>> -> memref<1x128x16xf32, #tpu.memory_space<vmem>>
    %dma_start3A_529 = tpu.memref_squeeze %dma_start3A_528 : memref<1x128x16xf32, #tpu.memory_space<vmem>> -> memref<128x16xf32, #tpu.memory_space<vmem>>
    %dma_start3A_530 = arith.constant 128 : i32
    %dma_start3A_531 = tpu.memref_slice %arg4[%mul3A_2, %dma_start3A_530] : memref<4096x512xf32, #tpu.memory_space<hbm>> -> memref<128x16xf32, #tpu.memory_space<hbm>>
    %dma_start3A_532 = arith.constant 128 : i32
    %dma_start3A_533 = tpu.memref_slice %arg4[%mul3A_2, %dma_start3A_532] : memref<4096x512xf32, #tpu.memory_space<hbm>> -> memref<128x16xf32, #tpu.memory_space<hbm>>
    %dma_start3A_534 = arith.constant 0 : i32
    %dma_start3A_535 = arith.constant 0 : i32
    %dma_start3A_536 = tpu.memref_slice %arg6[%dma_start3A_525, %dma_start3A_534, %dma_start3A_535] : memref<26x128x16xf32, #tpu.memory_space<vmem>> -> memref<1x128x16xf32, #tpu.memory_space<vmem>>
    %dma_start3A_537 = tpu.memref_squeeze %dma_start3A_536 : memref<1x128x16xf32, #tpu.memory_space<vmem>> -> memref<128x16xf32, #tpu.memory_space<vmem>>
    tpu.enqueue_dma source(%dma_start3A_537 : memref<128x16xf32, #tpu.memory_space<vmem>>) target(%dma_start3A_533 : memref<128x16xf32, #tpu.memory_space<hbm>>) target_semaphore(%arg8 : memref<!tpu.dma_semaphore, #tpu.memory_space<semaphore_mem>>)
    %dma_wait3A_538 = arith.constant 9 : i32
    %dma_wait3A_539 = arith.constant 9 : i32
    %dma_wait3A_540 = arith.constant 0 : i32
    %dma_wait3A_541 = arith.constant 0 : i32
    %dma_wait3A_542 = tpu.memref_slice %arg6[%dma_wait3A_539, %dma_wait3A_540, %dma_wait3A_541] : memref<26x128x16xf32, #tpu.memory_space<vmem>> -> memref<1x128x16xf32, #tpu.memory_space<vmem>>
    %dma_wait3A_543 = tpu.memref_squeeze %dma_wait3A_542 : memref<1x128x16xf32, #tpu.memory_space<vmem>> -> memref<128x16xf32, #tpu.memory_space<vmem>>
    %dma_wait3A_544 = arith.constant 0 : i32
    %dma_wait3A_545 = tpu.memref_slice %arg5[%dma_wait3A_538, %dma_wait3A_544] : memref<26x128xi32, #tpu.memory_space<vmem>> -> memref<1x128xi32, #tpu.memory_space<vmem>>
    %dma_wait3A_546 = tpu.memref_squeeze %dma_wait3A_545 : memref<1x128xi32, #tpu.memory_space<vmem>> -> memref<128xi32, #tpu.memory_space<vmem>>
    %dma_wait3A_547 = arith.constant 0 : i32
    %dma_wait3A_548 = arith.constant 0 : i32
    %dma_wait3A_549 = tpu.memref_slice %arg2[%dma_wait3A_547, %dma_wait3A_548] : memref<2600000x16xf32, #tpu.memory_space<hbm>> -> memref<2600000x16xf32, #tpu.memory_space<hbm>>
    tpu.wait_indirect_dma semaphore(%arg7 : memref<!tpu.dma_semaphore, #tpu.memory_space<semaphore_mem>>) src(%dma_wait3A_549 : memref<2600000x16xf32, #tpu.memory_space<hbm>>) dst(%dma_wait3A_543 : memref<128x16xf32, #tpu.memory_space<vmem>>)
    %dma_start3A_550 = arith.constant 9 : i32
    %dma_start3A_551 = arith.constant 0 : i32
    %dma_start3A_552 = arith.constant 0 : i32
    %dma_start3A_553 = tpu.memref_slice %arg6[%dma_start3A_550, %dma_start3A_551, %dma_start3A_552] : memref<26x128x16xf32, #tpu.memory_space<vmem>> -> memref<1x128x16xf32, #tpu.memory_space<vmem>>
    %dma_start3A_554 = tpu.memref_squeeze %dma_start3A_553 : memref<1x128x16xf32, #tpu.memory_space<vmem>> -> memref<128x16xf32, #tpu.memory_space<vmem>>
    %dma_start3A_555 = arith.constant 144 : i32
    %dma_start3A_556 = tpu.memref_slice %arg4[%mul3A_2, %dma_start3A_555] : memref<4096x512xf32, #tpu.memory_space<hbm>> -> memref<128x16xf32, #tpu.memory_space<hbm>>
    %dma_start3A_557 = arith.constant 144 : i32
    %dma_start3A_558 = tpu.memref_slice %arg4[%mul3A_2, %dma_start3A_557] : memref<4096x512xf32, #tpu.memory_space<hbm>> -> memref<128x16xf32, #tpu.memory_space<hbm>>
    %dma_start3A_559 = arith.constant 0 : i32
    %dma_start3A_560 = arith.constant 0 : i32
    %dma_start3A_561 = tpu.memref_slice %arg6[%dma_start3A_550, %dma_start3A_559, %dma_start3A_560] : memref<26x128x16xf32, #tpu.memory_space<vmem>> -> memref<1x128x16xf32, #tpu.memory_space<vmem>>
    %dma_start3A_562 = tpu.memref_squeeze %dma_start3A_561 : memref<1x128x16xf32, #tpu.memory_space<vmem>> -> memref<128x16xf32, #tpu.memory_space<vmem>>
    tpu.enqueue_dma source(%dma_start3A_562 : memref<128x16xf32, #tpu.memory_space<vmem>>) target(%dma_start3A_558 : memref<128x16xf32, #tpu.memory_space<hbm>>) target_semaphore(%arg8 : memref<!tpu.dma_semaphore, #tpu.memory_space<semaphore_mem>>)
    %dma_wait3A_563 = arith.constant 10 : i32
    %dma_wait3A_564 = arith.constant 10 : i32
    %dma_wait3A_565 = arith.constant 0 : i32
    %dma_wait3A_566 = arith.constant 0 : i32
    %dma_wait3A_567 = tpu.memref_slice %arg6[%dma_wait3A_564, %dma_wait3A_565, %dma_wait3A_566] : memref<26x128x16xf32, #tpu.memory_space<vmem>> -> memref<1x128x16xf32, #tpu.memory_space<vmem>>
    %dma_wait3A_568 = tpu.memref_squeeze %dma_wait3A_567 : memref<1x128x16xf32, #tpu.memory_space<vmem>> -> memref<128x16xf32, #tpu.memory_space<vmem>>
    %dma_wait3A_569 = arith.constant 0 : i32
    %dma_wait3A_570 = tpu.memref_slice %arg5[%dma_wait3A_563, %dma_wait3A_569] : memref<26x128xi32, #tpu.memory_space<vmem>> -> memref<1x128xi32, #tpu.memory_space<vmem>>
    %dma_wait3A_571 = tpu.memref_squeeze %dma_wait3A_570 : memref<1x128xi32, #tpu.memory_space<vmem>> -> memref<128xi32, #tpu.memory_space<vmem>>
    %dma_wait3A_572 = arith.constant 0 : i32
    %dma_wait3A_573 = arith.constant 0 : i32
    %dma_wait3A_574 = tpu.memref_slice %arg2[%dma_wait3A_572, %dma_wait3A_573] : memref<2600000x16xf32, #tpu.memory_space<hbm>> -> memref<2600000x16xf32, #tpu.memory_space<hbm>>
    tpu.wait_indirect_dma semaphore(%arg7 : memref<!tpu.dma_semaphore, #tpu.memory_space<semaphore_mem>>) src(%dma_wait3A_574 : memref<2600000x16xf32, #tpu.memory_space<hbm>>) dst(%dma_wait3A_568 : memref<128x16xf32, #tpu.memory_space<vmem>>)
    %dma_start3A_575 = arith.constant 10 : i32
    %dma_start3A_576 = arith.constant 0 : i32
    %dma_start3A_577 = arith.constant 0 : i32
    %dma_start3A_578 = tpu.memref_slice %arg6[%dma_start3A_575, %dma_start3A_576, %dma_start3A_577] : memref<26x128x16xf32, #tpu.memory_space<vmem>> -> memref<1x128x16xf32, #tpu.memory_space<vmem>>
    %dma_start3A_579 = tpu.memref_squeeze %dma_start3A_578 : memref<1x128x16xf32, #tpu.memory_space<vmem>> -> memref<128x16xf32, #tpu.memory_space<vmem>>
    %dma_start3A_580 = arith.constant 160 : i32
    %dma_start3A_581 = tpu.memref_slice %arg4[%mul3A_2, %dma_start3A_580] : memref<4096x512xf32, #tpu.memory_space<hbm>> -> memref<128x16xf32, #tpu.memory_space<hbm>>
    %dma_start3A_582 = arith.constant 160 : i32
    %dma_start3A_583 = tpu.memref_slice %arg4[%mul3A_2, %dma_start3A_582] : memref<4096x512xf32, #tpu.memory_space<hbm>> -> memref<128x16xf32, #tpu.memory_space<hbm>>
    %dma_start3A_584 = arith.constant 0 : i32
    %dma_start3A_585 = arith.constant 0 : i32
    %dma_start3A_586 = tpu.memref_slice %arg6[%dma_start3A_575, %dma_start3A_584, %dma_start3A_585] : memref<26x128x16xf32, #tpu.memory_space<vmem>> -> memref<1x128x16xf32, #tpu.memory_space<vmem>>
    %dma_start3A_587 = tpu.memref_squeeze %dma_start3A_586 : memref<1x128x16xf32, #tpu.memory_space<vmem>> -> memref<128x16xf32, #tpu.memory_space<vmem>>
    tpu.enqueue_dma source(%dma_start3A_587 : memref<128x16xf32, #tpu.memory_space<vmem>>) target(%dma_start3A_583 : memref<128x16xf32, #tpu.memory_space<hbm>>) target_semaphore(%arg8 : memref<!tpu.dma_semaphore, #tpu.memory_space<semaphore_mem>>)
    %dma_wait3A_588 = arith.constant 11 : i32
    %dma_wait3A_589 = arith.constant 11 : i32
    %dma_wait3A_590 = arith.constant 0 : i32
    %dma_wait3A_591 = arith.constant 0 : i32
    %dma_wait3A_592 = tpu.memref_slice %arg6[%dma_wait3A_589, %dma_wait3A_590, %dma_wait3A_591] : memref<26x128x16xf32, #tpu.memory_space<vmem>> -> memref<1x128x16xf32, #tpu.memory_space<vmem>>
    %dma_wait3A_593 = tpu.memref_squeeze %dma_wait3A_592 : memref<1x128x16xf32, #tpu.memory_space<vmem>> -> memref<128x16xf32, #tpu.memory_space<vmem>>
    %dma_wait3A_594 = arith.constant 0 : i32
    %dma_wait3A_595 = tpu.memref_slice %arg5[%dma_wait3A_588, %dma_wait3A_594] : memref<26x128xi32, #tpu.memory_space<vmem>> -> memref<1x128xi32, #tpu.memory_space<vmem>>
    %dma_wait3A_596 = tpu.memref_squeeze %dma_wait3A_595 : memref<1x128xi32, #tpu.memory_space<vmem>> -> memref<128xi32, #tpu.memory_space<vmem>>
    %dma_wait3A_597 = arith.constant 0 : i32
    %dma_wait3A_598 = arith.constant 0 : i32
    %dma_wait3A_599 = tpu.memref_slice %arg2[%dma_wait3A_597, %dma_wait3A_598] : memref<2600000x16xf32, #tpu.memory_space<hbm>> -> memref<2600000x16xf32, #tpu.memory_space<hbm>>
    tpu.wait_indirect_dma semaphore(%arg7 : memref<!tpu.dma_semaphore, #tpu.memory_space<semaphore_mem>>) src(%dma_wait3A_599 : memref<2600000x16xf32, #tpu.memory_space<hbm>>) dst(%dma_wait3A_593 : memref<128x16xf32, #tpu.memory_space<vmem>>)
    %dma_start3A_600 = arith.constant 11 : i32
    %dma_start3A_601 = arith.constant 0 : i32
    %dma_start3A_602 = arith.constant 0 : i32
    %dma_start3A_603 = tpu.memref_slice %arg6[%dma_start3A_600, %dma_start3A_601, %dma_start3A_602] : memref<26x128x16xf32, #tpu.memory_space<vmem>> -> memref<1x128x16xf32, #tpu.memory_space<vmem>>
    %dma_start3A_604 = tpu.memref_squeeze %dma_start3A_603 : memref<1x128x16xf32, #tpu.memory_space<vmem>> -> memref<128x16xf32, #tpu.memory_space<vmem>>
    %dma_start3A_605 = arith.constant 176 : i32
    %dma_start3A_606 = tpu.memref_slice %arg4[%mul3A_2, %dma_start3A_605] : memref<4096x512xf32, #tpu.memory_space<hbm>> -> memref<128x16xf32, #tpu.memory_space<hbm>>
    %dma_start3A_607 = arith.constant 176 : i32
    %dma_start3A_608 = tpu.memref_slice %arg4[%mul3A_2, %dma_start3A_607] : memref<4096x512xf32, #tpu.memory_space<hbm>> -> memref<128x16xf32, #tpu.memory_space<hbm>>
    %dma_start3A_609 = arith.constant 0 : i32
    %dma_start3A_610 = arith.constant 0 : i32
    %dma_start3A_611 = tpu.memref_slice %arg6[%dma_start3A_600, %dma_start3A_609, %dma_start3A_610] : memref<26x128x16xf32, #tpu.memory_space<vmem>> -> memref<1x128x16xf32, #tpu.memory_space<vmem>>
    %dma_start3A_612 = tpu.memref_squeeze %dma_start3A_611 : memref<1x128x16xf32, #tpu.memory_space<vmem>> -> memref<128x16xf32, #tpu.memory_space<vmem>>
    tpu.enqueue_dma source(%dma_start3A_612 : memref<128x16xf32, #tpu.memory_space<vmem>>) target(%dma_start3A_608 : memref<128x16xf32, #tpu.memory_space<hbm>>) target_semaphore(%arg8 : memref<!tpu.dma_semaphore, #tpu.memory_space<semaphore_mem>>)
    %dma_wait3A_613 = arith.constant 12 : i32
    %dma_wait3A_614 = arith.constant 12 : i32
    %dma_wait3A_615 = arith.constant 0 : i32
    %dma_wait3A_616 = arith.constant 0 : i32
    %dma_wait3A_617 = tpu.memref_slice %arg6[%dma_wait3A_614, %dma_wait3A_615, %dma_wait3A_616] : memref<26x128x16xf32, #tpu.memory_space<vmem>> -> memref<1x128x16xf32, #tpu.memory_space<vmem>>
    %dma_wait3A_618 = tpu.memref_squeeze %dma_wait3A_617 : memref<1x128x16xf32, #tpu.memory_space<vmem>> -> memref<128x16xf32, #tpu.memory_space<vmem>>
    %dma_wait3A_619 = arith.constant 0 : i32
    %dma_wait3A_620 = tpu.memref_slice %arg5[%dma_wait3A_613, %dma_wait3A_619] : memref<26x128xi32, #tpu.memory_space<vmem>> -> memref<1x128xi32, #tpu.memory_space<vmem>>
    %dma_wait3A_621 = tpu.memref_squeeze %dma_wait3A_620 : memref<1x128xi32, #tpu.memory_space<vmem>> -> memref<128xi32, #tpu.memory_space<vmem>>
    %dma_wait3A_622 = arith.constant 0 : i32
    %dma_wait3A_623 = arith.constant 0 : i32
    %dma_wait3A_624 = tpu.memref_slice %arg2[%dma_wait3A_622, %dma_wait3A_623] : memref<2600000x16xf32, #tpu.memory_space<hbm>> -> memref<2600000x16xf32, #tpu.memory_space<hbm>>
    tpu.wait_indirect_dma semaphore(%arg7 : memref<!tpu.dma_semaphore, #tpu.memory_space<semaphore_mem>>) src(%dma_wait3A_624 : memref<2600000x16xf32, #tpu.memory_space<hbm>>) dst(%dma_wait3A_618 : memref<128x16xf32, #tpu.memory_space<vmem>>)
    %dma_start3A_625 = arith.constant 12 : i32
    %dma_start3A_626 = arith.constant 0 : i32
    %dma_start3A_627 = arith.constant 0 : i32
    %dma_start3A_628 = tpu.memref_slice %arg6[%dma_start3A_625, %dma_start3A_626, %dma_start3A_627] : memref<26x128x16xf32, #tpu.memory_space<vmem>> -> memref<1x128x16xf32, #tpu.memory_space<vmem>>
    %dma_start3A_629 = tpu.memref_squeeze %dma_start3A_628 : memref<1x128x16xf32, #tpu.memory_space<vmem>> -> memref<128x16xf32, #tpu.memory_space<vmem>>
    %dma_start3A_630 = arith.constant 192 : i32
    %dma_start3A_631 = tpu.memref_slice %arg4[%mul3A_2, %dma_start3A_630] : memref<4096x512xf32, #tpu.memory_space<hbm>> -> memref<128x16xf32, #tpu.memory_space<hbm>>
    %dma_start3A_632 = arith.constant 192 : i32
    %dma_start3A_633 = tpu.memref_slice %arg4[%mul3A_2, %dma_start3A_632] : memref<4096x512xf32, #tpu.memory_space<hbm>> -> memref<128x16xf32, #tpu.memory_space<hbm>>
    %dma_start3A_634 = arith.constant 0 : i32
    %dma_start3A_635 = arith.constant 0 : i32
    %dma_start3A_636 = tpu.memref_slice %arg6[%dma_start3A_625, %dma_start3A_634, %dma_start3A_635] : memref<26x128x16xf32, #tpu.memory_space<vmem>> -> memref<1x128x16xf32, #tpu.memory_space<vmem>>
    %dma_start3A_637 = tpu.memref_squeeze %dma_start3A_636 : memref<1x128x16xf32, #tpu.memory_space<vmem>> -> memref<128x16xf32, #tpu.memory_space<vmem>>
    tpu.enqueue_dma source(%dma_start3A_637 : memref<128x16xf32, #tpu.memory_space<vmem>>) target(%dma_start3A_633 : memref<128x16xf32, #tpu.memory_space<hbm>>) target_semaphore(%arg8 : memref<!tpu.dma_semaphore, #tpu.memory_space<semaphore_mem>>)
    %dma_wait3A_638 = arith.constant 13 : i32
    %dma_wait3A_639 = arith.constant 13 : i32
    %dma_wait3A_640 = arith.constant 0 : i32
    %dma_wait3A_641 = arith.constant 0 : i32
    %dma_wait3A_642 = tpu.memref_slice %arg6[%dma_wait3A_639, %dma_wait3A_640, %dma_wait3A_641] : memref<26x128x16xf32, #tpu.memory_space<vmem>> -> memref<1x128x16xf32, #tpu.memory_space<vmem>>
    %dma_wait3A_643 = tpu.memref_squeeze %dma_wait3A_642 : memref<1x128x16xf32, #tpu.memory_space<vmem>> -> memref<128x16xf32, #tpu.memory_space<vmem>>
    %dma_wait3A_644 = arith.constant 0 : i32
    %dma_wait3A_645 = tpu.memref_slice %arg5[%dma_wait3A_638, %dma_wait3A_644] : memref<26x128xi32, #tpu.memory_space<vmem>> -> memref<1x128xi32, #tpu.memory_space<vmem>>
    %dma_wait3A_646 = tpu.memref_squeeze %dma_wait3A_645 : memref<1x128xi32, #tpu.memory_space<vmem>> -> memref<128xi32, #tpu.memory_space<vmem>>
    %dma_wait3A_647 = arith.constant 0 : i32
    %dma_wait3A_648 = arith.constant 0 : i32
    %dma_wait3A_649 = tpu.memref_slice %arg2[%dma_wait3A_647, %dma_wait3A_648] : memref<2600000x16xf32, #tpu.memory_space<hbm>> -> memref<2600000x16xf32, #tpu.memory_space<hbm>>
    tpu.wait_indirect_dma semaphore(%arg7 : memref<!tpu.dma_semaphore, #tpu.memory_space<semaphore_mem>>) src(%dma_wait3A_649 : memref<2600000x16xf32, #tpu.memory_space<hbm>>) dst(%dma_wait3A_643 : memref<128x16xf32, #tpu.memory_space<vmem>>)
    %dma_start3A_650 = arith.constant 13 : i32
    %dma_start3A_651 = arith.constant 0 : i32
    %dma_start3A_652 = arith.constant 0 : i32
    %dma_start3A_653 = tpu.memref_slice %arg6[%dma_start3A_650, %dma_start3A_651, %dma_start3A_652] : memref<26x128x16xf32, #tpu.memory_space<vmem>> -> memref<1x128x16xf32, #tpu.memory_space<vmem>>
    %dma_start3A_654 = tpu.memref_squeeze %dma_start3A_653 : memref<1x128x16xf32, #tpu.memory_space<vmem>> -> memref<128x16xf32, #tpu.memory_space<vmem>>
    %dma_start3A_655 = arith.constant 208 : i32
    %dma_start3A_656 = tpu.memref_slice %arg4[%mul3A_2, %dma_start3A_655] : memref<4096x512xf32, #tpu.memory_space<hbm>> -> memref<128x16xf32, #tpu.memory_space<hbm>>
    %dma_start3A_657 = arith.constant 208 : i32
    %dma_start3A_658 = tpu.memref_slice %arg4[%mul3A_2, %dma_start3A_657] : memref<4096x512xf32, #tpu.memory_space<hbm>> -> memref<128x16xf32, #tpu.memory_space<hbm>>
    %dma_start3A_659 = arith.constant 0 : i32
    %dma_start3A_660 = arith.constant 0 : i32
    %dma_start3A_661 = tpu.memref_slice %arg6[%dma_start3A_650, %dma_start3A_659, %dma_start3A_660] : memref<26x128x16xf32, #tpu.memory_space<vmem>> -> memref<1x128x16xf32, #tpu.memory_space<vmem>>
    %dma_start3A_662 = tpu.memref_squeeze %dma_start3A_661 : memref<1x128x16xf32, #tpu.memory_space<vmem>> -> memref<128x16xf32, #tpu.memory_space<vmem>>
    tpu.enqueue_dma source(%dma_start3A_662 : memref<128x16xf32, #tpu.memory_space<vmem>>) target(%dma_start3A_658 : memref<128x16xf32, #tpu.memory_space<hbm>>) target_semaphore(%arg8 : memref<!tpu.dma_semaphore, #tpu.memory_space<semaphore_mem>>)
    %dma_wait3A_663 = arith.constant 14 : i32
    %dma_wait3A_664 = arith.constant 14 : i32
    %dma_wait3A_665 = arith.constant 0 : i32
    %dma_wait3A_666 = arith.constant 0 : i32
    %dma_wait3A_667 = tpu.memref_slice %arg6[%dma_wait3A_664, %dma_wait3A_665, %dma_wait3A_666] : memref<26x128x16xf32, #tpu.memory_space<vmem>> -> memref<1x128x16xf32, #tpu.memory_space<vmem>>
    %dma_wait3A_668 = tpu.memref_squeeze %dma_wait3A_667 : memref<1x128x16xf32, #tpu.memory_space<vmem>> -> memref<128x16xf32, #tpu.memory_space<vmem>>
    %dma_wait3A_669 = arith.constant 0 : i32
    %dma_wait3A_670 = tpu.memref_slice %arg5[%dma_wait3A_663, %dma_wait3A_669] : memref<26x128xi32, #tpu.memory_space<vmem>> -> memref<1x128xi32, #tpu.memory_space<vmem>>
    %dma_wait3A_671 = tpu.memref_squeeze %dma_wait3A_670 : memref<1x128xi32, #tpu.memory_space<vmem>> -> memref<128xi32, #tpu.memory_space<vmem>>
    %dma_wait3A_672 = arith.constant 0 : i32
    %dma_wait3A_673 = arith.constant 0 : i32
    %dma_wait3A_674 = tpu.memref_slice %arg2[%dma_wait3A_672, %dma_wait3A_673] : memref<2600000x16xf32, #tpu.memory_space<hbm>> -> memref<2600000x16xf32, #tpu.memory_space<hbm>>
    tpu.wait_indirect_dma semaphore(%arg7 : memref<!tpu.dma_semaphore, #tpu.memory_space<semaphore_mem>>) src(%dma_wait3A_674 : memref<2600000x16xf32, #tpu.memory_space<hbm>>) dst(%dma_wait3A_668 : memref<128x16xf32, #tpu.memory_space<vmem>>)
    %dma_start3A_675 = arith.constant 14 : i32
    %dma_start3A_676 = arith.constant 0 : i32
    %dma_start3A_677 = arith.constant 0 : i32
    %dma_start3A_678 = tpu.memref_slice %arg6[%dma_start3A_675, %dma_start3A_676, %dma_start3A_677] : memref<26x128x16xf32, #tpu.memory_space<vmem>> -> memref<1x128x16xf32, #tpu.memory_space<vmem>>
    %dma_start3A_679 = tpu.memref_squeeze %dma_start3A_678 : memref<1x128x16xf32, #tpu.memory_space<vmem>> -> memref<128x16xf32, #tpu.memory_space<vmem>>
    %dma_start3A_680 = arith.constant 224 : i32
    %dma_start3A_681 = tpu.memref_slice %arg4[%mul3A_2, %dma_start3A_680] : memref<4096x512xf32, #tpu.memory_space<hbm>> -> memref<128x16xf32, #tpu.memory_space<hbm>>
    %dma_start3A_682 = arith.constant 224 : i32
    %dma_start3A_683 = tpu.memref_slice %arg4[%mul3A_2, %dma_start3A_682] : memref<4096x512xf32, #tpu.memory_space<hbm>> -> memref<128x16xf32, #tpu.memory_space<hbm>>
    %dma_start3A_684 = arith.constant 0 : i32
    %dma_start3A_685 = arith.constant 0 : i32
    %dma_start3A_686 = tpu.memref_slice %arg6[%dma_start3A_675, %dma_start3A_684, %dma_start3A_685] : memref<26x128x16xf32, #tpu.memory_space<vmem>> -> memref<1x128x16xf32, #tpu.memory_space<vmem>>
    %dma_start3A_687 = tpu.memref_squeeze %dma_start3A_686 : memref<1x128x16xf32, #tpu.memory_space<vmem>> -> memref<128x16xf32, #tpu.memory_space<vmem>>
    tpu.enqueue_dma source(%dma_start3A_687 : memref<128x16xf32, #tpu.memory_space<vmem>>) target(%dma_start3A_683 : memref<128x16xf32, #tpu.memory_space<hbm>>) target_semaphore(%arg8 : memref<!tpu.dma_semaphore, #tpu.memory_space<semaphore_mem>>)
    %dma_wait3A_688 = arith.constant 15 : i32
    %dma_wait3A_689 = arith.constant 15 : i32
    %dma_wait3A_690 = arith.constant 0 : i32
    %dma_wait3A_691 = arith.constant 0 : i32
    %dma_wait3A_692 = tpu.memref_slice %arg6[%dma_wait3A_689, %dma_wait3A_690, %dma_wait3A_691] : memref<26x128x16xf32, #tpu.memory_space<vmem>> -> memref<1x128x16xf32, #tpu.memory_space<vmem>>
    %dma_wait3A_693 = tpu.memref_squeeze %dma_wait3A_692 : memref<1x128x16xf32, #tpu.memory_space<vmem>> -> memref<128x16xf32, #tpu.memory_space<vmem>>
    %dma_wait3A_694 = arith.constant 0 : i32
    %dma_wait3A_695 = tpu.memref_slice %arg5[%dma_wait3A_688, %dma_wait3A_694] : memref<26x128xi32, #tpu.memory_space<vmem>> -> memref<1x128xi32, #tpu.memory_space<vmem>>
    %dma_wait3A_696 = tpu.memref_squeeze %dma_wait3A_695 : memref<1x128xi32, #tpu.memory_space<vmem>> -> memref<128xi32, #tpu.memory_space<vmem>>
    %dma_wait3A_697 = arith.constant 0 : i32
    %dma_wait3A_698 = arith.constant 0 : i32
    %dma_wait3A_699 = tpu.memref_slice %arg2[%dma_wait3A_697, %dma_wait3A_698] : memref<2600000x16xf32, #tpu.memory_space<hbm>> -> memref<2600000x16xf32, #tpu.memory_space<hbm>>
    tpu.wait_indirect_dma semaphore(%arg7 : memref<!tpu.dma_semaphore, #tpu.memory_space<semaphore_mem>>) src(%dma_wait3A_699 : memref<2600000x16xf32, #tpu.memory_space<hbm>>) dst(%dma_wait3A_693 : memref<128x16xf32, #tpu.memory_space<vmem>>)
    %dma_start3A_700 = arith.constant 15 : i32
    %dma_start3A_701 = arith.constant 0 : i32
    %dma_start3A_702 = arith.constant 0 : i32
    %dma_start3A_703 = tpu.memref_slice %arg6[%dma_start3A_700, %dma_start3A_701, %dma_start3A_702] : memref<26x128x16xf32, #tpu.memory_space<vmem>> -> memref<1x128x16xf32, #tpu.memory_space<vmem>>
    %dma_start3A_704 = tpu.memref_squeeze %dma_start3A_703 : memref<1x128x16xf32, #tpu.memory_space<vmem>> -> memref<128x16xf32, #tpu.memory_space<vmem>>
    %dma_start3A_705 = arith.constant 240 : i32
    %dma_start3A_706 = tpu.memref_slice %arg4[%mul3A_2, %dma_start3A_705] : memref<4096x512xf32, #tpu.memory_space<hbm>> -> memref<128x16xf32, #tpu.memory_space<hbm>>
    %dma_start3A_707 = arith.constant 240 : i32
    %dma_start3A_708 = tpu.memref_slice %arg4[%mul3A_2, %dma_start3A_707] : memref<4096x512xf32, #tpu.memory_space<hbm>> -> memref<128x16xf32, #tpu.memory_space<hbm>>
    %dma_start3A_709 = arith.constant 0 : i32
    %dma_start3A_710 = arith.constant 0 : i32
    %dma_start3A_711 = tpu.memref_slice %arg6[%dma_start3A_700, %dma_start3A_709, %dma_start3A_710] : memref<26x128x16xf32, #tpu.memory_space<vmem>> -> memref<1x128x16xf32, #tpu.memory_space<vmem>>
    %dma_start3A_712 = tpu.memref_squeeze %dma_start3A_711 : memref<1x128x16xf32, #tpu.memory_space<vmem>> -> memref<128x16xf32, #tpu.memory_space<vmem>>
    tpu.enqueue_dma source(%dma_start3A_712 : memref<128x16xf32, #tpu.memory_space<vmem>>) target(%dma_start3A_708 : memref<128x16xf32, #tpu.memory_space<hbm>>) target_semaphore(%arg8 : memref<!tpu.dma_semaphore, #tpu.memory_space<semaphore_mem>>)
    %dma_wait3A_713 = arith.constant 16 : i32
    %dma_wait3A_714 = arith.constant 16 : i32
    %dma_wait3A_715 = arith.constant 0 : i32
    %dma_wait3A_716 = arith.constant 0 : i32
    %dma_wait3A_717 = tpu.memref_slice %arg6[%dma_wait3A_714, %dma_wait3A_715, %dma_wait3A_716] : memref<26x128x16xf32, #tpu.memory_space<vmem>> -> memref<1x128x16xf32, #tpu.memory_space<vmem>>
    %dma_wait3A_718 = tpu.memref_squeeze %dma_wait3A_717 : memref<1x128x16xf32, #tpu.memory_space<vmem>> -> memref<128x16xf32, #tpu.memory_space<vmem>>
    %dma_wait3A_719 = arith.constant 0 : i32
    %dma_wait3A_720 = tpu.memref_slice %arg5[%dma_wait3A_713, %dma_wait3A_719] : memref<26x128xi32, #tpu.memory_space<vmem>> -> memref<1x128xi32, #tpu.memory_space<vmem>>
    %dma_wait3A_721 = tpu.memref_squeeze %dma_wait3A_720 : memref<1x128xi32, #tpu.memory_space<vmem>> -> memref<128xi32, #tpu.memory_space<vmem>>
    %dma_wait3A_722 = arith.constant 0 : i32
    %dma_wait3A_723 = arith.constant 0 : i32
    %dma_wait3A_724 = tpu.memref_slice %arg2[%dma_wait3A_722, %dma_wait3A_723] : memref<2600000x16xf32, #tpu.memory_space<hbm>> -> memref<2600000x16xf32, #tpu.memory_space<hbm>>
    tpu.wait_indirect_dma semaphore(%arg7 : memref<!tpu.dma_semaphore, #tpu.memory_space<semaphore_mem>>) src(%dma_wait3A_724 : memref<2600000x16xf32, #tpu.memory_space<hbm>>) dst(%dma_wait3A_718 : memref<128x16xf32, #tpu.memory_space<vmem>>)
    %dma_start3A_725 = arith.constant 16 : i32
    %dma_start3A_726 = arith.constant 0 : i32
    %dma_start3A_727 = arith.constant 0 : i32
    %dma_start3A_728 = tpu.memref_slice %arg6[%dma_start3A_725, %dma_start3A_726, %dma_start3A_727] : memref<26x128x16xf32, #tpu.memory_space<vmem>> -> memref<1x128x16xf32, #tpu.memory_space<vmem>>
    %dma_start3A_729 = tpu.memref_squeeze %dma_start3A_728 : memref<1x128x16xf32, #tpu.memory_space<vmem>> -> memref<128x16xf32, #tpu.memory_space<vmem>>
    %dma_start3A_730 = arith.constant 256 : i32
    %dma_start3A_731 = tpu.memref_slice %arg4[%mul3A_2, %dma_start3A_730] : memref<4096x512xf32, #tpu.memory_space<hbm>> -> memref<128x16xf32, #tpu.memory_space<hbm>>
    %dma_start3A_732 = arith.constant 256 : i32
    %dma_start3A_733 = tpu.memref_slice %arg4[%mul3A_2, %dma_start3A_732] : memref<4096x512xf32, #tpu.memory_space<hbm>> -> memref<128x16xf32, #tpu.memory_space<hbm>>
    %dma_start3A_734 = arith.constant 0 : i32
    %dma_start3A_735 = arith.constant 0 : i32
    %dma_start3A_736 = tpu.memref_slice %arg6[%dma_start3A_725, %dma_start3A_734, %dma_start3A_735] : memref<26x128x16xf32, #tpu.memory_space<vmem>> -> memref<1x128x16xf32, #tpu.memory_space<vmem>>
    %dma_start3A_737 = tpu.memref_squeeze %dma_start3A_736 : memref<1x128x16xf32, #tpu.memory_space<vmem>> -> memref<128x16xf32, #tpu.memory_space<vmem>>
    tpu.enqueue_dma source(%dma_start3A_737 : memref<128x16xf32, #tpu.memory_space<vmem>>) target(%dma_start3A_733 : memref<128x16xf32, #tpu.memory_space<hbm>>) target_semaphore(%arg8 : memref<!tpu.dma_semaphore, #tpu.memory_space<semaphore_mem>>)
    %dma_wait3A_738 = arith.constant 17 : i32
    %dma_wait3A_739 = arith.constant 17 : i32
    %dma_wait3A_740 = arith.constant 0 : i32
    %dma_wait3A_741 = arith.constant 0 : i32
    %dma_wait3A_742 = tpu.memref_slice %arg6[%dma_wait3A_739, %dma_wait3A_740, %dma_wait3A_741] : memref<26x128x16xf32, #tpu.memory_space<vmem>> -> memref<1x128x16xf32, #tpu.memory_space<vmem>>
    %dma_wait3A_743 = tpu.memref_squeeze %dma_wait3A_742 : memref<1x128x16xf32, #tpu.memory_space<vmem>> -> memref<128x16xf32, #tpu.memory_space<vmem>>
    %dma_wait3A_744 = arith.constant 0 : i32
    %dma_wait3A_745 = tpu.memref_slice %arg5[%dma_wait3A_738, %dma_wait3A_744] : memref<26x128xi32, #tpu.memory_space<vmem>> -> memref<1x128xi32, #tpu.memory_space<vmem>>
    %dma_wait3A_746 = tpu.memref_squeeze %dma_wait3A_745 : memref<1x128xi32, #tpu.memory_space<vmem>> -> memref<128xi32, #tpu.memory_space<vmem>>
    %dma_wait3A_747 = arith.constant 0 : i32
    %dma_wait3A_748 = arith.constant 0 : i32
    %dma_wait3A_749 = tpu.memref_slice %arg2[%dma_wait3A_747, %dma_wait3A_748] : memref<2600000x16xf32, #tpu.memory_space<hbm>> -> memref<2600000x16xf32, #tpu.memory_space<hbm>>
    tpu.wait_indirect_dma semaphore(%arg7 : memref<!tpu.dma_semaphore, #tpu.memory_space<semaphore_mem>>) src(%dma_wait3A_749 : memref<2600000x16xf32, #tpu.memory_space<hbm>>) dst(%dma_wait3A_743 : memref<128x16xf32, #tpu.memory_space<vmem>>)
    %dma_start3A_750 = arith.constant 17 : i32
    %dma_start3A_751 = arith.constant 0 : i32
    %dma_start3A_752 = arith.constant 0 : i32
    %dma_start3A_753 = tpu.memref_slice %arg6[%dma_start3A_750, %dma_start3A_751, %dma_start3A_752] : memref<26x128x16xf32, #tpu.memory_space<vmem>> -> memref<1x128x16xf32, #tpu.memory_space<vmem>>
    %dma_start3A_754 = tpu.memref_squeeze %dma_start3A_753 : memref<1x128x16xf32, #tpu.memory_space<vmem>> -> memref<128x16xf32, #tpu.memory_space<vmem>>
    %dma_start3A_755 = arith.constant 272 : i32
    %dma_start3A_756 = tpu.memref_slice %arg4[%mul3A_2, %dma_start3A_755] : memref<4096x512xf32, #tpu.memory_space<hbm>> -> memref<128x16xf32, #tpu.memory_space<hbm>>
    %dma_start3A_757 = arith.constant 272 : i32
    %dma_start3A_758 = tpu.memref_slice %arg4[%mul3A_2, %dma_start3A_757] : memref<4096x512xf32, #tpu.memory_space<hbm>> -> memref<128x16xf32, #tpu.memory_space<hbm>>
    %dma_start3A_759 = arith.constant 0 : i32
    %dma_start3A_760 = arith.constant 0 : i32
    %dma_start3A_761 = tpu.memref_slice %arg6[%dma_start3A_750, %dma_start3A_759, %dma_start3A_760] : memref<26x128x16xf32, #tpu.memory_space<vmem>> -> memref<1x128x16xf32, #tpu.memory_space<vmem>>
    %dma_start3A_762 = tpu.memref_squeeze %dma_start3A_761 : memref<1x128x16xf32, #tpu.memory_space<vmem>> -> memref<128x16xf32, #tpu.memory_space<vmem>>
    tpu.enqueue_dma source(%dma_start3A_762 : memref<128x16xf32, #tpu.memory_space<vmem>>) target(%dma_start3A_758 : memref<128x16xf32, #tpu.memory_space<hbm>>) target_semaphore(%arg8 : memref<!tpu.dma_semaphore, #tpu.memory_space<semaphore_mem>>)
    %dma_wait3A_763 = arith.constant 18 : i32
    %dma_wait3A_764 = arith.constant 18 : i32
    %dma_wait3A_765 = arith.constant 0 : i32
    %dma_wait3A_766 = arith.constant 0 : i32
    %dma_wait3A_767 = tpu.memref_slice %arg6[%dma_wait3A_764, %dma_wait3A_765, %dma_wait3A_766] : memref<26x128x16xf32, #tpu.memory_space<vmem>> -> memref<1x128x16xf32, #tpu.memory_space<vmem>>
    %dma_wait3A_768 = tpu.memref_squeeze %dma_wait3A_767 : memref<1x128x16xf32, #tpu.memory_space<vmem>> -> memref<128x16xf32, #tpu.memory_space<vmem>>
    %dma_wait3A_769 = arith.constant 0 : i32
    %dma_wait3A_770 = tpu.memref_slice %arg5[%dma_wait3A_763, %dma_wait3A_769] : memref<26x128xi32, #tpu.memory_space<vmem>> -> memref<1x128xi32, #tpu.memory_space<vmem>>
    %dma_wait3A_771 = tpu.memref_squeeze %dma_wait3A_770 : memref<1x128xi32, #tpu.memory_space<vmem>> -> memref<128xi32, #tpu.memory_space<vmem>>
    %dma_wait3A_772 = arith.constant 0 : i32
    %dma_wait3A_773 = arith.constant 0 : i32
    %dma_wait3A_774 = tpu.memref_slice %arg2[%dma_wait3A_772, %dma_wait3A_773] : memref<2600000x16xf32, #tpu.memory_space<hbm>> -> memref<2600000x16xf32, #tpu.memory_space<hbm>>
    tpu.wait_indirect_dma semaphore(%arg7 : memref<!tpu.dma_semaphore, #tpu.memory_space<semaphore_mem>>) src(%dma_wait3A_774 : memref<2600000x16xf32, #tpu.memory_space<hbm>>) dst(%dma_wait3A_768 : memref<128x16xf32, #tpu.memory_space<vmem>>)
    %dma_start3A_775 = arith.constant 18 : i32
    %dma_start3A_776 = arith.constant 0 : i32
    %dma_start3A_777 = arith.constant 0 : i32
    %dma_start3A_778 = tpu.memref_slice %arg6[%dma_start3A_775, %dma_start3A_776, %dma_start3A_777] : memref<26x128x16xf32, #tpu.memory_space<vmem>> -> memref<1x128x16xf32, #tpu.memory_space<vmem>>
    %dma_start3A_779 = tpu.memref_squeeze %dma_start3A_778 : memref<1x128x16xf32, #tpu.memory_space<vmem>> -> memref<128x16xf32, #tpu.memory_space<vmem>>
    %dma_start3A_780 = arith.constant 288 : i32
    %dma_start3A_781 = tpu.memref_slice %arg4[%mul3A_2, %dma_start3A_780] : memref<4096x512xf32, #tpu.memory_space<hbm>> -> memref<128x16xf32, #tpu.memory_space<hbm>>
    %dma_start3A_782 = arith.constant 288 : i32
    %dma_start3A_783 = tpu.memref_slice %arg4[%mul3A_2, %dma_start3A_782] : memref<4096x512xf32, #tpu.memory_space<hbm>> -> memref<128x16xf32, #tpu.memory_space<hbm>>
    %dma_start3A_784 = arith.constant 0 : i32
    %dma_start3A_785 = arith.constant 0 : i32
    %dma_start3A_786 = tpu.memref_slice %arg6[%dma_start3A_775, %dma_start3A_784, %dma_start3A_785] : memref<26x128x16xf32, #tpu.memory_space<vmem>> -> memref<1x128x16xf32, #tpu.memory_space<vmem>>
    %dma_start3A_787 = tpu.memref_squeeze %dma_start3A_786 : memref<1x128x16xf32, #tpu.memory_space<vmem>> -> memref<128x16xf32, #tpu.memory_space<vmem>>
    tpu.enqueue_dma source(%dma_start3A_787 : memref<128x16xf32, #tpu.memory_space<vmem>>) target(%dma_start3A_783 : memref<128x16xf32, #tpu.memory_space<hbm>>) target_semaphore(%arg8 : memref<!tpu.dma_semaphore, #tpu.memory_space<semaphore_mem>>)
    %dma_wait3A_788 = arith.constant 19 : i32
    %dma_wait3A_789 = arith.constant 19 : i32
    %dma_wait3A_790 = arith.constant 0 : i32
    %dma_wait3A_791 = arith.constant 0 : i32
    %dma_wait3A_792 = tpu.memref_slice %arg6[%dma_wait3A_789, %dma_wait3A_790, %dma_wait3A_791] : memref<26x128x16xf32, #tpu.memory_space<vmem>> -> memref<1x128x16xf32, #tpu.memory_space<vmem>>
    %dma_wait3A_793 = tpu.memref_squeeze %dma_wait3A_792 : memref<1x128x16xf32, #tpu.memory_space<vmem>> -> memref<128x16xf32, #tpu.memory_space<vmem>>
    %dma_wait3A_794 = arith.constant 0 : i32
    %dma_wait3A_795 = tpu.memref_slice %arg5[%dma_wait3A_788, %dma_wait3A_794] : memref<26x128xi32, #tpu.memory_space<vmem>> -> memref<1x128xi32, #tpu.memory_space<vmem>>
    %dma_wait3A_796 = tpu.memref_squeeze %dma_wait3A_795 : memref<1x128xi32, #tpu.memory_space<vmem>> -> memref<128xi32, #tpu.memory_space<vmem>>
    %dma_wait3A_797 = arith.constant 0 : i32
    %dma_wait3A_798 = arith.constant 0 : i32
    %dma_wait3A_799 = tpu.memref_slice %arg2[%dma_wait3A_797, %dma_wait3A_798] : memref<2600000x16xf32, #tpu.memory_space<hbm>> -> memref<2600000x16xf32, #tpu.memory_space<hbm>>
    tpu.wait_indirect_dma semaphore(%arg7 : memref<!tpu.dma_semaphore, #tpu.memory_space<semaphore_mem>>) src(%dma_wait3A_799 : memref<2600000x16xf32, #tpu.memory_space<hbm>>) dst(%dma_wait3A_793 : memref<128x16xf32, #tpu.memory_space<vmem>>)
    %dma_start3A_800 = arith.constant 19 : i32
    %dma_start3A_801 = arith.constant 0 : i32
    %dma_start3A_802 = arith.constant 0 : i32
    %dma_start3A_803 = tpu.memref_slice %arg6[%dma_start3A_800, %dma_start3A_801, %dma_start3A_802] : memref<26x128x16xf32, #tpu.memory_space<vmem>> -> memref<1x128x16xf32, #tpu.memory_space<vmem>>
    %dma_start3A_804 = tpu.memref_squeeze %dma_start3A_803 : memref<1x128x16xf32, #tpu.memory_space<vmem>> -> memref<128x16xf32, #tpu.memory_space<vmem>>
    %dma_start3A_805 = arith.constant 304 : i32
    %dma_start3A_806 = tpu.memref_slice %arg4[%mul3A_2, %dma_start3A_805] : memref<4096x512xf32, #tpu.memory_space<hbm>> -> memref<128x16xf32, #tpu.memory_space<hbm>>
    %dma_start3A_807 = arith.constant 304 : i32
    %dma_start3A_808 = tpu.memref_slice %arg4[%mul3A_2, %dma_start3A_807] : memref<4096x512xf32, #tpu.memory_space<hbm>> -> memref<128x16xf32, #tpu.memory_space<hbm>>
    %dma_start3A_809 = arith.constant 0 : i32
    %dma_start3A_810 = arith.constant 0 : i32
    %dma_start3A_811 = tpu.memref_slice %arg6[%dma_start3A_800, %dma_start3A_809, %dma_start3A_810] : memref<26x128x16xf32, #tpu.memory_space<vmem>> -> memref<1x128x16xf32, #tpu.memory_space<vmem>>
    %dma_start3A_812 = tpu.memref_squeeze %dma_start3A_811 : memref<1x128x16xf32, #tpu.memory_space<vmem>> -> memref<128x16xf32, #tpu.memory_space<vmem>>
    tpu.enqueue_dma source(%dma_start3A_812 : memref<128x16xf32, #tpu.memory_space<vmem>>) target(%dma_start3A_808 : memref<128x16xf32, #tpu.memory_space<hbm>>) target_semaphore(%arg8 : memref<!tpu.dma_semaphore, #tpu.memory_space<semaphore_mem>>)
    %dma_wait3A_813 = arith.constant 20 : i32
    %dma_wait3A_814 = arith.constant 20 : i32
    %dma_wait3A_815 = arith.constant 0 : i32
    %dma_wait3A_816 = arith.constant 0 : i32
    %dma_wait3A_817 = tpu.memref_slice %arg6[%dma_wait3A_814, %dma_wait3A_815, %dma_wait3A_816] : memref<26x128x16xf32, #tpu.memory_space<vmem>> -> memref<1x128x16xf32, #tpu.memory_space<vmem>>
    %dma_wait3A_818 = tpu.memref_squeeze %dma_wait3A_817 : memref<1x128x16xf32, #tpu.memory_space<vmem>> -> memref<128x16xf32, #tpu.memory_space<vmem>>
    %dma_wait3A_819 = arith.constant 0 : i32
    %dma_wait3A_820 = tpu.memref_slice %arg5[%dma_wait3A_813, %dma_wait3A_819] : memref<26x128xi32, #tpu.memory_space<vmem>> -> memref<1x128xi32, #tpu.memory_space<vmem>>
    %dma_wait3A_821 = tpu.memref_squeeze %dma_wait3A_820 : memref<1x128xi32, #tpu.memory_space<vmem>> -> memref<128xi32, #tpu.memory_space<vmem>>
    %dma_wait3A_822 = arith.constant 0 : i32
    %dma_wait3A_823 = arith.constant 0 : i32
    %dma_wait3A_824 = tpu.memref_slice %arg2[%dma_wait3A_822, %dma_wait3A_823] : memref<2600000x16xf32, #tpu.memory_space<hbm>> -> memref<2600000x16xf32, #tpu.memory_space<hbm>>
    tpu.wait_indirect_dma semaphore(%arg7 : memref<!tpu.dma_semaphore, #tpu.memory_space<semaphore_mem>>) src(%dma_wait3A_824 : memref<2600000x16xf32, #tpu.memory_space<hbm>>) dst(%dma_wait3A_818 : memref<128x16xf32, #tpu.memory_space<vmem>>)
    %dma_start3A_825 = arith.constant 20 : i32
    %dma_start3A_826 = arith.constant 0 : i32
    %dma_start3A_827 = arith.constant 0 : i32
    %dma_start3A_828 = tpu.memref_slice %arg6[%dma_start3A_825, %dma_start3A_826, %dma_start3A_827] : memref<26x128x16xf32, #tpu.memory_space<vmem>> -> memref<1x128x16xf32, #tpu.memory_space<vmem>>
    %dma_start3A_829 = tpu.memref_squeeze %dma_start3A_828 : memref<1x128x16xf32, #tpu.memory_space<vmem>> -> memref<128x16xf32, #tpu.memory_space<vmem>>
    %dma_start3A_830 = arith.constant 320 : i32
    %dma_start3A_831 = tpu.memref_slice %arg4[%mul3A_2, %dma_start3A_830] : memref<4096x512xf32, #tpu.memory_space<hbm>> -> memref<128x16xf32, #tpu.memory_space<hbm>>
    %dma_start3A_832 = arith.constant 320 : i32
    %dma_start3A_833 = tpu.memref_slice %arg4[%mul3A_2, %dma_start3A_832] : memref<4096x512xf32, #tpu.memory_space<hbm>> -> memref<128x16xf32, #tpu.memory_space<hbm>>
    %dma_start3A_834 = arith.constant 0 : i32
    %dma_start3A_835 = arith.constant 0 : i32
    %dma_start3A_836 = tpu.memref_slice %arg6[%dma_start3A_825, %dma_start3A_834, %dma_start3A_835] : memref<26x128x16xf32, #tpu.memory_space<vmem>> -> memref<1x128x16xf32, #tpu.memory_space<vmem>>
    %dma_start3A_837 = tpu.memref_squeeze %dma_start3A_836 : memref<1x128x16xf32, #tpu.memory_space<vmem>> -> memref<128x16xf32, #tpu.memory_space<vmem>>
    tpu.enqueue_dma source(%dma_start3A_837 : memref<128x16xf32, #tpu.memory_space<vmem>>) target(%dma_start3A_833 : memref<128x16xf32, #tpu.memory_space<hbm>>) target_semaphore(%arg8 : memref<!tpu.dma_semaphore, #tpu.memory_space<semaphore_mem>>)
    %dma_wait3A_838 = arith.constant 21 : i32
    %dma_wait3A_839 = arith.constant 21 : i32
    %dma_wait3A_840 = arith.constant 0 : i32
    %dma_wait3A_841 = arith.constant 0 : i32
    %dma_wait3A_842 = tpu.memref_slice %arg6[%dma_wait3A_839, %dma_wait3A_840, %dma_wait3A_841] : memref<26x128x16xf32, #tpu.memory_space<vmem>> -> memref<1x128x16xf32, #tpu.memory_space<vmem>>
    %dma_wait3A_843 = tpu.memref_squeeze %dma_wait3A_842 : memref<1x128x16xf32, #tpu.memory_space<vmem>> -> memref<128x16xf32, #tpu.memory_space<vmem>>
    %dma_wait3A_844 = arith.constant 0 : i32
    %dma_wait3A_845 = tpu.memref_slice %arg5[%dma_wait3A_838, %dma_wait3A_844] : memref<26x128xi32, #tpu.memory_space<vmem>> -> memref<1x128xi32, #tpu.memory_space<vmem>>
    %dma_wait3A_846 = tpu.memref_squeeze %dma_wait3A_845 : memref<1x128xi32, #tpu.memory_space<vmem>> -> memref<128xi32, #tpu.memory_space<vmem>>
    %dma_wait3A_847 = arith.constant 0 : i32
    %dma_wait3A_848 = arith.constant 0 : i32
    %dma_wait3A_849 = tpu.memref_slice %arg2[%dma_wait3A_847, %dma_wait3A_848] : memref<2600000x16xf32, #tpu.memory_space<hbm>> -> memref<2600000x16xf32, #tpu.memory_space<hbm>>
    tpu.wait_indirect_dma semaphore(%arg7 : memref<!tpu.dma_semaphore, #tpu.memory_space<semaphore_mem>>) src(%dma_wait3A_849 : memref<2600000x16xf32, #tpu.memory_space<hbm>>) dst(%dma_wait3A_843 : memref<128x16xf32, #tpu.memory_space<vmem>>)
    %dma_start3A_850 = arith.constant 21 : i32
    %dma_start3A_851 = arith.constant 0 : i32
    %dma_start3A_852 = arith.constant 0 : i32
    %dma_start3A_853 = tpu.memref_slice %arg6[%dma_start3A_850, %dma_start3A_851, %dma_start3A_852] : memref<26x128x16xf32, #tpu.memory_space<vmem>> -> memref<1x128x16xf32, #tpu.memory_space<vmem>>
    %dma_start3A_854 = tpu.memref_squeeze %dma_start3A_853 : memref<1x128x16xf32, #tpu.memory_space<vmem>> -> memref<128x16xf32, #tpu.memory_space<vmem>>
    %dma_start3A_855 = arith.constant 336 : i32
    %dma_start3A_856 = tpu.memref_slice %arg4[%mul3A_2, %dma_start3A_855] : memref<4096x512xf32, #tpu.memory_space<hbm>> -> memref<128x16xf32, #tpu.memory_space<hbm>>
    %dma_start3A_857 = arith.constant 336 : i32
    %dma_start3A_858 = tpu.memref_slice %arg4[%mul3A_2, %dma_start3A_857] : memref<4096x512xf32, #tpu.memory_space<hbm>> -> memref<128x16xf32, #tpu.memory_space<hbm>>
    %dma_start3A_859 = arith.constant 0 : i32
    %dma_start3A_860 = arith.constant 0 : i32
    %dma_start3A_861 = tpu.memref_slice %arg6[%dma_start3A_850, %dma_start3A_859, %dma_start3A_860] : memref<26x128x16xf32, #tpu.memory_space<vmem>> -> memref<1x128x16xf32, #tpu.memory_space<vmem>>
    %dma_start3A_862 = tpu.memref_squeeze %dma_start3A_861 : memref<1x128x16xf32, #tpu.memory_space<vmem>> -> memref<128x16xf32, #tpu.memory_space<vmem>>
    tpu.enqueue_dma source(%dma_start3A_862 : memref<128x16xf32, #tpu.memory_space<vmem>>) target(%dma_start3A_858 : memref<128x16xf32, #tpu.memory_space<hbm>>) target_semaphore(%arg8 : memref<!tpu.dma_semaphore, #tpu.memory_space<semaphore_mem>>)
    %dma_wait3A_863 = arith.constant 22 : i32
    %dma_wait3A_864 = arith.constant 22 : i32
    %dma_wait3A_865 = arith.constant 0 : i32
    %dma_wait3A_866 = arith.constant 0 : i32
    %dma_wait3A_867 = tpu.memref_slice %arg6[%dma_wait3A_864, %dma_wait3A_865, %dma_wait3A_866] : memref<26x128x16xf32, #tpu.memory_space<vmem>> -> memref<1x128x16xf32, #tpu.memory_space<vmem>>
    %dma_wait3A_868 = tpu.memref_squeeze %dma_wait3A_867 : memref<1x128x16xf32, #tpu.memory_space<vmem>> -> memref<128x16xf32, #tpu.memory_space<vmem>>
    %dma_wait3A_869 = arith.constant 0 : i32
    %dma_wait3A_870 = tpu.memref_slice %arg5[%dma_wait3A_863, %dma_wait3A_869] : memref<26x128xi32, #tpu.memory_space<vmem>> -> memref<1x128xi32, #tpu.memory_space<vmem>>
    %dma_wait3A_871 = tpu.memref_squeeze %dma_wait3A_870 : memref<1x128xi32, #tpu.memory_space<vmem>> -> memref<128xi32, #tpu.memory_space<vmem>>
    %dma_wait3A_872 = arith.constant 0 : i32
    %dma_wait3A_873 = arith.constant 0 : i32
    %dma_wait3A_874 = tpu.memref_slice %arg2[%dma_wait3A_872, %dma_wait3A_873] : memref<2600000x16xf32, #tpu.memory_space<hbm>> -> memref<2600000x16xf32, #tpu.memory_space<hbm>>
    tpu.wait_indirect_dma semaphore(%arg7 : memref<!tpu.dma_semaphore, #tpu.memory_space<semaphore_mem>>) src(%dma_wait3A_874 : memref<2600000x16xf32, #tpu.memory_space<hbm>>) dst(%dma_wait3A_868 : memref<128x16xf32, #tpu.memory_space<vmem>>)
    %dma_start3A_875 = arith.constant 22 : i32
    %dma_start3A_876 = arith.constant 0 : i32
    %dma_start3A_877 = arith.constant 0 : i32
    %dma_start3A_878 = tpu.memref_slice %arg6[%dma_start3A_875, %dma_start3A_876, %dma_start3A_877] : memref<26x128x16xf32, #tpu.memory_space<vmem>> -> memref<1x128x16xf32, #tpu.memory_space<vmem>>
    %dma_start3A_879 = tpu.memref_squeeze %dma_start3A_878 : memref<1x128x16xf32, #tpu.memory_space<vmem>> -> memref<128x16xf32, #tpu.memory_space<vmem>>
    %dma_start3A_880 = arith.constant 352 : i32
    %dma_start3A_881 = tpu.memref_slice %arg4[%mul3A_2, %dma_start3A_880] : memref<4096x512xf32, #tpu.memory_space<hbm>> -> memref<128x16xf32, #tpu.memory_space<hbm>>
    %dma_start3A_882 = arith.constant 352 : i32
    %dma_start3A_883 = tpu.memref_slice %arg4[%mul3A_2, %dma_start3A_882] : memref<4096x512xf32, #tpu.memory_space<hbm>> -> memref<128x16xf32, #tpu.memory_space<hbm>>
    %dma_start3A_884 = arith.constant 0 : i32
    %dma_start3A_885 = arith.constant 0 : i32
    %dma_start3A_886 = tpu.memref_slice %arg6[%dma_start3A_875, %dma_start3A_884, %dma_start3A_885] : memref<26x128x16xf32, #tpu.memory_space<vmem>> -> memref<1x128x16xf32, #tpu.memory_space<vmem>>
    %dma_start3A_887 = tpu.memref_squeeze %dma_start3A_886 : memref<1x128x16xf32, #tpu.memory_space<vmem>> -> memref<128x16xf32, #tpu.memory_space<vmem>>
    tpu.enqueue_dma source(%dma_start3A_887 : memref<128x16xf32, #tpu.memory_space<vmem>>) target(%dma_start3A_883 : memref<128x16xf32, #tpu.memory_space<hbm>>) target_semaphore(%arg8 : memref<!tpu.dma_semaphore, #tpu.memory_space<semaphore_mem>>)
    %dma_wait3A_888 = arith.constant 23 : i32
    %dma_wait3A_889 = arith.constant 23 : i32
    %dma_wait3A_890 = arith.constant 0 : i32
    %dma_wait3A_891 = arith.constant 0 : i32
    %dma_wait3A_892 = tpu.memref_slice %arg6[%dma_wait3A_889, %dma_wait3A_890, %dma_wait3A_891] : memref<26x128x16xf32, #tpu.memory_space<vmem>> -> memref<1x128x16xf32, #tpu.memory_space<vmem>>
    %dma_wait3A_893 = tpu.memref_squeeze %dma_wait3A_892 : memref<1x128x16xf32, #tpu.memory_space<vmem>> -> memref<128x16xf32, #tpu.memory_space<vmem>>
    %dma_wait3A_894 = arith.constant 0 : i32
    %dma_wait3A_895 = tpu.memref_slice %arg5[%dma_wait3A_888, %dma_wait3A_894] : memref<26x128xi32, #tpu.memory_space<vmem>> -> memref<1x128xi32, #tpu.memory_space<vmem>>
    %dma_wait3A_896 = tpu.memref_squeeze %dma_wait3A_895 : memref<1x128xi32, #tpu.memory_space<vmem>> -> memref<128xi32, #tpu.memory_space<vmem>>
    %dma_wait3A_897 = arith.constant 0 : i32
    %dma_wait3A_898 = arith.constant 0 : i32
    %dma_wait3A_899 = tpu.memref_slice %arg2[%dma_wait3A_897, %dma_wait3A_898] : memref<2600000x16xf32, #tpu.memory_space<hbm>> -> memref<2600000x16xf32, #tpu.memory_space<hbm>>
    tpu.wait_indirect_dma semaphore(%arg7 : memref<!tpu.dma_semaphore, #tpu.memory_space<semaphore_mem>>) src(%dma_wait3A_899 : memref<2600000x16xf32, #tpu.memory_space<hbm>>) dst(%dma_wait3A_893 : memref<128x16xf32, #tpu.memory_space<vmem>>)
    %dma_start3A_900 = arith.constant 23 : i32
    %dma_start3A_901 = arith.constant 0 : i32
    %dma_start3A_902 = arith.constant 0 : i32
    %dma_start3A_903 = tpu.memref_slice %arg6[%dma_start3A_900, %dma_start3A_901, %dma_start3A_902] : memref<26x128x16xf32, #tpu.memory_space<vmem>> -> memref<1x128x16xf32, #tpu.memory_space<vmem>>
    %dma_start3A_904 = tpu.memref_squeeze %dma_start3A_903 : memref<1x128x16xf32, #tpu.memory_space<vmem>> -> memref<128x16xf32, #tpu.memory_space<vmem>>
    %dma_start3A_905 = arith.constant 368 : i32
    %dma_start3A_906 = tpu.memref_slice %arg4[%mul3A_2, %dma_start3A_905] : memref<4096x512xf32, #tpu.memory_space<hbm>> -> memref<128x16xf32, #tpu.memory_space<hbm>>
    %dma_start3A_907 = arith.constant 368 : i32
    %dma_start3A_908 = tpu.memref_slice %arg4[%mul3A_2, %dma_start3A_907] : memref<4096x512xf32, #tpu.memory_space<hbm>> -> memref<128x16xf32, #tpu.memory_space<hbm>>
    %dma_start3A_909 = arith.constant 0 : i32
    %dma_start3A_910 = arith.constant 0 : i32
    %dma_start3A_911 = tpu.memref_slice %arg6[%dma_start3A_900, %dma_start3A_909, %dma_start3A_910] : memref<26x128x16xf32, #tpu.memory_space<vmem>> -> memref<1x128x16xf32, #tpu.memory_space<vmem>>
    %dma_start3A_912 = tpu.memref_squeeze %dma_start3A_911 : memref<1x128x16xf32, #tpu.memory_space<vmem>> -> memref<128x16xf32, #tpu.memory_space<vmem>>
    tpu.enqueue_dma source(%dma_start3A_912 : memref<128x16xf32, #tpu.memory_space<vmem>>) target(%dma_start3A_908 : memref<128x16xf32, #tpu.memory_space<hbm>>) target_semaphore(%arg8 : memref<!tpu.dma_semaphore, #tpu.memory_space<semaphore_mem>>)
    %dma_wait3A_913 = arith.constant 24 : i32
    %dma_wait3A_914 = arith.constant 24 : i32
    %dma_wait3A_915 = arith.constant 0 : i32
    %dma_wait3A_916 = arith.constant 0 : i32
    %dma_wait3A_917 = tpu.memref_slice %arg6[%dma_wait3A_914, %dma_wait3A_915, %dma_wait3A_916] : memref<26x128x16xf32, #tpu.memory_space<vmem>> -> memref<1x128x16xf32, #tpu.memory_space<vmem>>
    %dma_wait3A_918 = tpu.memref_squeeze %dma_wait3A_917 : memref<1x128x16xf32, #tpu.memory_space<vmem>> -> memref<128x16xf32, #tpu.memory_space<vmem>>
    %dma_wait3A_919 = arith.constant 0 : i32
    %dma_wait3A_920 = tpu.memref_slice %arg5[%dma_wait3A_913, %dma_wait3A_919] : memref<26x128xi32, #tpu.memory_space<vmem>> -> memref<1x128xi32, #tpu.memory_space<vmem>>
    %dma_wait3A_921 = tpu.memref_squeeze %dma_wait3A_920 : memref<1x128xi32, #tpu.memory_space<vmem>> -> memref<128xi32, #tpu.memory_space<vmem>>
    %dma_wait3A_922 = arith.constant 0 : i32
    %dma_wait3A_923 = arith.constant 0 : i32
    %dma_wait3A_924 = tpu.memref_slice %arg2[%dma_wait3A_922, %dma_wait3A_923] : memref<2600000x16xf32, #tpu.memory_space<hbm>> -> memref<2600000x16xf32, #tpu.memory_space<hbm>>
    tpu.wait_indirect_dma semaphore(%arg7 : memref<!tpu.dma_semaphore, #tpu.memory_space<semaphore_mem>>) src(%dma_wait3A_924 : memref<2600000x16xf32, #tpu.memory_space<hbm>>) dst(%dma_wait3A_918 : memref<128x16xf32, #tpu.memory_space<vmem>>)
    %dma_start3A_925 = arith.constant 24 : i32
    %dma_start3A_926 = arith.constant 0 : i32
    %dma_start3A_927 = arith.constant 0 : i32
    %dma_start3A_928 = tpu.memref_slice %arg6[%dma_start3A_925, %dma_start3A_926, %dma_start3A_927] : memref<26x128x16xf32, #tpu.memory_space<vmem>> -> memref<1x128x16xf32, #tpu.memory_space<vmem>>
    %dma_start3A_929 = tpu.memref_squeeze %dma_start3A_928 : memref<1x128x16xf32, #tpu.memory_space<vmem>> -> memref<128x16xf32, #tpu.memory_space<vmem>>
    %dma_start3A_930 = arith.constant 384 : i32
    %dma_start3A_931 = tpu.memref_slice %arg4[%mul3A_2, %dma_start3A_930] : memref<4096x512xf32, #tpu.memory_space<hbm>> -> memref<128x16xf32, #tpu.memory_space<hbm>>
    %dma_start3A_932 = arith.constant 384 : i32
    %dma_start3A_933 = tpu.memref_slice %arg4[%mul3A_2, %dma_start3A_932] : memref<4096x512xf32, #tpu.memory_space<hbm>> -> memref<128x16xf32, #tpu.memory_space<hbm>>
    %dma_start3A_934 = arith.constant 0 : i32
    %dma_start3A_935 = arith.constant 0 : i32
    %dma_start3A_936 = tpu.memref_slice %arg6[%dma_start3A_925, %dma_start3A_934, %dma_start3A_935] : memref<26x128x16xf32, #tpu.memory_space<vmem>> -> memref<1x128x16xf32, #tpu.memory_space<vmem>>
    %dma_start3A_937 = tpu.memref_squeeze %dma_start3A_936 : memref<1x128x16xf32, #tpu.memory_space<vmem>> -> memref<128x16xf32, #tpu.memory_space<vmem>>
    tpu.enqueue_dma source(%dma_start3A_937 : memref<128x16xf32, #tpu.memory_space<vmem>>) target(%dma_start3A_933 : memref<128x16xf32, #tpu.memory_space<hbm>>) target_semaphore(%arg8 : memref<!tpu.dma_semaphore, #tpu.memory_space<semaphore_mem>>)
    %dma_wait3A_938 = arith.constant 25 : i32
    %dma_wait3A_939 = arith.constant 25 : i32
    %dma_wait3A_940 = arith.constant 0 : i32
    %dma_wait3A_941 = arith.constant 0 : i32
    %dma_wait3A_942 = tpu.memref_slice %arg6[%dma_wait3A_939, %dma_wait3A_940, %dma_wait3A_941] : memref<26x128x16xf32, #tpu.memory_space<vmem>> -> memref<1x128x16xf32, #tpu.memory_space<vmem>>
    %dma_wait3A_943 = tpu.memref_squeeze %dma_wait3A_942 : memref<1x128x16xf32, #tpu.memory_space<vmem>> -> memref<128x16xf32, #tpu.memory_space<vmem>>
    %dma_wait3A_944 = arith.constant 0 : i32
    %dma_wait3A_945 = tpu.memref_slice %arg5[%dma_wait3A_938, %dma_wait3A_944] : memref<26x128xi32, #tpu.memory_space<vmem>> -> memref<1x128xi32, #tpu.memory_space<vmem>>
    %dma_wait3A_946 = tpu.memref_squeeze %dma_wait3A_945 : memref<1x128xi32, #tpu.memory_space<vmem>> -> memref<128xi32, #tpu.memory_space<vmem>>
    %dma_wait3A_947 = arith.constant 0 : i32
    %dma_wait3A_948 = arith.constant 0 : i32
    %dma_wait3A_949 = tpu.memref_slice %arg2[%dma_wait3A_947, %dma_wait3A_948] : memref<2600000x16xf32, #tpu.memory_space<hbm>> -> memref<2600000x16xf32, #tpu.memory_space<hbm>>
    tpu.wait_indirect_dma semaphore(%arg7 : memref<!tpu.dma_semaphore, #tpu.memory_space<semaphore_mem>>) src(%dma_wait3A_949 : memref<2600000x16xf32, #tpu.memory_space<hbm>>) dst(%dma_wait3A_943 : memref<128x16xf32, #tpu.memory_space<vmem>>)
    %dma_start3A_950 = arith.constant 25 : i32
    %dma_start3A_951 = arith.constant 0 : i32
    %dma_start3A_952 = arith.constant 0 : i32
    %dma_start3A_953 = tpu.memref_slice %arg6[%dma_start3A_950, %dma_start3A_951, %dma_start3A_952] : memref<26x128x16xf32, #tpu.memory_space<vmem>> -> memref<1x128x16xf32, #tpu.memory_space<vmem>>
    %dma_start3A_954 = tpu.memref_squeeze %dma_start3A_953 : memref<1x128x16xf32, #tpu.memory_space<vmem>> -> memref<128x16xf32, #tpu.memory_space<vmem>>
    %dma_start3A_955 = arith.constant 400 : i32
    %dma_start3A_956 = tpu.memref_slice %arg4[%mul3A_2, %dma_start3A_955] : memref<4096x512xf32, #tpu.memory_space<hbm>> -> memref<128x16xf32, #tpu.memory_space<hbm>>
    %dma_start3A_957 = arith.constant 400 : i32
    %dma_start3A_958 = tpu.memref_slice %arg4[%mul3A_2, %dma_start3A_957] : memref<4096x512xf32, #tpu.memory_space<hbm>> -> memref<128x16xf32, #tpu.memory_space<hbm>>
    %dma_start3A_959 = arith.constant 0 : i32
    %dma_start3A_960 = arith.constant 0 : i32
    %dma_start3A_961 = tpu.memref_slice %arg6[%dma_start3A_950, %dma_start3A_959, %dma_start3A_960] : memref<26x128x16xf32, #tpu.memory_space<vmem>> -> memref<1x128x16xf32, #tpu.memory_space<vmem>>
    %dma_start3A_962 = tpu.memref_squeeze %dma_start3A_961 : memref<1x128x16xf32, #tpu.memory_space<vmem>> -> memref<128x16xf32, #tpu.memory_space<vmem>>
    tpu.enqueue_dma source(%dma_start3A_962 : memref<128x16xf32, #tpu.memory_space<vmem>>) target(%dma_start3A_958 : memref<128x16xf32, #tpu.memory_space<hbm>>) target_semaphore(%arg8 : memref<!tpu.dma_semaphore, #tpu.memory_space<semaphore_mem>>)
    %dma_wait3A_963 = arith.constant 0 : i32
    %dma_wait3A_964 = arith.constant 0 : i32
    %dma_wait3A_965 = arith.constant 0 : i32
    %dma_wait3A_966 = tpu.memref_slice %arg6[%dma_wait3A_963, %dma_wait3A_964, %dma_wait3A_965] : memref<26x128x16xf32, #tpu.memory_space<vmem>> -> memref<1x128x16xf32, #tpu.memory_space<vmem>>
    %dma_wait3A_967 = tpu.memref_squeeze %dma_wait3A_966 : memref<1x128x16xf32, #tpu.memory_space<vmem>> -> memref<128x16xf32, #tpu.memory_space<vmem>>
    %dma_wait3A_968 = arith.constant 0 : i32
    %dma_wait3A_969 = tpu.memref_slice %arg4[%mul3A_2, %dma_wait3A_968] : memref<4096x512xf32, #tpu.memory_space<hbm>> -> memref<128x16xf32, #tpu.memory_space<hbm>>
    %dma_wait3A_970 = arith.constant 0 : i32
    %dma_wait3A_971 = tpu.memref_slice %arg4[%mul3A_2, %dma_wait3A_970] : memref<4096x512xf32, #tpu.memory_space<hbm>> -> memref<128x16xf32, #tpu.memory_space<hbm>>
    %dma_wait3A_972 = arith.constant 0 : i32
    %dma_wait3A_973 = arith.constant 0 : i32
    %dma_wait3A_974 = tpu.memref_slice %arg6[%dma_wait3A_963, %dma_wait3A_972, %dma_wait3A_973] : memref<26x128x16xf32, #tpu.memory_space<vmem>> -> memref<1x128x16xf32, #tpu.memory_space<vmem>>
    %dma_wait3A_975 = tpu.memref_squeeze %dma_wait3A_974 : memref<1x128x16xf32, #tpu.memory_space<vmem>> -> memref<128x16xf32, #tpu.memory_space<vmem>>
    tpu.wait_dma2 semaphore(%arg8 : memref<!tpu.dma_semaphore, #tpu.memory_space<semaphore_mem>>) src(%dma_wait3A_975 : memref<128x16xf32, #tpu.memory_space<vmem>>) dst(%dma_wait3A_971 : memref<128x16xf32, #tpu.memory_space<hbm>>)
    %dma_wait3A_976 = arith.constant 1 : i32
    %dma_wait3A_977 = arith.constant 0 : i32
    %dma_wait3A_978 = arith.constant 0 : i32
    %dma_wait3A_979 = tpu.memref_slice %arg6[%dma_wait3A_976, %dma_wait3A_977, %dma_wait3A_978] : memref<26x128x16xf32, #tpu.memory_space<vmem>> -> memref<1x128x16xf32, #tpu.memory_space<vmem>>
    %dma_wait3A_980 = tpu.memref_squeeze %dma_wait3A_979 : memref<1x128x16xf32, #tpu.memory_space<vmem>> -> memref<128x16xf32, #tpu.memory_space<vmem>>
    %dma_wait3A_981 = arith.constant 16 : i32
    %dma_wait3A_982 = tpu.memref_slice %arg4[%mul3A_2, %dma_wait3A_981] : memref<4096x512xf32, #tpu.memory_space<hbm>> -> memref<128x16xf32, #tpu.memory_space<hbm>>
    %dma_wait3A_983 = arith.constant 16 : i32
    %dma_wait3A_984 = tpu.memref_slice %arg4[%mul3A_2, %dma_wait3A_983] : memref<4096x512xf32, #tpu.memory_space<hbm>> -> memref<128x16xf32, #tpu.memory_space<hbm>>
    %dma_wait3A_985 = arith.constant 0 : i32
    %dma_wait3A_986 = arith.constant 0 : i32
    %dma_wait3A_987 = tpu.memref_slice %arg6[%dma_wait3A_976, %dma_wait3A_985, %dma_wait3A_986] : memref<26x128x16xf32, #tpu.memory_space<vmem>> -> memref<1x128x16xf32, #tpu.memory_space<vmem>>
    %dma_wait3A_988 = tpu.memref_squeeze %dma_wait3A_987 : memref<1x128x16xf32, #tpu.memory_space<vmem>> -> memref<128x16xf32, #tpu.memory_space<vmem>>
    tpu.wait_dma2 semaphore(%arg8 : memref<!tpu.dma_semaphore, #tpu.memory_space<semaphore_mem>>) src(%dma_wait3A_988 : memref<128x16xf32, #tpu.memory_space<vmem>>) dst(%dma_wait3A_984 : memref<128x16xf32, #tpu.memory_space<hbm>>)
    %dma_wait3A_989 = arith.constant 2 : i32
    %dma_wait3A_990 = arith.constant 0 : i32
    %dma_wait3A_991 = arith.constant 0 : i32
    %dma_wait3A_992 = tpu.memref_slice %arg6[%dma_wait3A_989, %dma_wait3A_990, %dma_wait3A_991] : memref<26x128x16xf32, #tpu.memory_space<vmem>> -> memref<1x128x16xf32, #tpu.memory_space<vmem>>
    %dma_wait3A_993 = tpu.memref_squeeze %dma_wait3A_992 : memref<1x128x16xf32, #tpu.memory_space<vmem>> -> memref<128x16xf32, #tpu.memory_space<vmem>>
    %dma_wait3A_994 = arith.constant 32 : i32
    %dma_wait3A_995 = tpu.memref_slice %arg4[%mul3A_2, %dma_wait3A_994] : memref<4096x512xf32, #tpu.memory_space<hbm>> -> memref<128x16xf32, #tpu.memory_space<hbm>>
    %dma_wait3A_996 = arith.constant 32 : i32
    %dma_wait3A_997 = tpu.memref_slice %arg4[%mul3A_2, %dma_wait3A_996] : memref<4096x512xf32, #tpu.memory_space<hbm>> -> memref<128x16xf32, #tpu.memory_space<hbm>>
    %dma_wait3A_998 = arith.constant 0 : i32
    %dma_wait3A_999 = arith.constant 0 : i32
    %dma_wait3A_1000 = tpu.memref_slice %arg6[%dma_wait3A_989, %dma_wait3A_998, %dma_wait3A_999] : memref<26x128x16xf32, #tpu.memory_space<vmem>> -> memref<1x128x16xf32, #tpu.memory_space<vmem>>
    %dma_wait3A_1001 = tpu.memref_squeeze %dma_wait3A_1000 : memref<1x128x16xf32, #tpu.memory_space<vmem>> -> memref<128x16xf32, #tpu.memory_space<vmem>>
    tpu.wait_dma2 semaphore(%arg8 : memref<!tpu.dma_semaphore, #tpu.memory_space<semaphore_mem>>) src(%dma_wait3A_1001 : memref<128x16xf32, #tpu.memory_space<vmem>>) dst(%dma_wait3A_997 : memref<128x16xf32, #tpu.memory_space<hbm>>)
    %dma_wait3A_1002 = arith.constant 3 : i32
    %dma_wait3A_1003 = arith.constant 0 : i32
    %dma_wait3A_1004 = arith.constant 0 : i32
    %dma_wait3A_1005 = tpu.memref_slice %arg6[%dma_wait3A_1002, %dma_wait3A_1003, %dma_wait3A_1004] : memref<26x128x16xf32, #tpu.memory_space<vmem>> -> memref<1x128x16xf32, #tpu.memory_space<vmem>>
    %dma_wait3A_1006 = tpu.memref_squeeze %dma_wait3A_1005 : memref<1x128x16xf32, #tpu.memory_space<vmem>> -> memref<128x16xf32, #tpu.memory_space<vmem>>
    %dma_wait3A_1007 = arith.constant 48 : i32
    %dma_wait3A_1008 = tpu.memref_slice %arg4[%mul3A_2, %dma_wait3A_1007] : memref<4096x512xf32, #tpu.memory_space<hbm>> -> memref<128x16xf32, #tpu.memory_space<hbm>>
    %dma_wait3A_1009 = arith.constant 48 : i32
    %dma_wait3A_1010 = tpu.memref_slice %arg4[%mul3A_2, %dma_wait3A_1009] : memref<4096x512xf32, #tpu.memory_space<hbm>> -> memref<128x16xf32, #tpu.memory_space<hbm>>
    %dma_wait3A_1011 = arith.constant 0 : i32
    %dma_wait3A_1012 = arith.constant 0 : i32
    %dma_wait3A_1013 = tpu.memref_slice %arg6[%dma_wait3A_1002, %dma_wait3A_1011, %dma_wait3A_1012] : memref<26x128x16xf32, #tpu.memory_space<vmem>> -> memref<1x128x16xf32, #tpu.memory_space<vmem>>
    %dma_wait3A_1014 = tpu.memref_squeeze %dma_wait3A_1013 : memref<1x128x16xf32, #tpu.memory_space<vmem>> -> memref<128x16xf32, #tpu.memory_space<vmem>>
    tpu.wait_dma2 semaphore(%arg8 : memref<!tpu.dma_semaphore, #tpu.memory_space<semaphore_mem>>) src(%dma_wait3A_1014 : memref<128x16xf32, #tpu.memory_space<vmem>>) dst(%dma_wait3A_1010 : memref<128x16xf32, #tpu.memory_space<hbm>>)
    %dma_wait3A_1015 = arith.constant 4 : i32
    %dma_wait3A_1016 = arith.constant 0 : i32
    %dma_wait3A_1017 = arith.constant 0 : i32
    %dma_wait3A_1018 = tpu.memref_slice %arg6[%dma_wait3A_1015, %dma_wait3A_1016, %dma_wait3A_1017] : memref<26x128x16xf32, #tpu.memory_space<vmem>> -> memref<1x128x16xf32, #tpu.memory_space<vmem>>
    %dma_wait3A_1019 = tpu.memref_squeeze %dma_wait3A_1018 : memref<1x128x16xf32, #tpu.memory_space<vmem>> -> memref<128x16xf32, #tpu.memory_space<vmem>>
    %dma_wait3A_1020 = arith.constant 64 : i32
    %dma_wait3A_1021 = tpu.memref_slice %arg4[%mul3A_2, %dma_wait3A_1020] : memref<4096x512xf32, #tpu.memory_space<hbm>> -> memref<128x16xf32, #tpu.memory_space<hbm>>
    %dma_wait3A_1022 = arith.constant 64 : i32
    %dma_wait3A_1023 = tpu.memref_slice %arg4[%mul3A_2, %dma_wait3A_1022] : memref<4096x512xf32, #tpu.memory_space<hbm>> -> memref<128x16xf32, #tpu.memory_space<hbm>>
    %dma_wait3A_1024 = arith.constant 0 : i32
    %dma_wait3A_1025 = arith.constant 0 : i32
    %dma_wait3A_1026 = tpu.memref_slice %arg6[%dma_wait3A_1015, %dma_wait3A_1024, %dma_wait3A_1025] : memref<26x128x16xf32, #tpu.memory_space<vmem>> -> memref<1x128x16xf32, #tpu.memory_space<vmem>>
    %dma_wait3A_1027 = tpu.memref_squeeze %dma_wait3A_1026 : memref<1x128x16xf32, #tpu.memory_space<vmem>> -> memref<128x16xf32, #tpu.memory_space<vmem>>
    tpu.wait_dma2 semaphore(%arg8 : memref<!tpu.dma_semaphore, #tpu.memory_space<semaphore_mem>>) src(%dma_wait3A_1027 : memref<128x16xf32, #tpu.memory_space<vmem>>) dst(%dma_wait3A_1023 : memref<128x16xf32, #tpu.memory_space<hbm>>)
    %dma_wait3A_1028 = arith.constant 5 : i32
    %dma_wait3A_1029 = arith.constant 0 : i32
    %dma_wait3A_1030 = arith.constant 0 : i32
    %dma_wait3A_1031 = tpu.memref_slice %arg6[%dma_wait3A_1028, %dma_wait3A_1029, %dma_wait3A_1030] : memref<26x128x16xf32, #tpu.memory_space<vmem>> -> memref<1x128x16xf32, #tpu.memory_space<vmem>>
    %dma_wait3A_1032 = tpu.memref_squeeze %dma_wait3A_1031 : memref<1x128x16xf32, #tpu.memory_space<vmem>> -> memref<128x16xf32, #tpu.memory_space<vmem>>
    %dma_wait3A_1033 = arith.constant 80 : i32
    %dma_wait3A_1034 = tpu.memref_slice %arg4[%mul3A_2, %dma_wait3A_1033] : memref<4096x512xf32, #tpu.memory_space<hbm>> -> memref<128x16xf32, #tpu.memory_space<hbm>>
    %dma_wait3A_1035 = arith.constant 80 : i32
    %dma_wait3A_1036 = tpu.memref_slice %arg4[%mul3A_2, %dma_wait3A_1035] : memref<4096x512xf32, #tpu.memory_space<hbm>> -> memref<128x16xf32, #tpu.memory_space<hbm>>
    %dma_wait3A_1037 = arith.constant 0 : i32
    %dma_wait3A_1038 = arith.constant 0 : i32
    %dma_wait3A_1039 = tpu.memref_slice %arg6[%dma_wait3A_1028, %dma_wait3A_1037, %dma_wait3A_1038] : memref<26x128x16xf32, #tpu.memory_space<vmem>> -> memref<1x128x16xf32, #tpu.memory_space<vmem>>
    %dma_wait3A_1040 = tpu.memref_squeeze %dma_wait3A_1039 : memref<1x128x16xf32, #tpu.memory_space<vmem>> -> memref<128x16xf32, #tpu.memory_space<vmem>>
    tpu.wait_dma2 semaphore(%arg8 : memref<!tpu.dma_semaphore, #tpu.memory_space<semaphore_mem>>) src(%dma_wait3A_1040 : memref<128x16xf32, #tpu.memory_space<vmem>>) dst(%dma_wait3A_1036 : memref<128x16xf32, #tpu.memory_space<hbm>>)
    %dma_wait3A_1041 = arith.constant 6 : i32
    %dma_wait3A_1042 = arith.constant 0 : i32
    %dma_wait3A_1043 = arith.constant 0 : i32
    %dma_wait3A_1044 = tpu.memref_slice %arg6[%dma_wait3A_1041, %dma_wait3A_1042, %dma_wait3A_1043] : memref<26x128x16xf32, #tpu.memory_space<vmem>> -> memref<1x128x16xf32, #tpu.memory_space<vmem>>
    %dma_wait3A_1045 = tpu.memref_squeeze %dma_wait3A_1044 : memref<1x128x16xf32, #tpu.memory_space<vmem>> -> memref<128x16xf32, #tpu.memory_space<vmem>>
    %dma_wait3A_1046 = arith.constant 96 : i32
    %dma_wait3A_1047 = tpu.memref_slice %arg4[%mul3A_2, %dma_wait3A_1046] : memref<4096x512xf32, #tpu.memory_space<hbm>> -> memref<128x16xf32, #tpu.memory_space<hbm>>
    %dma_wait3A_1048 = arith.constant 96 : i32
    %dma_wait3A_1049 = tpu.memref_slice %arg4[%mul3A_2, %dma_wait3A_1048] : memref<4096x512xf32, #tpu.memory_space<hbm>> -> memref<128x16xf32, #tpu.memory_space<hbm>>
    %dma_wait3A_1050 = arith.constant 0 : i32
    %dma_wait3A_1051 = arith.constant 0 : i32
    %dma_wait3A_1052 = tpu.memref_slice %arg6[%dma_wait3A_1041, %dma_wait3A_1050, %dma_wait3A_1051] : memref<26x128x16xf32, #tpu.memory_space<vmem>> -> memref<1x128x16xf32, #tpu.memory_space<vmem>>
    %dma_wait3A_1053 = tpu.memref_squeeze %dma_wait3A_1052 : memref<1x128x16xf32, #tpu.memory_space<vmem>> -> memref<128x16xf32, #tpu.memory_space<vmem>>
    tpu.wait_dma2 semaphore(%arg8 : memref<!tpu.dma_semaphore, #tpu.memory_space<semaphore_mem>>) src(%dma_wait3A_1053 : memref<128x16xf32, #tpu.memory_space<vmem>>) dst(%dma_wait3A_1049 : memref<128x16xf32, #tpu.memory_space<hbm>>)
    %dma_wait3A_1054 = arith.constant 7 : i32
    %dma_wait3A_1055 = arith.constant 0 : i32
    %dma_wait3A_1056 = arith.constant 0 : i32
    %dma_wait3A_1057 = tpu.memref_slice %arg6[%dma_wait3A_1054, %dma_wait3A_1055, %dma_wait3A_1056] : memref<26x128x16xf32, #tpu.memory_space<vmem>> -> memref<1x128x16xf32, #tpu.memory_space<vmem>>
    %dma_wait3A_1058 = tpu.memref_squeeze %dma_wait3A_1057 : memref<1x128x16xf32, #tpu.memory_space<vmem>> -> memref<128x16xf32, #tpu.memory_space<vmem>>
    %dma_wait3A_1059 = arith.constant 112 : i32
    %dma_wait3A_1060 = tpu.memref_slice %arg4[%mul3A_2, %dma_wait3A_1059] : memref<4096x512xf32, #tpu.memory_space<hbm>> -> memref<128x16xf32, #tpu.memory_space<hbm>>
    %dma_wait3A_1061 = arith.constant 112 : i32
    %dma_wait3A_1062 = tpu.memref_slice %arg4[%mul3A_2, %dma_wait3A_1061] : memref<4096x512xf32, #tpu.memory_space<hbm>> -> memref<128x16xf32, #tpu.memory_space<hbm>>
    %dma_wait3A_1063 = arith.constant 0 : i32
    %dma_wait3A_1064 = arith.constant 0 : i32
    %dma_wait3A_1065 = tpu.memref_slice %arg6[%dma_wait3A_1054, %dma_wait3A_1063, %dma_wait3A_1064] : memref<26x128x16xf32, #tpu.memory_space<vmem>> -> memref<1x128x16xf32, #tpu.memory_space<vmem>>
    %dma_wait3A_1066 = tpu.memref_squeeze %dma_wait3A_1065 : memref<1x128x16xf32, #tpu.memory_space<vmem>> -> memref<128x16xf32, #tpu.memory_space<vmem>>
    tpu.wait_dma2 semaphore(%arg8 : memref<!tpu.dma_semaphore, #tpu.memory_space<semaphore_mem>>) src(%dma_wait3A_1066 : memref<128x16xf32, #tpu.memory_space<vmem>>) dst(%dma_wait3A_1062 : memref<128x16xf32, #tpu.memory_space<hbm>>)
    %dma_wait3A_1067 = arith.constant 8 : i32
    %dma_wait3A_1068 = arith.constant 0 : i32
    %dma_wait3A_1069 = arith.constant 0 : i32
    %dma_wait3A_1070 = tpu.memref_slice %arg6[%dma_wait3A_1067, %dma_wait3A_1068, %dma_wait3A_1069] : memref<26x128x16xf32, #tpu.memory_space<vmem>> -> memref<1x128x16xf32, #tpu.memory_space<vmem>>
    %dma_wait3A_1071 = tpu.memref_squeeze %dma_wait3A_1070 : memref<1x128x16xf32, #tpu.memory_space<vmem>> -> memref<128x16xf32, #tpu.memory_space<vmem>>
    %dma_wait3A_1072 = arith.constant 128 : i32
    %dma_wait3A_1073 = tpu.memref_slice %arg4[%mul3A_2, %dma_wait3A_1072] : memref<4096x512xf32, #tpu.memory_space<hbm>> -> memref<128x16xf32, #tpu.memory_space<hbm>>
    %dma_wait3A_1074 = arith.constant 128 : i32
    %dma_wait3A_1075 = tpu.memref_slice %arg4[%mul3A_2, %dma_wait3A_1074] : memref<4096x512xf32, #tpu.memory_space<hbm>> -> memref<128x16xf32, #tpu.memory_space<hbm>>
    %dma_wait3A_1076 = arith.constant 0 : i32
    %dma_wait3A_1077 = arith.constant 0 : i32
    %dma_wait3A_1078 = tpu.memref_slice %arg6[%dma_wait3A_1067, %dma_wait3A_1076, %dma_wait3A_1077] : memref<26x128x16xf32, #tpu.memory_space<vmem>> -> memref<1x128x16xf32, #tpu.memory_space<vmem>>
    %dma_wait3A_1079 = tpu.memref_squeeze %dma_wait3A_1078 : memref<1x128x16xf32, #tpu.memory_space<vmem>> -> memref<128x16xf32, #tpu.memory_space<vmem>>
    tpu.wait_dma2 semaphore(%arg8 : memref<!tpu.dma_semaphore, #tpu.memory_space<semaphore_mem>>) src(%dma_wait3A_1079 : memref<128x16xf32, #tpu.memory_space<vmem>>) dst(%dma_wait3A_1075 : memref<128x16xf32, #tpu.memory_space<hbm>>)
    %dma_wait3A_1080 = arith.constant 9 : i32
    %dma_wait3A_1081 = arith.constant 0 : i32
    %dma_wait3A_1082 = arith.constant 0 : i32
    %dma_wait3A_1083 = tpu.memref_slice %arg6[%dma_wait3A_1080, %dma_wait3A_1081, %dma_wait3A_1082] : memref<26x128x16xf32, #tpu.memory_space<vmem>> -> memref<1x128x16xf32, #tpu.memory_space<vmem>>
    %dma_wait3A_1084 = tpu.memref_squeeze %dma_wait3A_1083 : memref<1x128x16xf32, #tpu.memory_space<vmem>> -> memref<128x16xf32, #tpu.memory_space<vmem>>
    %dma_wait3A_1085 = arith.constant 144 : i32
    %dma_wait3A_1086 = tpu.memref_slice %arg4[%mul3A_2, %dma_wait3A_1085] : memref<4096x512xf32, #tpu.memory_space<hbm>> -> memref<128x16xf32, #tpu.memory_space<hbm>>
    %dma_wait3A_1087 = arith.constant 144 : i32
    %dma_wait3A_1088 = tpu.memref_slice %arg4[%mul3A_2, %dma_wait3A_1087] : memref<4096x512xf32, #tpu.memory_space<hbm>> -> memref<128x16xf32, #tpu.memory_space<hbm>>
    %dma_wait3A_1089 = arith.constant 0 : i32
    %dma_wait3A_1090 = arith.constant 0 : i32
    %dma_wait3A_1091 = tpu.memref_slice %arg6[%dma_wait3A_1080, %dma_wait3A_1089, %dma_wait3A_1090] : memref<26x128x16xf32, #tpu.memory_space<vmem>> -> memref<1x128x16xf32, #tpu.memory_space<vmem>>
    %dma_wait3A_1092 = tpu.memref_squeeze %dma_wait3A_1091 : memref<1x128x16xf32, #tpu.memory_space<vmem>> -> memref<128x16xf32, #tpu.memory_space<vmem>>
    tpu.wait_dma2 semaphore(%arg8 : memref<!tpu.dma_semaphore, #tpu.memory_space<semaphore_mem>>) src(%dma_wait3A_1092 : memref<128x16xf32, #tpu.memory_space<vmem>>) dst(%dma_wait3A_1088 : memref<128x16xf32, #tpu.memory_space<hbm>>)
    %dma_wait3A_1093 = arith.constant 10 : i32
    %dma_wait3A_1094 = arith.constant 0 : i32
    %dma_wait3A_1095 = arith.constant 0 : i32
    %dma_wait3A_1096 = tpu.memref_slice %arg6[%dma_wait3A_1093, %dma_wait3A_1094, %dma_wait3A_1095] : memref<26x128x16xf32, #tpu.memory_space<vmem>> -> memref<1x128x16xf32, #tpu.memory_space<vmem>>
    %dma_wait3A_1097 = tpu.memref_squeeze %dma_wait3A_1096 : memref<1x128x16xf32, #tpu.memory_space<vmem>> -> memref<128x16xf32, #tpu.memory_space<vmem>>
    %dma_wait3A_1098 = arith.constant 160 : i32
    %dma_wait3A_1099 = tpu.memref_slice %arg4[%mul3A_2, %dma_wait3A_1098] : memref<4096x512xf32, #tpu.memory_space<hbm>> -> memref<128x16xf32, #tpu.memory_space<hbm>>
    %dma_wait3A_1100 = arith.constant 160 : i32
    %dma_wait3A_1101 = tpu.memref_slice %arg4[%mul3A_2, %dma_wait3A_1100] : memref<4096x512xf32, #tpu.memory_space<hbm>> -> memref<128x16xf32, #tpu.memory_space<hbm>>
    %dma_wait3A_1102 = arith.constant 0 : i32
    %dma_wait3A_1103 = arith.constant 0 : i32
    %dma_wait3A_1104 = tpu.memref_slice %arg6[%dma_wait3A_1093, %dma_wait3A_1102, %dma_wait3A_1103] : memref<26x128x16xf32, #tpu.memory_space<vmem>> -> memref<1x128x16xf32, #tpu.memory_space<vmem>>
    %dma_wait3A_1105 = tpu.memref_squeeze %dma_wait3A_1104 : memref<1x128x16xf32, #tpu.memory_space<vmem>> -> memref<128x16xf32, #tpu.memory_space<vmem>>
    tpu.wait_dma2 semaphore(%arg8 : memref<!tpu.dma_semaphore, #tpu.memory_space<semaphore_mem>>) src(%dma_wait3A_1105 : memref<128x16xf32, #tpu.memory_space<vmem>>) dst(%dma_wait3A_1101 : memref<128x16xf32, #tpu.memory_space<hbm>>)
    %dma_wait3A_1106 = arith.constant 11 : i32
    %dma_wait3A_1107 = arith.constant 0 : i32
    %dma_wait3A_1108 = arith.constant 0 : i32
    %dma_wait3A_1109 = tpu.memref_slice %arg6[%dma_wait3A_1106, %dma_wait3A_1107, %dma_wait3A_1108] : memref<26x128x16xf32, #tpu.memory_space<vmem>> -> memref<1x128x16xf32, #tpu.memory_space<vmem>>
    %dma_wait3A_1110 = tpu.memref_squeeze %dma_wait3A_1109 : memref<1x128x16xf32, #tpu.memory_space<vmem>> -> memref<128x16xf32, #tpu.memory_space<vmem>>
    %dma_wait3A_1111 = arith.constant 176 : i32
    %dma_wait3A_1112 = tpu.memref_slice %arg4[%mul3A_2, %dma_wait3A_1111] : memref<4096x512xf32, #tpu.memory_space<hbm>> -> memref<128x16xf32, #tpu.memory_space<hbm>>
    %dma_wait3A_1113 = arith.constant 176 : i32
    %dma_wait3A_1114 = tpu.memref_slice %arg4[%mul3A_2, %dma_wait3A_1113] : memref<4096x512xf32, #tpu.memory_space<hbm>> -> memref<128x16xf32, #tpu.memory_space<hbm>>
    %dma_wait3A_1115 = arith.constant 0 : i32
    %dma_wait3A_1116 = arith.constant 0 : i32
    %dma_wait3A_1117 = tpu.memref_slice %arg6[%dma_wait3A_1106, %dma_wait3A_1115, %dma_wait3A_1116] : memref<26x128x16xf32, #tpu.memory_space<vmem>> -> memref<1x128x16xf32, #tpu.memory_space<vmem>>
    %dma_wait3A_1118 = tpu.memref_squeeze %dma_wait3A_1117 : memref<1x128x16xf32, #tpu.memory_space<vmem>> -> memref<128x16xf32, #tpu.memory_space<vmem>>
    tpu.wait_dma2 semaphore(%arg8 : memref<!tpu.dma_semaphore, #tpu.memory_space<semaphore_mem>>) src(%dma_wait3A_1118 : memref<128x16xf32, #tpu.memory_space<vmem>>) dst(%dma_wait3A_1114 : memref<128x16xf32, #tpu.memory_space<hbm>>)
    %dma_wait3A_1119 = arith.constant 12 : i32
    %dma_wait3A_1120 = arith.constant 0 : i32
    %dma_wait3A_1121 = arith.constant 0 : i32
    %dma_wait3A_1122 = tpu.memref_slice %arg6[%dma_wait3A_1119, %dma_wait3A_1120, %dma_wait3A_1121] : memref<26x128x16xf32, #tpu.memory_space<vmem>> -> memref<1x128x16xf32, #tpu.memory_space<vmem>>
    %dma_wait3A_1123 = tpu.memref_squeeze %dma_wait3A_1122 : memref<1x128x16xf32, #tpu.memory_space<vmem>> -> memref<128x16xf32, #tpu.memory_space<vmem>>
    %dma_wait3A_1124 = arith.constant 192 : i32
    %dma_wait3A_1125 = tpu.memref_slice %arg4[%mul3A_2, %dma_wait3A_1124] : memref<4096x512xf32, #tpu.memory_space<hbm>> -> memref<128x16xf32, #tpu.memory_space<hbm>>
    %dma_wait3A_1126 = arith.constant 192 : i32
    %dma_wait3A_1127 = tpu.memref_slice %arg4[%mul3A_2, %dma_wait3A_1126] : memref<4096x512xf32, #tpu.memory_space<hbm>> -> memref<128x16xf32, #tpu.memory_space<hbm>>
    %dma_wait3A_1128 = arith.constant 0 : i32
    %dma_wait3A_1129 = arith.constant 0 : i32
    %dma_wait3A_1130 = tpu.memref_slice %arg6[%dma_wait3A_1119, %dma_wait3A_1128, %dma_wait3A_1129] : memref<26x128x16xf32, #tpu.memory_space<vmem>> -> memref<1x128x16xf32, #tpu.memory_space<vmem>>
    %dma_wait3A_1131 = tpu.memref_squeeze %dma_wait3A_1130 : memref<1x128x16xf32, #tpu.memory_space<vmem>> -> memref<128x16xf32, #tpu.memory_space<vmem>>
    tpu.wait_dma2 semaphore(%arg8 : memref<!tpu.dma_semaphore, #tpu.memory_space<semaphore_mem>>) src(%dma_wait3A_1131 : memref<128x16xf32, #tpu.memory_space<vmem>>) dst(%dma_wait3A_1127 : memref<128x16xf32, #tpu.memory_space<hbm>>)
    %dma_wait3A_1132 = arith.constant 13 : i32
    %dma_wait3A_1133 = arith.constant 0 : i32
    %dma_wait3A_1134 = arith.constant 0 : i32
    %dma_wait3A_1135 = tpu.memref_slice %arg6[%dma_wait3A_1132, %dma_wait3A_1133, %dma_wait3A_1134] : memref<26x128x16xf32, #tpu.memory_space<vmem>> -> memref<1x128x16xf32, #tpu.memory_space<vmem>>
    %dma_wait3A_1136 = tpu.memref_squeeze %dma_wait3A_1135 : memref<1x128x16xf32, #tpu.memory_space<vmem>> -> memref<128x16xf32, #tpu.memory_space<vmem>>
    %dma_wait3A_1137 = arith.constant 208 : i32
    %dma_wait3A_1138 = tpu.memref_slice %arg4[%mul3A_2, %dma_wait3A_1137] : memref<4096x512xf32, #tpu.memory_space<hbm>> -> memref<128x16xf32, #tpu.memory_space<hbm>>
    %dma_wait3A_1139 = arith.constant 208 : i32
    %dma_wait3A_1140 = tpu.memref_slice %arg4[%mul3A_2, %dma_wait3A_1139] : memref<4096x512xf32, #tpu.memory_space<hbm>> -> memref<128x16xf32, #tpu.memory_space<hbm>>
    %dma_wait3A_1141 = arith.constant 0 : i32
    %dma_wait3A_1142 = arith.constant 0 : i32
    %dma_wait3A_1143 = tpu.memref_slice %arg6[%dma_wait3A_1132, %dma_wait3A_1141, %dma_wait3A_1142] : memref<26x128x16xf32, #tpu.memory_space<vmem>> -> memref<1x128x16xf32, #tpu.memory_space<vmem>>
    %dma_wait3A_1144 = tpu.memref_squeeze %dma_wait3A_1143 : memref<1x128x16xf32, #tpu.memory_space<vmem>> -> memref<128x16xf32, #tpu.memory_space<vmem>>
    tpu.wait_dma2 semaphore(%arg8 : memref<!tpu.dma_semaphore, #tpu.memory_space<semaphore_mem>>) src(%dma_wait3A_1144 : memref<128x16xf32, #tpu.memory_space<vmem>>) dst(%dma_wait3A_1140 : memref<128x16xf32, #tpu.memory_space<hbm>>)
    %dma_wait3A_1145 = arith.constant 14 : i32
    %dma_wait3A_1146 = arith.constant 0 : i32
    %dma_wait3A_1147 = arith.constant 0 : i32
    %dma_wait3A_1148 = tpu.memref_slice %arg6[%dma_wait3A_1145, %dma_wait3A_1146, %dma_wait3A_1147] : memref<26x128x16xf32, #tpu.memory_space<vmem>> -> memref<1x128x16xf32, #tpu.memory_space<vmem>>
    %dma_wait3A_1149 = tpu.memref_squeeze %dma_wait3A_1148 : memref<1x128x16xf32, #tpu.memory_space<vmem>> -> memref<128x16xf32, #tpu.memory_space<vmem>>
    %dma_wait3A_1150 = arith.constant 224 : i32
    %dma_wait3A_1151 = tpu.memref_slice %arg4[%mul3A_2, %dma_wait3A_1150] : memref<4096x512xf32, #tpu.memory_space<hbm>> -> memref<128x16xf32, #tpu.memory_space<hbm>>
    %dma_wait3A_1152 = arith.constant 224 : i32
    %dma_wait3A_1153 = tpu.memref_slice %arg4[%mul3A_2, %dma_wait3A_1152] : memref<4096x512xf32, #tpu.memory_space<hbm>> -> memref<128x16xf32, #tpu.memory_space<hbm>>
    %dma_wait3A_1154 = arith.constant 0 : i32
    %dma_wait3A_1155 = arith.constant 0 : i32
    %dma_wait3A_1156 = tpu.memref_slice %arg6[%dma_wait3A_1145, %dma_wait3A_1154, %dma_wait3A_1155] : memref<26x128x16xf32, #tpu.memory_space<vmem>> -> memref<1x128x16xf32, #tpu.memory_space<vmem>>
    %dma_wait3A_1157 = tpu.memref_squeeze %dma_wait3A_1156 : memref<1x128x16xf32, #tpu.memory_space<vmem>> -> memref<128x16xf32, #tpu.memory_space<vmem>>
    tpu.wait_dma2 semaphore(%arg8 : memref<!tpu.dma_semaphore, #tpu.memory_space<semaphore_mem>>) src(%dma_wait3A_1157 : memref<128x16xf32, #tpu.memory_space<vmem>>) dst(%dma_wait3A_1153 : memref<128x16xf32, #tpu.memory_space<hbm>>)
    %dma_wait3A_1158 = arith.constant 15 : i32
    %dma_wait3A_1159 = arith.constant 0 : i32
    %dma_wait3A_1160 = arith.constant 0 : i32
    %dma_wait3A_1161 = tpu.memref_slice %arg6[%dma_wait3A_1158, %dma_wait3A_1159, %dma_wait3A_1160] : memref<26x128x16xf32, #tpu.memory_space<vmem>> -> memref<1x128x16xf32, #tpu.memory_space<vmem>>
    %dma_wait3A_1162 = tpu.memref_squeeze %dma_wait3A_1161 : memref<1x128x16xf32, #tpu.memory_space<vmem>> -> memref<128x16xf32, #tpu.memory_space<vmem>>
    %dma_wait3A_1163 = arith.constant 240 : i32
    %dma_wait3A_1164 = tpu.memref_slice %arg4[%mul3A_2, %dma_wait3A_1163] : memref<4096x512xf32, #tpu.memory_space<hbm>> -> memref<128x16xf32, #tpu.memory_space<hbm>>
    %dma_wait3A_1165 = arith.constant 240 : i32
    %dma_wait3A_1166 = tpu.memref_slice %arg4[%mul3A_2, %dma_wait3A_1165] : memref<4096x512xf32, #tpu.memory_space<hbm>> -> memref<128x16xf32, #tpu.memory_space<hbm>>
    %dma_wait3A_1167 = arith.constant 0 : i32
    %dma_wait3A_1168 = arith.constant 0 : i32
    %dma_wait3A_1169 = tpu.memref_slice %arg6[%dma_wait3A_1158, %dma_wait3A_1167, %dma_wait3A_1168] : memref<26x128x16xf32, #tpu.memory_space<vmem>> -> memref<1x128x16xf32, #tpu.memory_space<vmem>>
    %dma_wait3A_1170 = tpu.memref_squeeze %dma_wait3A_1169 : memref<1x128x16xf32, #tpu.memory_space<vmem>> -> memref<128x16xf32, #tpu.memory_space<vmem>>
    tpu.wait_dma2 semaphore(%arg8 : memref<!tpu.dma_semaphore, #tpu.memory_space<semaphore_mem>>) src(%dma_wait3A_1170 : memref<128x16xf32, #tpu.memory_space<vmem>>) dst(%dma_wait3A_1166 : memref<128x16xf32, #tpu.memory_space<hbm>>)
    %dma_wait3A_1171 = arith.constant 16 : i32
    %dma_wait3A_1172 = arith.constant 0 : i32
    %dma_wait3A_1173 = arith.constant 0 : i32
    %dma_wait3A_1174 = tpu.memref_slice %arg6[%dma_wait3A_1171, %dma_wait3A_1172, %dma_wait3A_1173] : memref<26x128x16xf32, #tpu.memory_space<vmem>> -> memref<1x128x16xf32, #tpu.memory_space<vmem>>
    %dma_wait3A_1175 = tpu.memref_squeeze %dma_wait3A_1174 : memref<1x128x16xf32, #tpu.memory_space<vmem>> -> memref<128x16xf32, #tpu.memory_space<vmem>>
    %dma_wait3A_1176 = arith.constant 256 : i32
    %dma_wait3A_1177 = tpu.memref_slice %arg4[%mul3A_2, %dma_wait3A_1176] : memref<4096x512xf32, #tpu.memory_space<hbm>> -> memref<128x16xf32, #tpu.memory_space<hbm>>
    %dma_wait3A_1178 = arith.constant 256 : i32
    %dma_wait3A_1179 = tpu.memref_slice %arg4[%mul3A_2, %dma_wait3A_1178] : memref<4096x512xf32, #tpu.memory_space<hbm>> -> memref<128x16xf32, #tpu.memory_space<hbm>>
    %dma_wait3A_1180 = arith.constant 0 : i32
    %dma_wait3A_1181 = arith.constant 0 : i32
    %dma_wait3A_1182 = tpu.memref_slice %arg6[%dma_wait3A_1171, %dma_wait3A_1180, %dma_wait3A_1181] : memref<26x128x16xf32, #tpu.memory_space<vmem>> -> memref<1x128x16xf32, #tpu.memory_space<vmem>>
    %dma_wait3A_1183 = tpu.memref_squeeze %dma_wait3A_1182 : memref<1x128x16xf32, #tpu.memory_space<vmem>> -> memref<128x16xf32, #tpu.memory_space<vmem>>
    tpu.wait_dma2 semaphore(%arg8 : memref<!tpu.dma_semaphore, #tpu.memory_space<semaphore_mem>>) src(%dma_wait3A_1183 : memref<128x16xf32, #tpu.memory_space<vmem>>) dst(%dma_wait3A_1179 : memref<128x16xf32, #tpu.memory_space<hbm>>)
    %dma_wait3A_1184 = arith.constant 17 : i32
    %dma_wait3A_1185 = arith.constant 0 : i32
    %dma_wait3A_1186 = arith.constant 0 : i32
    %dma_wait3A_1187 = tpu.memref_slice %arg6[%dma_wait3A_1184, %dma_wait3A_1185, %dma_wait3A_1186] : memref<26x128x16xf32, #tpu.memory_space<vmem>> -> memref<1x128x16xf32, #tpu.memory_space<vmem>>
    %dma_wait3A_1188 = tpu.memref_squeeze %dma_wait3A_1187 : memref<1x128x16xf32, #tpu.memory_space<vmem>> -> memref<128x16xf32, #tpu.memory_space<vmem>>
    %dma_wait3A_1189 = arith.constant 272 : i32
    %dma_wait3A_1190 = tpu.memref_slice %arg4[%mul3A_2, %dma_wait3A_1189] : memref<4096x512xf32, #tpu.memory_space<hbm>> -> memref<128x16xf32, #tpu.memory_space<hbm>>
    %dma_wait3A_1191 = arith.constant 272 : i32
    %dma_wait3A_1192 = tpu.memref_slice %arg4[%mul3A_2, %dma_wait3A_1191] : memref<4096x512xf32, #tpu.memory_space<hbm>> -> memref<128x16xf32, #tpu.memory_space<hbm>>
    %dma_wait3A_1193 = arith.constant 0 : i32
    %dma_wait3A_1194 = arith.constant 0 : i32
    %dma_wait3A_1195 = tpu.memref_slice %arg6[%dma_wait3A_1184, %dma_wait3A_1193, %dma_wait3A_1194] : memref<26x128x16xf32, #tpu.memory_space<vmem>> -> memref<1x128x16xf32, #tpu.memory_space<vmem>>
    %dma_wait3A_1196 = tpu.memref_squeeze %dma_wait3A_1195 : memref<1x128x16xf32, #tpu.memory_space<vmem>> -> memref<128x16xf32, #tpu.memory_space<vmem>>
    tpu.wait_dma2 semaphore(%arg8 : memref<!tpu.dma_semaphore, #tpu.memory_space<semaphore_mem>>) src(%dma_wait3A_1196 : memref<128x16xf32, #tpu.memory_space<vmem>>) dst(%dma_wait3A_1192 : memref<128x16xf32, #tpu.memory_space<hbm>>)
    %dma_wait3A_1197 = arith.constant 18 : i32
    %dma_wait3A_1198 = arith.constant 0 : i32
    %dma_wait3A_1199 = arith.constant 0 : i32
    %dma_wait3A_1200 = tpu.memref_slice %arg6[%dma_wait3A_1197, %dma_wait3A_1198, %dma_wait3A_1199] : memref<26x128x16xf32, #tpu.memory_space<vmem>> -> memref<1x128x16xf32, #tpu.memory_space<vmem>>
    %dma_wait3A_1201 = tpu.memref_squeeze %dma_wait3A_1200 : memref<1x128x16xf32, #tpu.memory_space<vmem>> -> memref<128x16xf32, #tpu.memory_space<vmem>>
    %dma_wait3A_1202 = arith.constant 288 : i32
    %dma_wait3A_1203 = tpu.memref_slice %arg4[%mul3A_2, %dma_wait3A_1202] : memref<4096x512xf32, #tpu.memory_space<hbm>> -> memref<128x16xf32, #tpu.memory_space<hbm>>
    %dma_wait3A_1204 = arith.constant 288 : i32
    %dma_wait3A_1205 = tpu.memref_slice %arg4[%mul3A_2, %dma_wait3A_1204] : memref<4096x512xf32, #tpu.memory_space<hbm>> -> memref<128x16xf32, #tpu.memory_space<hbm>>
    %dma_wait3A_1206 = arith.constant 0 : i32
    %dma_wait3A_1207 = arith.constant 0 : i32
    %dma_wait3A_1208 = tpu.memref_slice %arg6[%dma_wait3A_1197, %dma_wait3A_1206, %dma_wait3A_1207] : memref<26x128x16xf32, #tpu.memory_space<vmem>> -> memref<1x128x16xf32, #tpu.memory_space<vmem>>
    %dma_wait3A_1209 = tpu.memref_squeeze %dma_wait3A_1208 : memref<1x128x16xf32, #tpu.memory_space<vmem>> -> memref<128x16xf32, #tpu.memory_space<vmem>>
    tpu.wait_dma2 semaphore(%arg8 : memref<!tpu.dma_semaphore, #tpu.memory_space<semaphore_mem>>) src(%dma_wait3A_1209 : memref<128x16xf32, #tpu.memory_space<vmem>>) dst(%dma_wait3A_1205 : memref<128x16xf32, #tpu.memory_space<hbm>>)
    %dma_wait3A_1210 = arith.constant 19 : i32
    %dma_wait3A_1211 = arith.constant 0 : i32
    %dma_wait3A_1212 = arith.constant 0 : i32
    %dma_wait3A_1213 = tpu.memref_slice %arg6[%dma_wait3A_1210, %dma_wait3A_1211, %dma_wait3A_1212] : memref<26x128x16xf32, #tpu.memory_space<vmem>> -> memref<1x128x16xf32, #tpu.memory_space<vmem>>
    %dma_wait3A_1214 = tpu.memref_squeeze %dma_wait3A_1213 : memref<1x128x16xf32, #tpu.memory_space<vmem>> -> memref<128x16xf32, #tpu.memory_space<vmem>>
    %dma_wait3A_1215 = arith.constant 304 : i32
    %dma_wait3A_1216 = tpu.memref_slice %arg4[%mul3A_2, %dma_wait3A_1215] : memref<4096x512xf32, #tpu.memory_space<hbm>> -> memref<128x16xf32, #tpu.memory_space<hbm>>
    %dma_wait3A_1217 = arith.constant 304 : i32
    %dma_wait3A_1218 = tpu.memref_slice %arg4[%mul3A_2, %dma_wait3A_1217] : memref<4096x512xf32, #tpu.memory_space<hbm>> -> memref<128x16xf32, #tpu.memory_space<hbm>>
    %dma_wait3A_1219 = arith.constant 0 : i32
    %dma_wait3A_1220 = arith.constant 0 : i32
    %dma_wait3A_1221 = tpu.memref_slice %arg6[%dma_wait3A_1210, %dma_wait3A_1219, %dma_wait3A_1220] : memref<26x128x16xf32, #tpu.memory_space<vmem>> -> memref<1x128x16xf32, #tpu.memory_space<vmem>>
    %dma_wait3A_1222 = tpu.memref_squeeze %dma_wait3A_1221 : memref<1x128x16xf32, #tpu.memory_space<vmem>> -> memref<128x16xf32, #tpu.memory_space<vmem>>
    tpu.wait_dma2 semaphore(%arg8 : memref<!tpu.dma_semaphore, #tpu.memory_space<semaphore_mem>>) src(%dma_wait3A_1222 : memref<128x16xf32, #tpu.memory_space<vmem>>) dst(%dma_wait3A_1218 : memref<128x16xf32, #tpu.memory_space<hbm>>)
    %dma_wait3A_1223 = arith.constant 20 : i32
    %dma_wait3A_1224 = arith.constant 0 : i32
    %dma_wait3A_1225 = arith.constant 0 : i32
    %dma_wait3A_1226 = tpu.memref_slice %arg6[%dma_wait3A_1223, %dma_wait3A_1224, %dma_wait3A_1225] : memref<26x128x16xf32, #tpu.memory_space<vmem>> -> memref<1x128x16xf32, #tpu.memory_space<vmem>>
    %dma_wait3A_1227 = tpu.memref_squeeze %dma_wait3A_1226 : memref<1x128x16xf32, #tpu.memory_space<vmem>> -> memref<128x16xf32, #tpu.memory_space<vmem>>
    %dma_wait3A_1228 = arith.constant 320 : i32
    %dma_wait3A_1229 = tpu.memref_slice %arg4[%mul3A_2, %dma_wait3A_1228] : memref<4096x512xf32, #tpu.memory_space<hbm>> -> memref<128x16xf32, #tpu.memory_space<hbm>>
    %dma_wait3A_1230 = arith.constant 320 : i32
    %dma_wait3A_1231 = tpu.memref_slice %arg4[%mul3A_2, %dma_wait3A_1230] : memref<4096x512xf32, #tpu.memory_space<hbm>> -> memref<128x16xf32, #tpu.memory_space<hbm>>
    %dma_wait3A_1232 = arith.constant 0 : i32
    %dma_wait3A_1233 = arith.constant 0 : i32
    %dma_wait3A_1234 = tpu.memref_slice %arg6[%dma_wait3A_1223, %dma_wait3A_1232, %dma_wait3A_1233] : memref<26x128x16xf32, #tpu.memory_space<vmem>> -> memref<1x128x16xf32, #tpu.memory_space<vmem>>
    %dma_wait3A_1235 = tpu.memref_squeeze %dma_wait3A_1234 : memref<1x128x16xf32, #tpu.memory_space<vmem>> -> memref<128x16xf32, #tpu.memory_space<vmem>>
    tpu.wait_dma2 semaphore(%arg8 : memref<!tpu.dma_semaphore, #tpu.memory_space<semaphore_mem>>) src(%dma_wait3A_1235 : memref<128x16xf32, #tpu.memory_space<vmem>>) dst(%dma_wait3A_1231 : memref<128x16xf32, #tpu.memory_space<hbm>>)
    %dma_wait3A_1236 = arith.constant 21 : i32
    %dma_wait3A_1237 = arith.constant 0 : i32
    %dma_wait3A_1238 = arith.constant 0 : i32
    %dma_wait3A_1239 = tpu.memref_slice %arg6[%dma_wait3A_1236, %dma_wait3A_1237, %dma_wait3A_1238] : memref<26x128x16xf32, #tpu.memory_space<vmem>> -> memref<1x128x16xf32, #tpu.memory_space<vmem>>
    %dma_wait3A_1240 = tpu.memref_squeeze %dma_wait3A_1239 : memref<1x128x16xf32, #tpu.memory_space<vmem>> -> memref<128x16xf32, #tpu.memory_space<vmem>>
    %dma_wait3A_1241 = arith.constant 336 : i32
    %dma_wait3A_1242 = tpu.memref_slice %arg4[%mul3A_2, %dma_wait3A_1241] : memref<4096x512xf32, #tpu.memory_space<hbm>> -> memref<128x16xf32, #tpu.memory_space<hbm>>
    %dma_wait3A_1243 = arith.constant 336 : i32
    %dma_wait3A_1244 = tpu.memref_slice %arg4[%mul3A_2, %dma_wait3A_1243] : memref<4096x512xf32, #tpu.memory_space<hbm>> -> memref<128x16xf32, #tpu.memory_space<hbm>>
    %dma_wait3A_1245 = arith.constant 0 : i32
    %dma_wait3A_1246 = arith.constant 0 : i32
    %dma_wait3A_1247 = tpu.memref_slice %arg6[%dma_wait3A_1236, %dma_wait3A_1245, %dma_wait3A_1246] : memref<26x128x16xf32, #tpu.memory_space<vmem>> -> memref<1x128x16xf32, #tpu.memory_space<vmem>>
    %dma_wait3A_1248 = tpu.memref_squeeze %dma_wait3A_1247 : memref<1x128x16xf32, #tpu.memory_space<vmem>> -> memref<128x16xf32, #tpu.memory_space<vmem>>
    tpu.wait_dma2 semaphore(%arg8 : memref<!tpu.dma_semaphore, #tpu.memory_space<semaphore_mem>>) src(%dma_wait3A_1248 : memref<128x16xf32, #tpu.memory_space<vmem>>) dst(%dma_wait3A_1244 : memref<128x16xf32, #tpu.memory_space<hbm>>)
    %dma_wait3A_1249 = arith.constant 22 : i32
    %dma_wait3A_1250 = arith.constant 0 : i32
    %dma_wait3A_1251 = arith.constant 0 : i32
    %dma_wait3A_1252 = tpu.memref_slice %arg6[%dma_wait3A_1249, %dma_wait3A_1250, %dma_wait3A_1251] : memref<26x128x16xf32, #tpu.memory_space<vmem>> -> memref<1x128x16xf32, #tpu.memory_space<vmem>>
    %dma_wait3A_1253 = tpu.memref_squeeze %dma_wait3A_1252 : memref<1x128x16xf32, #tpu.memory_space<vmem>> -> memref<128x16xf32, #tpu.memory_space<vmem>>
    %dma_wait3A_1254 = arith.constant 352 : i32
    %dma_wait3A_1255 = tpu.memref_slice %arg4[%mul3A_2, %dma_wait3A_1254] : memref<4096x512xf32, #tpu.memory_space<hbm>> -> memref<128x16xf32, #tpu.memory_space<hbm>>
    %dma_wait3A_1256 = arith.constant 352 : i32
    %dma_wait3A_1257 = tpu.memref_slice %arg4[%mul3A_2, %dma_wait3A_1256] : memref<4096x512xf32, #tpu.memory_space<hbm>> -> memref<128x16xf32, #tpu.memory_space<hbm>>
    %dma_wait3A_1258 = arith.constant 0 : i32
    %dma_wait3A_1259 = arith.constant 0 : i32
    %dma_wait3A_1260 = tpu.memref_slice %arg6[%dma_wait3A_1249, %dma_wait3A_1258, %dma_wait3A_1259] : memref<26x128x16xf32, #tpu.memory_space<vmem>> -> memref<1x128x16xf32, #tpu.memory_space<vmem>>
    %dma_wait3A_1261 = tpu.memref_squeeze %dma_wait3A_1260 : memref<1x128x16xf32, #tpu.memory_space<vmem>> -> memref<128x16xf32, #tpu.memory_space<vmem>>
    tpu.wait_dma2 semaphore(%arg8 : memref<!tpu.dma_semaphore, #tpu.memory_space<semaphore_mem>>) src(%dma_wait3A_1261 : memref<128x16xf32, #tpu.memory_space<vmem>>) dst(%dma_wait3A_1257 : memref<128x16xf32, #tpu.memory_space<hbm>>)
    %dma_wait3A_1262 = arith.constant 23 : i32
    %dma_wait3A_1263 = arith.constant 0 : i32
    %dma_wait3A_1264 = arith.constant 0 : i32
    %dma_wait3A_1265 = tpu.memref_slice %arg6[%dma_wait3A_1262, %dma_wait3A_1263, %dma_wait3A_1264] : memref<26x128x16xf32, #tpu.memory_space<vmem>> -> memref<1x128x16xf32, #tpu.memory_space<vmem>>
    %dma_wait3A_1266 = tpu.memref_squeeze %dma_wait3A_1265 : memref<1x128x16xf32, #tpu.memory_space<vmem>> -> memref<128x16xf32, #tpu.memory_space<vmem>>
    %dma_wait3A_1267 = arith.constant 368 : i32
    %dma_wait3A_1268 = tpu.memref_slice %arg4[%mul3A_2, %dma_wait3A_1267] : memref<4096x512xf32, #tpu.memory_space<hbm>> -> memref<128x16xf32, #tpu.memory_space<hbm>>
    %dma_wait3A_1269 = arith.constant 368 : i32
    %dma_wait3A_1270 = tpu.memref_slice %arg4[%mul3A_2, %dma_wait3A_1269] : memref<4096x512xf32, #tpu.memory_space<hbm>> -> memref<128x16xf32, #tpu.memory_space<hbm>>
    %dma_wait3A_1271 = arith.constant 0 : i32
    %dma_wait3A_1272 = arith.constant 0 : i32
    %dma_wait3A_1273 = tpu.memref_slice %arg6[%dma_wait3A_1262, %dma_wait3A_1271, %dma_wait3A_1272] : memref<26x128x16xf32, #tpu.memory_space<vmem>> -> memref<1x128x16xf32, #tpu.memory_space<vmem>>
    %dma_wait3A_1274 = tpu.memref_squeeze %dma_wait3A_1273 : memref<1x128x16xf32, #tpu.memory_space<vmem>> -> memref<128x16xf32, #tpu.memory_space<vmem>>
    tpu.wait_dma2 semaphore(%arg8 : memref<!tpu.dma_semaphore, #tpu.memory_space<semaphore_mem>>) src(%dma_wait3A_1274 : memref<128x16xf32, #tpu.memory_space<vmem>>) dst(%dma_wait3A_1270 : memref<128x16xf32, #tpu.memory_space<hbm>>)
    %dma_wait3A_1275 = arith.constant 24 : i32
    %dma_wait3A_1276 = arith.constant 0 : i32
    %dma_wait3A_1277 = arith.constant 0 : i32
    %dma_wait3A_1278 = tpu.memref_slice %arg6[%dma_wait3A_1275, %dma_wait3A_1276, %dma_wait3A_1277] : memref<26x128x16xf32, #tpu.memory_space<vmem>> -> memref<1x128x16xf32, #tpu.memory_space<vmem>>
    %dma_wait3A_1279 = tpu.memref_squeeze %dma_wait3A_1278 : memref<1x128x16xf32, #tpu.memory_space<vmem>> -> memref<128x16xf32, #tpu.memory_space<vmem>>
    %dma_wait3A_1280 = arith.constant 384 : i32
    %dma_wait3A_1281 = tpu.memref_slice %arg4[%mul3A_2, %dma_wait3A_1280] : memref<4096x512xf32, #tpu.memory_space<hbm>> -> memref<128x16xf32, #tpu.memory_space<hbm>>
    %dma_wait3A_1282 = arith.constant 384 : i32
    %dma_wait3A_1283 = tpu.memref_slice %arg4[%mul3A_2, %dma_wait3A_1282] : memref<4096x512xf32, #tpu.memory_space<hbm>> -> memref<128x16xf32, #tpu.memory_space<hbm>>
    %dma_wait3A_1284 = arith.constant 0 : i32
    %dma_wait3A_1285 = arith.constant 0 : i32
    %dma_wait3A_1286 = tpu.memref_slice %arg6[%dma_wait3A_1275, %dma_wait3A_1284, %dma_wait3A_1285] : memref<26x128x16xf32, #tpu.memory_space<vmem>> -> memref<1x128x16xf32, #tpu.memory_space<vmem>>
    %dma_wait3A_1287 = tpu.memref_squeeze %dma_wait3A_1286 : memref<1x128x16xf32, #tpu.memory_space<vmem>> -> memref<128x16xf32, #tpu.memory_space<vmem>>
    tpu.wait_dma2 semaphore(%arg8 : memref<!tpu.dma_semaphore, #tpu.memory_space<semaphore_mem>>) src(%dma_wait3A_1287 : memref<128x16xf32, #tpu.memory_space<vmem>>) dst(%dma_wait3A_1283 : memref<128x16xf32, #tpu.memory_space<hbm>>)
    %dma_wait3A_1288 = arith.constant 25 : i32
    %dma_wait3A_1289 = arith.constant 0 : i32
    %dma_wait3A_1290 = arith.constant 0 : i32
    %dma_wait3A_1291 = tpu.memref_slice %arg6[%dma_wait3A_1288, %dma_wait3A_1289, %dma_wait3A_1290] : memref<26x128x16xf32, #tpu.memory_space<vmem>> -> memref<1x128x16xf32, #tpu.memory_space<vmem>>
    %dma_wait3A_1292 = tpu.memref_squeeze %dma_wait3A_1291 : memref<1x128x16xf32, #tpu.memory_space<vmem>> -> memref<128x16xf32, #tpu.memory_space<vmem>>
    %dma_wait3A_1293 = arith.constant 400 : i32
    %dma_wait3A_1294 = tpu.memref_slice %arg4[%mul3A_2, %dma_wait3A_1293] : memref<4096x512xf32, #tpu.memory_space<hbm>> -> memref<128x16xf32, #tpu.memory_space<hbm>>
    %dma_wait3A_1295 = arith.constant 400 : i32
    %dma_wait3A_1296 = tpu.memref_slice %arg4[%mul3A_2, %dma_wait3A_1295] : memref<4096x512xf32, #tpu.memory_space<hbm>> -> memref<128x16xf32, #tpu.memory_space<hbm>>
    %dma_wait3A_1297 = arith.constant 0 : i32
    %dma_wait3A_1298 = arith.constant 0 : i32
    %dma_wait3A_1299 = tpu.memref_slice %arg6[%dma_wait3A_1288, %dma_wait3A_1297, %dma_wait3A_1298] : memref<26x128x16xf32, #tpu.memory_space<vmem>> -> memref<1x128x16xf32, #tpu.memory_space<vmem>>
    %dma_wait3A_1300 = tpu.memref_squeeze %dma_wait3A_1299 : memref<1x128x16xf32, #tpu.memory_space<vmem>> -> memref<128x16xf32, #tpu.memory_space<vmem>>
    tpu.wait_dma2 semaphore(%arg8 : memref<!tpu.dma_semaphore, #tpu.memory_space<semaphore_mem>>) src(%dma_wait3A_1300 : memref<128x16xf32, #tpu.memory_space<vmem>>) dst(%dma_wait3A_1296 : memref<128x16xf32, #tpu.memory_space<hbm>>)
    return
  }
}

#map = affine_map<(d0, d1) -> (0)>
#map1 = affine_map<(d0, d1) -> (0, 0)>
module attributes {stable_mosaic.version = 14 : i64} {
  func.func @_sc_gather_e1(%arg0: i32, %arg1: i32, %arg2: memref<2600000xf32, #tpu.memory_space<hbm>>, %arg3: memref<32x3328xi32, #tpu.memory_space<hbm>>, %arg4: memref<106496xf32, #tpu.memory_space<hbm>>, %arg5: memref<3328xi32, #tpu.memory_space<vmem>>, %arg6: memref<3328xf32, #tpu.memory_space<vmem>>, %arg7: memref<!tpu.dma_semaphore, #tpu.memory_space<semaphore_mem>>) attributes {dimension_semantics = [#tpu.dimension_semantics<core_parallel>, #tpu.dimension_semantics<subcore_parallel>], iteration_bounds = array<i64: 2, 16>, scalar_prefetch = 0 : i64, scratch_operands = 3 : i64, tpu.core_type = #tpu.core_type<sc_vector_subcore>, window_params = [{transform_indices = #map}, {transform_indices = #map1}, {transform_indices = #map}]} {
    %mul3A = arith.constant 2 : i32
    %mul3A_0 = arith.muli %arg1, %mul3A : i32
    %add3A = arith.addi %mul3A_0, %arg0 : i32
    %mul3A_1 = arith.constant 3328 : i32
    %mul3A_2 = arith.muli %add3A, %mul3A_1 : i32
    "tpu.region"() ({
      %run_scoped3A = tpu.sem_alloc : memref<!tpu.dma_semaphore, #tpu.memory_space<semaphore_mem>>
      %dma_start3A_5 = arith.constant 0 : i32
      %dma_start3A_6 = tpu.memref_slice %arg3[%add3A, %dma_start3A_5] : memref<32x3328xi32, #tpu.memory_space<hbm>> -> memref<1x3328xi32, #tpu.memory_space<hbm>>
      %dma_start3A_7 = tpu.memref_squeeze %dma_start3A_6 : memref<1x3328xi32, #tpu.memory_space<hbm>> -> memref<3328xi32, #tpu.memory_space<hbm>>
      %dma_start3A_8 = arith.constant 0 : i32
      %dma_start3A_9 = tpu.memref_slice %arg3[%add3A, %dma_start3A_8] : memref<32x3328xi32, #tpu.memory_space<hbm>> -> memref<1x3328xi32, #tpu.memory_space<hbm>>
      %dma_start3A_10 = tpu.memref_squeeze %dma_start3A_9 : memref<1x3328xi32, #tpu.memory_space<hbm>> -> memref<3328xi32, #tpu.memory_space<hbm>>
      tpu.enqueue_dma source(%dma_start3A_10 : memref<3328xi32, #tpu.memory_space<hbm>>) target(%arg5 : memref<3328xi32, #tpu.memory_space<vmem>>) target_semaphore(%run_scoped3A : memref<!tpu.dma_semaphore, #tpu.memory_space<semaphore_mem>>)
      %dma_wait3A_11 = arith.constant 0 : i32
      %dma_wait3A_12 = tpu.memref_slice %arg3[%add3A, %dma_wait3A_11] : memref<32x3328xi32, #tpu.memory_space<hbm>> -> memref<1x3328xi32, #tpu.memory_space<hbm>>
      %dma_wait3A_13 = tpu.memref_squeeze %dma_wait3A_12 : memref<1x3328xi32, #tpu.memory_space<hbm>> -> memref<3328xi32, #tpu.memory_space<hbm>>
      %dma_wait3A_14 = arith.constant 0 : i32
      %dma_wait3A_15 = tpu.memref_slice %arg3[%add3A, %dma_wait3A_14] : memref<32x3328xi32, #tpu.memory_space<hbm>> -> memref<1x3328xi32, #tpu.memory_space<hbm>>
      %dma_wait3A_16 = tpu.memref_squeeze %dma_wait3A_15 : memref<1x3328xi32, #tpu.memory_space<hbm>> -> memref<3328xi32, #tpu.memory_space<hbm>>
      tpu.wait_dma2 semaphore(%run_scoped3A : memref<!tpu.dma_semaphore, #tpu.memory_space<semaphore_mem>>) src(%dma_wait3A_16 : memref<3328xi32, #tpu.memory_space<hbm>>) dst(%arg5 : memref<3328xi32, #tpu.memory_space<vmem>>)
      tpu.yield
    }) : () -> ()
    %dma_start3A = arith.constant 0 : i32
    %dma_start3A_3 = tpu.memref_slice %arg2[%dma_start3A] : memref<2600000xf32, #tpu.memory_space<hbm>> -> memref<2600000xf32, #tpu.memory_space<hbm>>
    tpu.enqueue_indirect_dma source(%dma_start3A_3 : memref<2600000xf32, #tpu.memory_space<hbm>>) target(%arg6 : memref<3328xf32, #tpu.memory_space<vmem>>) offsets(%arg5 : memref<3328xi32, #tpu.memory_space<vmem>>) semaphore(%arg7 : memref<!tpu.dma_semaphore, #tpu.memory_space<semaphore_mem>>)
    %dma_wait3A = arith.constant 0 : i32
    %dma_wait3A_4 = tpu.memref_slice %arg2[%dma_wait3A] : memref<2600000xf32, #tpu.memory_space<hbm>> -> memref<2600000xf32, #tpu.memory_space<hbm>>
    tpu.wait_indirect_dma semaphore(%arg7 : memref<!tpu.dma_semaphore, #tpu.memory_space<semaphore_mem>>) src(%dma_wait3A_4 : memref<2600000xf32, #tpu.memory_space<hbm>>) dst(%arg6 : memref<3328xf32, #tpu.memory_space<vmem>>)
    "tpu.region"() ({
      %run_scoped3A = tpu.sem_alloc : memref<!tpu.dma_semaphore, #tpu.memory_space<semaphore_mem>>
      %dma_start3A_5 = tpu.memref_slice %arg4[%mul3A_2] : memref<106496xf32, #tpu.memory_space<hbm>> -> memref<3328xf32, #tpu.memory_space<hbm>>
      %dma_start3A_6 = tpu.memref_slice %arg4[%mul3A_2] : memref<106496xf32, #tpu.memory_space<hbm>> -> memref<3328xf32, #tpu.memory_space<hbm>>
      tpu.enqueue_dma source(%arg6 : memref<3328xf32, #tpu.memory_space<vmem>>) target(%dma_start3A_6 : memref<3328xf32, #tpu.memory_space<hbm>>) target_semaphore(%run_scoped3A : memref<!tpu.dma_semaphore, #tpu.memory_space<semaphore_mem>>)
      %dma_wait3A_7 = tpu.memref_slice %arg4[%mul3A_2] : memref<106496xf32, #tpu.memory_space<hbm>> -> memref<3328xf32, #tpu.memory_space<hbm>>
      %dma_wait3A_8 = tpu.memref_slice %arg4[%mul3A_2] : memref<106496xf32, #tpu.memory_space<hbm>> -> memref<3328xf32, #tpu.memory_space<hbm>>
      tpu.wait_dma2 semaphore(%run_scoped3A : memref<!tpu.dma_semaphore, #tpu.memory_space<semaphore_mem>>) src(%arg6 : memref<3328xf32, #tpu.memory_space<vmem>>) dst(%dma_wait3A_8 : memref<3328xf32, #tpu.memory_space<hbm>>)
      tpu.yield
    }) : () -> ()
    return
  }
}

module attributes {stable_mosaic.version = 14 : i64} {
  func.func @_tc_body(%arg0: i32, %arg1: memref<256x512xf32, #tpu.memory_space<vmem>>, %arg2: memref<256x26xf32, #tpu.memory_space<vmem>>, %arg3: memref<256x26xf32, #tpu.memory_space<vmem>>, %arg4: memref<16x16xf32, #tpu.memory_space<vmem>>, %arg5: memref<1x16xf32, #tpu.memory_space<vmem>>, %arg6: memref<16x1xf32, #tpu.memory_space<vmem>>, %arg7: memref<1x1xf32, #tpu.memory_space<vmem>>, %arg8: memref<1x256xf32, #tpu.memory_space<vmem>>) attributes {dimension_semantics = [#tpu.dimension_semantics<arbitrary>], iteration_bounds = array<i64: 16>, scalar_prefetch = 0 : i64, scratch_operands = 0 : i64, tpu.core_type = #tpu.core_type<tc>, window_params = [{transform_indices = @transform_0, window_bounds = array<i64: 256, 512>}, {transform_indices = @transform_1, window_bounds = array<i64: 256, 26>}, {transform_indices = @transform_2, window_bounds = array<i64: 256, 26>}, {pipeline_mode = #tpu.pipeline_mode<synchronous>, transform_indices = @transform_3, window_bounds = array<i64: 16, 16>}, {pipeline_mode = #tpu.pipeline_mode<synchronous>, transform_indices = @transform_4, window_bounds = array<i64: 1, 16>}, {pipeline_mode = #tpu.pipeline_mode<synchronous>, transform_indices = @transform_5, window_bounds = array<i64: 16, 1>}, {pipeline_mode = #tpu.pipeline_mode<synchronous>, transform_indices = @transform_6, window_bounds = array<i64: 1, 1>}, {transform_indices = @transform_7, window_bounds = array<i64: 1, 256>}]} {
    %get3A = arith.constant 0 : index
    %get3A_0 = arith.constant 0 : index
    %get3A_1 = vector.load %arg4[%get3A, %get3A_0] : memref<16x16xf32, #tpu.memory_space<vmem>>, vector<16x16xf32>
    %get3A_2 = arith.constant 0 : index
    %get3A_3 = arith.constant 0 : index
    %get3A_4 = vector.load %arg5[%get3A_2, %get3A_3] : memref<1x16xf32, #tpu.memory_space<vmem>>, vector<1x16xf32>
    %mul3A = vector.broadcast %get3A_4 : vector<1x16xf32> to vector<16x16xf32>
    %mul3A_5 = arith.mulf %get3A_1, %mul3A : vector<16x16xf32>
    %reduce_sum3A = arith.constant dense<0.000000e+00> : vector<16xf32>
    %reduce_sum3A_6 = vector.multi_reduction <add>, %mul3A_5, %reduce_sum3A [1] : vector<16x16xf32> to vector<16xf32>
    %broadcast_in_dim3A = vector.shape_cast %reduce_sum3A_6 : vector<16xf32> to vector<16x1xf32>
    %get3A_7 = arith.constant 0 : index
    %get3A_8 = arith.constant 0 : index
    %get3A_9 = vector.load %arg6[%get3A_7, %get3A_8] : memref<16x1xf32, #tpu.memory_space<vmem>>, vector<16x1xf32>
    %broadcast_in_dim3A_10 = arith.constant 0.000000e+00 : f32
    %broadcast_in_dim3A_11 = vector.broadcast %broadcast_in_dim3A_10 : f32 to vector<256x6xf32>
    %get3A_12 = arith.constant 0 : index
    %get3A_13 = arith.constant 0 : index
    %get3A_14 = vector.load %arg2[%get3A_12, %get3A_13] : memref<256x26xf32, #tpu.memory_space<vmem>>, vector<256x26xf32>
    %concatenate3A = tpu.concatenate %get3A_14, %broadcast_in_dim3A_11 in 1 : vector<256x26xf32>, vector<256x6xf32> -> vector<256x32xf32>
    %transpose3A = tpu.transpose %concatenate3A, [1, 0] : vector<256x32xf32> -> vector<32x256xf32>
    %get3A_15 = arith.constant 0 : index
    %get3A_16 = arith.constant 0 : index
    %get3A_17 = vector.load %arg3[%get3A_15, %get3A_16] : memref<256x26xf32, #tpu.memory_space<vmem>>, vector<256x26xf32>
    %concatenate3A_18 = tpu.concatenate %get3A_17, %broadcast_in_dim3A_11 in 1 : vector<256x26xf32>, vector<256x6xf32> -> vector<256x32xf32>
    %transpose3A_19 = tpu.transpose %concatenate3A_18, [1, 0] : vector<256x32xf32> -> vector<32x256xf32>
    %mul3A_20 = arith.mulf %transpose3A_19, %transpose3A : vector<32x256xf32>
    %reduce_sum3A_21 = arith.constant dense<0.000000e+00> : vector<256xf32>
    %reduce_sum3A_22 = vector.multi_reduction <add>, %mul3A_20, %reduce_sum3A_21 [0] : vector<32x256xf32> to vector<256xf32>
    %broadcast_in_dim3A_23 = vector.shape_cast %reduce_sum3A_22 : vector<256xf32> to vector<1x256xf32>
    %get3A_24 = arith.constant 0 : index
    %get3A_25 = arith.constant 0 : index
    %get3A_26 = vector.load %arg1[%get3A_24, %get3A_25] : memref<256x512xf32, #tpu.memory_space<vmem>>, vector<256x512xf32>
    %slice3A = vector.extract_strided_slice %get3A_26 {offsets = [0, 0], sizes = [256, 416], strides = [1, 1]} : vector<256x512xf32> to vector<256x416xf32>
    %slice3A_27 = vector.extract_strided_slice %slice3A {offsets = [0, 0], sizes = [256, 128], strides = [1, 1]} : vector<256x416xf32> to vector<256x128xf32>
    %transpose3A_28 = tpu.transpose %slice3A_27, [1, 0] : vector<256x128xf32> -> vector<128x256xf32>
    %slice3A_29 = vector.extract_strided_slice %slice3A {offsets = [0, 128], sizes = [256, 128], strides = [1, 1]} : vector<256x416xf32> to vector<256x128xf32>
    %transpose3A_30 = tpu.transpose %slice3A_29, [1, 0] : vector<256x128xf32> -> vector<128x256xf32>
    %slice3A_31 = vector.extract_strided_slice %slice3A {offsets = [0, 256], sizes = [256, 128], strides = [1, 1]} : vector<256x416xf32> to vector<256x128xf32>
    %transpose3A_32 = tpu.transpose %slice3A_31, [1, 0] : vector<256x128xf32> -> vector<128x256xf32>
    %slice3A_33 = vector.extract_strided_slice %slice3A {offsets = [0, 384], sizes = [256, 32], strides = [1, 1]} : vector<256x416xf32> to vector<256x32xf32>
    %transpose3A_34 = tpu.transpose %slice3A_33, [1, 0] : vector<256x32xf32> -> vector<32x256xf32>
    %concatenate3A_35 = tpu.concatenate %transpose3A_28, %transpose3A_30, %transpose3A_32, %transpose3A_34 in 0 : vector<128x256xf32>, vector<128x256xf32>, vector<128x256xf32>, vector<32x256xf32> -> vector<416x256xf32>
    %slice3A_36 = vector.extract_strided_slice %concatenate3A_35 {offsets = [0, 0], sizes = [16, 256], strides = [1, 1]} : vector<416x256xf32> to vector<16x256xf32>
    %slice3A_37 = vector.extract_strided_slice %transpose3A {offsets = [0, 0], sizes = [1, 256], strides = [1, 1]} : vector<32x256xf32> to vector<1x256xf32>
    %mul3A_38 = vector.broadcast %slice3A_37 : vector<1x256xf32> to vector<16x256xf32>
    %mul3A_39 = arith.mulf %slice3A_36, %mul3A_38 : vector<16x256xf32>
    %slice3A_40 = vector.extract_strided_slice %concatenate3A_35 {offsets = [16, 0], sizes = [16, 256], strides = [1, 1]} : vector<416x256xf32> to vector<16x256xf32>
    %slice3A_41 = vector.extract_strided_slice %transpose3A {offsets = [1, 0], sizes = [1, 256], strides = [1, 1]} : vector<32x256xf32> to vector<1x256xf32>
    %mul3A_42 = vector.broadcast %slice3A_41 : vector<1x256xf32> to vector<16x256xf32>
    %mul3A_43 = arith.mulf %slice3A_40, %mul3A_42 : vector<16x256xf32>
    %slice3A_44 = vector.extract_strided_slice %concatenate3A_35 {offsets = [32, 0], sizes = [16, 256], strides = [1, 1]} : vector<416x256xf32> to vector<16x256xf32>
    %slice3A_45 = vector.extract_strided_slice %transpose3A {offsets = [2, 0], sizes = [1, 256], strides = [1, 1]} : vector<32x256xf32> to vector<1x256xf32>
    %mul3A_46 = vector.broadcast %slice3A_45 : vector<1x256xf32> to vector<16x256xf32>
    %mul3A_47 = arith.mulf %slice3A_44, %mul3A_46 : vector<16x256xf32>
    %slice3A_48 = vector.extract_strided_slice %concatenate3A_35 {offsets = [48, 0], sizes = [16, 256], strides = [1, 1]} : vector<416x256xf32> to vector<16x256xf32>
    %slice3A_49 = vector.extract_strided_slice %transpose3A {offsets = [3, 0], sizes = [1, 256], strides = [1, 1]} : vector<32x256xf32> to vector<1x256xf32>
    %mul3A_50 = vector.broadcast %slice3A_49 : vector<1x256xf32> to vector<16x256xf32>
    %mul3A_51 = arith.mulf %slice3A_48, %mul3A_50 : vector<16x256xf32>
    %slice3A_52 = vector.extract_strided_slice %concatenate3A_35 {offsets = [64, 0], sizes = [16, 256], strides = [1, 1]} : vector<416x256xf32> to vector<16x256xf32>
    %slice3A_53 = vector.extract_strided_slice %transpose3A {offsets = [4, 0], sizes = [1, 256], strides = [1, 1]} : vector<32x256xf32> to vector<1x256xf32>
    %mul3A_54 = vector.broadcast %slice3A_53 : vector<1x256xf32> to vector<16x256xf32>
    %mul3A_55 = arith.mulf %slice3A_52, %mul3A_54 : vector<16x256xf32>
    %slice3A_56 = vector.extract_strided_slice %concatenate3A_35 {offsets = [80, 0], sizes = [16, 256], strides = [1, 1]} : vector<416x256xf32> to vector<16x256xf32>
    %slice3A_57 = vector.extract_strided_slice %transpose3A {offsets = [5, 0], sizes = [1, 256], strides = [1, 1]} : vector<32x256xf32> to vector<1x256xf32>
    %mul3A_58 = vector.broadcast %slice3A_57 : vector<1x256xf32> to vector<16x256xf32>
    %mul3A_59 = arith.mulf %slice3A_56, %mul3A_58 : vector<16x256xf32>
    %slice3A_60 = vector.extract_strided_slice %concatenate3A_35 {offsets = [96, 0], sizes = [16, 256], strides = [1, 1]} : vector<416x256xf32> to vector<16x256xf32>
    %slice3A_61 = vector.extract_strided_slice %transpose3A {offsets = [6, 0], sizes = [1, 256], strides = [1, 1]} : vector<32x256xf32> to vector<1x256xf32>
    %mul3A_62 = vector.broadcast %slice3A_61 : vector<1x256xf32> to vector<16x256xf32>
    %mul3A_63 = arith.mulf %slice3A_60, %mul3A_62 : vector<16x256xf32>
    %slice3A_64 = vector.extract_strided_slice %concatenate3A_35 {offsets = [112, 0], sizes = [16, 256], strides = [1, 1]} : vector<416x256xf32> to vector<16x256xf32>
    %slice3A_65 = vector.extract_strided_slice %transpose3A {offsets = [7, 0], sizes = [1, 256], strides = [1, 1]} : vector<32x256xf32> to vector<1x256xf32>
    %mul3A_66 = vector.broadcast %slice3A_65 : vector<1x256xf32> to vector<16x256xf32>
    %mul3A_67 = arith.mulf %slice3A_64, %mul3A_66 : vector<16x256xf32>
    %slice3A_68 = vector.extract_strided_slice %concatenate3A_35 {offsets = [128, 0], sizes = [16, 256], strides = [1, 1]} : vector<416x256xf32> to vector<16x256xf32>
    %slice3A_69 = vector.extract_strided_slice %transpose3A {offsets = [8, 0], sizes = [1, 256], strides = [1, 1]} : vector<32x256xf32> to vector<1x256xf32>
    %mul3A_70 = vector.broadcast %slice3A_69 : vector<1x256xf32> to vector<16x256xf32>
    %mul3A_71 = arith.mulf %slice3A_68, %mul3A_70 : vector<16x256xf32>
    %slice3A_72 = vector.extract_strided_slice %concatenate3A_35 {offsets = [144, 0], sizes = [16, 256], strides = [1, 1]} : vector<416x256xf32> to vector<16x256xf32>
    %slice3A_73 = vector.extract_strided_slice %transpose3A {offsets = [9, 0], sizes = [1, 256], strides = [1, 1]} : vector<32x256xf32> to vector<1x256xf32>
    %mul3A_74 = vector.broadcast %slice3A_73 : vector<1x256xf32> to vector<16x256xf32>
    %mul3A_75 = arith.mulf %slice3A_72, %mul3A_74 : vector<16x256xf32>
    %slice3A_76 = vector.extract_strided_slice %concatenate3A_35 {offsets = [160, 0], sizes = [16, 256], strides = [1, 1]} : vector<416x256xf32> to vector<16x256xf32>
    %slice3A_77 = vector.extract_strided_slice %transpose3A {offsets = [10, 0], sizes = [1, 256], strides = [1, 1]} : vector<32x256xf32> to vector<1x256xf32>
    %mul3A_78 = vector.broadcast %slice3A_77 : vector<1x256xf32> to vector<16x256xf32>
    %mul3A_79 = arith.mulf %slice3A_76, %mul3A_78 : vector<16x256xf32>
    %slice3A_80 = vector.extract_strided_slice %concatenate3A_35 {offsets = [176, 0], sizes = [16, 256], strides = [1, 1]} : vector<416x256xf32> to vector<16x256xf32>
    %slice3A_81 = vector.extract_strided_slice %transpose3A {offsets = [11, 0], sizes = [1, 256], strides = [1, 1]} : vector<32x256xf32> to vector<1x256xf32>
    %mul3A_82 = vector.broadcast %slice3A_81 : vector<1x256xf32> to vector<16x256xf32>
    %mul3A_83 = arith.mulf %slice3A_80, %mul3A_82 : vector<16x256xf32>
    %slice3A_84 = vector.extract_strided_slice %concatenate3A_35 {offsets = [192, 0], sizes = [16, 256], strides = [1, 1]} : vector<416x256xf32> to vector<16x256xf32>
    %slice3A_85 = vector.extract_strided_slice %transpose3A {offsets = [12, 0], sizes = [1, 256], strides = [1, 1]} : vector<32x256xf32> to vector<1x256xf32>
    %mul3A_86 = vector.broadcast %slice3A_85 : vector<1x256xf32> to vector<16x256xf32>
    %mul3A_87 = arith.mulf %slice3A_84, %mul3A_86 : vector<16x256xf32>
    %slice3A_88 = vector.extract_strided_slice %concatenate3A_35 {offsets = [208, 0], sizes = [16, 256], strides = [1, 1]} : vector<416x256xf32> to vector<16x256xf32>
    %slice3A_89 = vector.extract_strided_slice %transpose3A {offsets = [13, 0], sizes = [1, 256], strides = [1, 1]} : vector<32x256xf32> to vector<1x256xf32>
    %mul3A_90 = vector.broadcast %slice3A_89 : vector<1x256xf32> to vector<16x256xf32>
    %mul3A_91 = arith.mulf %slice3A_88, %mul3A_90 : vector<16x256xf32>
    %slice3A_92 = vector.extract_strided_slice %concatenate3A_35 {offsets = [224, 0], sizes = [16, 256], strides = [1, 1]} : vector<416x256xf32> to vector<16x256xf32>
    %slice3A_93 = vector.extract_strided_slice %transpose3A {offsets = [14, 0], sizes = [1, 256], strides = [1, 1]} : vector<32x256xf32> to vector<1x256xf32>
    %mul3A_94 = vector.broadcast %slice3A_93 : vector<1x256xf32> to vector<16x256xf32>
    %mul3A_95 = arith.mulf %slice3A_92, %mul3A_94 : vector<16x256xf32>
    %slice3A_96 = vector.extract_strided_slice %concatenate3A_35 {offsets = [240, 0], sizes = [16, 256], strides = [1, 1]} : vector<416x256xf32> to vector<16x256xf32>
    %slice3A_97 = vector.extract_strided_slice %transpose3A {offsets = [15, 0], sizes = [1, 256], strides = [1, 1]} : vector<32x256xf32> to vector<1x256xf32>
    %mul3A_98 = vector.broadcast %slice3A_97 : vector<1x256xf32> to vector<16x256xf32>
    %mul3A_99 = arith.mulf %slice3A_96, %mul3A_98 : vector<16x256xf32>
    %slice3A_100 = vector.extract_strided_slice %concatenate3A_35 {offsets = [256, 0], sizes = [16, 256], strides = [1, 1]} : vector<416x256xf32> to vector<16x256xf32>
    %slice3A_101 = vector.extract_strided_slice %transpose3A {offsets = [16, 0], sizes = [1, 256], strides = [1, 1]} : vector<32x256xf32> to vector<1x256xf32>
    %mul3A_102 = vector.broadcast %slice3A_101 : vector<1x256xf32> to vector<16x256xf32>
    %mul3A_103 = arith.mulf %slice3A_100, %mul3A_102 : vector<16x256xf32>
    %slice3A_104 = vector.extract_strided_slice %concatenate3A_35 {offsets = [272, 0], sizes = [16, 256], strides = [1, 1]} : vector<416x256xf32> to vector<16x256xf32>
    %slice3A_105 = vector.extract_strided_slice %transpose3A {offsets = [17, 0], sizes = [1, 256], strides = [1, 1]} : vector<32x256xf32> to vector<1x256xf32>
    %mul3A_106 = vector.broadcast %slice3A_105 : vector<1x256xf32> to vector<16x256xf32>
    %mul3A_107 = arith.mulf %slice3A_104, %mul3A_106 : vector<16x256xf32>
    %slice3A_108 = vector.extract_strided_slice %concatenate3A_35 {offsets = [288, 0], sizes = [16, 256], strides = [1, 1]} : vector<416x256xf32> to vector<16x256xf32>
    %slice3A_109 = vector.extract_strided_slice %transpose3A {offsets = [18, 0], sizes = [1, 256], strides = [1, 1]} : vector<32x256xf32> to vector<1x256xf32>
    %mul3A_110 = vector.broadcast %slice3A_109 : vector<1x256xf32> to vector<16x256xf32>
    %mul3A_111 = arith.mulf %slice3A_108, %mul3A_110 : vector<16x256xf32>
    %slice3A_112 = vector.extract_strided_slice %concatenate3A_35 {offsets = [304, 0], sizes = [16, 256], strides = [1, 1]} : vector<416x256xf32> to vector<16x256xf32>
    %slice3A_113 = vector.extract_strided_slice %transpose3A {offsets = [19, 0], sizes = [1, 256], strides = [1, 1]} : vector<32x256xf32> to vector<1x256xf32>
    %mul3A_114 = vector.broadcast %slice3A_113 : vector<1x256xf32> to vector<16x256xf32>
    %mul3A_115 = arith.mulf %slice3A_112, %mul3A_114 : vector<16x256xf32>
    %slice3A_116 = vector.extract_strided_slice %concatenate3A_35 {offsets = [320, 0], sizes = [16, 256], strides = [1, 1]} : vector<416x256xf32> to vector<16x256xf32>
    %slice3A_117 = vector.extract_strided_slice %transpose3A {offsets = [20, 0], sizes = [1, 256], strides = [1, 1]} : vector<32x256xf32> to vector<1x256xf32>
    %mul3A_118 = vector.broadcast %slice3A_117 : vector<1x256xf32> to vector<16x256xf32>
    %mul3A_119 = arith.mulf %slice3A_116, %mul3A_118 : vector<16x256xf32>
    %slice3A_120 = vector.extract_strided_slice %concatenate3A_35 {offsets = [336, 0], sizes = [16, 256], strides = [1, 1]} : vector<416x256xf32> to vector<16x256xf32>
    %slice3A_121 = vector.extract_strided_slice %transpose3A {offsets = [21, 0], sizes = [1, 256], strides = [1, 1]} : vector<32x256xf32> to vector<1x256xf32>
    %mul3A_122 = vector.broadcast %slice3A_121 : vector<1x256xf32> to vector<16x256xf32>
    %mul3A_123 = arith.mulf %slice3A_120, %mul3A_122 : vector<16x256xf32>
    %slice3A_124 = vector.extract_strided_slice %concatenate3A_35 {offsets = [352, 0], sizes = [16, 256], strides = [1, 1]} : vector<416x256xf32> to vector<16x256xf32>
    %slice3A_125 = vector.extract_strided_slice %transpose3A {offsets = [22, 0], sizes = [1, 256], strides = [1, 1]} : vector<32x256xf32> to vector<1x256xf32>
    %mul3A_126 = vector.broadcast %slice3A_125 : vector<1x256xf32> to vector<16x256xf32>
    %mul3A_127 = arith.mulf %slice3A_124, %mul3A_126 : vector<16x256xf32>
    %slice3A_128 = vector.extract_strided_slice %concatenate3A_35 {offsets = [368, 0], sizes = [16, 256], strides = [1, 1]} : vector<416x256xf32> to vector<16x256xf32>
    %slice3A_129 = vector.extract_strided_slice %transpose3A {offsets = [23, 0], sizes = [1, 256], strides = [1, 1]} : vector<32x256xf32> to vector<1x256xf32>
    %mul3A_130 = vector.broadcast %slice3A_129 : vector<1x256xf32> to vector<16x256xf32>
    %mul3A_131 = arith.mulf %slice3A_128, %mul3A_130 : vector<16x256xf32>
    %slice3A_132 = vector.extract_strided_slice %concatenate3A_35 {offsets = [384, 0], sizes = [16, 256], strides = [1, 1]} : vector<416x256xf32> to vector<16x256xf32>
    %slice3A_133 = vector.extract_strided_slice %transpose3A {offsets = [24, 0], sizes = [1, 256], strides = [1, 1]} : vector<32x256xf32> to vector<1x256xf32>
    %mul3A_134 = vector.broadcast %slice3A_133 : vector<1x256xf32> to vector<16x256xf32>
    %mul3A_135 = arith.mulf %slice3A_132, %mul3A_134 : vector<16x256xf32>
    %slice3A_136 = vector.extract_strided_slice %concatenate3A_35 {offsets = [400, 0], sizes = [16, 256], strides = [1, 1]} : vector<416x256xf32> to vector<16x256xf32>
    %slice3A_137 = vector.extract_strided_slice %transpose3A {offsets = [25, 0], sizes = [1, 256], strides = [1, 1]} : vector<32x256xf32> to vector<1x256xf32>
    %mul3A_138 = vector.broadcast %slice3A_137 : vector<1x256xf32> to vector<16x256xf32>
    %mul3A_139 = arith.mulf %slice3A_136, %mul3A_138 : vector<16x256xf32>
    %concatenate3A_140 = tpu.concatenate %mul3A_39, %mul3A_43, %mul3A_47, %mul3A_51, %mul3A_55, %mul3A_59, %mul3A_63, %mul3A_67, %mul3A_71, %mul3A_75, %mul3A_79, %mul3A_83, %mul3A_87, %mul3A_91, %mul3A_95, %mul3A_99, %mul3A_103, %mul3A_107, %mul3A_111, %mul3A_115, %mul3A_119, %mul3A_123, %mul3A_127, %mul3A_131, %mul3A_135, %mul3A_139 in 0 : vector<16x256xf32>, vector<16x256xf32>, vector<16x256xf32>, vector<16x256xf32>, vector<16x256xf32>, vector<16x256xf32>, vector<16x256xf32>, vector<16x256xf32>, vector<16x256xf32>, vector<16x256xf32>, vector<16x256xf32>, vector<16x256xf32>, vector<16x256xf32>, vector<16x256xf32>, vector<16x256xf32>, vector<16x256xf32>, vector<16x256xf32>, vector<16x256xf32>, vector<16x256xf32>, vector<16x256xf32>, vector<16x256xf32>, vector<16x256xf32>, vector<16x256xf32>, vector<16x256xf32>, vector<16x256xf32>, vector<16x256xf32> -> vector<416x256xf32>
    %broadcast_in_dim3A_141 = arith.constant 0.000000e+00 : f32
    %broadcast_in_dim3A_142 = vector.broadcast %broadcast_in_dim3A_141 : f32 to vector<1x256xf32>
    %broadcast_in_dim3A_143 = arith.constant 0.000000e+00 : f32
    %broadcast_in_dim3A_144 = vector.broadcast %broadcast_in_dim3A_143 : f32 to vector<1x256xf32>
    %slice3A_145 = vector.extract_strided_slice %concatenate3A_140 {offsets = [0, 0], sizes = [16, 256], strides = [1, 1]} : vector<416x256xf32> to vector<16x256xf32>
    %mul3A_146 = vector.broadcast %broadcast_in_dim3A : vector<16x1xf32> to vector<16x256xf32>
    %mul3A_147 = arith.mulf %slice3A_145, %mul3A_146 : vector<16x256xf32>
    %mul3A_148 = vector.broadcast %get3A_9 : vector<16x1xf32> to vector<16x256xf32>
    %mul3A_149 = arith.mulf %slice3A_145, %mul3A_148 : vector<16x256xf32>
    %slice3A_150 = vector.extract_strided_slice %concatenate3A_140 {offsets = [16, 0], sizes = [400, 256], strides = [1, 1]} : vector<416x256xf32> to vector<400x256xf32>
    %tile3A = tpu.concatenate %mul3A_147, %mul3A_147, %mul3A_147, %mul3A_147, %mul3A_147, %mul3A_147, %mul3A_147, %mul3A_147, %mul3A_147, %mul3A_147, %mul3A_147, %mul3A_147, %mul3A_147, %mul3A_147, %mul3A_147, %mul3A_147, %mul3A_147, %mul3A_147, %mul3A_147, %mul3A_147, %mul3A_147, %mul3A_147, %mul3A_147, %mul3A_147, %mul3A_147 in 0 : vector<16x256xf32>, vector<16x256xf32>, vector<16x256xf32>, vector<16x256xf32>, vector<16x256xf32>, vector<16x256xf32>, vector<16x256xf32>, vector<16x256xf32>, vector<16x256xf32>, vector<16x256xf32>, vector<16x256xf32>, vector<16x256xf32>, vector<16x256xf32>, vector<16x256xf32>, vector<16x256xf32>, vector<16x256xf32>, vector<16x256xf32>, vector<16x256xf32>, vector<16x256xf32>, vector<16x256xf32>, vector<16x256xf32>, vector<16x256xf32>, vector<16x256xf32>, vector<16x256xf32>, vector<16x256xf32> -> vector<400x256xf32>
    %mul3A_151 = arith.mulf %slice3A_150, %tile3A : vector<400x256xf32>
    %reshape3A = vector.shape_cast %mul3A_151 : vector<400x256xf32> to vector<25x16x256xf32>
    %reduce_sum3A_152 = arith.constant dense<0.000000e+00> : vector<25x256xf32>
    %reduce_sum3A_153 = vector.multi_reduction <add>, %reshape3A, %reduce_sum3A_152 [1] : vector<25x16x256xf32> to vector<25x256xf32>
    %tile3A_154 = tpu.concatenate %mul3A_149, %mul3A_149, %mul3A_149, %mul3A_149, %mul3A_149, %mul3A_149, %mul3A_149, %mul3A_149, %mul3A_149, %mul3A_149, %mul3A_149, %mul3A_149, %mul3A_149, %mul3A_149, %mul3A_149, %mul3A_149, %mul3A_149, %mul3A_149, %mul3A_149, %mul3A_149, %mul3A_149, %mul3A_149, %mul3A_149, %mul3A_149, %mul3A_149 in 0 : vector<16x256xf32>, vector<16x256xf32>, vector<16x256xf32>, vector<16x256xf32>, vector<16x256xf32>, vector<16x256xf32>, vector<16x256xf32>, vector<16x256xf32>, vector<16x256xf32>, vector<16x256xf32>, vector<16x256xf32>, vector<16x256xf32>, vector<16x256xf32>, vector<16x256xf32>, vector<16x256xf32>, vector<16x256xf32>, vector<16x256xf32>, vector<16x256xf32>, vector<16x256xf32>, vector<16x256xf32>, vector<16x256xf32>, vector<16x256xf32>, vector<16x256xf32>, vector<16x256xf32>, vector<16x256xf32> -> vector<400x256xf32>
    %mul3A_155 = arith.mulf %slice3A_150, %tile3A_154 : vector<400x256xf32>
    %reshape3A_156 = vector.shape_cast %mul3A_155 : vector<400x256xf32> to vector<25x16x256xf32>
    %reduce_sum3A_157 = arith.constant dense<0.000000e+00> : vector<25x256xf32>
    %reduce_sum3A_158 = vector.multi_reduction <add>, %reshape3A_156, %reduce_sum3A_157 [1] : vector<25x16x256xf32> to vector<25x256xf32>
    %exp3A = math.exp %reduce_sum3A_153 : vector<25x256xf32>
    %reduce_sum3A_159 = arith.constant dense<0.000000e+00> : vector<256xf32>
    %reduce_sum3A_160 = vector.multi_reduction <add>, %exp3A, %reduce_sum3A_159 [0] : vector<25x256xf32> to vector<256xf32>
    %broadcast_in_dim3A_161 = vector.shape_cast %reduce_sum3A_160 : vector<256xf32> to vector<1x256xf32>
    %add3A = arith.addf %broadcast_in_dim3A_144, %broadcast_in_dim3A_161 : vector<1x256xf32>
    %mul3A_162 = arith.mulf %reduce_sum3A_158, %exp3A : vector<25x256xf32>
    %reduce_sum3A_163 = arith.constant dense<0.000000e+00> : vector<256xf32>
    %reduce_sum3A_164 = vector.multi_reduction <add>, %mul3A_162, %reduce_sum3A_163 [0] : vector<25x256xf32> to vector<256xf32>
    %broadcast_in_dim3A_165 = vector.shape_cast %reduce_sum3A_164 : vector<256xf32> to vector<1x256xf32>
    %add3A_166 = arith.addf %broadcast_in_dim3A_142, %broadcast_in_dim3A_165 : vector<1x256xf32>
    %slice3A_167 = vector.extract_strided_slice %concatenate3A_140 {offsets = [16, 0], sizes = [16, 256], strides = [1, 1]} : vector<416x256xf32> to vector<16x256xf32>
    %mul3A_168 = vector.broadcast %broadcast_in_dim3A : vector<16x1xf32> to vector<16x256xf32>
    %mul3A_169 = arith.mulf %slice3A_167, %mul3A_168 : vector<16x256xf32>
    %mul3A_170 = vector.broadcast %get3A_9 : vector<16x1xf32> to vector<16x256xf32>
    %mul3A_171 = arith.mulf %slice3A_167, %mul3A_170 : vector<16x256xf32>
    %slice3A_172 = vector.extract_strided_slice %concatenate3A_140 {offsets = [32, 0], sizes = [384, 256], strides = [1, 1]} : vector<416x256xf32> to vector<384x256xf32>
    %tile3A_173 = tpu.concatenate %mul3A_169, %mul3A_169, %mul3A_169, %mul3A_169, %mul3A_169, %mul3A_169, %mul3A_169, %mul3A_169, %mul3A_169, %mul3A_169, %mul3A_169, %mul3A_169, %mul3A_169, %mul3A_169, %mul3A_169, %mul3A_169, %mul3A_169, %mul3A_169, %mul3A_169, %mul3A_169, %mul3A_169, %mul3A_169, %mul3A_169, %mul3A_169 in 0 : vector<16x256xf32>, vector<16x256xf32>, vector<16x256xf32>, vector<16x256xf32>, vector<16x256xf32>, vector<16x256xf32>, vector<16x256xf32>, vector<16x256xf32>, vector<16x256xf32>, vector<16x256xf32>, vector<16x256xf32>, vector<16x256xf32>, vector<16x256xf32>, vector<16x256xf32>, vector<16x256xf32>, vector<16x256xf32>, vector<16x256xf32>, vector<16x256xf32>, vector<16x256xf32>, vector<16x256xf32>, vector<16x256xf32>, vector<16x256xf32>, vector<16x256xf32>, vector<16x256xf32> -> vector<384x256xf32>
    %mul3A_174 = arith.mulf %slice3A_172, %tile3A_173 : vector<384x256xf32>
    %reshape3A_175 = vector.shape_cast %mul3A_174 : vector<384x256xf32> to vector<24x16x256xf32>
    %reduce_sum3A_176 = arith.constant dense<0.000000e+00> : vector<24x256xf32>
    %reduce_sum3A_177 = vector.multi_reduction <add>, %reshape3A_175, %reduce_sum3A_176 [1] : vector<24x16x256xf32> to vector<24x256xf32>
    %tile3A_178 = tpu.concatenate %mul3A_171, %mul3A_171, %mul3A_171, %mul3A_171, %mul3A_171, %mul3A_171, %mul3A_171, %mul3A_171, %mul3A_171, %mul3A_171, %mul3A_171, %mul3A_171, %mul3A_171, %mul3A_171, %mul3A_171, %mul3A_171, %mul3A_171, %mul3A_171, %mul3A_171, %mul3A_171, %mul3A_171, %mul3A_171, %mul3A_171, %mul3A_171 in 0 : vector<16x256xf32>, vector<16x256xf32>, vector<16x256xf32>, vector<16x256xf32>, vector<16x256xf32>, vector<16x256xf32>, vector<16x256xf32>, vector<16x256xf32>, vector<16x256xf32>, vector<16x256xf32>, vector<16x256xf32>, vector<16x256xf32>, vector<16x256xf32>, vector<16x256xf32>, vector<16x256xf32>, vector<16x256xf32>, vector<16x256xf32>, vector<16x256xf32>, vector<16x256xf32>, vector<16x256xf32>, vector<16x256xf32>, vector<16x256xf32>, vector<16x256xf32>, vector<16x256xf32> -> vector<384x256xf32>
    %mul3A_179 = arith.mulf %slice3A_172, %tile3A_178 : vector<384x256xf32>
    %reshape3A_180 = vector.shape_cast %mul3A_179 : vector<384x256xf32> to vector<24x16x256xf32>
    %reduce_sum3A_181 = arith.constant dense<0.000000e+00> : vector<24x256xf32>
    %reduce_sum3A_182 = vector.multi_reduction <add>, %reshape3A_180, %reduce_sum3A_181 [1] : vector<24x16x256xf32> to vector<24x256xf32>
    %exp3A_183 = math.exp %reduce_sum3A_177 : vector<24x256xf32>
    %reduce_sum3A_184 = arith.constant dense<0.000000e+00> : vector<256xf32>
    %reduce_sum3A_185 = vector.multi_reduction <add>, %exp3A_183, %reduce_sum3A_184 [0] : vector<24x256xf32> to vector<256xf32>
    %broadcast_in_dim3A_186 = vector.shape_cast %reduce_sum3A_185 : vector<256xf32> to vector<1x256xf32>
    %add3A_187 = arith.addf %add3A, %broadcast_in_dim3A_186 : vector<1x256xf32>
    %mul3A_188 = arith.mulf %reduce_sum3A_182, %exp3A_183 : vector<24x256xf32>
    %reduce_sum3A_189 = arith.constant dense<0.000000e+00> : vector<256xf32>
    %reduce_sum3A_190 = vector.multi_reduction <add>, %mul3A_188, %reduce_sum3A_189 [0] : vector<24x256xf32> to vector<256xf32>
    %broadcast_in_dim3A_191 = vector.shape_cast %reduce_sum3A_190 : vector<256xf32> to vector<1x256xf32>
    %add3A_192 = arith.addf %add3A_166, %broadcast_in_dim3A_191 : vector<1x256xf32>
    %slice3A_193 = vector.extract_strided_slice %concatenate3A_140 {offsets = [32, 0], sizes = [16, 256], strides = [1, 1]} : vector<416x256xf32> to vector<16x256xf32>
    %mul3A_194 = vector.broadcast %broadcast_in_dim3A : vector<16x1xf32> to vector<16x256xf32>
    %mul3A_195 = arith.mulf %slice3A_193, %mul3A_194 : vector<16x256xf32>
    %mul3A_196 = vector.broadcast %get3A_9 : vector<16x1xf32> to vector<16x256xf32>
    %mul3A_197 = arith.mulf %slice3A_193, %mul3A_196 : vector<16x256xf32>
    %slice3A_198 = vector.extract_strided_slice %concatenate3A_140 {offsets = [48, 0], sizes = [368, 256], strides = [1, 1]} : vector<416x256xf32> to vector<368x256xf32>
    %tile3A_199 = tpu.concatenate %mul3A_195, %mul3A_195, %mul3A_195, %mul3A_195, %mul3A_195, %mul3A_195, %mul3A_195, %mul3A_195, %mul3A_195, %mul3A_195, %mul3A_195, %mul3A_195, %mul3A_195, %mul3A_195, %mul3A_195, %mul3A_195, %mul3A_195, %mul3A_195, %mul3A_195, %mul3A_195, %mul3A_195, %mul3A_195, %mul3A_195 in 0 : vector<16x256xf32>, vector<16x256xf32>, vector<16x256xf32>, vector<16x256xf32>, vector<16x256xf32>, vector<16x256xf32>, vector<16x256xf32>, vector<16x256xf32>, vector<16x256xf32>, vector<16x256xf32>, vector<16x256xf32>, vector<16x256xf32>, vector<16x256xf32>, vector<16x256xf32>, vector<16x256xf32>, vector<16x256xf32>, vector<16x256xf32>, vector<16x256xf32>, vector<16x256xf32>, vector<16x256xf32>, vector<16x256xf32>, vector<16x256xf32>, vector<16x256xf32> -> vector<368x256xf32>
    %mul3A_200 = arith.mulf %slice3A_198, %tile3A_199 : vector<368x256xf32>
    %reshape3A_201 = vector.shape_cast %mul3A_200 : vector<368x256xf32> to vector<23x16x256xf32>
    %reduce_sum3A_202 = arith.constant dense<0.000000e+00> : vector<23x256xf32>
    %reduce_sum3A_203 = vector.multi_reduction <add>, %reshape3A_201, %reduce_sum3A_202 [1] : vector<23x16x256xf32> to vector<23x256xf32>
    %tile3A_204 = tpu.concatenate %mul3A_197, %mul3A_197, %mul3A_197, %mul3A_197, %mul3A_197, %mul3A_197, %mul3A_197, %mul3A_197, %mul3A_197, %mul3A_197, %mul3A_197, %mul3A_197, %mul3A_197, %mul3A_197, %mul3A_197, %mul3A_197, %mul3A_197, %mul3A_197, %mul3A_197, %mul3A_197, %mul3A_197, %mul3A_197, %mul3A_197 in 0 : vector<16x256xf32>, vector<16x256xf32>, vector<16x256xf32>, vector<16x256xf32>, vector<16x256xf32>, vector<16x256xf32>, vector<16x256xf32>, vector<16x256xf32>, vector<16x256xf32>, vector<16x256xf32>, vector<16x256xf32>, vector<16x256xf32>, vector<16x256xf32>, vector<16x256xf32>, vector<16x256xf32>, vector<16x256xf32>, vector<16x256xf32>, vector<16x256xf32>, vector<16x256xf32>, vector<16x256xf32>, vector<16x256xf32>, vector<16x256xf32>, vector<16x256xf32> -> vector<368x256xf32>
    %mul3A_205 = arith.mulf %slice3A_198, %tile3A_204 : vector<368x256xf32>
    %reshape3A_206 = vector.shape_cast %mul3A_205 : vector<368x256xf32> to vector<23x16x256xf32>
    %reduce_sum3A_207 = arith.constant dense<0.000000e+00> : vector<23x256xf32>
    %reduce_sum3A_208 = vector.multi_reduction <add>, %reshape3A_206, %reduce_sum3A_207 [1] : vector<23x16x256xf32> to vector<23x256xf32>
    %exp3A_209 = math.exp %reduce_sum3A_203 : vector<23x256xf32>
    %reduce_sum3A_210 = arith.constant dense<0.000000e+00> : vector<256xf32>
    %reduce_sum3A_211 = vector.multi_reduction <add>, %exp3A_209, %reduce_sum3A_210 [0] : vector<23x256xf32> to vector<256xf32>
    %broadcast_in_dim3A_212 = vector.shape_cast %reduce_sum3A_211 : vector<256xf32> to vector<1x256xf32>
    %add3A_213 = arith.addf %add3A_187, %broadcast_in_dim3A_212 : vector<1x256xf32>
    %mul3A_214 = arith.mulf %reduce_sum3A_208, %exp3A_209 : vector<23x256xf32>
    %reduce_sum3A_215 = arith.constant dense<0.000000e+00> : vector<256xf32>
    %reduce_sum3A_216 = vector.multi_reduction <add>, %mul3A_214, %reduce_sum3A_215 [0] : vector<23x256xf32> to vector<256xf32>
    %broadcast_in_dim3A_217 = vector.shape_cast %reduce_sum3A_216 : vector<256xf32> to vector<1x256xf32>
    %add3A_218 = arith.addf %add3A_192, %broadcast_in_dim3A_217 : vector<1x256xf32>
    %slice3A_219 = vector.extract_strided_slice %concatenate3A_140 {offsets = [48, 0], sizes = [16, 256], strides = [1, 1]} : vector<416x256xf32> to vector<16x256xf32>
    %mul3A_220 = vector.broadcast %broadcast_in_dim3A : vector<16x1xf32> to vector<16x256xf32>
    %mul3A_221 = arith.mulf %slice3A_219, %mul3A_220 : vector<16x256xf32>
    %mul3A_222 = vector.broadcast %get3A_9 : vector<16x1xf32> to vector<16x256xf32>
    %mul3A_223 = arith.mulf %slice3A_219, %mul3A_222 : vector<16x256xf32>
    %slice3A_224 = vector.extract_strided_slice %concatenate3A_140 {offsets = [64, 0], sizes = [352, 256], strides = [1, 1]} : vector<416x256xf32> to vector<352x256xf32>
    %tile3A_225 = tpu.concatenate %mul3A_221, %mul3A_221, %mul3A_221, %mul3A_221, %mul3A_221, %mul3A_221, %mul3A_221, %mul3A_221, %mul3A_221, %mul3A_221, %mul3A_221, %mul3A_221, %mul3A_221, %mul3A_221, %mul3A_221, %mul3A_221, %mul3A_221, %mul3A_221, %mul3A_221, %mul3A_221, %mul3A_221, %mul3A_221 in 0 : vector<16x256xf32>, vector<16x256xf32>, vector<16x256xf32>, vector<16x256xf32>, vector<16x256xf32>, vector<16x256xf32>, vector<16x256xf32>, vector<16x256xf32>, vector<16x256xf32>, vector<16x256xf32>, vector<16x256xf32>, vector<16x256xf32>, vector<16x256xf32>, vector<16x256xf32>, vector<16x256xf32>, vector<16x256xf32>, vector<16x256xf32>, vector<16x256xf32>, vector<16x256xf32>, vector<16x256xf32>, vector<16x256xf32>, vector<16x256xf32> -> vector<352x256xf32>
    %mul3A_226 = arith.mulf %slice3A_224, %tile3A_225 : vector<352x256xf32>
    %reshape3A_227 = vector.shape_cast %mul3A_226 : vector<352x256xf32> to vector<22x16x256xf32>
    %reduce_sum3A_228 = arith.constant dense<0.000000e+00> : vector<22x256xf32>
    %reduce_sum3A_229 = vector.multi_reduction <add>, %reshape3A_227, %reduce_sum3A_228 [1] : vector<22x16x256xf32> to vector<22x256xf32>
    %tile3A_230 = tpu.concatenate %mul3A_223, %mul3A_223, %mul3A_223, %mul3A_223, %mul3A_223, %mul3A_223, %mul3A_223, %mul3A_223, %mul3A_223, %mul3A_223, %mul3A_223, %mul3A_223, %mul3A_223, %mul3A_223, %mul3A_223, %mul3A_223, %mul3A_223, %mul3A_223, %mul3A_223, %mul3A_223, %mul3A_223, %mul3A_223 in 0 : vector<16x256xf32>, vector<16x256xf32>, vector<16x256xf32>, vector<16x256xf32>, vector<16x256xf32>, vector<16x256xf32>, vector<16x256xf32>, vector<16x256xf32>, vector<16x256xf32>, vector<16x256xf32>, vector<16x256xf32>, vector<16x256xf32>, vector<16x256xf32>, vector<16x256xf32>, vector<16x256xf32>, vector<16x256xf32>, vector<16x256xf32>, vector<16x256xf32>, vector<16x256xf32>, vector<16x256xf32>, vector<16x256xf32>, vector<16x256xf32> -> vector<352x256xf32>
    %mul3A_231 = arith.mulf %slice3A_224, %tile3A_230 : vector<352x256xf32>
    %reshape3A_232 = vector.shape_cast %mul3A_231 : vector<352x256xf32> to vector<22x16x256xf32>
    %reduce_sum3A_233 = arith.constant dense<0.000000e+00> : vector<22x256xf32>
    %reduce_sum3A_234 = vector.multi_reduction <add>, %reshape3A_232, %reduce_sum3A_233 [1] : vector<22x16x256xf32> to vector<22x256xf32>
    %exp3A_235 = math.exp %reduce_sum3A_229 : vector<22x256xf32>
    %reduce_sum3A_236 = arith.constant dense<0.000000e+00> : vector<256xf32>
    %reduce_sum3A_237 = vector.multi_reduction <add>, %exp3A_235, %reduce_sum3A_236 [0] : vector<22x256xf32> to vector<256xf32>
    %broadcast_in_dim3A_238 = vector.shape_cast %reduce_sum3A_237 : vector<256xf32> to vector<1x256xf32>
    %add3A_239 = arith.addf %add3A_213, %broadcast_in_dim3A_238 : vector<1x256xf32>
    %mul3A_240 = arith.mulf %reduce_sum3A_234, %exp3A_235 : vector<22x256xf32>
    %reduce_sum3A_241 = arith.constant dense<0.000000e+00> : vector<256xf32>
    %reduce_sum3A_242 = vector.multi_reduction <add>, %mul3A_240, %reduce_sum3A_241 [0] : vector<22x256xf32> to vector<256xf32>
    %broadcast_in_dim3A_243 = vector.shape_cast %reduce_sum3A_242 : vector<256xf32> to vector<1x256xf32>
    %add3A_244 = arith.addf %add3A_218, %broadcast_in_dim3A_243 : vector<1x256xf32>
    %slice3A_245 = vector.extract_strided_slice %concatenate3A_140 {offsets = [64, 0], sizes = [16, 256], strides = [1, 1]} : vector<416x256xf32> to vector<16x256xf32>
    %mul3A_246 = vector.broadcast %broadcast_in_dim3A : vector<16x1xf32> to vector<16x256xf32>
    %mul3A_247 = arith.mulf %slice3A_245, %mul3A_246 : vector<16x256xf32>
    %mul3A_248 = vector.broadcast %get3A_9 : vector<16x1xf32> to vector<16x256xf32>
    %mul3A_249 = arith.mulf %slice3A_245, %mul3A_248 : vector<16x256xf32>
    %slice3A_250 = vector.extract_strided_slice %concatenate3A_140 {offsets = [80, 0], sizes = [336, 256], strides = [1, 1]} : vector<416x256xf32> to vector<336x256xf32>
    %tile3A_251 = tpu.concatenate %mul3A_247, %mul3A_247, %mul3A_247, %mul3A_247, %mul3A_247, %mul3A_247, %mul3A_247, %mul3A_247, %mul3A_247, %mul3A_247, %mul3A_247, %mul3A_247, %mul3A_247, %mul3A_247, %mul3A_247, %mul3A_247, %mul3A_247, %mul3A_247, %mul3A_247, %mul3A_247, %mul3A_247 in 0 : vector<16x256xf32>, vector<16x256xf32>, vector<16x256xf32>, vector<16x256xf32>, vector<16x256xf32>, vector<16x256xf32>, vector<16x256xf32>, vector<16x256xf32>, vector<16x256xf32>, vector<16x256xf32>, vector<16x256xf32>, vector<16x256xf32>, vector<16x256xf32>, vector<16x256xf32>, vector<16x256xf32>, vector<16x256xf32>, vector<16x256xf32>, vector<16x256xf32>, vector<16x256xf32>, vector<16x256xf32>, vector<16x256xf32> -> vector<336x256xf32>
    %mul3A_252 = arith.mulf %slice3A_250, %tile3A_251 : vector<336x256xf32>
    %reshape3A_253 = vector.shape_cast %mul3A_252 : vector<336x256xf32> to vector<21x16x256xf32>
    %reduce_sum3A_254 = arith.constant dense<0.000000e+00> : vector<21x256xf32>
    %reduce_sum3A_255 = vector.multi_reduction <add>, %reshape3A_253, %reduce_sum3A_254 [1] : vector<21x16x256xf32> to vector<21x256xf32>
    %tile3A_256 = tpu.concatenate %mul3A_249, %mul3A_249, %mul3A_249, %mul3A_249, %mul3A_249, %mul3A_249, %mul3A_249, %mul3A_249, %mul3A_249, %mul3A_249, %mul3A_249, %mul3A_249, %mul3A_249, %mul3A_249, %mul3A_249, %mul3A_249, %mul3A_249, %mul3A_249, %mul3A_249, %mul3A_249, %mul3A_249 in 0 : vector<16x256xf32>, vector<16x256xf32>, vector<16x256xf32>, vector<16x256xf32>, vector<16x256xf32>, vector<16x256xf32>, vector<16x256xf32>, vector<16x256xf32>, vector<16x256xf32>, vector<16x256xf32>, vector<16x256xf32>, vector<16x256xf32>, vector<16x256xf32>, vector<16x256xf32>, vector<16x256xf32>, vector<16x256xf32>, vector<16x256xf32>, vector<16x256xf32>, vector<16x256xf32>, vector<16x256xf32>, vector<16x256xf32> -> vector<336x256xf32>
    %mul3A_257 = arith.mulf %slice3A_250, %tile3A_256 : vector<336x256xf32>
    %reshape3A_258 = vector.shape_cast %mul3A_257 : vector<336x256xf32> to vector<21x16x256xf32>
    %reduce_sum3A_259 = arith.constant dense<0.000000e+00> : vector<21x256xf32>
    %reduce_sum3A_260 = vector.multi_reduction <add>, %reshape3A_258, %reduce_sum3A_259 [1] : vector<21x16x256xf32> to vector<21x256xf32>
    %exp3A_261 = math.exp %reduce_sum3A_255 : vector<21x256xf32>
    %reduce_sum3A_262 = arith.constant dense<0.000000e+00> : vector<256xf32>
    %reduce_sum3A_263 = vector.multi_reduction <add>, %exp3A_261, %reduce_sum3A_262 [0] : vector<21x256xf32> to vector<256xf32>
    %broadcast_in_dim3A_264 = vector.shape_cast %reduce_sum3A_263 : vector<256xf32> to vector<1x256xf32>
    %add3A_265 = arith.addf %add3A_239, %broadcast_in_dim3A_264 : vector<1x256xf32>
    %mul3A_266 = arith.mulf %reduce_sum3A_260, %exp3A_261 : vector<21x256xf32>
    %reduce_sum3A_267 = arith.constant dense<0.000000e+00> : vector<256xf32>
    %reduce_sum3A_268 = vector.multi_reduction <add>, %mul3A_266, %reduce_sum3A_267 [0] : vector<21x256xf32> to vector<256xf32>
    %broadcast_in_dim3A_269 = vector.shape_cast %reduce_sum3A_268 : vector<256xf32> to vector<1x256xf32>
    %add3A_270 = arith.addf %add3A_244, %broadcast_in_dim3A_269 : vector<1x256xf32>
    %slice3A_271 = vector.extract_strided_slice %concatenate3A_140 {offsets = [80, 0], sizes = [16, 256], strides = [1, 1]} : vector<416x256xf32> to vector<16x256xf32>
    %mul3A_272 = vector.broadcast %broadcast_in_dim3A : vector<16x1xf32> to vector<16x256xf32>
    %mul3A_273 = arith.mulf %slice3A_271, %mul3A_272 : vector<16x256xf32>
    %mul3A_274 = vector.broadcast %get3A_9 : vector<16x1xf32> to vector<16x256xf32>
    %mul3A_275 = arith.mulf %slice3A_271, %mul3A_274 : vector<16x256xf32>
    %slice3A_276 = vector.extract_strided_slice %concatenate3A_140 {offsets = [96, 0], sizes = [320, 256], strides = [1, 1]} : vector<416x256xf32> to vector<320x256xf32>
    %tile3A_277 = tpu.concatenate %mul3A_273, %mul3A_273, %mul3A_273, %mul3A_273, %mul3A_273, %mul3A_273, %mul3A_273, %mul3A_273, %mul3A_273, %mul3A_273, %mul3A_273, %mul3A_273, %mul3A_273, %mul3A_273, %mul3A_273, %mul3A_273, %mul3A_273, %mul3A_273, %mul3A_273, %mul3A_273 in 0 : vector<16x256xf32>, vector<16x256xf32>, vector<16x256xf32>, vector<16x256xf32>, vector<16x256xf32>, vector<16x256xf32>, vector<16x256xf32>, vector<16x256xf32>, vector<16x256xf32>, vector<16x256xf32>, vector<16x256xf32>, vector<16x256xf32>, vector<16x256xf32>, vector<16x256xf32>, vector<16x256xf32>, vector<16x256xf32>, vector<16x256xf32>, vector<16x256xf32>, vector<16x256xf32>, vector<16x256xf32> -> vector<320x256xf32>
    %mul3A_278 = arith.mulf %slice3A_276, %tile3A_277 : vector<320x256xf32>
    %reshape3A_279 = vector.shape_cast %mul3A_278 : vector<320x256xf32> to vector<20x16x256xf32>
    %reduce_sum3A_280 = arith.constant dense<0.000000e+00> : vector<20x256xf32>
    %reduce_sum3A_281 = vector.multi_reduction <add>, %reshape3A_279, %reduce_sum3A_280 [1] : vector<20x16x256xf32> to vector<20x256xf32>
    %tile3A_282 = tpu.concatenate %mul3A_275, %mul3A_275, %mul3A_275, %mul3A_275, %mul3A_275, %mul3A_275, %mul3A_275, %mul3A_275, %mul3A_275, %mul3A_275, %mul3A_275, %mul3A_275, %mul3A_275, %mul3A_275, %mul3A_275, %mul3A_275, %mul3A_275, %mul3A_275, %mul3A_275, %mul3A_275 in 0 : vector<16x256xf32>, vector<16x256xf32>, vector<16x256xf32>, vector<16x256xf32>, vector<16x256xf32>, vector<16x256xf32>, vector<16x256xf32>, vector<16x256xf32>, vector<16x256xf32>, vector<16x256xf32>, vector<16x256xf32>, vector<16x256xf32>, vector<16x256xf32>, vector<16x256xf32>, vector<16x256xf32>, vector<16x256xf32>, vector<16x256xf32>, vector<16x256xf32>, vector<16x256xf32>, vector<16x256xf32> -> vector<320x256xf32>
    %mul3A_283 = arith.mulf %slice3A_276, %tile3A_282 : vector<320x256xf32>
    %reshape3A_284 = vector.shape_cast %mul3A_283 : vector<320x256xf32> to vector<20x16x256xf32>
    %reduce_sum3A_285 = arith.constant dense<0.000000e+00> : vector<20x256xf32>
    %reduce_sum3A_286 = vector.multi_reduction <add>, %reshape3A_284, %reduce_sum3A_285 [1] : vector<20x16x256xf32> to vector<20x256xf32>
    %exp3A_287 = math.exp %reduce_sum3A_281 : vector<20x256xf32>
    %reduce_sum3A_288 = arith.constant dense<0.000000e+00> : vector<256xf32>
    %reduce_sum3A_289 = vector.multi_reduction <add>, %exp3A_287, %reduce_sum3A_288 [0] : vector<20x256xf32> to vector<256xf32>
    %broadcast_in_dim3A_290 = vector.shape_cast %reduce_sum3A_289 : vector<256xf32> to vector<1x256xf32>
    %add3A_291 = arith.addf %add3A_265, %broadcast_in_dim3A_290 : vector<1x256xf32>
    %mul3A_292 = arith.mulf %reduce_sum3A_286, %exp3A_287 : vector<20x256xf32>
    %reduce_sum3A_293 = arith.constant dense<0.000000e+00> : vector<256xf32>
    %reduce_sum3A_294 = vector.multi_reduction <add>, %mul3A_292, %reduce_sum3A_293 [0] : vector<20x256xf32> to vector<256xf32>
    %broadcast_in_dim3A_295 = vector.shape_cast %reduce_sum3A_294 : vector<256xf32> to vector<1x256xf32>
    %add3A_296 = arith.addf %add3A_270, %broadcast_in_dim3A_295 : vector<1x256xf32>
    %slice3A_297 = vector.extract_strided_slice %concatenate3A_140 {offsets = [96, 0], sizes = [16, 256], strides = [1, 1]} : vector<416x256xf32> to vector<16x256xf32>
    %mul3A_298 = vector.broadcast %broadcast_in_dim3A : vector<16x1xf32> to vector<16x256xf32>
    %mul3A_299 = arith.mulf %slice3A_297, %mul3A_298 : vector<16x256xf32>
    %mul3A_300 = vector.broadcast %get3A_9 : vector<16x1xf32> to vector<16x256xf32>
    %mul3A_301 = arith.mulf %slice3A_297, %mul3A_300 : vector<16x256xf32>
    %slice3A_302 = vector.extract_strided_slice %concatenate3A_140 {offsets = [112, 0], sizes = [304, 256], strides = [1, 1]} : vector<416x256xf32> to vector<304x256xf32>
    %tile3A_303 = tpu.concatenate %mul3A_299, %mul3A_299, %mul3A_299, %mul3A_299, %mul3A_299, %mul3A_299, %mul3A_299, %mul3A_299, %mul3A_299, %mul3A_299, %mul3A_299, %mul3A_299, %mul3A_299, %mul3A_299, %mul3A_299, %mul3A_299, %mul3A_299, %mul3A_299, %mul3A_299 in 0 : vector<16x256xf32>, vector<16x256xf32>, vector<16x256xf32>, vector<16x256xf32>, vector<16x256xf32>, vector<16x256xf32>, vector<16x256xf32>, vector<16x256xf32>, vector<16x256xf32>, vector<16x256xf32>, vector<16x256xf32>, vector<16x256xf32>, vector<16x256xf32>, vector<16x256xf32>, vector<16x256xf32>, vector<16x256xf32>, vector<16x256xf32>, vector<16x256xf32>, vector<16x256xf32> -> vector<304x256xf32>
    %mul3A_304 = arith.mulf %slice3A_302, %tile3A_303 : vector<304x256xf32>
    %reshape3A_305 = vector.shape_cast %mul3A_304 : vector<304x256xf32> to vector<19x16x256xf32>
    %reduce_sum3A_306 = arith.constant dense<0.000000e+00> : vector<19x256xf32>
    %reduce_sum3A_307 = vector.multi_reduction <add>, %reshape3A_305, %reduce_sum3A_306 [1] : vector<19x16x256xf32> to vector<19x256xf32>
    %tile3A_308 = tpu.concatenate %mul3A_301, %mul3A_301, %mul3A_301, %mul3A_301, %mul3A_301, %mul3A_301, %mul3A_301, %mul3A_301, %mul3A_301, %mul3A_301, %mul3A_301, %mul3A_301, %mul3A_301, %mul3A_301, %mul3A_301, %mul3A_301, %mul3A_301, %mul3A_301, %mul3A_301 in 0 : vector<16x256xf32>, vector<16x256xf32>, vector<16x256xf32>, vector<16x256xf32>, vector<16x256xf32>, vector<16x256xf32>, vector<16x256xf32>, vector<16x256xf32>, vector<16x256xf32>, vector<16x256xf32>, vector<16x256xf32>, vector<16x256xf32>, vector<16x256xf32>, vector<16x256xf32>, vector<16x256xf32>, vector<16x256xf32>, vector<16x256xf32>, vector<16x256xf32>, vector<16x256xf32> -> vector<304x256xf32>
    %mul3A_309 = arith.mulf %slice3A_302, %tile3A_308 : vector<304x256xf32>
    %reshape3A_310 = vector.shape_cast %mul3A_309 : vector<304x256xf32> to vector<19x16x256xf32>
    %reduce_sum3A_311 = arith.constant dense<0.000000e+00> : vector<19x256xf32>
    %reduce_sum3A_312 = vector.multi_reduction <add>, %reshape3A_310, %reduce_sum3A_311 [1] : vector<19x16x256xf32> to vector<19x256xf32>
    %exp3A_313 = math.exp %reduce_sum3A_307 : vector<19x256xf32>
    %reduce_sum3A_314 = arith.constant dense<0.000000e+00> : vector<256xf32>
    %reduce_sum3A_315 = vector.multi_reduction <add>, %exp3A_313, %reduce_sum3A_314 [0] : vector<19x256xf32> to vector<256xf32>
    %broadcast_in_dim3A_316 = vector.shape_cast %reduce_sum3A_315 : vector<256xf32> to vector<1x256xf32>
    %add3A_317 = arith.addf %add3A_291, %broadcast_in_dim3A_316 : vector<1x256xf32>
    %mul3A_318 = arith.mulf %reduce_sum3A_312, %exp3A_313 : vector<19x256xf32>
    %reduce_sum3A_319 = arith.constant dense<0.000000e+00> : vector<256xf32>
    %reduce_sum3A_320 = vector.multi_reduction <add>, %mul3A_318, %reduce_sum3A_319 [0] : vector<19x256xf32> to vector<256xf32>
    %broadcast_in_dim3A_321 = vector.shape_cast %reduce_sum3A_320 : vector<256xf32> to vector<1x256xf32>
    %add3A_322 = arith.addf %add3A_296, %broadcast_in_dim3A_321 : vector<1x256xf32>
    %slice3A_323 = vector.extract_strided_slice %concatenate3A_140 {offsets = [112, 0], sizes = [16, 256], strides = [1, 1]} : vector<416x256xf32> to vector<16x256xf32>
    %mul3A_324 = vector.broadcast %broadcast_in_dim3A : vector<16x1xf32> to vector<16x256xf32>
    %mul3A_325 = arith.mulf %slice3A_323, %mul3A_324 : vector<16x256xf32>
    %mul3A_326 = vector.broadcast %get3A_9 : vector<16x1xf32> to vector<16x256xf32>
    %mul3A_327 = arith.mulf %slice3A_323, %mul3A_326 : vector<16x256xf32>
    %slice3A_328 = vector.extract_strided_slice %concatenate3A_140 {offsets = [128, 0], sizes = [288, 256], strides = [1, 1]} : vector<416x256xf32> to vector<288x256xf32>
    %tile3A_329 = tpu.concatenate %mul3A_325, %mul3A_325, %mul3A_325, %mul3A_325, %mul3A_325, %mul3A_325, %mul3A_325, %mul3A_325, %mul3A_325, %mul3A_325, %mul3A_325, %mul3A_325, %mul3A_325, %mul3A_325, %mul3A_325, %mul3A_325, %mul3A_325, %mul3A_325 in 0 : vector<16x256xf32>, vector<16x256xf32>, vector<16x256xf32>, vector<16x256xf32>, vector<16x256xf32>, vector<16x256xf32>, vector<16x256xf32>, vector<16x256xf32>, vector<16x256xf32>, vector<16x256xf32>, vector<16x256xf32>, vector<16x256xf32>, vector<16x256xf32>, vector<16x256xf32>, vector<16x256xf32>, vector<16x256xf32>, vector<16x256xf32>, vector<16x256xf32> -> vector<288x256xf32>
    %mul3A_330 = arith.mulf %slice3A_328, %tile3A_329 : vector<288x256xf32>
    %reshape3A_331 = vector.shape_cast %mul3A_330 : vector<288x256xf32> to vector<18x16x256xf32>
    %reduce_sum3A_332 = arith.constant dense<0.000000e+00> : vector<18x256xf32>
    %reduce_sum3A_333 = vector.multi_reduction <add>, %reshape3A_331, %reduce_sum3A_332 [1] : vector<18x16x256xf32> to vector<18x256xf32>
    %tile3A_334 = tpu.concatenate %mul3A_327, %mul3A_327, %mul3A_327, %mul3A_327, %mul3A_327, %mul3A_327, %mul3A_327, %mul3A_327, %mul3A_327, %mul3A_327, %mul3A_327, %mul3A_327, %mul3A_327, %mul3A_327, %mul3A_327, %mul3A_327, %mul3A_327, %mul3A_327 in 0 : vector<16x256xf32>, vector<16x256xf32>, vector<16x256xf32>, vector<16x256xf32>, vector<16x256xf32>, vector<16x256xf32>, vector<16x256xf32>, vector<16x256xf32>, vector<16x256xf32>, vector<16x256xf32>, vector<16x256xf32>, vector<16x256xf32>, vector<16x256xf32>, vector<16x256xf32>, vector<16x256xf32>, vector<16x256xf32>, vector<16x256xf32>, vector<16x256xf32> -> vector<288x256xf32>
    %mul3A_335 = arith.mulf %slice3A_328, %tile3A_334 : vector<288x256xf32>
    %reshape3A_336 = vector.shape_cast %mul3A_335 : vector<288x256xf32> to vector<18x16x256xf32>
    %reduce_sum3A_337 = arith.constant dense<0.000000e+00> : vector<18x256xf32>
    %reduce_sum3A_338 = vector.multi_reduction <add>, %reshape3A_336, %reduce_sum3A_337 [1] : vector<18x16x256xf32> to vector<18x256xf32>
    %exp3A_339 = math.exp %reduce_sum3A_333 : vector<18x256xf32>
    %reduce_sum3A_340 = arith.constant dense<0.000000e+00> : vector<256xf32>
    %reduce_sum3A_341 = vector.multi_reduction <add>, %exp3A_339, %reduce_sum3A_340 [0] : vector<18x256xf32> to vector<256xf32>
    %broadcast_in_dim3A_342 = vector.shape_cast %reduce_sum3A_341 : vector<256xf32> to vector<1x256xf32>
    %add3A_343 = arith.addf %add3A_317, %broadcast_in_dim3A_342 : vector<1x256xf32>
    %mul3A_344 = arith.mulf %reduce_sum3A_338, %exp3A_339 : vector<18x256xf32>
    %reduce_sum3A_345 = arith.constant dense<0.000000e+00> : vector<256xf32>
    %reduce_sum3A_346 = vector.multi_reduction <add>, %mul3A_344, %reduce_sum3A_345 [0] : vector<18x256xf32> to vector<256xf32>
    %broadcast_in_dim3A_347 = vector.shape_cast %reduce_sum3A_346 : vector<256xf32> to vector<1x256xf32>
    %add3A_348 = arith.addf %add3A_322, %broadcast_in_dim3A_347 : vector<1x256xf32>
    %slice3A_349 = vector.extract_strided_slice %concatenate3A_140 {offsets = [128, 0], sizes = [16, 256], strides = [1, 1]} : vector<416x256xf32> to vector<16x256xf32>
    %mul3A_350 = vector.broadcast %broadcast_in_dim3A : vector<16x1xf32> to vector<16x256xf32>
    %mul3A_351 = arith.mulf %slice3A_349, %mul3A_350 : vector<16x256xf32>
    %mul3A_352 = vector.broadcast %get3A_9 : vector<16x1xf32> to vector<16x256xf32>
    %mul3A_353 = arith.mulf %slice3A_349, %mul3A_352 : vector<16x256xf32>
    %slice3A_354 = vector.extract_strided_slice %concatenate3A_140 {offsets = [144, 0], sizes = [272, 256], strides = [1, 1]} : vector<416x256xf32> to vector<272x256xf32>
    %tile3A_355 = tpu.concatenate %mul3A_351, %mul3A_351, %mul3A_351, %mul3A_351, %mul3A_351, %mul3A_351, %mul3A_351, %mul3A_351, %mul3A_351, %mul3A_351, %mul3A_351, %mul3A_351, %mul3A_351, %mul3A_351, %mul3A_351, %mul3A_351, %mul3A_351 in 0 : vector<16x256xf32>, vector<16x256xf32>, vector<16x256xf32>, vector<16x256xf32>, vector<16x256xf32>, vector<16x256xf32>, vector<16x256xf32>, vector<16x256xf32>, vector<16x256xf32>, vector<16x256xf32>, vector<16x256xf32>, vector<16x256xf32>, vector<16x256xf32>, vector<16x256xf32>, vector<16x256xf32>, vector<16x256xf32>, vector<16x256xf32> -> vector<272x256xf32>
    %mul3A_356 = arith.mulf %slice3A_354, %tile3A_355 : vector<272x256xf32>
    %reshape3A_357 = vector.shape_cast %mul3A_356 : vector<272x256xf32> to vector<17x16x256xf32>
    %reduce_sum3A_358 = arith.constant dense<0.000000e+00> : vector<17x256xf32>
    %reduce_sum3A_359 = vector.multi_reduction <add>, %reshape3A_357, %reduce_sum3A_358 [1] : vector<17x16x256xf32> to vector<17x256xf32>
    %tile3A_360 = tpu.concatenate %mul3A_353, %mul3A_353, %mul3A_353, %mul3A_353, %mul3A_353, %mul3A_353, %mul3A_353, %mul3A_353, %mul3A_353, %mul3A_353, %mul3A_353, %mul3A_353, %mul3A_353, %mul3A_353, %mul3A_353, %mul3A_353, %mul3A_353 in 0 : vector<16x256xf32>, vector<16x256xf32>, vector<16x256xf32>, vector<16x256xf32>, vector<16x256xf32>, vector<16x256xf32>, vector<16x256xf32>, vector<16x256xf32>, vector<16x256xf32>, vector<16x256xf32>, vector<16x256xf32>, vector<16x256xf32>, vector<16x256xf32>, vector<16x256xf32>, vector<16x256xf32>, vector<16x256xf32>, vector<16x256xf32> -> vector<272x256xf32>
    %mul3A_361 = arith.mulf %slice3A_354, %tile3A_360 : vector<272x256xf32>
    %reshape3A_362 = vector.shape_cast %mul3A_361 : vector<272x256xf32> to vector<17x16x256xf32>
    %reduce_sum3A_363 = arith.constant dense<0.000000e+00> : vector<17x256xf32>
    %reduce_sum3A_364 = vector.multi_reduction <add>, %reshape3A_362, %reduce_sum3A_363 [1] : vector<17x16x256xf32> to vector<17x256xf32>
    %exp3A_365 = math.exp %reduce_sum3A_359 : vector<17x256xf32>
    %reduce_sum3A_366 = arith.constant dense<0.000000e+00> : vector<256xf32>
    %reduce_sum3A_367 = vector.multi_reduction <add>, %exp3A_365, %reduce_sum3A_366 [0] : vector<17x256xf32> to vector<256xf32>
    %broadcast_in_dim3A_368 = vector.shape_cast %reduce_sum3A_367 : vector<256xf32> to vector<1x256xf32>
    %add3A_369 = arith.addf %add3A_343, %broadcast_in_dim3A_368 : vector<1x256xf32>
    %mul3A_370 = arith.mulf %reduce_sum3A_364, %exp3A_365 : vector<17x256xf32>
    %reduce_sum3A_371 = arith.constant dense<0.000000e+00> : vector<256xf32>
    %reduce_sum3A_372 = vector.multi_reduction <add>, %mul3A_370, %reduce_sum3A_371 [0] : vector<17x256xf32> to vector<256xf32>
    %broadcast_in_dim3A_373 = vector.shape_cast %reduce_sum3A_372 : vector<256xf32> to vector<1x256xf32>
    %add3A_374 = arith.addf %add3A_348, %broadcast_in_dim3A_373 : vector<1x256xf32>
    %slice3A_375 = vector.extract_strided_slice %concatenate3A_140 {offsets = [144, 0], sizes = [16, 256], strides = [1, 1]} : vector<416x256xf32> to vector<16x256xf32>
    %mul3A_376 = vector.broadcast %broadcast_in_dim3A : vector<16x1xf32> to vector<16x256xf32>
    %mul3A_377 = arith.mulf %slice3A_375, %mul3A_376 : vector<16x256xf32>
    %mul3A_378 = vector.broadcast %get3A_9 : vector<16x1xf32> to vector<16x256xf32>
    %mul3A_379 = arith.mulf %slice3A_375, %mul3A_378 : vector<16x256xf32>
    %slice3A_380 = vector.extract_strided_slice %concatenate3A_140 {offsets = [160, 0], sizes = [256, 256], strides = [1, 1]} : vector<416x256xf32> to vector<256x256xf32>
    %tile3A_381 = tpu.concatenate %mul3A_377, %mul3A_377, %mul3A_377, %mul3A_377, %mul3A_377, %mul3A_377, %mul3A_377, %mul3A_377, %mul3A_377, %mul3A_377, %mul3A_377, %mul3A_377, %mul3A_377, %mul3A_377, %mul3A_377, %mul3A_377 in 0 : vector<16x256xf32>, vector<16x256xf32>, vector<16x256xf32>, vector<16x256xf32>, vector<16x256xf32>, vector<16x256xf32>, vector<16x256xf32>, vector<16x256xf32>, vector<16x256xf32>, vector<16x256xf32>, vector<16x256xf32>, vector<16x256xf32>, vector<16x256xf32>, vector<16x256xf32>, vector<16x256xf32>, vector<16x256xf32> -> vector<256x256xf32>
    %mul3A_382 = arith.mulf %slice3A_380, %tile3A_381 : vector<256x256xf32>
    %reshape3A_383 = vector.shape_cast %mul3A_382 : vector<256x256xf32> to vector<16x16x256xf32>
    %reduce_sum3A_384 = arith.constant dense<0.000000e+00> : vector<16x256xf32>
    %reduce_sum3A_385 = vector.multi_reduction <add>, %reshape3A_383, %reduce_sum3A_384 [1] : vector<16x16x256xf32> to vector<16x256xf32>
    %tile3A_386 = tpu.concatenate %mul3A_379, %mul3A_379, %mul3A_379, %mul3A_379, %mul3A_379, %mul3A_379, %mul3A_379, %mul3A_379, %mul3A_379, %mul3A_379, %mul3A_379, %mul3A_379, %mul3A_379, %mul3A_379, %mul3A_379, %mul3A_379 in 0 : vector<16x256xf32>, vector<16x256xf32>, vector<16x256xf32>, vector<16x256xf32>, vector<16x256xf32>, vector<16x256xf32>, vector<16x256xf32>, vector<16x256xf32>, vector<16x256xf32>, vector<16x256xf32>, vector<16x256xf32>, vector<16x256xf32>, vector<16x256xf32>, vector<16x256xf32>, vector<16x256xf32>, vector<16x256xf32> -> vector<256x256xf32>
    %mul3A_387 = arith.mulf %slice3A_380, %tile3A_386 : vector<256x256xf32>
    %reshape3A_388 = vector.shape_cast %mul3A_387 : vector<256x256xf32> to vector<16x16x256xf32>
    %reduce_sum3A_389 = arith.constant dense<0.000000e+00> : vector<16x256xf32>
    %reduce_sum3A_390 = vector.multi_reduction <add>, %reshape3A_388, %reduce_sum3A_389 [1] : vector<16x16x256xf32> to vector<16x256xf32>
    %exp3A_391 = math.exp %reduce_sum3A_385 : vector<16x256xf32>
    %reduce_sum3A_392 = arith.constant dense<0.000000e+00> : vector<256xf32>
    %reduce_sum3A_393 = vector.multi_reduction <add>, %exp3A_391, %reduce_sum3A_392 [0] : vector<16x256xf32> to vector<256xf32>
    %broadcast_in_dim3A_394 = vector.shape_cast %reduce_sum3A_393 : vector<256xf32> to vector<1x256xf32>
    %add3A_395 = arith.addf %add3A_369, %broadcast_in_dim3A_394 : vector<1x256xf32>
    %mul3A_396 = arith.mulf %reduce_sum3A_390, %exp3A_391 : vector<16x256xf32>
    %reduce_sum3A_397 = arith.constant dense<0.000000e+00> : vector<256xf32>
    %reduce_sum3A_398 = vector.multi_reduction <add>, %mul3A_396, %reduce_sum3A_397 [0] : vector<16x256xf32> to vector<256xf32>
    %broadcast_in_dim3A_399 = vector.shape_cast %reduce_sum3A_398 : vector<256xf32> to vector<1x256xf32>
    %add3A_400 = arith.addf %add3A_374, %broadcast_in_dim3A_399 : vector<1x256xf32>
    %slice3A_401 = vector.extract_strided_slice %concatenate3A_140 {offsets = [160, 0], sizes = [16, 256], strides = [1, 1]} : vector<416x256xf32> to vector<16x256xf32>
    %mul3A_402 = vector.broadcast %broadcast_in_dim3A : vector<16x1xf32> to vector<16x256xf32>
    %mul3A_403 = arith.mulf %slice3A_401, %mul3A_402 : vector<16x256xf32>
    %mul3A_404 = vector.broadcast %get3A_9 : vector<16x1xf32> to vector<16x256xf32>
    %mul3A_405 = arith.mulf %slice3A_401, %mul3A_404 : vector<16x256xf32>
    %slice3A_406 = vector.extract_strided_slice %concatenate3A_140 {offsets = [176, 0], sizes = [240, 256], strides = [1, 1]} : vector<416x256xf32> to vector<240x256xf32>
    %tile3A_407 = tpu.concatenate %mul3A_403, %mul3A_403, %mul3A_403, %mul3A_403, %mul3A_403, %mul3A_403, %mul3A_403, %mul3A_403, %mul3A_403, %mul3A_403, %mul3A_403, %mul3A_403, %mul3A_403, %mul3A_403, %mul3A_403 in 0 : vector<16x256xf32>, vector<16x256xf32>, vector<16x256xf32>, vector<16x256xf32>, vector<16x256xf32>, vector<16x256xf32>, vector<16x256xf32>, vector<16x256xf32>, vector<16x256xf32>, vector<16x256xf32>, vector<16x256xf32>, vector<16x256xf32>, vector<16x256xf32>, vector<16x256xf32>, vector<16x256xf32> -> vector<240x256xf32>
    %mul3A_408 = arith.mulf %slice3A_406, %tile3A_407 : vector<240x256xf32>
    %reshape3A_409 = vector.shape_cast %mul3A_408 : vector<240x256xf32> to vector<15x16x256xf32>
    %reduce_sum3A_410 = arith.constant dense<0.000000e+00> : vector<15x256xf32>
    %reduce_sum3A_411 = vector.multi_reduction <add>, %reshape3A_409, %reduce_sum3A_410 [1] : vector<15x16x256xf32> to vector<15x256xf32>
    %tile3A_412 = tpu.concatenate %mul3A_405, %mul3A_405, %mul3A_405, %mul3A_405, %mul3A_405, %mul3A_405, %mul3A_405, %mul3A_405, %mul3A_405, %mul3A_405, %mul3A_405, %mul3A_405, %mul3A_405, %mul3A_405, %mul3A_405 in 0 : vector<16x256xf32>, vector<16x256xf32>, vector<16x256xf32>, vector<16x256xf32>, vector<16x256xf32>, vector<16x256xf32>, vector<16x256xf32>, vector<16x256xf32>, vector<16x256xf32>, vector<16x256xf32>, vector<16x256xf32>, vector<16x256xf32>, vector<16x256xf32>, vector<16x256xf32>, vector<16x256xf32> -> vector<240x256xf32>
    %mul3A_413 = arith.mulf %slice3A_406, %tile3A_412 : vector<240x256xf32>
    %reshape3A_414 = vector.shape_cast %mul3A_413 : vector<240x256xf32> to vector<15x16x256xf32>
    %reduce_sum3A_415 = arith.constant dense<0.000000e+00> : vector<15x256xf32>
    %reduce_sum3A_416 = vector.multi_reduction <add>, %reshape3A_414, %reduce_sum3A_415 [1] : vector<15x16x256xf32> to vector<15x256xf32>
    %exp3A_417 = math.exp %reduce_sum3A_411 : vector<15x256xf32>
    %reduce_sum3A_418 = arith.constant dense<0.000000e+00> : vector<256xf32>
    %reduce_sum3A_419 = vector.multi_reduction <add>, %exp3A_417, %reduce_sum3A_418 [0] : vector<15x256xf32> to vector<256xf32>
    %broadcast_in_dim3A_420 = vector.shape_cast %reduce_sum3A_419 : vector<256xf32> to vector<1x256xf32>
    %add3A_421 = arith.addf %add3A_395, %broadcast_in_dim3A_420 : vector<1x256xf32>
    %mul3A_422 = arith.mulf %reduce_sum3A_416, %exp3A_417 : vector<15x256xf32>
    %reduce_sum3A_423 = arith.constant dense<0.000000e+00> : vector<256xf32>
    %reduce_sum3A_424 = vector.multi_reduction <add>, %mul3A_422, %reduce_sum3A_423 [0] : vector<15x256xf32> to vector<256xf32>
    %broadcast_in_dim3A_425 = vector.shape_cast %reduce_sum3A_424 : vector<256xf32> to vector<1x256xf32>
    %add3A_426 = arith.addf %add3A_400, %broadcast_in_dim3A_425 : vector<1x256xf32>
    %slice3A_427 = vector.extract_strided_slice %concatenate3A_140 {offsets = [176, 0], sizes = [16, 256], strides = [1, 1]} : vector<416x256xf32> to vector<16x256xf32>
    %mul3A_428 = vector.broadcast %broadcast_in_dim3A : vector<16x1xf32> to vector<16x256xf32>
    %mul3A_429 = arith.mulf %slice3A_427, %mul3A_428 : vector<16x256xf32>
    %mul3A_430 = vector.broadcast %get3A_9 : vector<16x1xf32> to vector<16x256xf32>
    %mul3A_431 = arith.mulf %slice3A_427, %mul3A_430 : vector<16x256xf32>
    %slice3A_432 = vector.extract_strided_slice %concatenate3A_140 {offsets = [192, 0], sizes = [224, 256], strides = [1, 1]} : vector<416x256xf32> to vector<224x256xf32>
    %tile3A_433 = tpu.concatenate %mul3A_429, %mul3A_429, %mul3A_429, %mul3A_429, %mul3A_429, %mul3A_429, %mul3A_429, %mul3A_429, %mul3A_429, %mul3A_429, %mul3A_429, %mul3A_429, %mul3A_429, %mul3A_429 in 0 : vector<16x256xf32>, vector<16x256xf32>, vector<16x256xf32>, vector<16x256xf32>, vector<16x256xf32>, vector<16x256xf32>, vector<16x256xf32>, vector<16x256xf32>, vector<16x256xf32>, vector<16x256xf32>, vector<16x256xf32>, vector<16x256xf32>, vector<16x256xf32>, vector<16x256xf32> -> vector<224x256xf32>
    %mul3A_434 = arith.mulf %slice3A_432, %tile3A_433 : vector<224x256xf32>
    %reshape3A_435 = vector.shape_cast %mul3A_434 : vector<224x256xf32> to vector<14x16x256xf32>
    %reduce_sum3A_436 = arith.constant dense<0.000000e+00> : vector<14x256xf32>
    %reduce_sum3A_437 = vector.multi_reduction <add>, %reshape3A_435, %reduce_sum3A_436 [1] : vector<14x16x256xf32> to vector<14x256xf32>
    %tile3A_438 = tpu.concatenate %mul3A_431, %mul3A_431, %mul3A_431, %mul3A_431, %mul3A_431, %mul3A_431, %mul3A_431, %mul3A_431, %mul3A_431, %mul3A_431, %mul3A_431, %mul3A_431, %mul3A_431, %mul3A_431 in 0 : vector<16x256xf32>, vector<16x256xf32>, vector<16x256xf32>, vector<16x256xf32>, vector<16x256xf32>, vector<16x256xf32>, vector<16x256xf32>, vector<16x256xf32>, vector<16x256xf32>, vector<16x256xf32>, vector<16x256xf32>, vector<16x256xf32>, vector<16x256xf32>, vector<16x256xf32> -> vector<224x256xf32>
    %mul3A_439 = arith.mulf %slice3A_432, %tile3A_438 : vector<224x256xf32>
    %reshape3A_440 = vector.shape_cast %mul3A_439 : vector<224x256xf32> to vector<14x16x256xf32>
    %reduce_sum3A_441 = arith.constant dense<0.000000e+00> : vector<14x256xf32>
    %reduce_sum3A_442 = vector.multi_reduction <add>, %reshape3A_440, %reduce_sum3A_441 [1] : vector<14x16x256xf32> to vector<14x256xf32>
    %exp3A_443 = math.exp %reduce_sum3A_437 : vector<14x256xf32>
    %reduce_sum3A_444 = arith.constant dense<0.000000e+00> : vector<256xf32>
    %reduce_sum3A_445 = vector.multi_reduction <add>, %exp3A_443, %reduce_sum3A_444 [0] : vector<14x256xf32> to vector<256xf32>
    %broadcast_in_dim3A_446 = vector.shape_cast %reduce_sum3A_445 : vector<256xf32> to vector<1x256xf32>
    %add3A_447 = arith.addf %add3A_421, %broadcast_in_dim3A_446 : vector<1x256xf32>
    %mul3A_448 = arith.mulf %reduce_sum3A_442, %exp3A_443 : vector<14x256xf32>
    %reduce_sum3A_449 = arith.constant dense<0.000000e+00> : vector<256xf32>
    %reduce_sum3A_450 = vector.multi_reduction <add>, %mul3A_448, %reduce_sum3A_449 [0] : vector<14x256xf32> to vector<256xf32>
    %broadcast_in_dim3A_451 = vector.shape_cast %reduce_sum3A_450 : vector<256xf32> to vector<1x256xf32>
    %add3A_452 = arith.addf %add3A_426, %broadcast_in_dim3A_451 : vector<1x256xf32>
    %slice3A_453 = vector.extract_strided_slice %concatenate3A_140 {offsets = [192, 0], sizes = [16, 256], strides = [1, 1]} : vector<416x256xf32> to vector<16x256xf32>
    %mul3A_454 = vector.broadcast %broadcast_in_dim3A : vector<16x1xf32> to vector<16x256xf32>
    %mul3A_455 = arith.mulf %slice3A_453, %mul3A_454 : vector<16x256xf32>
    %mul3A_456 = vector.broadcast %get3A_9 : vector<16x1xf32> to vector<16x256xf32>
    %mul3A_457 = arith.mulf %slice3A_453, %mul3A_456 : vector<16x256xf32>
    %slice3A_458 = vector.extract_strided_slice %concatenate3A_140 {offsets = [208, 0], sizes = [208, 256], strides = [1, 1]} : vector<416x256xf32> to vector<208x256xf32>
    %tile3A_459 = tpu.concatenate %mul3A_455, %mul3A_455, %mul3A_455, %mul3A_455, %mul3A_455, %mul3A_455, %mul3A_455, %mul3A_455, %mul3A_455, %mul3A_455, %mul3A_455, %mul3A_455, %mul3A_455 in 0 : vector<16x256xf32>, vector<16x256xf32>, vector<16x256xf32>, vector<16x256xf32>, vector<16x256xf32>, vector<16x256xf32>, vector<16x256xf32>, vector<16x256xf32>, vector<16x256xf32>, vector<16x256xf32>, vector<16x256xf32>, vector<16x256xf32>, vector<16x256xf32> -> vector<208x256xf32>
    %mul3A_460 = arith.mulf %slice3A_458, %tile3A_459 : vector<208x256xf32>
    %reshape3A_461 = vector.shape_cast %mul3A_460 : vector<208x256xf32> to vector<13x16x256xf32>
    %reduce_sum3A_462 = arith.constant dense<0.000000e+00> : vector<13x256xf32>
    %reduce_sum3A_463 = vector.multi_reduction <add>, %reshape3A_461, %reduce_sum3A_462 [1] : vector<13x16x256xf32> to vector<13x256xf32>
    %tile3A_464 = tpu.concatenate %mul3A_457, %mul3A_457, %mul3A_457, %mul3A_457, %mul3A_457, %mul3A_457, %mul3A_457, %mul3A_457, %mul3A_457, %mul3A_457, %mul3A_457, %mul3A_457, %mul3A_457 in 0 : vector<16x256xf32>, vector<16x256xf32>, vector<16x256xf32>, vector<16x256xf32>, vector<16x256xf32>, vector<16x256xf32>, vector<16x256xf32>, vector<16x256xf32>, vector<16x256xf32>, vector<16x256xf32>, vector<16x256xf32>, vector<16x256xf32>, vector<16x256xf32> -> vector<208x256xf32>
    %mul3A_465 = arith.mulf %slice3A_458, %tile3A_464 : vector<208x256xf32>
    %reshape3A_466 = vector.shape_cast %mul3A_465 : vector<208x256xf32> to vector<13x16x256xf32>
    %reduce_sum3A_467 = arith.constant dense<0.000000e+00> : vector<13x256xf32>
    %reduce_sum3A_468 = vector.multi_reduction <add>, %reshape3A_466, %reduce_sum3A_467 [1] : vector<13x16x256xf32> to vector<13x256xf32>
    %exp3A_469 = math.exp %reduce_sum3A_463 : vector<13x256xf32>
    %reduce_sum3A_470 = arith.constant dense<0.000000e+00> : vector<256xf32>
    %reduce_sum3A_471 = vector.multi_reduction <add>, %exp3A_469, %reduce_sum3A_470 [0] : vector<13x256xf32> to vector<256xf32>
    %broadcast_in_dim3A_472 = vector.shape_cast %reduce_sum3A_471 : vector<256xf32> to vector<1x256xf32>
    %add3A_473 = arith.addf %add3A_447, %broadcast_in_dim3A_472 : vector<1x256xf32>
    %mul3A_474 = arith.mulf %reduce_sum3A_468, %exp3A_469 : vector<13x256xf32>
    %reduce_sum3A_475 = arith.constant dense<0.000000e+00> : vector<256xf32>
    %reduce_sum3A_476 = vector.multi_reduction <add>, %mul3A_474, %reduce_sum3A_475 [0] : vector<13x256xf32> to vector<256xf32>
    %broadcast_in_dim3A_477 = vector.shape_cast %reduce_sum3A_476 : vector<256xf32> to vector<1x256xf32>
    %add3A_478 = arith.addf %add3A_452, %broadcast_in_dim3A_477 : vector<1x256xf32>
    %slice3A_479 = vector.extract_strided_slice %concatenate3A_140 {offsets = [208, 0], sizes = [16, 256], strides = [1, 1]} : vector<416x256xf32> to vector<16x256xf32>
    %mul3A_480 = vector.broadcast %broadcast_in_dim3A : vector<16x1xf32> to vector<16x256xf32>
    %mul3A_481 = arith.mulf %slice3A_479, %mul3A_480 : vector<16x256xf32>
    %mul3A_482 = vector.broadcast %get3A_9 : vector<16x1xf32> to vector<16x256xf32>
    %mul3A_483 = arith.mulf %slice3A_479, %mul3A_482 : vector<16x256xf32>
    %slice3A_484 = vector.extract_strided_slice %concatenate3A_140 {offsets = [224, 0], sizes = [192, 256], strides = [1, 1]} : vector<416x256xf32> to vector<192x256xf32>
    %tile3A_485 = tpu.concatenate %mul3A_481, %mul3A_481, %mul3A_481, %mul3A_481, %mul3A_481, %mul3A_481, %mul3A_481, %mul3A_481, %mul3A_481, %mul3A_481, %mul3A_481, %mul3A_481 in 0 : vector<16x256xf32>, vector<16x256xf32>, vector<16x256xf32>, vector<16x256xf32>, vector<16x256xf32>, vector<16x256xf32>, vector<16x256xf32>, vector<16x256xf32>, vector<16x256xf32>, vector<16x256xf32>, vector<16x256xf32>, vector<16x256xf32> -> vector<192x256xf32>
    %mul3A_486 = arith.mulf %slice3A_484, %tile3A_485 : vector<192x256xf32>
    %reshape3A_487 = vector.shape_cast %mul3A_486 : vector<192x256xf32> to vector<12x16x256xf32>
    %reduce_sum3A_488 = arith.constant dense<0.000000e+00> : vector<12x256xf32>
    %reduce_sum3A_489 = vector.multi_reduction <add>, %reshape3A_487, %reduce_sum3A_488 [1] : vector<12x16x256xf32> to vector<12x256xf32>
    %tile3A_490 = tpu.concatenate %mul3A_483, %mul3A_483, %mul3A_483, %mul3A_483, %mul3A_483, %mul3A_483, %mul3A_483, %mul3A_483, %mul3A_483, %mul3A_483, %mul3A_483, %mul3A_483 in 0 : vector<16x256xf32>, vector<16x256xf32>, vector<16x256xf32>, vector<16x256xf32>, vector<16x256xf32>, vector<16x256xf32>, vector<16x256xf32>, vector<16x256xf32>, vector<16x256xf32>, vector<16x256xf32>, vector<16x256xf32>, vector<16x256xf32> -> vector<192x256xf32>
    %mul3A_491 = arith.mulf %slice3A_484, %tile3A_490 : vector<192x256xf32>
    %reshape3A_492 = vector.shape_cast %mul3A_491 : vector<192x256xf32> to vector<12x16x256xf32>
    %reduce_sum3A_493 = arith.constant dense<0.000000e+00> : vector<12x256xf32>
    %reduce_sum3A_494 = vector.multi_reduction <add>, %reshape3A_492, %reduce_sum3A_493 [1] : vector<12x16x256xf32> to vector<12x256xf32>
    %exp3A_495 = math.exp %reduce_sum3A_489 : vector<12x256xf32>
    %reduce_sum3A_496 = arith.constant dense<0.000000e+00> : vector<256xf32>
    %reduce_sum3A_497 = vector.multi_reduction <add>, %exp3A_495, %reduce_sum3A_496 [0] : vector<12x256xf32> to vector<256xf32>
    %broadcast_in_dim3A_498 = vector.shape_cast %reduce_sum3A_497 : vector<256xf32> to vector<1x256xf32>
    %add3A_499 = arith.addf %add3A_473, %broadcast_in_dim3A_498 : vector<1x256xf32>
    %mul3A_500 = arith.mulf %reduce_sum3A_494, %exp3A_495 : vector<12x256xf32>
    %reduce_sum3A_501 = arith.constant dense<0.000000e+00> : vector<256xf32>
    %reduce_sum3A_502 = vector.multi_reduction <add>, %mul3A_500, %reduce_sum3A_501 [0] : vector<12x256xf32> to vector<256xf32>
    %broadcast_in_dim3A_503 = vector.shape_cast %reduce_sum3A_502 : vector<256xf32> to vector<1x256xf32>
    %add3A_504 = arith.addf %add3A_478, %broadcast_in_dim3A_503 : vector<1x256xf32>
    %slice3A_505 = vector.extract_strided_slice %concatenate3A_140 {offsets = [224, 0], sizes = [16, 256], strides = [1, 1]} : vector<416x256xf32> to vector<16x256xf32>
    %mul3A_506 = vector.broadcast %broadcast_in_dim3A : vector<16x1xf32> to vector<16x256xf32>
    %mul3A_507 = arith.mulf %slice3A_505, %mul3A_506 : vector<16x256xf32>
    %mul3A_508 = vector.broadcast %get3A_9 : vector<16x1xf32> to vector<16x256xf32>
    %mul3A_509 = arith.mulf %slice3A_505, %mul3A_508 : vector<16x256xf32>
    %slice3A_510 = vector.extract_strided_slice %concatenate3A_140 {offsets = [240, 0], sizes = [176, 256], strides = [1, 1]} : vector<416x256xf32> to vector<176x256xf32>
    %tile3A_511 = tpu.concatenate %mul3A_507, %mul3A_507, %mul3A_507, %mul3A_507, %mul3A_507, %mul3A_507, %mul3A_507, %mul3A_507, %mul3A_507, %mul3A_507, %mul3A_507 in 0 : vector<16x256xf32>, vector<16x256xf32>, vector<16x256xf32>, vector<16x256xf32>, vector<16x256xf32>, vector<16x256xf32>, vector<16x256xf32>, vector<16x256xf32>, vector<16x256xf32>, vector<16x256xf32>, vector<16x256xf32> -> vector<176x256xf32>
    %mul3A_512 = arith.mulf %slice3A_510, %tile3A_511 : vector<176x256xf32>
    %reshape3A_513 = vector.shape_cast %mul3A_512 : vector<176x256xf32> to vector<11x16x256xf32>
    %reduce_sum3A_514 = arith.constant dense<0.000000e+00> : vector<11x256xf32>
    %reduce_sum3A_515 = vector.multi_reduction <add>, %reshape3A_513, %reduce_sum3A_514 [1] : vector<11x16x256xf32> to vector<11x256xf32>
    %tile3A_516 = tpu.concatenate %mul3A_509, %mul3A_509, %mul3A_509, %mul3A_509, %mul3A_509, %mul3A_509, %mul3A_509, %mul3A_509, %mul3A_509, %mul3A_509, %mul3A_509 in 0 : vector<16x256xf32>, vector<16x256xf32>, vector<16x256xf32>, vector<16x256xf32>, vector<16x256xf32>, vector<16x256xf32>, vector<16x256xf32>, vector<16x256xf32>, vector<16x256xf32>, vector<16x256xf32>, vector<16x256xf32> -> vector<176x256xf32>
    %mul3A_517 = arith.mulf %slice3A_510, %tile3A_516 : vector<176x256xf32>
    %reshape3A_518 = vector.shape_cast %mul3A_517 : vector<176x256xf32> to vector<11x16x256xf32>
    %reduce_sum3A_519 = arith.constant dense<0.000000e+00> : vector<11x256xf32>
    %reduce_sum3A_520 = vector.multi_reduction <add>, %reshape3A_518, %reduce_sum3A_519 [1] : vector<11x16x256xf32> to vector<11x256xf32>
    %exp3A_521 = math.exp %reduce_sum3A_515 : vector<11x256xf32>
    %reduce_sum3A_522 = arith.constant dense<0.000000e+00> : vector<256xf32>
    %reduce_sum3A_523 = vector.multi_reduction <add>, %exp3A_521, %reduce_sum3A_522 [0] : vector<11x256xf32> to vector<256xf32>
    %broadcast_in_dim3A_524 = vector.shape_cast %reduce_sum3A_523 : vector<256xf32> to vector<1x256xf32>
    %add3A_525 = arith.addf %add3A_499, %broadcast_in_dim3A_524 : vector<1x256xf32>
    %mul3A_526 = arith.mulf %reduce_sum3A_520, %exp3A_521 : vector<11x256xf32>
    %reduce_sum3A_527 = arith.constant dense<0.000000e+00> : vector<256xf32>
    %reduce_sum3A_528 = vector.multi_reduction <add>, %mul3A_526, %reduce_sum3A_527 [0] : vector<11x256xf32> to vector<256xf32>
    %broadcast_in_dim3A_529 = vector.shape_cast %reduce_sum3A_528 : vector<256xf32> to vector<1x256xf32>
    %add3A_530 = arith.addf %add3A_504, %broadcast_in_dim3A_529 : vector<1x256xf32>
    %slice3A_531 = vector.extract_strided_slice %concatenate3A_140 {offsets = [240, 0], sizes = [16, 256], strides = [1, 1]} : vector<416x256xf32> to vector<16x256xf32>
    %mul3A_532 = vector.broadcast %broadcast_in_dim3A : vector<16x1xf32> to vector<16x256xf32>
    %mul3A_533 = arith.mulf %slice3A_531, %mul3A_532 : vector<16x256xf32>
    %mul3A_534 = vector.broadcast %get3A_9 : vector<16x1xf32> to vector<16x256xf32>
    %mul3A_535 = arith.mulf %slice3A_531, %mul3A_534 : vector<16x256xf32>
    %slice3A_536 = vector.extract_strided_slice %concatenate3A_140 {offsets = [256, 0], sizes = [160, 256], strides = [1, 1]} : vector<416x256xf32> to vector<160x256xf32>
    %tile3A_537 = tpu.concatenate %mul3A_533, %mul3A_533, %mul3A_533, %mul3A_533, %mul3A_533, %mul3A_533, %mul3A_533, %mul3A_533, %mul3A_533, %mul3A_533 in 0 : vector<16x256xf32>, vector<16x256xf32>, vector<16x256xf32>, vector<16x256xf32>, vector<16x256xf32>, vector<16x256xf32>, vector<16x256xf32>, vector<16x256xf32>, vector<16x256xf32>, vector<16x256xf32> -> vector<160x256xf32>
    %mul3A_538 = arith.mulf %slice3A_536, %tile3A_537 : vector<160x256xf32>
    %reshape3A_539 = vector.shape_cast %mul3A_538 : vector<160x256xf32> to vector<10x16x256xf32>
    %reduce_sum3A_540 = arith.constant dense<0.000000e+00> : vector<10x256xf32>
    %reduce_sum3A_541 = vector.multi_reduction <add>, %reshape3A_539, %reduce_sum3A_540 [1] : vector<10x16x256xf32> to vector<10x256xf32>
    %tile3A_542 = tpu.concatenate %mul3A_535, %mul3A_535, %mul3A_535, %mul3A_535, %mul3A_535, %mul3A_535, %mul3A_535, %mul3A_535, %mul3A_535, %mul3A_535 in 0 : vector<16x256xf32>, vector<16x256xf32>, vector<16x256xf32>, vector<16x256xf32>, vector<16x256xf32>, vector<16x256xf32>, vector<16x256xf32>, vector<16x256xf32>, vector<16x256xf32>, vector<16x256xf32> -> vector<160x256xf32>
    %mul3A_543 = arith.mulf %slice3A_536, %tile3A_542 : vector<160x256xf32>
    %reshape3A_544 = vector.shape_cast %mul3A_543 : vector<160x256xf32> to vector<10x16x256xf32>
    %reduce_sum3A_545 = arith.constant dense<0.000000e+00> : vector<10x256xf32>
    %reduce_sum3A_546 = vector.multi_reduction <add>, %reshape3A_544, %reduce_sum3A_545 [1] : vector<10x16x256xf32> to vector<10x256xf32>
    %exp3A_547 = math.exp %reduce_sum3A_541 : vector<10x256xf32>
    %reduce_sum3A_548 = arith.constant dense<0.000000e+00> : vector<256xf32>
    %reduce_sum3A_549 = vector.multi_reduction <add>, %exp3A_547, %reduce_sum3A_548 [0] : vector<10x256xf32> to vector<256xf32>
    %broadcast_in_dim3A_550 = vector.shape_cast %reduce_sum3A_549 : vector<256xf32> to vector<1x256xf32>
    %add3A_551 = arith.addf %add3A_525, %broadcast_in_dim3A_550 : vector<1x256xf32>
    %mul3A_552 = arith.mulf %reduce_sum3A_546, %exp3A_547 : vector<10x256xf32>
    %reduce_sum3A_553 = arith.constant dense<0.000000e+00> : vector<256xf32>
    %reduce_sum3A_554 = vector.multi_reduction <add>, %mul3A_552, %reduce_sum3A_553 [0] : vector<10x256xf32> to vector<256xf32>
    %broadcast_in_dim3A_555 = vector.shape_cast %reduce_sum3A_554 : vector<256xf32> to vector<1x256xf32>
    %add3A_556 = arith.addf %add3A_530, %broadcast_in_dim3A_555 : vector<1x256xf32>
    %slice3A_557 = vector.extract_strided_slice %concatenate3A_140 {offsets = [256, 0], sizes = [16, 256], strides = [1, 1]} : vector<416x256xf32> to vector<16x256xf32>
    %mul3A_558 = vector.broadcast %broadcast_in_dim3A : vector<16x1xf32> to vector<16x256xf32>
    %mul3A_559 = arith.mulf %slice3A_557, %mul3A_558 : vector<16x256xf32>
    %mul3A_560 = vector.broadcast %get3A_9 : vector<16x1xf32> to vector<16x256xf32>
    %mul3A_561 = arith.mulf %slice3A_557, %mul3A_560 : vector<16x256xf32>
    %slice3A_562 = vector.extract_strided_slice %concatenate3A_140 {offsets = [272, 0], sizes = [144, 256], strides = [1, 1]} : vector<416x256xf32> to vector<144x256xf32>
    %tile3A_563 = tpu.concatenate %mul3A_559, %mul3A_559, %mul3A_559, %mul3A_559, %mul3A_559, %mul3A_559, %mul3A_559, %mul3A_559, %mul3A_559 in 0 : vector<16x256xf32>, vector<16x256xf32>, vector<16x256xf32>, vector<16x256xf32>, vector<16x256xf32>, vector<16x256xf32>, vector<16x256xf32>, vector<16x256xf32>, vector<16x256xf32> -> vector<144x256xf32>
    %mul3A_564 = arith.mulf %slice3A_562, %tile3A_563 : vector<144x256xf32>
    %reshape3A_565 = vector.shape_cast %mul3A_564 : vector<144x256xf32> to vector<9x16x256xf32>
    %reduce_sum3A_566 = arith.constant dense<0.000000e+00> : vector<9x256xf32>
    %reduce_sum3A_567 = vector.multi_reduction <add>, %reshape3A_565, %reduce_sum3A_566 [1] : vector<9x16x256xf32> to vector<9x256xf32>
    %tile3A_568 = tpu.concatenate %mul3A_561, %mul3A_561, %mul3A_561, %mul3A_561, %mul3A_561, %mul3A_561, %mul3A_561, %mul3A_561, %mul3A_561 in 0 : vector<16x256xf32>, vector<16x256xf32>, vector<16x256xf32>, vector<16x256xf32>, vector<16x256xf32>, vector<16x256xf32>, vector<16x256xf32>, vector<16x256xf32>, vector<16x256xf32> -> vector<144x256xf32>
    %mul3A_569 = arith.mulf %slice3A_562, %tile3A_568 : vector<144x256xf32>
    %reshape3A_570 = vector.shape_cast %mul3A_569 : vector<144x256xf32> to vector<9x16x256xf32>
    %reduce_sum3A_571 = arith.constant dense<0.000000e+00> : vector<9x256xf32>
    %reduce_sum3A_572 = vector.multi_reduction <add>, %reshape3A_570, %reduce_sum3A_571 [1] : vector<9x16x256xf32> to vector<9x256xf32>
    %exp3A_573 = math.exp %reduce_sum3A_567 : vector<9x256xf32>
    %reduce_sum3A_574 = arith.constant dense<0.000000e+00> : vector<256xf32>
    %reduce_sum3A_575 = vector.multi_reduction <add>, %exp3A_573, %reduce_sum3A_574 [0] : vector<9x256xf32> to vector<256xf32>
    %broadcast_in_dim3A_576 = vector.shape_cast %reduce_sum3A_575 : vector<256xf32> to vector<1x256xf32>
    %add3A_577 = arith.addf %add3A_551, %broadcast_in_dim3A_576 : vector<1x256xf32>
    %mul3A_578 = arith.mulf %reduce_sum3A_572, %exp3A_573 : vector<9x256xf32>
    %reduce_sum3A_579 = arith.constant dense<0.000000e+00> : vector<256xf32>
    %reduce_sum3A_580 = vector.multi_reduction <add>, %mul3A_578, %reduce_sum3A_579 [0] : vector<9x256xf32> to vector<256xf32>
    %broadcast_in_dim3A_581 = vector.shape_cast %reduce_sum3A_580 : vector<256xf32> to vector<1x256xf32>
    %add3A_582 = arith.addf %add3A_556, %broadcast_in_dim3A_581 : vector<1x256xf32>
    %slice3A_583 = vector.extract_strided_slice %concatenate3A_140 {offsets = [272, 0], sizes = [16, 256], strides = [1, 1]} : vector<416x256xf32> to vector<16x256xf32>
    %mul3A_584 = vector.broadcast %broadcast_in_dim3A : vector<16x1xf32> to vector<16x256xf32>
    %mul3A_585 = arith.mulf %slice3A_583, %mul3A_584 : vector<16x256xf32>
    %mul3A_586 = vector.broadcast %get3A_9 : vector<16x1xf32> to vector<16x256xf32>
    %mul3A_587 = arith.mulf %slice3A_583, %mul3A_586 : vector<16x256xf32>
    %slice3A_588 = vector.extract_strided_slice %concatenate3A_140 {offsets = [288, 0], sizes = [128, 256], strides = [1, 1]} : vector<416x256xf32> to vector<128x256xf32>
    %tile3A_589 = tpu.concatenate %mul3A_585, %mul3A_585, %mul3A_585, %mul3A_585, %mul3A_585, %mul3A_585, %mul3A_585, %mul3A_585 in 0 : vector<16x256xf32>, vector<16x256xf32>, vector<16x256xf32>, vector<16x256xf32>, vector<16x256xf32>, vector<16x256xf32>, vector<16x256xf32>, vector<16x256xf32> -> vector<128x256xf32>
    %mul3A_590 = arith.mulf %slice3A_588, %tile3A_589 : vector<128x256xf32>
    %reshape3A_591 = vector.shape_cast %mul3A_590 : vector<128x256xf32> to vector<8x16x256xf32>
    %reduce_sum3A_592 = arith.constant dense<0.000000e+00> : vector<8x256xf32>
    %reduce_sum3A_593 = vector.multi_reduction <add>, %reshape3A_591, %reduce_sum3A_592 [1] : vector<8x16x256xf32> to vector<8x256xf32>
    %tile3A_594 = tpu.concatenate %mul3A_587, %mul3A_587, %mul3A_587, %mul3A_587, %mul3A_587, %mul3A_587, %mul3A_587, %mul3A_587 in 0 : vector<16x256xf32>, vector<16x256xf32>, vector<16x256xf32>, vector<16x256xf32>, vector<16x256xf32>, vector<16x256xf32>, vector<16x256xf32>, vector<16x256xf32> -> vector<128x256xf32>
    %mul3A_595 = arith.mulf %slice3A_588, %tile3A_594 : vector<128x256xf32>
    %reshape3A_596 = vector.shape_cast %mul3A_595 : vector<128x256xf32> to vector<8x16x256xf32>
    %reduce_sum3A_597 = arith.constant dense<0.000000e+00> : vector<8x256xf32>
    %reduce_sum3A_598 = vector.multi_reduction <add>, %reshape3A_596, %reduce_sum3A_597 [1] : vector<8x16x256xf32> to vector<8x256xf32>
    %exp3A_599 = math.exp %reduce_sum3A_593 : vector<8x256xf32>
    %reduce_sum3A_600 = arith.constant dense<0.000000e+00> : vector<256xf32>
    %reduce_sum3A_601 = vector.multi_reduction <add>, %exp3A_599, %reduce_sum3A_600 [0] : vector<8x256xf32> to vector<256xf32>
    %broadcast_in_dim3A_602 = vector.shape_cast %reduce_sum3A_601 : vector<256xf32> to vector<1x256xf32>
    %add3A_603 = arith.addf %add3A_577, %broadcast_in_dim3A_602 : vector<1x256xf32>
    %mul3A_604 = arith.mulf %reduce_sum3A_598, %exp3A_599 : vector<8x256xf32>
    %reduce_sum3A_605 = arith.constant dense<0.000000e+00> : vector<256xf32>
    %reduce_sum3A_606 = vector.multi_reduction <add>, %mul3A_604, %reduce_sum3A_605 [0] : vector<8x256xf32> to vector<256xf32>
    %broadcast_in_dim3A_607 = vector.shape_cast %reduce_sum3A_606 : vector<256xf32> to vector<1x256xf32>
    %add3A_608 = arith.addf %add3A_582, %broadcast_in_dim3A_607 : vector<1x256xf32>
    %slice3A_609 = vector.extract_strided_slice %concatenate3A_140 {offsets = [288, 0], sizes = [16, 256], strides = [1, 1]} : vector<416x256xf32> to vector<16x256xf32>
    %mul3A_610 = vector.broadcast %broadcast_in_dim3A : vector<16x1xf32> to vector<16x256xf32>
    %mul3A_611 = arith.mulf %slice3A_609, %mul3A_610 : vector<16x256xf32>
    %mul3A_612 = vector.broadcast %get3A_9 : vector<16x1xf32> to vector<16x256xf32>
    %mul3A_613 = arith.mulf %slice3A_609, %mul3A_612 : vector<16x256xf32>
    %slice3A_614 = vector.extract_strided_slice %concatenate3A_140 {offsets = [304, 0], sizes = [112, 256], strides = [1, 1]} : vector<416x256xf32> to vector<112x256xf32>
    %tile3A_615 = tpu.concatenate %mul3A_611, %mul3A_611, %mul3A_611, %mul3A_611, %mul3A_611, %mul3A_611, %mul3A_611 in 0 : vector<16x256xf32>, vector<16x256xf32>, vector<16x256xf32>, vector<16x256xf32>, vector<16x256xf32>, vector<16x256xf32>, vector<16x256xf32> -> vector<112x256xf32>
    %mul3A_616 = arith.mulf %slice3A_614, %tile3A_615 : vector<112x256xf32>
    %reshape3A_617 = vector.shape_cast %mul3A_616 : vector<112x256xf32> to vector<7x16x256xf32>
    %reduce_sum3A_618 = arith.constant dense<0.000000e+00> : vector<7x256xf32>
    %reduce_sum3A_619 = vector.multi_reduction <add>, %reshape3A_617, %reduce_sum3A_618 [1] : vector<7x16x256xf32> to vector<7x256xf32>
    %tile3A_620 = tpu.concatenate %mul3A_613, %mul3A_613, %mul3A_613, %mul3A_613, %mul3A_613, %mul3A_613, %mul3A_613 in 0 : vector<16x256xf32>, vector<16x256xf32>, vector<16x256xf32>, vector<16x256xf32>, vector<16x256xf32>, vector<16x256xf32>, vector<16x256xf32> -> vector<112x256xf32>
    %mul3A_621 = arith.mulf %slice3A_614, %tile3A_620 : vector<112x256xf32>
    %reshape3A_622 = vector.shape_cast %mul3A_621 : vector<112x256xf32> to vector<7x16x256xf32>
    %reduce_sum3A_623 = arith.constant dense<0.000000e+00> : vector<7x256xf32>
    %reduce_sum3A_624 = vector.multi_reduction <add>, %reshape3A_622, %reduce_sum3A_623 [1] : vector<7x16x256xf32> to vector<7x256xf32>
    %exp3A_625 = math.exp %reduce_sum3A_619 : vector<7x256xf32>
    %reduce_sum3A_626 = arith.constant dense<0.000000e+00> : vector<256xf32>
    %reduce_sum3A_627 = vector.multi_reduction <add>, %exp3A_625, %reduce_sum3A_626 [0] : vector<7x256xf32> to vector<256xf32>
    %broadcast_in_dim3A_628 = vector.shape_cast %reduce_sum3A_627 : vector<256xf32> to vector<1x256xf32>
    %add3A_629 = arith.addf %add3A_603, %broadcast_in_dim3A_628 : vector<1x256xf32>
    %mul3A_630 = arith.mulf %reduce_sum3A_624, %exp3A_625 : vector<7x256xf32>
    %reduce_sum3A_631 = arith.constant dense<0.000000e+00> : vector<256xf32>
    %reduce_sum3A_632 = vector.multi_reduction <add>, %mul3A_630, %reduce_sum3A_631 [0] : vector<7x256xf32> to vector<256xf32>
    %broadcast_in_dim3A_633 = vector.shape_cast %reduce_sum3A_632 : vector<256xf32> to vector<1x256xf32>
    %add3A_634 = arith.addf %add3A_608, %broadcast_in_dim3A_633 : vector<1x256xf32>
    %slice3A_635 = vector.extract_strided_slice %concatenate3A_140 {offsets = [304, 0], sizes = [16, 256], strides = [1, 1]} : vector<416x256xf32> to vector<16x256xf32>
    %mul3A_636 = vector.broadcast %broadcast_in_dim3A : vector<16x1xf32> to vector<16x256xf32>
    %mul3A_637 = arith.mulf %slice3A_635, %mul3A_636 : vector<16x256xf32>
    %mul3A_638 = vector.broadcast %get3A_9 : vector<16x1xf32> to vector<16x256xf32>
    %mul3A_639 = arith.mulf %slice3A_635, %mul3A_638 : vector<16x256xf32>
    %slice3A_640 = vector.extract_strided_slice %concatenate3A_140 {offsets = [320, 0], sizes = [96, 256], strides = [1, 1]} : vector<416x256xf32> to vector<96x256xf32>
    %tile3A_641 = tpu.concatenate %mul3A_637, %mul3A_637, %mul3A_637, %mul3A_637, %mul3A_637, %mul3A_637 in 0 : vector<16x256xf32>, vector<16x256xf32>, vector<16x256xf32>, vector<16x256xf32>, vector<16x256xf32>, vector<16x256xf32> -> vector<96x256xf32>
    %mul3A_642 = arith.mulf %slice3A_640, %tile3A_641 : vector<96x256xf32>
    %reshape3A_643 = vector.shape_cast %mul3A_642 : vector<96x256xf32> to vector<6x16x256xf32>
    %reduce_sum3A_644 = arith.constant dense<0.000000e+00> : vector<6x256xf32>
    %reduce_sum3A_645 = vector.multi_reduction <add>, %reshape3A_643, %reduce_sum3A_644 [1] : vector<6x16x256xf32> to vector<6x256xf32>
    %tile3A_646 = tpu.concatenate %mul3A_639, %mul3A_639, %mul3A_639, %mul3A_639, %mul3A_639, %mul3A_639 in 0 : vector<16x256xf32>, vector<16x256xf32>, vector<16x256xf32>, vector<16x256xf32>, vector<16x256xf32>, vector<16x256xf32> -> vector<96x256xf32>
    %mul3A_647 = arith.mulf %slice3A_640, %tile3A_646 : vector<96x256xf32>
    %reshape3A_648 = vector.shape_cast %mul3A_647 : vector<96x256xf32> to vector<6x16x256xf32>
    %reduce_sum3A_649 = arith.constant dense<0.000000e+00> : vector<6x256xf32>
    %reduce_sum3A_650 = vector.multi_reduction <add>, %reshape3A_648, %reduce_sum3A_649 [1] : vector<6x16x256xf32> to vector<6x256xf32>
    %exp3A_651 = math.exp %reduce_sum3A_645 : vector<6x256xf32>
    %reduce_sum3A_652 = arith.constant dense<0.000000e+00> : vector<256xf32>
    %reduce_sum3A_653 = vector.multi_reduction <add>, %exp3A_651, %reduce_sum3A_652 [0] : vector<6x256xf32> to vector<256xf32>
    %broadcast_in_dim3A_654 = vector.shape_cast %reduce_sum3A_653 : vector<256xf32> to vector<1x256xf32>
    %add3A_655 = arith.addf %add3A_629, %broadcast_in_dim3A_654 : vector<1x256xf32>
    %mul3A_656 = arith.mulf %reduce_sum3A_650, %exp3A_651 : vector<6x256xf32>
    %reduce_sum3A_657 = arith.constant dense<0.000000e+00> : vector<256xf32>
    %reduce_sum3A_658 = vector.multi_reduction <add>, %mul3A_656, %reduce_sum3A_657 [0] : vector<6x256xf32> to vector<256xf32>
    %broadcast_in_dim3A_659 = vector.shape_cast %reduce_sum3A_658 : vector<256xf32> to vector<1x256xf32>
    %add3A_660 = arith.addf %add3A_634, %broadcast_in_dim3A_659 : vector<1x256xf32>
    %slice3A_661 = vector.extract_strided_slice %concatenate3A_140 {offsets = [320, 0], sizes = [16, 256], strides = [1, 1]} : vector<416x256xf32> to vector<16x256xf32>
    %mul3A_662 = vector.broadcast %broadcast_in_dim3A : vector<16x1xf32> to vector<16x256xf32>
    %mul3A_663 = arith.mulf %slice3A_661, %mul3A_662 : vector<16x256xf32>
    %mul3A_664 = vector.broadcast %get3A_9 : vector<16x1xf32> to vector<16x256xf32>
    %mul3A_665 = arith.mulf %slice3A_661, %mul3A_664 : vector<16x256xf32>
    %slice3A_666 = vector.extract_strided_slice %concatenate3A_140 {offsets = [336, 0], sizes = [80, 256], strides = [1, 1]} : vector<416x256xf32> to vector<80x256xf32>
    %tile3A_667 = tpu.concatenate %mul3A_663, %mul3A_663, %mul3A_663, %mul3A_663, %mul3A_663 in 0 : vector<16x256xf32>, vector<16x256xf32>, vector<16x256xf32>, vector<16x256xf32>, vector<16x256xf32> -> vector<80x256xf32>
    %mul3A_668 = arith.mulf %slice3A_666, %tile3A_667 : vector<80x256xf32>
    %reshape3A_669 = vector.shape_cast %mul3A_668 : vector<80x256xf32> to vector<5x16x256xf32>
    %reduce_sum3A_670 = arith.constant dense<0.000000e+00> : vector<5x256xf32>
    %reduce_sum3A_671 = vector.multi_reduction <add>, %reshape3A_669, %reduce_sum3A_670 [1] : vector<5x16x256xf32> to vector<5x256xf32>
    %tile3A_672 = tpu.concatenate %mul3A_665, %mul3A_665, %mul3A_665, %mul3A_665, %mul3A_665 in 0 : vector<16x256xf32>, vector<16x256xf32>, vector<16x256xf32>, vector<16x256xf32>, vector<16x256xf32> -> vector<80x256xf32>
    %mul3A_673 = arith.mulf %slice3A_666, %tile3A_672 : vector<80x256xf32>
    %reshape3A_674 = vector.shape_cast %mul3A_673 : vector<80x256xf32> to vector<5x16x256xf32>
    %reduce_sum3A_675 = arith.constant dense<0.000000e+00> : vector<5x256xf32>
    %reduce_sum3A_676 = vector.multi_reduction <add>, %reshape3A_674, %reduce_sum3A_675 [1] : vector<5x16x256xf32> to vector<5x256xf32>
    %exp3A_677 = math.exp %reduce_sum3A_671 : vector<5x256xf32>
    %reduce_sum3A_678 = arith.constant dense<0.000000e+00> : vector<256xf32>
    %reduce_sum3A_679 = vector.multi_reduction <add>, %exp3A_677, %reduce_sum3A_678 [0] : vector<5x256xf32> to vector<256xf32>
    %broadcast_in_dim3A_680 = vector.shape_cast %reduce_sum3A_679 : vector<256xf32> to vector<1x256xf32>
    %add3A_681 = arith.addf %add3A_655, %broadcast_in_dim3A_680 : vector<1x256xf32>
    %mul3A_682 = arith.mulf %reduce_sum3A_676, %exp3A_677 : vector<5x256xf32>
    %reduce_sum3A_683 = arith.constant dense<0.000000e+00> : vector<256xf32>
    %reduce_sum3A_684 = vector.multi_reduction <add>, %mul3A_682, %reduce_sum3A_683 [0] : vector<5x256xf32> to vector<256xf32>
    %broadcast_in_dim3A_685 = vector.shape_cast %reduce_sum3A_684 : vector<256xf32> to vector<1x256xf32>
    %add3A_686 = arith.addf %add3A_660, %broadcast_in_dim3A_685 : vector<1x256xf32>
    %slice3A_687 = vector.extract_strided_slice %concatenate3A_140 {offsets = [336, 0], sizes = [16, 256], strides = [1, 1]} : vector<416x256xf32> to vector<16x256xf32>
    %mul3A_688 = vector.broadcast %broadcast_in_dim3A : vector<16x1xf32> to vector<16x256xf32>
    %mul3A_689 = arith.mulf %slice3A_687, %mul3A_688 : vector<16x256xf32>
    %mul3A_690 = vector.broadcast %get3A_9 : vector<16x1xf32> to vector<16x256xf32>
    %mul3A_691 = arith.mulf %slice3A_687, %mul3A_690 : vector<16x256xf32>
    %slice3A_692 = vector.extract_strided_slice %concatenate3A_140 {offsets = [352, 0], sizes = [64, 256], strides = [1, 1]} : vector<416x256xf32> to vector<64x256xf32>
    %tile3A_693 = tpu.concatenate %mul3A_689, %mul3A_689, %mul3A_689, %mul3A_689 in 0 : vector<16x256xf32>, vector<16x256xf32>, vector<16x256xf32>, vector<16x256xf32> -> vector<64x256xf32>
    %mul3A_694 = arith.mulf %slice3A_692, %tile3A_693 : vector<64x256xf32>
    %reshape3A_695 = vector.shape_cast %mul3A_694 : vector<64x256xf32> to vector<4x16x256xf32>
    %reduce_sum3A_696 = arith.constant dense<0.000000e+00> : vector<4x256xf32>
    %reduce_sum3A_697 = vector.multi_reduction <add>, %reshape3A_695, %reduce_sum3A_696 [1] : vector<4x16x256xf32> to vector<4x256xf32>
    %tile3A_698 = tpu.concatenate %mul3A_691, %mul3A_691, %mul3A_691, %mul3A_691 in 0 : vector<16x256xf32>, vector<16x256xf32>, vector<16x256xf32>, vector<16x256xf32> -> vector<64x256xf32>
    %mul3A_699 = arith.mulf %slice3A_692, %tile3A_698 : vector<64x256xf32>
    %reshape3A_700 = vector.shape_cast %mul3A_699 : vector<64x256xf32> to vector<4x16x256xf32>
    %reduce_sum3A_701 = arith.constant dense<0.000000e+00> : vector<4x256xf32>
    %reduce_sum3A_702 = vector.multi_reduction <add>, %reshape3A_700, %reduce_sum3A_701 [1] : vector<4x16x256xf32> to vector<4x256xf32>
    %exp3A_703 = math.exp %reduce_sum3A_697 : vector<4x256xf32>
    %reduce_sum3A_704 = arith.constant dense<0.000000e+00> : vector<256xf32>
    %reduce_sum3A_705 = vector.multi_reduction <add>, %exp3A_703, %reduce_sum3A_704 [0] : vector<4x256xf32> to vector<256xf32>
    %broadcast_in_dim3A_706 = vector.shape_cast %reduce_sum3A_705 : vector<256xf32> to vector<1x256xf32>
    %add3A_707 = arith.addf %add3A_681, %broadcast_in_dim3A_706 : vector<1x256xf32>
    %mul3A_708 = arith.mulf %reduce_sum3A_702, %exp3A_703 : vector<4x256xf32>
    %reduce_sum3A_709 = arith.constant dense<0.000000e+00> : vector<256xf32>
    %reduce_sum3A_710 = vector.multi_reduction <add>, %mul3A_708, %reduce_sum3A_709 [0] : vector<4x256xf32> to vector<256xf32>
    %broadcast_in_dim3A_711 = vector.shape_cast %reduce_sum3A_710 : vector<256xf32> to vector<1x256xf32>
    %add3A_712 = arith.addf %add3A_686, %broadcast_in_dim3A_711 : vector<1x256xf32>
    %slice3A_713 = vector.extract_strided_slice %concatenate3A_140 {offsets = [352, 0], sizes = [16, 256], strides = [1, 1]} : vector<416x256xf32> to vector<16x256xf32>
    %mul3A_714 = vector.broadcast %broadcast_in_dim3A : vector<16x1xf32> to vector<16x256xf32>
    %mul3A_715 = arith.mulf %slice3A_713, %mul3A_714 : vector<16x256xf32>
    %mul3A_716 = vector.broadcast %get3A_9 : vector<16x1xf32> to vector<16x256xf32>
    %mul3A_717 = arith.mulf %slice3A_713, %mul3A_716 : vector<16x256xf32>
    %slice3A_718 = vector.extract_strided_slice %concatenate3A_140 {offsets = [368, 0], sizes = [48, 256], strides = [1, 1]} : vector<416x256xf32> to vector<48x256xf32>
    %tile3A_719 = tpu.concatenate %mul3A_715, %mul3A_715, %mul3A_715 in 0 : vector<16x256xf32>, vector<16x256xf32>, vector<16x256xf32> -> vector<48x256xf32>
    %mul3A_720 = arith.mulf %slice3A_718, %tile3A_719 : vector<48x256xf32>
    %reshape3A_721 = vector.shape_cast %mul3A_720 : vector<48x256xf32> to vector<3x16x256xf32>
    %reduce_sum3A_722 = arith.constant dense<0.000000e+00> : vector<3x256xf32>
    %reduce_sum3A_723 = vector.multi_reduction <add>, %reshape3A_721, %reduce_sum3A_722 [1] : vector<3x16x256xf32> to vector<3x256xf32>
    %tile3A_724 = tpu.concatenate %mul3A_717, %mul3A_717, %mul3A_717 in 0 : vector<16x256xf32>, vector<16x256xf32>, vector<16x256xf32> -> vector<48x256xf32>
    %mul3A_725 = arith.mulf %slice3A_718, %tile3A_724 : vector<48x256xf32>
    %reshape3A_726 = vector.shape_cast %mul3A_725 : vector<48x256xf32> to vector<3x16x256xf32>
    %reduce_sum3A_727 = arith.constant dense<0.000000e+00> : vector<3x256xf32>
    %reduce_sum3A_728 = vector.multi_reduction <add>, %reshape3A_726, %reduce_sum3A_727 [1] : vector<3x16x256xf32> to vector<3x256xf32>
    %exp3A_729 = math.exp %reduce_sum3A_723 : vector<3x256xf32>
    %reduce_sum3A_730 = arith.constant dense<0.000000e+00> : vector<256xf32>
    %reduce_sum3A_731 = vector.multi_reduction <add>, %exp3A_729, %reduce_sum3A_730 [0] : vector<3x256xf32> to vector<256xf32>
    %broadcast_in_dim3A_732 = vector.shape_cast %reduce_sum3A_731 : vector<256xf32> to vector<1x256xf32>
    %add3A_733 = arith.addf %add3A_707, %broadcast_in_dim3A_732 : vector<1x256xf32>
    %mul3A_734 = arith.mulf %reduce_sum3A_728, %exp3A_729 : vector<3x256xf32>
    %reduce_sum3A_735 = arith.constant dense<0.000000e+00> : vector<256xf32>
    %reduce_sum3A_736 = vector.multi_reduction <add>, %mul3A_734, %reduce_sum3A_735 [0] : vector<3x256xf32> to vector<256xf32>
    %broadcast_in_dim3A_737 = vector.shape_cast %reduce_sum3A_736 : vector<256xf32> to vector<1x256xf32>
    %add3A_738 = arith.addf %add3A_712, %broadcast_in_dim3A_737 : vector<1x256xf32>
    %slice3A_739 = vector.extract_strided_slice %concatenate3A_140 {offsets = [368, 0], sizes = [16, 256], strides = [1, 1]} : vector<416x256xf32> to vector<16x256xf32>
    %mul3A_740 = vector.broadcast %broadcast_in_dim3A : vector<16x1xf32> to vector<16x256xf32>
    %mul3A_741 = arith.mulf %slice3A_739, %mul3A_740 : vector<16x256xf32>
    %mul3A_742 = vector.broadcast %get3A_9 : vector<16x1xf32> to vector<16x256xf32>
    %mul3A_743 = arith.mulf %slice3A_739, %mul3A_742 : vector<16x256xf32>
    %slice3A_744 = vector.extract_strided_slice %concatenate3A_140 {offsets = [384, 0], sizes = [32, 256], strides = [1, 1]} : vector<416x256xf32> to vector<32x256xf32>
    %tile3A_745 = tpu.concatenate %mul3A_741, %mul3A_741 in 0 : vector<16x256xf32>, vector<16x256xf32> -> vector<32x256xf32>
    %mul3A_746 = arith.mulf %slice3A_744, %tile3A_745 : vector<32x256xf32>
    %reshape3A_747 = vector.shape_cast %mul3A_746 : vector<32x256xf32> to vector<2x16x256xf32>
    %reduce_sum3A_748 = arith.constant dense<0.000000e+00> : vector<2x256xf32>
    %reduce_sum3A_749 = vector.multi_reduction <add>, %reshape3A_747, %reduce_sum3A_748 [1] : vector<2x16x256xf32> to vector<2x256xf32>
    %tile3A_750 = tpu.concatenate %mul3A_743, %mul3A_743 in 0 : vector<16x256xf32>, vector<16x256xf32> -> vector<32x256xf32>
    %mul3A_751 = arith.mulf %slice3A_744, %tile3A_750 : vector<32x256xf32>
    %reshape3A_752 = vector.shape_cast %mul3A_751 : vector<32x256xf32> to vector<2x16x256xf32>
    %reduce_sum3A_753 = arith.constant dense<0.000000e+00> : vector<2x256xf32>
    %reduce_sum3A_754 = vector.multi_reduction <add>, %reshape3A_752, %reduce_sum3A_753 [1] : vector<2x16x256xf32> to vector<2x256xf32>
    %exp3A_755 = math.exp %reduce_sum3A_749 : vector<2x256xf32>
    %reduce_sum3A_756 = arith.constant dense<0.000000e+00> : vector<256xf32>
    %reduce_sum3A_757 = vector.multi_reduction <add>, %exp3A_755, %reduce_sum3A_756 [0] : vector<2x256xf32> to vector<256xf32>
    %broadcast_in_dim3A_758 = vector.shape_cast %reduce_sum3A_757 : vector<256xf32> to vector<1x256xf32>
    %add3A_759 = arith.addf %add3A_733, %broadcast_in_dim3A_758 : vector<1x256xf32>
    %mul3A_760 = arith.mulf %reduce_sum3A_754, %exp3A_755 : vector<2x256xf32>
    %reduce_sum3A_761 = arith.constant dense<0.000000e+00> : vector<256xf32>
    %reduce_sum3A_762 = vector.multi_reduction <add>, %mul3A_760, %reduce_sum3A_761 [0] : vector<2x256xf32> to vector<256xf32>
    %broadcast_in_dim3A_763 = vector.shape_cast %reduce_sum3A_762 : vector<256xf32> to vector<1x256xf32>
    %add3A_764 = arith.addf %add3A_738, %broadcast_in_dim3A_763 : vector<1x256xf32>
    %slice3A_765 = vector.extract_strided_slice %concatenate3A_140 {offsets = [384, 0], sizes = [16, 256], strides = [1, 1]} : vector<416x256xf32> to vector<16x256xf32>
    %mul3A_766 = vector.broadcast %broadcast_in_dim3A : vector<16x1xf32> to vector<16x256xf32>
    %mul3A_767 = arith.mulf %slice3A_765, %mul3A_766 : vector<16x256xf32>
    %mul3A_768 = vector.broadcast %get3A_9 : vector<16x1xf32> to vector<16x256xf32>
    %mul3A_769 = arith.mulf %slice3A_765, %mul3A_768 : vector<16x256xf32>
    %slice3A_770 = vector.extract_strided_slice %concatenate3A_140 {offsets = [400, 0], sizes = [16, 256], strides = [1, 1]} : vector<416x256xf32> to vector<16x256xf32>
    %mul3A_771 = arith.mulf %slice3A_770, %mul3A_767 : vector<16x256xf32>
    %reshape3A_772 = vector.shape_cast %mul3A_771 : vector<16x256xf32> to vector<1x16x256xf32>
    %reduce_sum3A_773 = arith.constant dense<0.000000e+00> : vector<1x256xf32>
    %reduce_sum3A_774 = vector.multi_reduction <add>, %reshape3A_772, %reduce_sum3A_773 [1] : vector<1x16x256xf32> to vector<1x256xf32>
    %mul3A_775 = arith.mulf %slice3A_770, %mul3A_769 : vector<16x256xf32>
    %reshape3A_776 = vector.shape_cast %mul3A_775 : vector<16x256xf32> to vector<1x16x256xf32>
    %reduce_sum3A_777 = arith.constant dense<0.000000e+00> : vector<1x256xf32>
    %reduce_sum3A_778 = vector.multi_reduction <add>, %reshape3A_776, %reduce_sum3A_777 [1] : vector<1x16x256xf32> to vector<1x256xf32>
    %exp3A_779 = math.exp %reduce_sum3A_774 : vector<1x256xf32>
    %reduce_sum3A_780 = arith.constant dense<0.000000e+00> : vector<256xf32>
    %reduce_sum3A_781 = vector.multi_reduction <add>, %exp3A_779, %reduce_sum3A_780 [0] : vector<1x256xf32> to vector<256xf32>
    %broadcast_in_dim3A_782 = vector.shape_cast %reduce_sum3A_781 : vector<256xf32> to vector<1x256xf32>
    %add3A_783 = arith.addf %add3A_759, %broadcast_in_dim3A_782 : vector<1x256xf32>
    %mul3A_784 = arith.mulf %reduce_sum3A_778, %exp3A_779 : vector<1x256xf32>
    %reduce_sum3A_785 = arith.constant dense<0.000000e+00> : vector<256xf32>
    %reduce_sum3A_786 = vector.multi_reduction <add>, %mul3A_784, %reduce_sum3A_785 [0] : vector<1x256xf32> to vector<256xf32>
    %broadcast_in_dim3A_787 = vector.shape_cast %reduce_sum3A_786 : vector<256xf32> to vector<1x256xf32>
    %add3A_788 = arith.addf %add3A_764, %broadcast_in_dim3A_787 : vector<1x256xf32>
    %get3A_789 = arith.constant 0 : index
    %get3A_790 = arith.constant 0 : index
    %get3A_791 = vector.load %arg7[%get3A_789, %get3A_790] : memref<1x1xf32, #tpu.memory_space<vmem>>, vector<1x1xf32>
    %add3A_792 = vector.broadcast %get3A_791 : vector<1x1xf32> to vector<1x256xf32>
    %add3A_793 = arith.addf %add3A_792, %broadcast_in_dim3A_23 : vector<1x256xf32>
    %div3A = arith.divf %add3A_788, %add3A_783 : vector<1x256xf32>
    %add3A_794 = arith.addf %add3A_793, %div3A : vector<1x256xf32>
    %swap3A = arith.constant 0 : index
    %swap3A_795 = arith.constant 0 : index
    %swap3A_796 = vector.load %arg8[%swap3A, %swap3A_795] : memref<1x256xf32, #tpu.memory_space<vmem>>, vector<1x256xf32>
    tpu.vector_store %arg8[%swap3A, %swap3A_795], %add3A_794 {strides = array<i32>} : memref<1x256xf32, #tpu.memory_space<vmem>>, vector<1x256xf32>,
    return
  }
  func.func @transform_0(%arg0: i32) -> (i32, i32) {
    %c0_i32 = arith.constant 0 : i32
    %c0_i32_0 = arith.constant 0 : i32
    return %arg0, %c0_i32 : i32, i32
  }
  func.func @transform_1(%arg0: i32) -> (i32, i32) {
    %c0_i32 = arith.constant 0 : i32
    %c0_i32_0 = arith.constant 0 : i32
    return %arg0, %c0_i32 : i32, i32
  }
  func.func @transform_2(%arg0: i32) -> (i32, i32) {
    %c0_i32 = arith.constant 0 : i32
    %c0_i32_0 = arith.constant 0 : i32
    return %arg0, %c0_i32 : i32, i32
  }
  func.func @transform_3(%arg0: i32) -> (i32, i32) {
    %c0_i32 = arith.constant 0 : i32
    %c0_i32_0 = arith.constant 0 : i32
    %c0_i32_1 = arith.constant 0 : i32
    return %c0_i32, %c0_i32_0 : i32, i32
  }
  func.func @transform_4(%arg0: i32) -> (i32, i32) {
    %c0_i32 = arith.constant 0 : i32
    %c0_i32_0 = arith.constant 0 : i32
    %c0_i32_1 = arith.constant 0 : i32
    return %c0_i32, %c0_i32_0 : i32, i32
  }
  func.func @transform_5(%arg0: i32) -> (i32, i32) {
    %c0_i32 = arith.constant 0 : i32
    %c0_i32_0 = arith.constant 0 : i32
    %c0_i32_1 = arith.constant 0 : i32
    return %c0_i32, %c0_i32_0 : i32, i32
  }
  func.func @transform_6(%arg0: i32) -> (i32, i32) {
    %c0_i32 = arith.constant 0 : i32
    %c0_i32_0 = arith.constant 0 : i32
    %c0_i32_1 = arith.constant 0 : i32
    return %c0_i32, %c0_i32_0 : i32, i32
  }
  func.func @transform_7(%arg0: i32) -> (i32, i32) {
    %c0_i32 = arith.constant 0 : i32
    %c0_i32_0 = arith.constant 0 : i32
    return %c0_i32, %arg0 : i32, i32
  }
}

</mosaic_0001>

<sc_bundles>
// kernel: kernel.5.cloned.1.call-start
scs
__scs_entry_jumppad:
0x0: {  	(pc) =	sbr.rel $0x88, $3  }
0x1: {  	(tag) =	ssettag $0x0;
	lr =	simm.s32 $0x1  }
0x2: {  	[smem:$0x3F99] =	sst lr;
	_ =	strace $0xD0000000  }
0x3: {  	_ = 	snop  }
0x4: {  	_ = 	snop  }
0x5: {  	_ = 	snop  }
0x6: {  	_ = 	snop  }
0x7: {  	_ = 	snop  }
__scs_overlays_trampoline_lowered:
0x8: {  	[smem:$0x3FA8] =	sst s0  }
0x9: {  	[smem:$0x3FA9] =	sst s1  }
0xa: {  	[smem:$0x3FAA] =	sst s2  }
0xb: {  	[smem:$0x3FAB] =	sst s3  }
0xc: {  	[smem:$0x3FAC] =	sst s4  }
0xd: {  	[smem:$0x3FAD] =	sst s5  }
0xe: {  	[smem:$0x3FAE] =	sst s6  }
0xf: {  	[smem:$0x3FAF] =	sst s7  }
0x10: {  	[smem:$0x3FB0] =	sst s8  }
0x11: {  	[smem:$0x3FB1] =	sst s9;
	s0 =	simm.s32 @!p0 $0x0  }
0x12: {  	s1 =	sld [smem:$0x3F97];
	s0 =	simm.s32 @p0 $0x1  }
0x13: {  	[smem:$0x3FB2] =	sst s0;
	s0 =	simm.s32 @!p1 $0x0  }
0x14: {  	s2 =	sld [smem:$0x3F96];
	s0 =	simm.s32 @p1 $0x1  }
0x15: {  	[smem:$0x3FB3] =	sst s0;
	s0 =	simm.s32 @!p2 $0x0  }
0x16: {  	s3 =	sld [smem:$0x3FDB];
	s0 =	simm.s32 @p2 $0x1  }
0x17: {  	s4 =	simm.s32 $0x1BF5;
	[smem:$0x3FB5] =	sst s0  }
0x18: {  	s0 =	sld [smem:$0x3F98];
	_ =	swait.ge [sflag:s4], $0x0  }
0x19: {  	s7 =	sld [smem:$0x3F99]  }
0x1a: {  	s8 =	sadd.s32 $0xFFFFE003, lr  }
0x1b: {  	s9 =	sadd.s32 $0xFFFFFEF7, lr;
	s5 =	simm.s32 $0xFFFFFFFF;
	p2 =	slt.u32 s8, $0xFFFFF086  }
0x1c: {  	p1 =	slt.u32 s9, $0xF7A;
	s5 =	simm.s32 @!p2 $0x0  }
0x1d: {  	s5 =	simm.s32 @p1 $0x1;
	p0 =	seq.s32 s7, s2  }
0x1e: {  	s7 =	smul.u32 @!p0 $0xF7A, s2;
	p2 =	seq.s32 @!p0 s5, $0x0  }
0x1f: {  	s9 =	smul.u32 $0xF7A, s1;
	s8 =	simm.s32 @!p0 $0x1BF5;
	p2 =	por !p2, p0  }
0x20: {  	[sflag:s8] =	ssyncset.s32 @!p0 $0xFFFFF086;
	s6 =	sadd.s32 @!p0 s3, s7;
	s7 =	simm.s32 @!p0 $0x108  }
0x21: {  	s3 =	sadd.s32 s3, s9;
	s6 =	sadd.s32 @!p0 $0x88, s6;
	s7 =	simm.s32 @p2 $0x1082  }
0x22: {  	[simem:s7], [sflag:s8] =	dma.local @!p0 [hbm:s6], $0xF7A  }
0x23: {  	s9 =	sor.u32 $0xD0000000, s2;
	s6 =	simm.s32 $0x108;
	_ =	swait.ge @!p0 [sflag:s8], $0x0  }
0x24: {  	s3 =	sadd.s32 $0x88, s3;
	s6 =	simm.s32 @!p1 $0x1082;
	[sflag:s4] =	ssyncset.s32 $0xFFFFF086  }
0x25: {  	[simem:s6], [sflag:s4] =	dma.local [hbm:s3], $0xF7A  }
0x26: {  	[smem:$0x3F99] =	sst s1;
	(tag) =	ssettag s2;
	_ =	strace s9  }
0x27: {  	s1 =	sld [smem:$0x3FA9]  }
0x28: {  	s2 =	sld [smem:$0x3FAA]  }
0x29: {  	s4 =	sld [smem:$0x3FAC]  }
0x2a: {  	p0 =	seq.s32 s5, $0x0;
	s5 =	sld [smem:$0x3FAD]  }
0x2b: {  	s6 =	sld [smem:$0x3FAE]  }
0x2c: {  	s7 =	sld [smem:$0x3FAF]  }
0x2d: {  	s3 =	simm.s32 $0x108;
	s8 =	sld [smem:$0x3FB0]  }
0x2e: {  	s3 =	simm.s32 @!p0 $0x1082;
	s9 =	sld [smem:$0x3FB1]  }
0x2f: {  	lr =	sadd.s32 s0, s3;
	s0 =	sld [smem:$0x3FA8]  }
0x30: {  	s3 =	sld [smem:$0x3FAB]  }
0x31: {  	[smem:$0x3FB4] =	sst s10  }
0x32: {  	s10 =	sld [smem:$0x3FB2];
	_ =	sdelay $0x3  }
0x33: {  	p0 =	seq.s32 s10, $0x1;
	s10 =	sld [smem:$0x3FB4];
	_ =	sdelay $0x3  }
0x34: {  	[smem:$0x3FB4] =	sst s10  }
0x35: {  	s10 =	sld [smem:$0x3FB3];
	_ =	sdelay $0x3  }
0x36: {  	p1 =	seq.s32 s10, $0x1;
	s10 =	sld [smem:$0x3FB4];
	_ =	sdelay $0x3  }
0x37: {  	[smem:$0x3FB4] =	sst s10  }
0x38: {  	s10 =	sld [smem:$0x3FB5]  }
0x39: {  	_ = 	snop;
	(pc) =	sbr.ind lr, $3  }
0x3a: {  	_ = 	snop  }
0x3b: {  	_ = 	snop  }
0x3c: {  	p2 =	seq.s32 s10, $0x1;
	s10 =	sld [smem:$0x3FB4]  }
0x3d: {  	_ =	shalt  }
0x3e: {  	_ =	shalt  }
0x3f: {  	_ =	shalt  }
0x40: {  	_ =	shalt  }
0x41: {  	_ =	shalt  }
0x42: {  	_ =	shalt  }
0x43: {  	_ =	shalt  }
0x44: {  	_ =	shalt  }
0x45: {  	_ =	shalt  }
0x46: {  	_ =	shalt  }
0x47: {  	_ =	shalt  }
0x48: {  	_ =	shalt  }
0x49: {  	_ =	shalt  }
0x4a: {  	_ =	shalt  }
0x4b: {  	_ =	shalt  }
0x4c: {  	_ =	shalt  }
0x4d: {  	_ =	shalt  }
0x4e: {  	_ =	shalt  }
0x4f: {  	_ =	shalt  }
0x50: {  	_ =	shalt  }
0x51: {  	_ =	shalt  }
0x52: {  	_ =	shalt  }
0x53: {  	_ =	shalt  }
0x54: {  	_ =	shalt  }
0x55: {  	_ =	shalt  }
0x56: {  	_ =	shalt  }
0x57: {  	_ =	shalt  }
0x58: {  	_ =	shalt  }
0x59: {  	_ =	shalt  }
0x5a: {  	_ =	shalt  }
0x5b: {  	_ =	shalt  }
0x5c: {  	_ =	shalt  }
0x5d: {  	_ =	shalt  }
0x5e: {  	_ =	shalt  }
0x5f: {  	_ =	shalt  }
0x60: {  	_ =	shalt  }
0x61: {  	_ =	shalt  }
0x62: {  	_ =	shalt  }
0x63: {  	_ =	shalt  }
0x64: {  	_ =	shalt  }
0x65: {  	_ =	shalt  }
0x66: {  	_ =	shalt  }
0x67: {  	_ =	shalt  }
0x68: {  	_ =	shalt  }
0x69: {  	_ =	shalt  }
0x6a: {  	_ =	shalt  }
0x6b: {  	_ =	shalt  }
0x6c: {  	_ =	shalt  }
0x6d: {  	_ =	shalt  }
0x6e: {  	_ =	shalt  }
0x6f: {  	_ =	shalt  }
0x70: {  	_ =	shalt  }
0x71: {  	_ =	shalt  }
0x72: {  	_ =	shalt  }
0x73: {  	_ =	shalt  }
0x74: {  	_ =	shalt  }
0x75: {  	_ =	shalt  }
0x76: {  	_ =	shalt  }
0x77: {  	_ =	shalt  }
0x78: {  	_ =	shalt  }
0x79: {  	_ =	shalt  }
0x7a: {  	_ =	shalt  }
0x7b: {  	_ =	shalt  }
0x7c: {  	_ =	shalt  }
0x7d: {  	_ =	shalt  }
0x7e: {  	_ =	shalt  }
0x7f: {  	_ =	shalt  }
0x80: {  	_ =	shalt  }
0x81: {  	_ =	shalt  }
0x82: {  	_ =	shalt  }
0x83: {  	_ =	shalt  }
0x84: {  	_ =	shalt  }
0x85: {  	_ =	shalt  }
0x86: {  	_ =	shalt  }
0x87: {  	_ =	shalt  }
.Lfunc_end0:
.L_simem_size_0:
called_computation_lowered:
.L_overlay_start_0:
0x88: {  	s2 =	sld [smem:$0x3FD9]  }
0x89: {  	s3 =	sld [smem:$0x3FFE];
	_ =	sdelay $0x1  }
0x8a: {  	s1 =	srdreg.scid  }
0x8b: {  	s0 =	sand.u32 $0x1, s1  }
0x8c: {  	s16 =	sshll.u32 s0, $0xA;
	s2 =	sadd.s32 s3, s2  }
0x8d: {  	s2 =	sadd.s32 s2, s16  }
0x8e: {  	[smem:$0x3FC0] =	sst s2  }
0x8f: {  	_ = 	snop  }
0x90: {  	(tm) =	ssettm $0x1  }
0x91: {  	s17 =	sld [smem:$0x3FFB];
	_ =	sdelay $0x3  }
0x92: {  	_ =	strace s17  }
0x93: {  	s2 =	sld [smem:$0x3FFC];
	_ =	sdelay $0x3  }
0x94: {  	_ =	strace s2  }
0x95: {  	s2 =	sld [smem:$0x3FFD];
	_ =	sdelay $0x3  }
0x96: {  	_ =	strace s2  }
0x97: {  	_ =	strace $0x8FFFFFFF  }
0x98: {  	s18 =	sld [smem:$0x3FDB];
	_ =	sdelay $0x1  }
0x99: {  	s19 =	simm.s32 $_scs_section_size  }
0x9a: {  	s4 =	simm.s32 $_size__tile_overlayer_lowered;
	s5 =	simm.s32 $_tile_overlayer_lowered  }
0x9b: {  	s22 =	simm.s32 $0x1BFF;
	s21 =	sshll.u32 s5, $0x1;
	s2 =	sadd.s32 s19, s18  }
0x9c: {  	s6 =	simm.s32 $0x0;
	s20 =	sshll.u32 s4, $0x1;
	s4 =	sadd.s32 s21, s2  }
0x9d: {  	[timem:s6], [sflag:s22] =	dma.local [hbm:s4], s20  }
0x9e: {  	_ =	swait.ge [sflag:s22], s20  }
0x9f: {  	s3 =	ssub.s32 $0x0, s20;
	[sflag:s22] =	ssyncset.done $0x0  }
0xa0: {  	[sflag:s22] =	ssyncadd.s32 s3;
	_ =	sdelay $0x1  }
0xa1: {  	s23 =	simm.s32 $0x1B8B  }
0xa2: {  	_ =	swait.ge [sflag:s23], $0x1  }
0xa3: {  	[sflag:s23] =	ssyncset.done $0x0  }
0xa4: {  	s25 =	simm.s32 $0x1B8E;
	s24 =	sld [smem:$0x3FFE];
	[sflag:s23] =	ssyncadd.s32 $0xFFFFFFFF  }
0xa5: {  	s26 =	simm.s32 $execute0_lowered;
	[smem:$0x3FD2] =	sst s25  }
0xa6: {  	s4 =	sshll.u32 s26, $0x1;
	_ =	strace $0x80000046;
	[dreg:$0x1] =	wrdreg $0xFFFFFFFF  }
0xa7: {  	s28 =	simm.s32 $_size_execute0_lowered;
	s2 =	sadd.s32 s2, s4;
	[dreg:$0x0] =	wrdreg $0x0  }
0xa8: {  	s4 =	sshll.u32 s28, $0x1;
	[dreg:$0x2] =	wrdreg s2  }
0xa9: {  	[dreg:$0x3] =	wrdreg s4  }
0xaa: {  	[dreg:$0x4] =	wrdreg $0xC0  }
0xab: {  	_ =	task [dreg:s6], $0x5FFFF  }
0xac: {  	[dreg:$0x1] =	wrdreg $0xFFFFFFFF  }
0xad: {  	[dreg:$0x0] =	wrdreg $0x60  }
0xae: {  	[dreg:$0x2] =	wrdreg s24  }
0xaf: {  	[dreg:$0x3] =	wrdreg $0x9  }
0xb0: {  	_ =	task.clear_ibuf [dreg:s6], $0x4FFFF;
	_ =	strace $0x90000046  }
0xb1: {  	s29 =	simm.s32 $0x9;
	_ =	strace $0x80000048  }
0xb2: {  	_ =	swait.ge [sflag:s29], $0x1  }
0xb3: {  	[sflag:s29] =	ssyncadd.s32 $0xFFFFFFFF  }
0xb4: {  	_ =	strace $0x90000048  }
0xb5: {  	_ =	sfence  }
0xb6: {  	s30 =	sld [smem:$0x0];
	_ =	sdelay $0x2  }
0xb7: {  	s31 =	sshll.u32 s1, $0xD;
	s1 =	sshrl.u32 s1, $0x2  }
0xb8: {  	s3 =	sand.u32 $0x4000, s31;
	s1 =	sadd.s32 s1, s30  }
0xb9: {  	s0 =	sor.u32 s3, s0;
	s1 =	sshll.u32 s1, $0x11  }
0xba: {  	s0 =	sor.u32 s1, s0  }
0xbb: {  	s0 =	sadd.s32 $0x8F2B, s0  }
0xbc: {  	[sflag:s0] =	ssyncadd.remote.s32 $0x1  }
0xbd: {  	_ =	sfence.sel $0xFFFF  }
0xbe: {  	[dreg:$0x0] =	wrdreg $0xFFFFFFFF;
	(pc) =	sbr.abs _section_cstart, $3  }
0xbf: {  	[dreg:$0x1] =	wrdreg $0xFFFFFFFF  }
0xc0: {  	_ =	task.clear_ibuf [dreg:s6], $0x2FFFF;
	_ =	strace $0x9FFFFFFF  }
0xc1: {  	(tm) =	ssettm $0x7FFFFFFF  }
tec
execute0_lowered:
.L_overlay_start_1:
0x0: {  	(tag) =	ssettag $0x1  }
0x1: {  	s0 =	srdreg.scid;
	s1 =	stileid.u32  }
0x2: {  	s0 =	sand.u32 $0x1, s0;
	s1 =	sshll.u32 s1, $0x1  }
0x3: {  	s1 =	sor.u32 s0, s1  }
0x4: {  	s2 =	rddreg [dreg:$0x0];
	s3 =	smul.u32 $0x1A0, s1;
	s1 =	sshll.u32 s1, $0xD  }
0x5: {  	s9 =	simm.s32 $0x0;
	s1 =	sadd.s32 s1, s2  }
0x6: {  	[smem:$0x7FF] =	sst s9;
	s10 =	sadd.s32 $0x4800, s1  }
0x7: {  	_ =	strace $0x80000047;
	s11 =	sadd.s32 $0x4802, s1;
	[dreg:$0x3] =	wrdreg s10  }
0x8: {  	s12 =	sadd.s32 $0x4804, s1;
	[dreg:$0x4] =	wrdreg s11  }
0x9: {  	s13 =	sadd.s32 $0x4806, s1;
	[dreg:$0x5] =	wrdreg s12  }
0xa: {  	s14 =	sadd.s32 $0x4808, s1;
	[dreg:$0x6] =	wrdreg s13  }
0xb: {  	s15 =	sadd.s32 $0x480A, s1;
	[dreg:$0x7] =	wrdreg s14  }
0xc: {  	s16 =	sadd.s32 $0x480C, s1;
	[dreg:$0x8] =	wrdreg s15  }
0xd: {  	s17 =	sadd.s32 $0x480E, s1;
	[dreg:$0x9] =	wrdreg s16  }
0xe: {  	s18 =	sadd.s32 $0x4810, s1;
	[dreg:$0xa] =	wrdreg s17  }
0xf: {  	s19 =	sadd.s32 $0x4812, s1;
	[dreg:$0xb] =	wrdreg s18  }
0x10: {  	s20 =	sadd.s32 $0x4814, s1;
	[dreg:$0xc] =	wrdreg s19  }
0x11: {  	s21 =	sadd.s32 $0x4816, s1;
	[dreg:$0xd] =	wrdreg s20  }
0x12: {  	s22 =	sadd.s32 $0x4818, s1;
	[dreg:$0xe] =	wrdreg s21  }
0x13: {  	s23 =	sadd.s32 $0x481A, s1;
	[dreg:$0xf] =	wrdreg s22  }
0x14: {  	s24 =	sadd.s32 $0x481C, s1;
	[dreg:$0x10] =	wrdreg s23  }
0x15: {  	s25 =	sadd.s32 $0x481E, s1;
	[dreg:$0x11] =	wrdreg s24  }
0x16: {  	s26 =	sadd.s32 $0x4820, s1;
	[dreg:$0x12] =	wrdreg s25  }
0x17: {  	s4 =	sadd.s32 $0x4822, s1;
	[dreg:$0x13] =	wrdreg s26  }
0x18: {  	s5 =	sadd.s32 $0x4824, s1;
	[dreg:$0x14] =	wrdreg s4  }
0x19: {  	s6 =	sadd.s32 $0x4826, s1;
	[dreg:$0x15] =	wrdreg s5  }
0x1a: {  	s7 =	sadd.s32 $0x4828, s1;
	[dreg:$0x16] =	wrdreg s6  }
0x1b: {  	s3 =	sadd.s32 s3, s2;
	s8 =	sadd.s32 $0x482A, s1;
	[dreg:$0x17] =	wrdreg s7  }
0x1c: {  	s3 =	sadd.s32 $0x1400, s3;
	[dreg:$0x18] =	wrdreg s8  }
0x1d: {  	s10 =	sadd.s32 $0x482C, s1;
	[dreg:$0x2] =	wrdreg s3  }
0x1e: {  	s31 =	simm.s32 $0x4500;
	s11 =	sadd.s32 $0x482E, s1;
	[dreg:$0x19] =	wrdreg s10  }
0x1f: {  	s30 =	simm.s32 $0x5500;
	s12 =	sadd.s32 $0x4830, s1;
	[dreg:$0x1a] =	wrdreg s11  }
0x20: {  	s29 =	simm.s32 $0x5D00;
	s1 =	sadd.s32 $0x4832, s1;
	[dreg:$0x1b] =	wrdreg s12  }
0x21: {  	s28 =	simm.s32 $0x6500;
	s13 =	simm.s32 $0x100;
	[dreg:$0x1c] =	wrdreg s1  }
0x22: {  	p0 =	por $0x0, $0x0;
	s15 =	simm.s32 $0x180;
	[dreg:$0x1d] =	wrdreg s13  }
0x23: {  	s0 =	ssub.s32 $0x2, s0;
	s16 =	simm.s32 $0x280;
	[dreg:$0x1e] =	wrdreg s15  }
0x24: {  	s23 =	sadd.s32 $0x27AD800, s2;
	s17 =	simm.s32 $0x300;
	[dreg:$0x1f] =	wrdreg s16  }
0x25: {  	s14 =	sshrl.u32 s0, $0x1;
	s18 =	simm.s32 $0x380;
	[smem:$0x7EA] =	sst s17  }
0x26: {  	s8 =	simm.s32 $0x3;
	s19 =	simm.s32 $0x400;
	[smem:$0x7EB] =	sst s18  }
0x27: {  	s7 =	simm.s32 $0x80;
	s20 =	simm.s32 $0x480;
	[smem:$0x7EC] =	sst s19  }
0x28: {  	s21 =	simm.s32 $0x500;
	s22 =	simm.s32 $0x580;
	[smem:$0x7ED] =	sst s20  }
0x29: {  	s5 =	simm.s32 $0x600;
	s24 =	simm.s32 $0x680;
	[smem:$0x7EE] =	sst s21  }
0x2a: {  	s25 =	simm.s32 $0x700;
	s4 =	simm.s32 $0x3500;
	[smem:$0x7EF] =	sst s22  }
0x2b: {  	s26 =	simm.s32 $0x780;
	s6 =	simm.s32 $0x880;
	[smem:$0x7F0] =	sst s5  }
0x2c: {  	s0 =	ssub.s32 s0, s14;
	s15 =	simm.s32 $0xD00;
	[smem:$0x7F1] =	sst s24  }
0x2d: {  	s11 =	simm.s32 $0x1500;
	s14 =	simm.s32 $0x1D00;
	[smem:$0x7F2] =	sst s25  }
0x2e: {  	s21 =	simm.s32 $0x2500;
	s3 =	simm.s32 $0x200;
	[smem:$0x7F3] =	sst s26  }
0x2f: {  	s22 =	simm.s32 $0x2D00;
	s1 =	simm.s32 $0x800;
	[smem:$0x7F5] =	sst s6  }
0x30: {  	s10 =	simm.s32 $0x900;
	s12 =	simm.s32 $0x980;
	[smem:$0x7F4] =	sst s1  }
0x31: {  	s13 =	simm.s32 $0xA00;
	s16 =	simm.s32 $0xA80;
	[smem:$0x7F6] =	sst s10  }
0x32: {  	s26 =	simm.s32 $0x6D00;
	s17 =	simm.s32 $0xB00;
	[smem:$0x7F7] =	sst s12  }
0x33: {  	s25 =	simm.s32 $0x7500;
	s2 =	smax.u32 s0, $0x1;
	[smem:$0x7F8] =	sst s13  }
0x34: {  	s18 =	simm.s32 $0xB80;
	[smem:$0x7F9] =	sst s16;
	p1 =	sne.s32 s2, $0x1  }
.Ltmp0:
0x35: {  	s24 =	simm.s32 $0x7D00;
	[smem:$0x7FA] =	sst s17;
	(pc) =	sbr.rel @!p1 .LBB2_5-.Ltmp0, $4  }
0x36: {  	s19 =	simm.s32 $0xC00;
	s20 =	simm.s32 $0xC80;
	[smem:$0x7FB] =	sst s18  }
0x37: {  	s5 =	simm.s32 $0x1;
	s6 =	simm.s32 $0x10;
	[smem:$0x7FC] =	sst s19  }
0x38: {  	s0 =	simm.s32 $0x3D00;
	s1 =	simm.s32 $0x4D00;
	[smem:$0x7FD] =	sst s20  }
0x39: {  	s10 =	rddreg [dreg:$0x2];
	s19 =	sadd.s32 $0xFFFFFFFF, s2;
	s2 =	simm.s32 $0x2  }
0x3a: {  	[tilespmem:s9], [sflag:$0x3] =	stream.linear.gather [hbm4b:s10+s9], $0xD00, $0x38;
	[tilespmem:$0xDD00] =	vst v63  }
0x3b: {  	_ =	swait.ge [sflag:s8], $0xD00  }
0x3c: {  	[sflag:s8] =	ssyncset.done $0x0  }
0x3d: {  	[sflag:s8] =	ssyncadd.s32 $0xFFFFF300  }
0x3e: {  	[tilespmem:s15], [sflag:$0x1] =	stream.indirect.gather [hbm4b:s23+s7], $0x10, s9, s7, $0xb8;
	[tilespmem:$0xDD00] =	vst v63  }
0x3f: {  	_ = 	snop  }
0x40: {  	[tilespmem:s11], [sflag:$0x1] =	stream.indirect.gather [hbm4b:s23+s7], $0x10, s7, s7, $0xb8;
	[tilespmem:$0xDD00] =	vst v63  }
0x41: {  	s13 =	rddreg [dreg:$0x1d];
	s8 =	simm.s32 $0x1D00  }
0x42: {  	[tilespmem:s8], [sflag:$0x1] =	stream.indirect.gather [hbm4b:s23+s7], $0x10, s13, s7, $0xb8;
	[tilespmem:$0xDD00] =	vst v63  }
0x43: {  	s20 =	simm.s32 $0x2500;
	s16 =	rddreg [dreg:$0x1e]  }
0x44: {  	[tilespmem:s20], [sflag:$0x1] =	stream.indirect.gather [hbm4b:s23+s7], $0x10, s16, s7, $0xb8;
	[tilespmem:$0xDD00] =	vst v63  }
0x45: {  	s17 =	rddreg [dreg:$0x1f];
	s15 =	simm.s32 $0x2D00  }
0x46: {  	[tilespmem:s15], [sflag:$0x1] =	stream.indirect.gather [hbm4b:s23+s7], $0x10, s3, s7, $0xb8;
	[tilespmem:$0xDD00] =	vst v63  }
0x47: {  	s4 =	simm.s32 $0x3500;
	s18 =	sld [smem:$0x7EA]  }
0x48: {  	[tilespmem:s4], [sflag:$0x1] =	stream.indirect.gather [hbm4b:s23+s7], $0x10, s17, s7, $0xb8;
	[tilespmem:$0xDD00] =	vst v63  }
0x49: {  	s21 =	simm.s32 $0x3D00;
	s24 =	sld [smem:$0x7EB]  }
0x4a: {  	[tilespmem:s21], [sflag:$0x1] =	stream.indirect.gather [hbm4b:s23+s7], $0x10, s18, s7, $0xb8;
	[tilespmem:$0xDD00] =	vst v63  }
0x4b: {  	s22 =	simm.s32 $0x4500;
	s26 =	sld [smem:$0x7EC]  }
0x4c: {  	[tilespmem:s22], [sflag:$0x1] =	stream.indirect.gather [hbm4b:s23+s7], $0x10, s24, s7, $0xb8;
	[tilespmem:$0xDD00] =	vst v63  }
0x4d: {  	s0 =	simm.s32 $0x4D00;
	s29 =	sld [smem:$0x7ED]  }
0x4e: {  	[tilespmem:s0], [sflag:$0x1] =	stream.indirect.gather [hbm4b:s23+s7], $0x10, s26, s7, $0xb8;
	[tilespmem:$0xDD00] =	vst v63  }
0x4f: {  	s30 =	simm.s32 $0x5500;
	s13 =	sld [smem:$0x7EE]  }
0x50: {  	[tilespmem:s30], [sflag:$0x1] =	stream.indirect.gather [hbm4b:s23+s7], $0x10, s29, s7, $0xb8;
	[tilespmem:$0xDD00] =	vst v63  }
0x51: {  	s1 =	simm.s32 $0x5D00;
	s16 =	sld [smem:$0x7EF]  }
0x52: {  	[tilespmem:s1], [sflag:$0x1] =	stream.indirect.gather [hbm4b:s23+s7], $0x10, s13, s7, $0xb8;
	[tilespmem:$0xDD00] =	vst v63  }
0x53: {  	s28 =	simm.s32 $0x6500;
	s17 =	sld [smem:$0x7F0]  }
0x54: {  	[tilespmem:s28], [sflag:$0x1] =	stream.indirect.gather [hbm4b:s23+s7], $0x10, s16, s7, $0xb8;
	[tilespmem:$0xDD00] =	vst v63  }
0x55: {  	s31 =	simm.s32 $0x6D00;
	s18 =	sld [smem:$0x7F1]  }
0x56: {  	[tilespmem:s31], [sflag:$0x1] =	stream.indirect.gather [hbm4b:s23+s7], $0x10, s17, s7, $0xb8;
	[tilespmem:$0xDD00] =	vst v63  }
0x57: {  	s12 =	simm.s32 $0x7500;
	s24 =	sld [smem:$0x7F2]  }
0x58: {  	[tilespmem:s12], [sflag:$0x1] =	stream.indirect.gather [hbm4b:s23+s7], $0x10, s18, s7, $0xb8;
	[tilespmem:$0xDD00] =	vst v63  }
0x59: {  	s25 =	simm.s32 $0x7D00;
	s26 =	sld [smem:$0x7F3]  }
0x5a: {  	[tilespmem:s25], [sflag:$0x1] =	stream.indirect.gather [hbm4b:s23+s7], $0x10, s24, s7, $0xb8;
	[tilespmem:$0xDD00] =	vst v63  }
0x5b: {  	s29 =	sld [smem:$0x7F4];
	s16 =	simm.s32 $0x8500  }
0x5c: {  	[tilespmem:s16], [sflag:$0x1] =	stream.indirect.gather [hbm4b:s23+s7], $0x10, s26, s7, $0xb8;
	[tilespmem:$0xDD00] =	vst v63  }
0x5d: {  	s13 =	sld [smem:$0x7F5];
	s17 =	simm.s32 $0x8D00  }
0x5e: {  	[tilespmem:s17], [sflag:$0x1] =	stream.indirect.gather [hbm4b:s23+s7], $0x10, s29, s7, $0xb8;
	[tilespmem:$0xDD00] =	vst v63  }
0x5f: {  	s18 =	simm.s32 $0x9500;
	s24 =	sld [smem:$0x7F6]  }
0x60: {  	[tilespmem:s18], [sflag:$0x1] =	stream.indirect.gather [hbm4b:s23+s7], $0x10, s13, s7, $0xb8;
	[tilespmem:$0xDD00] =	vst v63  }
0x61: {  	s26 =	sld [smem:$0x7F7];
	s13 =	simm.s32 $0x9D00  }
0x62: {  	[tilespmem:s13], [sflag:$0x1] =	stream.indirect.gather [hbm4b:s23+s7], $0x10, s24, s7, $0xb8;
	[tilespmem:$0xDD00] =	vst v63  }
0x63: {  	s29 =	sld [smem:$0x7F8];
	s24 =	simm.s32 $0xA500  }
0x64: {  	[tilespmem:s24], [sflag:$0x1] =	stream.indirect.gather [hbm4b:s23+s7], $0x10, s26, s7, $0xb8;
	[tilespmem:$0xDD00] =	vst v63  }
0x65: {  	s9 =	sld [smem:$0x7F9];
	s26 =	simm.s32 $0xAD00  }
0x66: {  	[tilespmem:s26], [sflag:$0x1] =	stream.indirect.gather [hbm4b:s23+s7], $0x10, s29, s7, $0xb8;
	[tilespmem:$0xDD00] =	vst v63  }
0x67: {  	s10 =	sld [smem:$0x7FA];
	s29 =	simm.s32 $0xB500  }
0x68: {  	[tilespmem:s29], [sflag:$0x1] =	stream.indirect.gather [hbm4b:s23+s7], $0x10, s9, s7, $0xb8;
	[tilespmem:$0xDD00] =	vst v63  }
0x69: {  	s9 =	sld [smem:$0x7FB];
	s29 =	simm.s32 $0xBD00  }
0x6a: {  	[tilespmem:s29], [sflag:$0x1] =	stream.indirect.gather [hbm4b:s23+s7], $0x10, s10, s7, $0xb8;
	[tilespmem:$0xDD00] =	vst v63  }
0x6b: {  	s10 =	sld [smem:$0x7FC];
	s29 =	simm.s32 $0xC500  }
0x6c: {  	[tilespmem:s29], [sflag:$0x1] =	stream.indirect.gather [hbm4b:s23+s7], $0x10, s9, s7, $0xb8;
	[tilespmem:$0xDD00] =	vst v63  }
0x6d: {  	s9 =	sld [smem:$0x7FD];
	s29 =	simm.s32 $0xCD00  }
0x6e: {  	[tilespmem:s29], [sflag:$0x1] =	stream.indirect.gather [hbm4b:s23+s7], $0x10, s10, s7, $0xb8;
	[tilespmem:$0xDD00] =	vst v63  }
0x6f: {  	s10 =	simm.s32 $0xD500  }
0x70: {  	[tilespmem:s10], [sflag:$0x1] =	stream.indirect.gather [hbm4b:s23+s7], $0x10, s9, s7, $0xb8;
	[tilespmem:$0xDD00] =	vst v63  }
0x71: {  	_ =	swait.ge [sflag:s5], $0x800  }
0x72: {  	[sflag:s5] =	ssyncset.done $0x0  }
0x73: {  	s14 =	simm.s32 $0xD00;
	s9 =	rddreg [dreg:$0x3];
	[sflag:s5] =	ssyncadd.s32 $0xFFFFF800  }
0x74: {  	[hbm4b:s9+s6] =	stream.strided.scatter [tilespmem:s14], [sflag:$0x2], $0x800, s3, s6, $0x38;
	[tilespmem:$0xDD00] =	vst v63  }
0x75: {  	_ =	swait.ge [sflag:s5], $0x800  }
0x76: {  	[sflag:s5] =	ssyncset.done $0x0  }
0x77: {  	s14 =	rddreg [dreg:$0x4];
	[sflag:s5] =	ssyncadd.s32 $0xFFFFF800  }
0x78: {  	[hbm4b:s14+s6] =	stream.strided.scatter [tilespmem:s11], [sflag:$0x2], $0x800, s3, s6, $0x38;
	[tilespmem:$0xDD00] =	vst v63  }
0x79: {  	_ =	swait.ge [sflag:s5], $0x800  }
0x7a: {  	[sflag:s5] =	ssyncset.done $0x0  }
0x7b: {  	s14 =	rddreg [dreg:$0x5];
	[sflag:s5] =	ssyncadd.s32 $0xFFFFF800  }
0x7c: {  	[hbm4b:s14+s6] =	stream.strided.scatter [tilespmem:s8], [sflag:$0x2], $0x800, s3, s6, $0x38;
	[tilespmem:$0xDD00] =	vst v63  }
0x7d: {  	_ =	swait.ge [sflag:s5], $0x800  }
0x7e: {  	[sflag:s5] =	ssyncset.done $0x0  }
0x7f: {  	s14 =	rddreg [dreg:$0x6];
	[sflag:s5] =	ssyncadd.s32 $0xFFFFF800  }
0x80: {  	[hbm4b:s14+s6] =	stream.strided.scatter [tilespmem:s20], [sflag:$0x2], $0x800, s3, s6, $0x38;
	[tilespmem:$0xDD00] =	vst v63  }
0x81: {  	_ =	swait.ge [sflag:s5], $0x800  }
0x82: {  	[sflag:s5] =	ssyncset.done $0x0  }
0x83: {  	s8 =	rddreg [dreg:$0x7];
	[sflag:s5] =	ssyncadd.s32 $0xFFFFF800  }
0x84: {  	[hbm4b:s8+s6] =	stream.strided.scatter [tilespmem:s15], [sflag:$0x2], $0x800, s3, s6, $0x38;
	[tilespmem:$0xDD00] =	vst v63  }
0x85: {  	_ =	swait.ge [sflag:s5], $0x800  }
0x86: {  	[sflag:s5] =	ssyncset.done $0x0  }
0x87: {  	s14 =	rddreg [dreg:$0x8];
	[sflag:s5] =	ssyncadd.s32 $0xFFFFF800  }
0x88: {  	[hbm4b:s14+s6] =	stream.strided.scatter [tilespmem:s4], [sflag:$0x2], $0x800, s3, s6, $0x38;
	[tilespmem:$0xDD00] =	vst v63  }
0x89: {  	_ =	swait.ge [sflag:s5], $0x800  }
0x8a: {  	[sflag:s5] =	ssyncset.done $0x0  }
0x8b: {  	s15 =	rddreg [dreg:$0x9];
	[sflag:s5] =	ssyncadd.s32 $0xFFFFF800  }
0x8c: {  	[hbm4b:s15+s6] =	stream.strided.scatter [tilespmem:s21], [sflag:$0x2], $0x800, s3, s6, $0x38;
	[tilespmem:$0xDD00] =	vst v63  }
0x8d: {  	_ =	swait.ge [sflag:s5], $0x800  }
0x8e: {  	[sflag:s5] =	ssyncset.done $0x0  }
0x8f: {  	s20 =	rddreg [dreg:$0xa];
	[sflag:s5] =	ssyncadd.s32 $0xFFFFF800  }
0x90: {  	[hbm4b:s20+s6] =	stream.strided.scatter [tilespmem:s22], [sflag:$0x2], $0x800, s3, s6, $0x38;
	[tilespmem:$0xDD00] =	vst v63  }
0x91: {  	_ =	swait.ge [sflag:s5], $0x800  }
0x92: {  	[sflag:s5] =	ssyncset.done $0x0  }
0x93: {  	s21 =	rddreg [dreg:$0xb];
	[sflag:s5] =	ssyncadd.s32 $0xFFFFF800  }
0x94: {  	[hbm4b:s21+s6] =	stream.strided.scatter [tilespmem:s0], [sflag:$0x2], $0x800, s3, s6, $0x38;
	[tilespmem:$0xDD00] =	vst v63  }
0x95: {  	_ =	swait.ge [sflag:s5], $0x800  }
0x96: {  	[sflag:s5] =	ssyncset.done $0x0  }
0x97: {  	s22 =	rddreg [dreg:$0xc];
	[sflag:s5] =	ssyncadd.s32 $0xFFFFF800  }
0x98: {  	[hbm4b:s22+s6] =	stream.strided.scatter [tilespmem:s30], [sflag:$0x2], $0x800, s3, s6, $0x38;
	[tilespmem:$0xDD00] =	vst v63  }
0x99: {  	_ =	swait.ge [sflag:s5], $0x800  }
0x9a: {  	[sflag:s5] =	ssyncset.done $0x0  }
0x9b: {  	s0 =	rddreg [dreg:$0xd];
	[sflag:s5] =	ssyncadd.s32 $0xFFFFF800  }
0x9c: {  	[hbm4b:s0+s6] =	stream.strided.scatter [tilespmem:s1], [sflag:$0x2], $0x800, s3, s6, $0x38;
	[tilespmem:$0xDD00] =	vst v63  }
0x9d: {  	_ =	swait.ge [sflag:s5], $0x800  }
0x9e: {  	[sflag:s5] =	ssyncset.done $0x0  }
0x9f: {  	s1 =	rddreg [dreg:$0xe];
	[sflag:s5] =	ssyncadd.s32 $0xFFFFF800  }
0xa0: {  	[hbm4b:s1+s6] =	stream.strided.scatter [tilespmem:s28], [sflag:$0x2], $0x800, s3, s6, $0x38;
	[tilespmem:$0xDD00] =	vst v63  }
0xa1: {  	_ =	swait.ge [sflag:s5], $0x800  }
0xa2: {  	[sflag:s5] =	ssyncset.done $0x0  }
0xa3: {  	s4 =	rddreg [dreg:$0xf];
	[sflag:s5] =	ssyncadd.s32 $0xFFFFF800  }
0xa4: {  	[hbm4b:s4+s6] =	stream.strided.scatter [tilespmem:s31], [sflag:$0x2], $0x800, s3, s6, $0x38;
	[tilespmem:$0xDD00] =	vst v63  }
0xa5: {  	_ =	swait.ge [sflag:s5], $0x800  }
0xa6: {  	[sflag:s5] =	ssyncset.done $0x0  }
0xa7: {  	s8 =	rddreg [dreg:$0x10];
	[sflag:s5] =	ssyncadd.s32 $0xFFFFF800  }
0xa8: {  	[hbm4b:s8+s6] =	stream.strided.scatter [tilespmem:s12], [sflag:$0x2], $0x800, s3, s6, $0x38;
	[tilespmem:$0xDD00] =	vst v63  }
0xa9: {  	_ =	swait.ge [sflag:s5], $0x800  }
0xaa: {  	[sflag:s5] =	ssyncset.done $0x0  }
0xab: {  	s12 =	rddreg [dreg:$0x11];
	[sflag:s5] =	ssyncadd.s32 $0xFFFFF800  }
0xac: {  	[hbm4b:s12+s6] =	stream.strided.scatter [tilespmem:s25], [sflag:$0x2], $0x800, s3, s6, $0x38;
	[tilespmem:$0xDD00] =	vst v63  }
0xad: {  	_ =	swait.ge [sflag:s5], $0x800  }
0xae: {  	[sflag:s5] =	ssyncset.done $0x0  }
0xaf: {  	s14 =	rddreg [dreg:$0x12];
	[sflag:s5] =	ssyncadd.s32 $0xFFFFF800  }
0xb0: {  	[hbm4b:s14+s6] =	stream.strided.scatter [tilespmem:s16], [sflag:$0x2], $0x800, s3, s6, $0x38;
	[tilespmem:$0xDD00] =	vst v63  }
0xb1: {  	_ =	swait.ge [sflag:s5], $0x800  }
0xb2: {  	[sflag:s5] =	ssyncset.done $0x0  }
0xb3: {  	s15 =	rddreg [dreg:$0x13];
	[sflag:s5] =	ssyncadd.s32 $0xFFFFF800  }
0xb4: {  	[hbm4b:s15+s6] =	stream.strided.scatter [tilespmem:s17], [sflag:$0x2], $0x800, s3, s6, $0x38;
	[tilespmem:$0xDD00] =	vst v63  }
0xb5: {  	_ =	swait.ge [sflag:s5], $0x800  }
0xb6: {  	[sflag:s5] =	ssyncset.done $0x0  }
0xb7: {  	s16 =	rddreg [dreg:$0x14];
	[sflag:s5] =	ssyncadd.s32 $0xFFFFF800  }
0xb8: {  	[hbm4b:s16+s6] =	stream.strided.scatter [tilespmem:s18], [sflag:$0x2], $0x800, s3, s6, $0x38;
	[tilespmem:$0xDD00] =	vst v63  }
0xb9: {  	_ =	swait.ge [sflag:s5], $0x800  }
0xba: {  	[sflag:s5] =	ssyncset.done $0x0  }
0xbb: {  	s17 =	rddreg [dreg:$0x15];
	[sflag:s5] =	ssyncadd.s32 $0xFFFFF800  }
0xbc: {  	[hbm4b:s17+s6] =	stream.strided.scatter [tilespmem:s13], [sflag:$0x2], $0x800, s3, s6, $0x38;
	[tilespmem:$0xDD00] =	vst v63  }
0xbd: {  	_ =	swait.ge [sflag:s5], $0x800  }
0xbe: {  	[sflag:s5] =	ssyncset.done $0x0  }
0xbf: {  	s18 =	rddreg [dreg:$0x16];
	[sflag:s5] =	ssyncadd.s32 $0xFFFFF800  }
0xc0: {  	[hbm4b:s18+s6] =	stream.strided.scatter [tilespmem:s24], [sflag:$0x2], $0x800, s3, s6, $0x38;
	[tilespmem:$0xDD00] =	vst v63  }
0xc1: {  	_ =	swait.ge [sflag:s5], $0x800  }
0xc2: {  	[sflag:s5] =	ssyncset.done $0x0  }
0xc3: {  	s20 =	rddreg [dreg:$0x17];
	[sflag:s5] =	ssyncadd.s32 $0xFFFFF800  }
0xc4: {  	[hbm4b:s20+s6] =	stream.strided.scatter [tilespmem:s26], [sflag:$0x2], $0x800, s3, s6, $0x38;
	[tilespmem:$0xDD00] =	vst v63  }
0xc5: {  	_ =	swait.ge [sflag:s5], $0x800  }
0xc6: {  	[sflag:s5] =	ssyncset.done $0x0  }
0xc7: {  	s22 =	simm.s32 $0xB500;
	s21 =	rddreg [dreg:$0x18];
	[sflag:s5] =	ssyncadd.s32 $0xFFFFF800  }
0xc8: {  	[hbm4b:s21+s6] =	stream.strided.scatter [tilespmem:s22], [sflag:$0x2], $0x800, s3, s6, $0x38;
	[tilespmem:$0xDD00] =	vst v63  }
0xc9: {  	_ =	swait.ge [sflag:s5], $0x800  }
0xca: {  	[sflag:s5] =	ssyncset.done $0x0  }
0xcb: {  	s25 =	simm.s32 $0xBD00;
	s24 =	rddreg [dreg:$0x19];
	[sflag:s5] =	ssyncadd.s32 $0xFFFFF800  }
0xcc: {  	[hbm4b:s24+s6] =	stream.strided.scatter [tilespmem:s25], [sflag:$0x2], $0x800, s3, s6, $0x38;
	[tilespmem:$0xDD00] =	vst v63  }
0xcd: {  	_ =	swait.ge [sflag:s5], $0x800  }
0xce: {  	[sflag:s5] =	ssyncset.done $0x0  }
0xcf: {  	s28 =	simm.s32 $0xC500;
	s26 =	rddreg [dreg:$0x1a];
	[sflag:s5] =	ssyncadd.s32 $0xFFFFF800  }
0xd0: {  	[hbm4b:s26+s6] =	stream.strided.scatter [tilespmem:s28], [sflag:$0x2], $0x800, s3, s6, $0x38;
	[tilespmem:$0xDD00] =	vst v63  }
0xd1: {  	_ =	swait.ge [sflag:s5], $0x800  }
0xd2: {  	[sflag:s5] =	ssyncset.done $0x0  }
0xd3: {  	s29 =	simm.s32 $0xCD00;
	s30 =	rddreg [dreg:$0x1b];
	[sflag:s5] =	ssyncadd.s32 $0xFFFFF800  }
0xd4: {  	[hbm4b:s30+s6] =	stream.strided.scatter [tilespmem:s29], [sflag:$0x2], $0x800, s3, s6, $0x38;
	[tilespmem:$0xDD00] =	vst v63  }
0xd5: {  	_ =	swait.ge [sflag:s5], $0x800  }
0xd6: {  	[sflag:s5] =	ssyncset.done $0x0  }
0xd7: {  	s31 =	rddreg [dreg:$0x1c];
	[sflag:s5] =	ssyncadd.s32 $0xFFFFF800  }
0xd8: {  	[hbm4b:s31+s6] =	stream.strided.scatter [tilespmem:s10], [sflag:$0x2], $0x800, s3, s6, $0x38;
	[tilespmem:$0xDD00] =	vst v63  }
0xd9: {  	_ =	swait.ge [sflag:s2], $0x800  }
0xda: {  	[sflag:s2] =	ssyncset.done $0x0  }
0xdb: {  	[sflag:s2] =	ssyncadd.s32 $0xFFFFF800  }
0xdc: {  	_ =	swait.ge [sflag:s2], $0x800  }
0xdd: {  	[sflag:s2] =	ssyncset.done $0x0  }
0xde: {  	[sflag:s2] =	ssyncadd.s32 $0xFFFFF800  }
0xdf: {  	_ =	swait.ge [sflag:s2], $0x800  }
0xe0: {  	[sflag:s2] =	ssyncset.done $0x0  }
0xe1: {  	[sflag:s2] =	ssyncadd.s32 $0xFFFFF800  }
0xe2: {  	_ =	swait.ge [sflag:s2], $0x800  }
0xe3: {  	[sflag:s2] =	ssyncset.done $0x0  }
0xe4: {  	[sflag:s2] =	ssyncadd.s32 $0xFFFFF800  }
0xe5: {  	_ =	swait.ge [sflag:s2], $0x800  }
0xe6: {  	[sflag:s2] =	ssyncset.done $0x0  }
0xe7: {  	[sflag:s2] =	ssyncadd.s32 $0xFFFFF800  }
0xe8: {  	_ =	swait.ge [sflag:s2], $0x800  }
0xe9: {  	[sflag:s2] =	ssyncset.done $0x0  }
0xea: {  	[sflag:s2] =	ssyncadd.s32 $0xFFFFF800  }
0xeb: {  	_ =	swait.ge [sflag:s2], $0x800  }
0xec: {  	[sflag:s2] =	ssyncset.done $0x0  }
0xed: {  	[sflag:s2] =	ssyncadd.s32 $0xFFFFF800  }
0xee: {  	_ =	swait.ge [sflag:s2], $0x800  }
0xef: {  	[sflag:s2] =	ssyncset.done $0x0  }
0xf0: {  	[sflag:s2] =	ssyncadd.s32 $0xFFFFF800  }
0xf1: {  	_ =	swait.ge [sflag:s2], $0x800  }
0xf2: {  	[sflag:s2] =	ssyncset.done $0x0  }
0xf3: {  	[sflag:s2] =	ssyncadd.s32 $0xFFFFF800  }
0xf4: {  	_ =	swait.ge [sflag:s2], $0x800  }
0xf5: {  	[sflag:s2] =	ssyncset.done $0x0  }
0xf6: {  	[sflag:s2] =	ssyncadd.s32 $0xFFFFF800  }
0xf7: {  	_ =	swait.ge [sflag:s2], $0x800  }
0xf8: {  	[sflag:s2] =	ssyncset.done $0x0  }
0xf9: {  	[sflag:s2] =	ssyncadd.s32 $0xFFFFF800  }
0xfa: {  	_ =	swait.ge [sflag:s2], $0x800  }
0xfb: {  	[sflag:s2] =	ssyncset.done $0x0  }
0xfc: {  	[sflag:s2] =	ssyncadd.s32 $0xFFFFF800  }
0xfd: {  	_ =	swait.ge [sflag:s2], $0x800  }
0xfe: {  	[sflag:s2] =	ssyncset.done $0x0  }
0xff: {  	[sflag:s2] =	ssyncadd.s32 $0xFFFFF800  }
0x100: {  	_ =	swait.ge [sflag:s2], $0x800  }
0x101: {  	[sflag:s2] =	ssyncset.done $0x0  }
0x102: {  	[sflag:s2] =	ssyncadd.s32 $0xFFFFF800  }
0x103: {  	_ =	swait.ge [sflag:s2], $0x800  }
0x104: {  	[sflag:s2] =	ssyncset.done $0x0  }
0x105: {  	[sflag:s2] =	ssyncadd.s32 $0xFFFFF800  }
0x106: {  	_ =	swait.ge [sflag:s2], $0x800  }
0x107: {  	[sflag:s2] =	ssyncset.done $0x0  }
0x108: {  	[sflag:s2] =	ssyncadd.s32 $0xFFFFF800  }
0x109: {  	_ =	swait.ge [sflag:s2], $0x800  }
0x10a: {  	[sflag:s2] =	ssyncset.done $0x0  }
0x10b: {  	[sflag:s2] =	ssyncadd.s32 $0xFFFFF800  }
0x10c: {  	_ =	swait.ge [sflag:s2], $0x800  }
0x10d: {  	[sflag:s2] =	ssyncset.done $0x0  }
0x10e: {  	[sflag:s2] =	ssyncadd.s32 $0xFFFFF800  }
0x10f: {  	_ =	swait.ge [sflag:s2], $0x800  }
0x110: {  	[sflag:s2] =	ssyncset.done $0x0  }
0x111: {  	[sflag:s2] =	ssyncadd.s32 $0xFFFFF800  }
0x112: {  	_ =	swait.ge [sflag:s2], $0x800  }
0x113: {  	[sflag:s2] =	ssyncset.done $0x0  }
0x114: {  	[sflag:s2] =	ssyncadd.s32 $0xFFFFF800  }
0x115: {  	_ =	swait.ge [sflag:s2], $0x800  }
0x116: {  	[sflag:s2] =	ssyncset.done $0x0  }
0x117: {  	[sflag:s2] =	ssyncadd.s32 $0xFFFFF800  }
0x118: {  	_ =	swait.ge [sflag:s2], $0x800  }
0x119: {  	[sflag:s2] =	ssyncset.done $0x0  }
0x11a: {  	[sflag:s2] =	ssyncadd.s32 $0xFFFFF800  }
0x11b: {  	_ =	swait.ge [sflag:s2], $0x800  }
0x11c: {  	[sflag:s2] =	ssyncset.done $0x0  }
0x11d: {  	[sflag:s2] =	ssyncadd.s32 $0xFFFFF800  }
0x11e: {  	_ =	swait.ge [sflag:s2], $0x800  }
0x11f: {  	[sflag:s2] =	ssyncset.done $0x0  }
0x120: {  	p1 =	sne.s32 s19, $0x1;
	[sflag:s2] =	ssyncadd.s32 $0xFFFFF800  }
.Ltmp1:
0x121: {  	_ =	swait.ge [sflag:s2], $0x800;
	(pc) =	sbr.rel @!p1 .LBB2_6-.Ltmp1, $4  }
0x122: {  	[sflag:s2] =	ssyncset.done $0x0  }
0x123: {  	[sflag:s2] =	ssyncadd.s32 $0xFFFFF800  }
0x124: {  	p0 =	por $0x1, $0x1;
	_ =	swait.ge [sflag:s2], $0x800  }
0x125: {  	s9 =	sadd.s32 $0xFFFFFFFF, s19;
	s10 =	rddreg [dreg:$0x2];
	[sflag:s2] =	ssyncset.done $0x0  }
0x126: {  	s14 =	simm.s32 $0xD00  }
0x127: {  	s8 =	simm.s32 $0x1D00;
	s20 =	simm.s32 $0x2500;
	s15 =	simm.s32 $0x2D00  }
0x128: {  	s4 =	simm.s32 $0x3500;
	s21 =	simm.s32 $0x3D00;
	s22 =	simm.s32 $0x4500  }
0x129: {  	s30 =	simm.s32 $0x5500;
	s31 =	simm.s32 $0x6500;
	s12 =	simm.s32 $0x6D00  }
0x12a: {  	s13 =	simm.s32 $0x7500;
	s16 =	simm.s32 $0x7D00;
	s17 =	simm.s32 $0x8500  }
0x12b: {  	s18 =	simm.s32 $0x8D00;
	s19 =	simm.s32 $0x9500;
	s24 =	simm.s32 $0x9D00  }
0x12c: {  	s25 =	simm.s32 $0xA500;
	s26 =	simm.s32 $0xAD00;
	s28 =	simm.s32 $0xB500  }
.LBB2_3:
0x12d: {  	[sflag:s2] =	ssyncadd.s32 $0xFFFFF800;
	s1 =	simm.s32 $0x0;
	s0 =	simm.s32 $0x3  }
0x12e: {  	[tilespmem:s1], [sflag:$0x3] =	stream.linear.gather [hbm4b:s10+s1], $0xD00, $0x38;
	[tilespmem:$0xDD00] =	vst v63  }
0x12f: {  	_ =	swait.ge [sflag:s0], $0xD00  }
0x130: {  	[sflag:s0] =	ssyncset.done $0x0  }
0x131: {  	[sflag:s0] =	ssyncadd.s32 $0xFFFFF300  }
0x132: {  	[tilespmem:s14], [sflag:$0x1] =	stream.indirect.gather [hbm4b:s23+s7], $0x10, s1, s7, $0xb8;
	[tilespmem:$0xDD00] =	vst v63  }
0x133: {  	_ = 	snop  }
0x134: {  	[tilespmem:s11], [sflag:$0x1] =	stream.indirect.gather [hbm4b:s23+s7], $0x10, s7, s7, $0xb8;
	[tilespmem:$0xDD00] =	vst v63  }
0x135: {  	s0 =	rddreg [dreg:$0x1d]  }
0x136: {  	[tilespmem:s8], [sflag:$0x1] =	stream.indirect.gather [hbm4b:s23+s7], $0x10, s0, s7, $0xb8;
	[tilespmem:$0xDD00] =	vst v63  }
0x137: {  	s1 =	rddreg [dreg:$0x1e]  }
0x138: {  	[tilespmem:s20], [sflag:$0x1] =	stream.indirect.gather [hbm4b:s23+s7], $0x10, s1, s7, $0xb8;
	[tilespmem:$0xDD00] =	vst v63  }
0x139: {  	s29 =	rddreg [dreg:$0x1f]  }
0x13a: {  	[tilespmem:s15], [sflag:$0x1] =	stream.indirect.gather [hbm4b:s23+s7], $0x10, s3, s7, $0xb8;
	[tilespmem:$0xDD00] =	vst v63  }
0x13b: {  	s0 =	sld [smem:$0x7EA]  }
0x13c: {  	[tilespmem:s4], [sflag:$0x1] =	stream.indirect.gather [hbm4b:s23+s7], $0x10, s29, s7, $0xb8;
	[tilespmem:$0xDD00] =	vst v63  }
0x13d: {  	s1 =	sld [smem:$0x7EB]  }
0x13e: {  	[tilespmem:s21], [sflag:$0x1] =	stream.indirect.gather [hbm4b:s23+s7], $0x10, s0, s7, $0xb8;
	[tilespmem:$0xDD00] =	vst v63  }
0x13f: {  	s29 =	sld [smem:$0x7EC]  }
0x140: {  	[tilespmem:s22], [sflag:$0x1] =	stream.indirect.gather [hbm4b:s23+s7], $0x10, s1, s7, $0xb8;
	[tilespmem:$0xDD00] =	vst v63  }
0x141: {  	s0 =	simm.s32 $0x4D00;
	s1 =	sld [smem:$0x7ED]  }
0x142: {  	[tilespmem:s0], [sflag:$0x1] =	stream.indirect.gather [hbm4b:s23+s7], $0x10, s29, s7, $0xb8;
	[tilespmem:$0xDD00] =	vst v63  }
0x143: {  	s11 =	sld [smem:$0x7EE]  }
0x144: {  	[tilespmem:s30], [sflag:$0x1] =	stream.indirect.gather [hbm4b:s23+s7], $0x10, s1, s7, $0xb8;
	[tilespmem:$0xDD00] =	vst v63  }
0x145: {  	s29 =	sld [smem:$0x7EF];
	s1 =	simm.s32 $0x5D00  }
0x146: {  	[tilespmem:s1], [sflag:$0x1] =	stream.indirect.gather [hbm4b:s23+s7], $0x10, s11, s7, $0xb8;
	[tilespmem:$0xDD00] =	vst v63  }
0x147: {  	s11 =	sld [smem:$0x7F0]  }
0x148: {  	[tilespmem:s31], [sflag:$0x1] =	stream.indirect.gather [hbm4b:s23+s7], $0x10, s29, s7, $0xb8;
	[tilespmem:$0xDD00] =	vst v63  }
0x149: {  	s29 =	sld [smem:$0x7F1]  }
0x14a: {  	[tilespmem:s12], [sflag:$0x1] =	stream.indirect.gather [hbm4b:s23+s7], $0x10, s11, s7, $0xb8;
	[tilespmem:$0xDD00] =	vst v63  }
0x14b: {  	s11 =	sld [smem:$0x7F2]  }
0x14c: {  	[tilespmem:s13], [sflag:$0x1] =	stream.indirect.gather [hbm4b:s23+s7], $0x10, s29, s7, $0xb8;
	[tilespmem:$0xDD00] =	vst v63  }
0x14d: {  	s29 =	sld [smem:$0x7F3]  }
0x14e: {  	[tilespmem:s16], [sflag:$0x1] =	stream.indirect.gather [hbm4b:s23+s7], $0x10, s11, s7, $0xb8;
	[tilespmem:$0xDD00] =	vst v63  }
0x14f: {  	s11 =	sld [smem:$0x7F4]  }
0x150: {  	[tilespmem:s17], [sflag:$0x1] =	stream.indirect.gather [hbm4b:s23+s7], $0x10, s29, s7, $0xb8;
	[tilespmem:$0xDD00] =	vst v63  }
0x151: {  	s29 =	sld [smem:$0x7F5]  }
0x152: {  	[tilespmem:s18], [sflag:$0x1] =	stream.indirect.gather [hbm4b:s23+s7], $0x10, s11, s7, $0xb8;
	[tilespmem:$0xDD00] =	vst v63  }
0x153: {  	s11 =	sld [smem:$0x7F6]  }
0x154: {  	[tilespmem:s19], [sflag:$0x1] =	stream.indirect.gather [hbm4b:s23+s7], $0x10, s29, s7, $0xb8;
	[tilespmem:$0xDD00] =	vst v63  }
0x155: {  	s29 =	sld [smem:$0x7F7]  }
0x156: {  	[tilespmem:s24], [sflag:$0x1] =	stream.indirect.gather [hbm4b:s23+s7], $0x10, s11, s7, $0xb8;
	[tilespmem:$0xDD00] =	vst v63  }
0x157: {  	s11 =	sld [smem:$0x7F8]  }
0x158: {  	[tilespmem:s25], [sflag:$0x1] =	stream.indirect.gather [hbm4b:s23+s7], $0x10, s29, s7, $0xb8;
	[tilespmem:$0xDD00] =	vst v63  }
0x159: {  	s29 =	sld [smem:$0x7F9]  }
0x15a: {  	[tilespmem:s26], [sflag:$0x1] =	stream.indirect.gather [hbm4b:s23+s7], $0x10, s11, s7, $0xb8;
	[tilespmem:$0xDD00] =	vst v63  }
0x15b: {  	s11 =	sld [smem:$0x7FA]  }
0x15c: {  	[tilespmem:s28], [sflag:$0x1] =	stream.indirect.gather [hbm4b:s23+s7], $0x10, s29, s7, $0xb8;
	[tilespmem:$0xDD00] =	vst v63  }
0x15d: {  	s10 =	sld [smem:$0x7FB];
	s29 =	simm.s32 $0xBD00  }
0x15e: {  	[tilespmem:s29], [sflag:$0x1] =	stream.indirect.gather [hbm4b:s23+s7], $0x10, s11, s7, $0xb8;
	[tilespmem:$0xDD00] =	vst v63  }
0x15f: {  	s11 =	sld [smem:$0x7FC];
	s29 =	simm.s32 $0xC500  }
0x160: {  	[tilespmem:s29], [sflag:$0x1] =	stream.indirect.gather [hbm4b:s23+s7], $0x10, s10, s7, $0xb8;
	[tilespmem:$0xDD00] =	vst v63  }
0x161: {  	s10 =	sld [smem:$0x7FD];
	s29 =	simm.s32 $0xCD00  }
0x162: {  	[tilespmem:s29], [sflag:$0x1] =	stream.indirect.gather [hbm4b:s23+s7], $0x10, s11, s7, $0xb8;
	[tilespmem:$0xDD00] =	vst v63  }
0x163: {  	s29 =	simm.s32 $0xD500  }
0x164: {  	[tilespmem:s29], [sflag:$0x1] =	stream.indirect.gather [hbm4b:s23+s7], $0x10, s10, s7, $0xb8;
	[tilespmem:$0xDD00] =	vst v63  }
0x165: {  	_ =	swait.ge [sflag:s5], $0x800  }
0x166: {  	[sflag:s5] =	ssyncset.done $0x0  }
0x167: {  	s10 =	rddreg [dreg:$0x3];
	[sflag:s5] =	ssyncadd.s32 $0xFFFFF800  }
0x168: {  	[hbm4b:s10+s6] =	stream.strided.scatter [tilespmem:s14], [sflag:$0x2], $0x800, s3, s6, $0x38;
	[tilespmem:$0xDD00] =	vst v63  }
0x169: {  	_ =	swait.ge [sflag:s5], $0x800  }
0x16a: {  	[sflag:s5] =	ssyncset.done $0x0  }
0x16b: {  	s11 =	simm.s32 $0x1500;
	s10 =	rddreg [dreg:$0x4];
	[sflag:s5] =	ssyncadd.s32 $0xFFFFF800  }
0x16c: {  	[hbm4b:s10+s6] =	stream.strided.scatter [tilespmem:s11], [sflag:$0x2], $0x800, s3, s6, $0x38;
	[tilespmem:$0xDD00] =	vst v63  }
0x16d: {  	_ =	swait.ge [sflag:s5], $0x800  }
0x16e: {  	[sflag:s5] =	ssyncset.done $0x0  }
0x16f: {  	s10 =	rddreg [dreg:$0x5];
	[sflag:s5] =	ssyncadd.s32 $0xFFFFF800  }
0x170: {  	[hbm4b:s10+s6] =	stream.strided.scatter [tilespmem:s8], [sflag:$0x2], $0x800, s3, s6, $0x38;
	[tilespmem:$0xDD00] =	vst v63  }
0x171: {  	_ =	swait.ge [sflag:s5], $0x800  }
0x172: {  	[sflag:s5] =	ssyncset.done $0x0  }
0x173: {  	s10 =	rddreg [dreg:$0x6];
	[sflag:s5] =	ssyncadd.s32 $0xFFFFF800  }
0x174: {  	[hbm4b:s10+s6] =	stream.strided.scatter [tilespmem:s20], [sflag:$0x2], $0x800, s3, s6, $0x38;
	[tilespmem:$0xDD00] =	vst v63  }
0x175: {  	_ =	swait.ge [sflag:s5], $0x800  }
0x176: {  	[sflag:s5] =	ssyncset.done $0x0  }
0x177: {  	s10 =	rddreg [dreg:$0x7];
	[sflag:s5] =	ssyncadd.s32 $0xFFFFF800  }
0x178: {  	[hbm4b:s10+s6] =	stream.strided.scatter [tilespmem:s15], [sflag:$0x2], $0x800, s3, s6, $0x38;
	[tilespmem:$0xDD00] =	vst v63  }
0x179: {  	_ =	swait.ge [sflag:s5], $0x800  }
0x17a: {  	[sflag:s5] =	ssyncset.done $0x0  }
0x17b: {  	s10 =	rddreg [dreg:$0x8];
	[sflag:s5] =	ssyncadd.s32 $0xFFFFF800  }
0x17c: {  	[hbm4b:s10+s6] =	stream.strided.scatter [tilespmem:s4], [sflag:$0x2], $0x800, s3, s6, $0x38;
	[tilespmem:$0xDD00] =	vst v63  }
0x17d: {  	_ =	swait.ge [sflag:s5], $0x800  }
0x17e: {  	[sflag:s5] =	ssyncset.done $0x0  }
0x17f: {  	s10 =	rddreg [dreg:$0x9];
	[sflag:s5] =	ssyncadd.s32 $0xFFFFF800  }
0x180: {  	[hbm4b:s10+s6] =	stream.strided.scatter [tilespmem:s21], [sflag:$0x2], $0x800, s3, s6, $0x38;
	[tilespmem:$0xDD00] =	vst v63  }
0x181: {  	_ =	swait.ge [sflag:s5], $0x800  }
0x182: {  	[sflag:s5] =	ssyncset.done $0x0  }
0x183: {  	s10 =	rddreg [dreg:$0xa];
	[sflag:s5] =	ssyncadd.s32 $0xFFFFF800  }
0x184: {  	[hbm4b:s10+s6] =	stream.strided.scatter [tilespmem:s22], [sflag:$0x2], $0x800, s3, s6, $0x38;
	[tilespmem:$0xDD00] =	vst v63  }
0x185: {  	_ =	swait.ge [sflag:s5], $0x800  }
0x186: {  	[sflag:s5] =	ssyncset.done $0x0  }
0x187: {  	s10 =	rddreg [dreg:$0xb];
	[sflag:s5] =	ssyncadd.s32 $0xFFFFF800  }
0x188: {  	[hbm4b:s10+s6] =	stream.strided.scatter [tilespmem:s0], [sflag:$0x2], $0x800, s3, s6, $0x38;
	[tilespmem:$0xDD00] =	vst v63  }
0x189: {  	_ =	swait.ge [sflag:s5], $0x800  }
0x18a: {  	[sflag:s5] =	ssyncset.done $0x0  }
0x18b: {  	s0 =	rddreg [dreg:$0xc];
	[sflag:s5] =	ssyncadd.s32 $0xFFFFF800  }
0x18c: {  	[hbm4b:s0+s6] =	stream.strided.scatter [tilespmem:s30], [sflag:$0x2], $0x800, s3, s6, $0x38;
	[tilespmem:$0xDD00] =	vst v63  }
0x18d: {  	_ =	swait.ge [sflag:s5], $0x800  }
0x18e: {  	[sflag:s5] =	ssyncset.done $0x0  }
0x18f: {  	s0 =	rddreg [dreg:$0xd];
	[sflag:s5] =	ssyncadd.s32 $0xFFFFF800  }
0x190: {  	[hbm4b:s0+s6] =	stream.strided.scatter [tilespmem:s1], [sflag:$0x2], $0x800, s3, s6, $0x38;
	[tilespmem:$0xDD00] =	vst v63  }
0x191: {  	_ =	swait.ge [sflag:s5], $0x800  }
0x192: {  	[sflag:s5] =	ssyncset.done $0x0  }
0x193: {  	s1 =	rddreg [dreg:$0xe];
	[sflag:s5] =	ssyncadd.s32 $0xFFFFF800  }
0x194: {  	[hbm4b:s1+s6] =	stream.strided.scatter [tilespmem:s31], [sflag:$0x2], $0x800, s3, s6, $0x38;
	[tilespmem:$0xDD00] =	vst v63  }
0x195: {  	_ =	swait.ge [sflag:s5], $0x800  }
0x196: {  	[sflag:s5] =	ssyncset.done $0x0  }
0x197: {  	s0 =	rddreg [dreg:$0xf];
	[sflag:s5] =	ssyncadd.s32 $0xFFFFF800  }
0x198: {  	[hbm4b:s0+s6] =	stream.strided.scatter [tilespmem:s12], [sflag:$0x2], $0x800, s3, s6, $0x38;
	[tilespmem:$0xDD00] =	vst v63  }
0x199: {  	_ =	swait.ge [sflag:s5], $0x800  }
0x19a: {  	[sflag:s5] =	ssyncset.done $0x0  }
0x19b: {  	s1 =	rddreg [dreg:$0x10];
	[sflag:s5] =	ssyncadd.s32 $0xFFFFF800  }
0x19c: {  	[hbm4b:s1+s6] =	stream.strided.scatter [tilespmem:s13], [sflag:$0x2], $0x800, s3, s6, $0x38;
	[tilespmem:$0xDD00] =	vst v63  }
0x19d: {  	_ =	swait.ge [sflag:s5], $0x800  }
0x19e: {  	[sflag:s5] =	ssyncset.done $0x0  }
0x19f: {  	s0 =	rddreg [dreg:$0x11];
	[sflag:s5] =	ssyncadd.s32 $0xFFFFF800  }
0x1a0: {  	[hbm4b:s0+s6] =	stream.strided.scatter [tilespmem:s16], [sflag:$0x2], $0x800, s3, s6, $0x38;
	[tilespmem:$0xDD00] =	vst v63  }
0x1a1: {  	_ =	swait.ge [sflag:s5], $0x800  }
0x1a2: {  	[sflag:s5] =	ssyncset.done $0x0  }
0x1a3: {  	s1 =	rddreg [dreg:$0x12];
	[sflag:s5] =	ssyncadd.s32 $0xFFFFF800  }
0x1a4: {  	[hbm4b:s1+s6] =	stream.strided.scatter [tilespmem:s17], [sflag:$0x2], $0x800, s3, s6, $0x38;
	[tilespmem:$0xDD00] =	vst v63  }
0x1a5: {  	_ =	swait.ge [sflag:s5], $0x800  }
0x1a6: {  	[sflag:s5] =	ssyncset.done $0x0  }
0x1a7: {  	s0 =	rddreg [dreg:$0x13];
	[sflag:s5] =	ssyncadd.s32 $0xFFFFF800  }
0x1a8: {  	[hbm4b:s0+s6] =	stream.strided.scatter [tilespmem:s18], [sflag:$0x2], $0x800, s3, s6, $0x38;
	[tilespmem:$0xDD00] =	vst v63  }
0x1a9: {  	_ =	swait.ge [sflag:s5], $0x800  }
0x1aa: {  	[sflag:s5] =	ssyncset.done $0x0  }
0x1ab: {  	s1 =	rddreg [dreg:$0x14];
	[sflag:s5] =	ssyncadd.s32 $0xFFFFF800  }
0x1ac: {  	[hbm4b:s1+s6] =	stream.strided.scatter [tilespmem:s19], [sflag:$0x2], $0x800, s3, s6, $0x38;
	[tilespmem:$0xDD00] =	vst v63  }
0x1ad: {  	_ =	swait.ge [sflag:s5], $0x800  }
0x1ae: {  	[sflag:s5] =	ssyncset.done $0x0  }
0x1af: {  	s0 =	rddreg [dreg:$0x15];
	[sflag:s5] =	ssyncadd.s32 $0xFFFFF800  }
0x1b0: {  	[hbm4b:s0+s6] =	stream.strided.scatter [tilespmem:s24], [sflag:$0x2], $0x800, s3, s6, $0x38;
	[tilespmem:$0xDD00] =	vst v63  }
0x1b1: {  	_ =	swait.ge [sflag:s5], $0x800  }
0x1b2: {  	[sflag:s5] =	ssyncset.done $0x0  }
0x1b3: {  	s1 =	rddreg [dreg:$0x16];
	[sflag:s5] =	ssyncadd.s32 $0xFFFFF800  }
0x1b4: {  	[hbm4b:s1+s6] =	stream.strided.scatter [tilespmem:s25], [sflag:$0x2], $0x800, s3, s6, $0x38;
	[tilespmem:$0xDD00] =	vst v63  }
0x1b5: {  	_ =	swait.ge [sflag:s5], $0x800  }
0x1b6: {  	[sflag:s5] =	ssyncset.done $0x0  }
0x1b7: {  	s0 =	rddreg [dreg:$0x17];
	[sflag:s5] =	ssyncadd.s32 $0xFFFFF800  }
0x1b8: {  	[hbm4b:s0+s6] =	stream.strided.scatter [tilespmem:s26], [sflag:$0x2], $0x800, s3, s6, $0x38;
	[tilespmem:$0xDD00] =	vst v63  }
0x1b9: {  	_ =	swait.ge [sflag:s5], $0x800  }
0x1ba: {  	[sflag:s5] =	ssyncset.done $0x0  }
0x1bb: {  	s1 =	rddreg [dreg:$0x18];
	[sflag:s5] =	ssyncadd.s32 $0xFFFFF800  }
0x1bc: {  	[hbm4b:s1+s6] =	stream.strided.scatter [tilespmem:s28], [sflag:$0x2], $0x800, s3, s6, $0x38;
	[tilespmem:$0xDD00] =	vst v63  }
0x1bd: {  	_ =	swait.ge [sflag:s5], $0x800  }
0x1be: {  	[sflag:s5] =	ssyncset.done $0x0  }
0x1bf: {  	s1 =	simm.s32 $0xBD00;
	s0 =	rddreg [dreg:$0x19];
	[sflag:s5] =	ssyncadd.s32 $0xFFFFF800  }
0x1c0: {  	[hbm4b:s0+s6] =	stream.strided.scatter [tilespmem:s1], [sflag:$0x2], $0x800, s3, s6, $0x38;
	[tilespmem:$0xDD00] =	vst v63  }
0x1c1: {  	_ =	swait.ge [sflag:s5], $0x800  }
0x1c2: {  	[sflag:s5] =	ssyncset.done $0x0  }
0x1c3: {  	s1 =	simm.s32 $0xC500;
	s0 =	rddreg [dreg:$0x1a];
	[sflag:s5] =	ssyncadd.s32 $0xFFFFF800  }
0x1c4: {  	[hbm4b:s0+s6] =	stream.strided.scatter [tilespmem:s1], [sflag:$0x2], $0x800, s3, s6, $0x38;
	[tilespmem:$0xDD00] =	vst v63  }
0x1c5: {  	_ =	swait.ge [sflag:s5], $0x800  }
0x1c6: {  	[sflag:s5] =	ssyncset.done $0x0  }
0x1c7: {  	s1 =	simm.s32 $0xCD00;
	s0 =	rddreg [dreg:$0x1b];
	[sflag:s5] =	ssyncadd.s32 $0xFFFFF800  }
0x1c8: {  	[hbm4b:s0+s6] =	stream.strided.scatter [tilespmem:s1], [sflag:$0x2], $0x800, s3, s6, $0x38;
	[tilespmem:$0xDD00] =	vst v63  }
0x1c9: {  	_ =	swait.ge [sflag:s5], $0x800  }
0x1ca: {  	[sflag:s5] =	ssyncset.done $0x0  }
0x1cb: {  	s29 =	simm.s32 $0xD500;
	s1 =	rddreg [dreg:$0x1c];
	[sflag:s5] =	ssyncadd.s32 $0xFFFFF800  }
0x1cc: {  	[hbm4b:s1+s6] =	stream.strided.scatter [tilespmem:s29], [sflag:$0x2], $0x800, s3, s6, $0x38;
	[tilespmem:$0xDD00] =	vst v63  }
0x1cd: {  	_ =	swait.ge [sflag:s2], $0x800  }
0x1ce: {  	[sflag:s2] =	ssyncset.done $0x0  }
0x1cf: {  	[sflag:s2] =	ssyncadd.s32 $0xFFFFF800  }
0x1d0: {  	_ =	swait.ge [sflag:s2], $0x800  }
0x1d1: {  	[sflag:s2] =	ssyncset.done $0x0  }
0x1d2: {  	[sflag:s2] =	ssyncadd.s32 $0xFFFFF800  }
0x1d3: {  	_ =	swait.ge [sflag:s2], $0x800  }
0x1d4: {  	[sflag:s2] =	ssyncset.done $0x0  }
0x1d5: {  	[sflag:s2] =	ssyncadd.s32 $0xFFFFF800  }
0x1d6: {  	_ =	swait.ge [sflag:s2], $0x800  }
0x1d7: {  	[sflag:s2] =	ssyncset.done $0x0  }
0x1d8: {  	[sflag:s2] =	ssyncadd.s32 $0xFFFFF800  }
0x1d9: {  	_ =	swait.ge [sflag:s2], $0x800  }
0x1da: {  	[sflag:s2] =	ssyncset.done $0x0  }
0x1db: {  	[sflag:s2] =	ssyncadd.s32 $0xFFFFF800  }
0x1dc: {  	_ =	swait.ge [sflag:s2], $0x800  }
0x1dd: {  	[sflag:s2] =	ssyncset.done $0x0  }
0x1de: {  	[sflag:s2] =	ssyncadd.s32 $0xFFFFF800  }
0x1df: {  	_ =	swait.ge [sflag:s2], $0x800  }
0x1e0: {  	[sflag:s2] =	ssyncset.done $0x0  }
0x1e1: {  	[sflag:s2] =	ssyncadd.s32 $0xFFFFF800  }
0x1e2: {  	_ =	swait.ge [sflag:s2], $0x800  }
0x1e3: {  	[sflag:s2] =	ssyncset.done $0x0  }
0x1e4: {  	[sflag:s2] =	ssyncadd.s32 $0xFFFFF800  }
0x1e5: {  	_ =	swait.ge [sflag:s2], $0x800  }
0x1e6: {  	[sflag:s2] =	ssyncset.done $0x0  }
0x1e7: {  	[sflag:s2] =	ssyncadd.s32 $0xFFFFF800  }
0x1e8: {  	_ =	swait.ge [sflag:s2], $0x800  }
0x1e9: {  	[sflag:s2] =	ssyncset.done $0x0  }
0x1ea: {  	[sflag:s2] =	ssyncadd.s32 $0xFFFFF800  }
0x1eb: {  	_ =	swait.ge [sflag:s2], $0x800  }
0x1ec: {  	[sflag:s2] =	ssyncset.done $0x0  }
0x1ed: {  	[sflag:s2] =	ssyncadd.s32 $0xFFFFF800  }
0x1ee: {  	_ =	swait.ge [sflag:s2], $0x800  }
0x1ef: {  	[sflag:s2] =	ssyncset.done $0x0  }
0x1f0: {  	[sflag:s2] =	ssyncadd.s32 $0xFFFFF800  }
0x1f1: {  	_ =	swait.ge [sflag:s2], $0x800  }
0x1f2: {  	[sflag:s2] =	ssyncset.done $0x0  }
0x1f3: {  	[sflag:s2] =	ssyncadd.s32 $0xFFFFF800  }
0x1f4: {  	_ =	swait.ge [sflag:s2], $0x800  }
0x1f5: {  	[sflag:s2] =	ssyncset.done $0x0  }
0x1f6: {  	[sflag:s2] =	ssyncadd.s32 $0xFFFFF800  }
0x1f7: {  	_ =	swait.ge [sflag:s2], $0x800  }
0x1f8: {  	[sflag:s2] =	ssyncset.done $0x0  }
0x1f9: {  	[sflag:s2] =	ssyncadd.s32 $0xFFFFF800  }
0x1fa: {  	_ =	swait.ge [sflag:s2], $0x800  }
0x1fb: {  	[sflag:s2] =	ssyncset.done $0x0  }
0x1fc: {  	[sflag:s2] =	ssyncadd.s32 $0xFFFFF800  }
0x1fd: {  	_ =	swait.ge [sflag:s2], $0x800  }
0x1fe: {  	[sflag:s2] =	ssyncset.done $0x0  }
0x1ff: {  	[sflag:s2] =	ssyncadd.s32 $0xFFFFF800  }
0x200: {  	_ =	swait.ge [sflag:s2], $0x800  }
0x201: {  	[sflag:s2] =	ssyncset.done $0x0  }
0x202: {  	[sflag:s2] =	ssyncadd.s32 $0xFFFFF800  }
0x203: {  	_ =	swait.ge [sflag:s2], $0x800  }
0x204: {  	[sflag:s2] =	ssyncset.done $0x0  }
0x205: {  	[sflag:s2] =	ssyncadd.s32 $0xFFFFF800  }
0x206: {  	_ =	swait.ge [sflag:s2], $0x800  }
0x207: {  	[sflag:s2] =	ssyncset.done $0x0  }
0x208: {  	[sflag:s2] =	ssyncadd.s32 $0xFFFFF800  }
0x209: {  	_ =	swait.ge [sflag:s2], $0x800  }
0x20a: {  	[sflag:s2] =	ssyncset.done $0x0  }
0x20b: {  	[sflag:s2] =	ssyncadd.s32 $0xFFFFF800  }
0x20c: {  	_ =	swait.ge [sflag:s2], $0x800  }
0x20d: {  	[sflag:s2] =	ssyncset.done $0x0  }
0x20e: {  	[sflag:s2] =	ssyncadd.s32 $0xFFFFF800  }
0x20f: {  	_ =	swait.ge [sflag:s2], $0x800  }
0x210: {  	[sflag:s2] =	ssyncset.done $0x0  }
0x211: {  	[sflag:s2] =	ssyncadd.s32 $0xFFFFF800  }
0x212: {  	_ =	swait.ge [sflag:s2], $0x800  }
0x213: {  	[sflag:s2] =	ssyncset.done $0x0  }
0x214: {  	p1 =	sne.s32 s9, $0x1;
	[sflag:s2] =	ssyncadd.s32 $0xFFFFF800  }
.Ltmp2:
0x215: {  	_ =	swait.ge [sflag:s2], $0x800;
	(pc) =	sbr.rel @p1 .LBB2_3-.Ltmp2, $4  }
0x216: {  	[sflag:s2] =	ssyncset.done $0x0  }
0x217: {  	[sflag:s2] =	ssyncadd.s32 $0xFFFFF800  }
0x218: {  	_ =	swait.ge [sflag:s2], $0x800  }
0x219: {  	s9 =	sadd.s32 $0xFFFFFFFF, s9;
	s10 =	rddreg [dreg:$0x2];
	[sflag:s2] =	ssyncset.done $0x0  }
0x21a: {  	s9 =	simm.s32 $0x0  }
0x21b: {  	s24 =	simm.s32 $0x7D00;
	s25 =	simm.s32 $0x7500;
	s26 =	simm.s32 $0x6D00  }
0x21c: {  	s28 =	simm.s32 $0x6500;
	s29 =	simm.s32 $0x5D00;
	s30 =	simm.s32 $0x5500  }
0x21d: {  	s1 =	simm.s32 $0x4D00;
	s31 =	simm.s32 $0x4500;
	s0 =	simm.s32 $0x3D00  }
0x21e: {  	s4 =	simm.s32 $0x3500;
	s21 =	simm.s32 $0x2500;
	s22 =	simm.s32 $0x2D00  }
0x21f: {  	s14 =	simm.s32 $0x1D00;
	s15 =	simm.s32 $0xD00;
	s8 =	simm.s32 $0x3  }
.LBB2_5:
0x220: {  	[sflag:s2] =	ssyncadd.s32 @p0 $0xFFFFF800  }
0x221: {  	[tilespmem:s9], [sflag:$0x3] =	stream.linear.gather [hbm4b:s10+s9], $0xD00, $0x38;
	[tilespmem:$0xDD00] =	vst v63  }
0x222: {  	_ =	swait.ge [sflag:s8], $0xD00  }
0x223: {  	[sflag:s8] =	ssyncset.done $0x0  }
0x224: {  	[sflag:s8] =	ssyncadd.s32 $0xFFFFF300  }
0x225: {  	[tilespmem:s15], [sflag:$0x1] =	stream.indirect.gather [hbm4b:s23+s7], $0x10, s9, s7, $0xb8;
	[tilespmem:$0xDD00] =	vst v63  }
0x226: {  	_ = 	snop  }
0x227: {  	[tilespmem:s11], [sflag:$0x1] =	stream.indirect.gather [hbm4b:s23+s7], $0x10, s7, s7, $0xb8;
	[tilespmem:$0xDD00] =	vst v63  }
0x228: {  	s17 =	rddreg [dreg:$0x1d]  }
0x229: {  	[tilespmem:s14], [sflag:$0x1] =	stream.indirect.gather [hbm4b:s23+s7], $0x10, s17, s7, $0xb8;
	[tilespmem:$0xDD00] =	vst v63  }
0x22a: {  	s18 =	rddreg [dreg:$0x1e]  }
0x22b: {  	[tilespmem:s21], [sflag:$0x1] =	stream.indirect.gather [hbm4b:s23+s7], $0x10, s18, s7, $0xb8;
	[tilespmem:$0xDD00] =	vst v63  }
0x22c: {  	s19 =	rddreg [dreg:$0x1f]  }
0x22d: {  	[tilespmem:s22], [sflag:$0x1] =	stream.indirect.gather [hbm4b:s23+s7], $0x10, s3, s7, $0xb8;
	[tilespmem:$0xDD00] =	vst v63  }
0x22e: {  	s20 =	sld [smem:$0x7EA]  }
0x22f: {  	[tilespmem:s4], [sflag:$0x1] =	stream.indirect.gather [hbm4b:s23+s7], $0x10, s19, s7, $0xb8;
	[tilespmem:$0xDD00] =	vst v63  }
0x230: {  	s4 =	sld [smem:$0x7EB]  }
0x231: {  	[tilespmem:s0], [sflag:$0x1] =	stream.indirect.gather [hbm4b:s23+s7], $0x10, s20, s7, $0xb8;
	[tilespmem:$0xDD00] =	vst v63  }
0x232: {  	s10 =	sld [smem:$0x7EC]  }
0x233: {  	[tilespmem:s31], [sflag:$0x1] =	stream.indirect.gather [hbm4b:s23+s7], $0x10, s4, s7, $0xb8;
	[tilespmem:$0xDD00] =	vst v63  }
0x234: {  	s11 =	sld [smem:$0x7ED]  }
0x235: {  	[tilespmem:s1], [sflag:$0x1] =	stream.indirect.gather [hbm4b:s23+s7], $0x10, s10, s7, $0xb8;
	[tilespmem:$0xDD00] =	vst v63  }
0x236: {  	s12 =	sld [smem:$0x7EE]  }
0x237: {  	[tilespmem:s30], [sflag:$0x1] =	stream.indirect.gather [hbm4b:s23+s7], $0x10, s11, s7, $0xb8;
	[tilespmem:$0xDD00] =	vst v63  }
0x238: {  	s13 =	sld [smem:$0x7EF]  }
0x239: {  	[tilespmem:s29], [sflag:$0x1] =	stream.indirect.gather [hbm4b:s23+s7], $0x10, s12, s7, $0xb8;
	[tilespmem:$0xDD00] =	vst v63  }
0x23a: {  	s14 =	sld [smem:$0x7F0]  }
0x23b: {  	[tilespmem:s28], [sflag:$0x1] =	stream.indirect.gather [hbm4b:s23+s7], $0x10, s13, s7, $0xb8;
	[tilespmem:$0xDD00] =	vst v63  }
0x23c: {  	s15 =	sld [smem:$0x7F1]  }
0x23d: {  	[tilespmem:s26], [sflag:$0x1] =	stream.indirect.gather [hbm4b:s23+s7], $0x10, s14, s7, $0xb8;
	[tilespmem:$0xDD00] =	vst v63  }
0x23e: {  	s16 =	sld [smem:$0x7F2]  }
0x23f: {  	[tilespmem:s25], [sflag:$0x1] =	stream.indirect.gather [hbm4b:s23+s7], $0x10, s15, s7, $0xb8;
	[tilespmem:$0xDD00] =	vst v63  }
0x240: {  	s17 =	sld [smem:$0x7F3]  }
0x241: {  	[tilespmem:s24], [sflag:$0x1] =	stream.indirect.gather [hbm4b:s23+s7], $0x10, s16, s7, $0xb8;
	[tilespmem:$0xDD00] =	vst v63  }
0x242: {  	s18 =	sld [smem:$0x7F4];
	s20 =	simm.s32 $0x8500  }
0x243: {  	[tilespmem:s20], [sflag:$0x1] =	stream.indirect.gather [hbm4b:s23+s7], $0x10, s17, s7, $0xb8;
	[tilespmem:$0xDD00] =	vst v63  }
0x244: {  	s19 =	simm.s32 $0x8D00;
	s10 =	sld [smem:$0x7F5]  }
0x245: {  	[tilespmem:s19], [sflag:$0x1] =	stream.indirect.gather [hbm4b:s23+s7], $0x10, s18, s7, $0xb8;
	[tilespmem:$0xDD00] =	vst v63  }
0x246: {  	s12 =	sld [smem:$0x7F6];
	s18 =	simm.s32 $0x9500  }
0x247: {  	[tilespmem:s18], [sflag:$0x1] =	stream.indirect.gather [hbm4b:s23+s7], $0x10, s10, s7, $0xb8;
	[tilespmem:$0xDD00] =	vst v63  }
0x248: {  	s13 =	sld [smem:$0x7F7];
	s17 =	simm.s32 $0x9D00  }
0x249: {  	[tilespmem:s17], [sflag:$0x1] =	stream.indirect.gather [hbm4b:s23+s7], $0x10, s12, s7, $0xb8;
	[tilespmem:$0xDD00] =	vst v63  }
0x24a: {  	s14 =	sld [smem:$0x7F8];
	s16 =	simm.s32 $0xA500  }
0x24b: {  	[tilespmem:s16], [sflag:$0x1] =	stream.indirect.gather [hbm4b:s23+s7], $0x10, s13, s7, $0xb8;
	[tilespmem:$0xDD00] =	vst v63  }
0x24c: {  	s15 =	simm.s32 $0xAD00;
	s10 =	sld [smem:$0x7F9]  }
0x24d: {  	[tilespmem:s15], [sflag:$0x1] =	stream.indirect.gather [hbm4b:s23+s7], $0x10, s14, s7, $0xb8;
	[tilespmem:$0xDD00] =	vst v63  }
0x24e: {  	s12 =	sld [smem:$0x7FA];
	s14 =	simm.s32 $0xB500  }
0x24f: {  	[tilespmem:s14], [sflag:$0x1] =	stream.indirect.gather [hbm4b:s23+s7], $0x10, s10, s7, $0xb8;
	[tilespmem:$0xDD00] =	vst v63  }
0x250: {  	s13 =	simm.s32 $0xBD00;
	s10 =	sld [smem:$0x7FB]  }
0x251: {  	[tilespmem:s13], [sflag:$0x1] =	stream.indirect.gather [hbm4b:s23+s7], $0x10, s12, s7, $0xb8;
	[tilespmem:$0xDD00] =	vst v63  }
0x252: {  	s9 =	sld [smem:$0x7FC];
	s12 =	simm.s32 $0xC500  }
0x253: {  	[tilespmem:s12], [sflag:$0x1] =	stream.indirect.gather [hbm4b:s23+s7], $0x10, s10, s7, $0xb8;
	[tilespmem:$0xDD00] =	vst v63  }
0x254: {  	s8 =	sld [smem:$0x7FD];
	s10 =	simm.s32 $0xCD00  }
0x255: {  	[tilespmem:s10], [sflag:$0x1] =	stream.indirect.gather [hbm4b:s23+s7], $0x10, s9, s7, $0xb8;
	[tilespmem:$0xDD00] =	vst v63  }
0x256: {  	s9 =	simm.s32 $0xD500  }
0x257: {  	[tilespmem:s9], [sflag:$0x1] =	stream.indirect.gather [hbm4b:s23+s7], $0x10, s8, s7, $0xb8;
	[tilespmem:$0xDD00] =	vst v63  }
0x258: {  	_ =	swait.ge [sflag:s5], $0x800  }
0x259: {  	[sflag:s5] =	ssyncset.done $0x0  }
0x25a: {  	s4 =	simm.s32 $0xD00;
	s8 =	rddreg [dreg:$0x3];
	[sflag:s5] =	ssyncadd.s32 $0xFFFFF800  }
0x25b: {  	[hbm4b:s8+s6] =	stream.strided.scatter [tilespmem:s4], [sflag:$0x2], $0x800, s3, s6, $0x38;
	[tilespmem:$0xDD00] =	vst v63  }
0x25c: {  	_ =	swait.ge [sflag:s5], $0x800  }
0x25d: {  	[sflag:s5] =	ssyncset.done $0x0  }
0x25e: {  	s0 =	simm.s32 $0x1500;
	s23 =	rddreg [dreg:$0x4];
	[sflag:s5] =	ssyncadd.s32 $0xFFFFF800  }
0x25f: {  	[hbm4b:s23+s6] =	stream.strided.scatter [tilespmem:s0], [sflag:$0x2], $0x800, s3, s6, $0x38;
	[tilespmem:$0xDD00] =	vst v63  }
0x260: {  	_ =	swait.ge [sflag:s5], $0x800  }
0x261: {  	[sflag:s5] =	ssyncset.done $0x0  }
0x262: {  	s11 =	simm.s32 $0x1D00;
	s8 =	rddreg [dreg:$0x5];
	[sflag:s5] =	ssyncadd.s32 $0xFFFFF800  }
0x263: {  	[hbm4b:s8+s6] =	stream.strided.scatter [tilespmem:s11], [sflag:$0x2], $0x800, s3, s6, $0x38;
	[tilespmem:$0xDD00] =	vst v63  }
0x264: {  	_ =	swait.ge [sflag:s5], $0x800  }
0x265: {  	[sflag:s5] =	ssyncset.done $0x0  }
0x266: {  	s11 =	rddreg [dreg:$0x6];
	[sflag:s5] =	ssyncadd.s32 $0xFFFFF800  }
0x267: {  	[hbm4b:s11+s6] =	stream.strided.scatter [tilespmem:s21], [sflag:$0x2], $0x800, s3, s6, $0x38;
	[tilespmem:$0xDD00] =	vst v63  }
0x268: {  	_ =	swait.ge [sflag:s5], $0x800  }
0x269: {  	[sflag:s5] =	ssyncset.done $0x0  }
0x26a: {  	s23 =	rddreg [dreg:$0x7];
	[sflag:s5] =	ssyncadd.s32 $0xFFFFF800  }
0x26b: {  	[hbm4b:s23+s6] =	stream.strided.scatter [tilespmem:s22], [sflag:$0x2], $0x800, s3, s6, $0x38;
	[tilespmem:$0xDD00] =	vst v63  }
0x26c: {  	_ =	swait.ge [sflag:s5], $0x800  }
0x26d: {  	[sflag:s5] =	ssyncset.done $0x0  }
0x26e: {  	s7 =	simm.s32 $0x3500;
	s8 =	rddreg [dreg:$0x8];
	[sflag:s5] =	ssyncadd.s32 $0xFFFFF800  }
0x26f: {  	[hbm4b:s8+s6] =	stream.strided.scatter [tilespmem:s7], [sflag:$0x2], $0x800, s3, s6, $0x38;
	[tilespmem:$0xDD00] =	vst v63  }
0x270: {  	_ =	swait.ge [sflag:s5], $0x800  }
0x271: {  	[sflag:s5] =	ssyncset.done $0x0  }
0x272: {  	s4 =	simm.s32 $0x3D00;
	s11 =	rddreg [dreg:$0x9];
	[sflag:s5] =	ssyncadd.s32 $0xFFFFF800  }
0x273: {  	[hbm4b:s11+s6] =	stream.strided.scatter [tilespmem:s4], [sflag:$0x2], $0x800, s3, s6, $0x38;
	[tilespmem:$0xDD00] =	vst v63  }
0x274: {  	_ =	swait.ge [sflag:s5], $0x800  }
0x275: {  	[sflag:s5] =	ssyncset.done $0x0  }
0x276: {  	s21 =	rddreg [dreg:$0xa];
	[sflag:s5] =	ssyncadd.s32 $0xFFFFF800  }
0x277: {  	[hbm4b:s21+s6] =	stream.strided.scatter [tilespmem:s31], [sflag:$0x2], $0x800, s3, s6, $0x38;
	[tilespmem:$0xDD00] =	vst v63  }
0x278: {  	_ =	swait.ge [sflag:s5], $0x800  }
0x279: {  	[sflag:s5] =	ssyncset.done $0x0  }
0x27a: {  	s22 =	rddreg [dreg:$0xb];
	[sflag:s5] =	ssyncadd.s32 $0xFFFFF800  }
0x27b: {  	[hbm4b:s22+s6] =	stream.strided.scatter [tilespmem:s1], [sflag:$0x2], $0x800, s3, s6, $0x38;
	[tilespmem:$0xDD00] =	vst v63  }
0x27c: {  	_ =	swait.ge [sflag:s5], $0x800  }
0x27d: {  	[sflag:s5] =	ssyncset.done $0x0  }
0x27e: {  	s23 =	rddreg [dreg:$0xc];
	[sflag:s5] =	ssyncadd.s32 $0xFFFFF800  }
0x27f: {  	[hbm4b:s23+s6] =	stream.strided.scatter [tilespmem:s30], [sflag:$0x2], $0x800, s3, s6, $0x38;
	[tilespmem:$0xDD00] =	vst v63  }
0x280: {  	_ =	swait.ge [sflag:s5], $0x800  }
0x281: {  	[sflag:s5] =	ssyncset.done $0x0  }
0x282: {  	s31 =	rddreg [dreg:$0xd];
	[sflag:s5] =	ssyncadd.s32 $0xFFFFF800  }
0x283: {  	[hbm4b:s31+s6] =	stream.strided.scatter [tilespmem:s29], [sflag:$0x2], $0x800, s3, s6, $0x38;
	[tilespmem:$0xDD00] =	vst v63  }
0x284: {  	_ =	swait.ge [sflag:s5], $0x800  }
0x285: {  	[sflag:s5] =	ssyncset.done $0x0  }
0x286: {  	s1 =	rddreg [dreg:$0xe];
	[sflag:s5] =	ssyncadd.s32 $0xFFFFF800  }
0x287: {  	[hbm4b:s1+s6] =	stream.strided.scatter [tilespmem:s28], [sflag:$0x2], $0x800, s3, s6, $0x38;
	[tilespmem:$0xDD00] =	vst v63  }
0x288: {  	_ =	swait.ge [sflag:s5], $0x800  }
0x289: {  	[sflag:s5] =	ssyncset.done $0x0  }
0x28a: {  	s4 =	rddreg [dreg:$0xf];
	[sflag:s5] =	ssyncadd.s32 $0xFFFFF800  }
0x28b: {  	[hbm4b:s4+s6] =	stream.strided.scatter [tilespmem:s26], [sflag:$0x2], $0x800, s3, s6, $0x38;
	[tilespmem:$0xDD00] =	vst v63  }
0x28c: {  	_ =	swait.ge [sflag:s5], $0x800  }
0x28d: {  	[sflag:s5] =	ssyncset.done $0x0  }
0x28e: {  	s7 =	rddreg [dreg:$0x10];
	[sflag:s5] =	ssyncadd.s32 $0xFFFFF800  }
0x28f: {  	[hbm4b:s7+s6] =	stream.strided.scatter [tilespmem:s25], [sflag:$0x2], $0x800, s3, s6, $0x38;
	[tilespmem:$0xDD00] =	vst v63  }
0x290: {  	_ =	swait.ge [sflag:s5], $0x800  }
0x291: {  	[sflag:s5] =	ssyncset.done $0x0  }
0x292: {  	s8 =	rddreg [dreg:$0x11];
	[sflag:s5] =	ssyncadd.s32 $0xFFFFF800  }
0x293: {  	[hbm4b:s8+s6] =	stream.strided.scatter [tilespmem:s24], [sflag:$0x2], $0x800, s3, s6, $0x38;
	[tilespmem:$0xDD00] =	vst v63  }
0x294: {  	_ =	swait.ge [sflag:s5], $0x800  }
0x295: {  	[sflag:s5] =	ssyncset.done $0x0  }
0x296: {  	s11 =	rddreg [dreg:$0x12];
	[sflag:s5] =	ssyncadd.s32 $0xFFFFF800  }
0x297: {  	[hbm4b:s11+s6] =	stream.strided.scatter [tilespmem:s20], [sflag:$0x2], $0x800, s3, s6, $0x38;
	[tilespmem:$0xDD00] =	vst v63  }
0x298: {  	_ =	swait.ge [sflag:s5], $0x800  }
0x299: {  	[sflag:s5] =	ssyncset.done $0x0  }
0x29a: {  	s20 =	rddreg [dreg:$0x13];
	[sflag:s5] =	ssyncadd.s32 $0xFFFFF800  }
0x29b: {  	[hbm4b:s20+s6] =	stream.strided.scatter [tilespmem:s19], [sflag:$0x2], $0x800, s3, s6, $0x38;
	[tilespmem:$0xDD00] =	vst v63  }
0x29c: {  	_ =	swait.ge [sflag:s5], $0x800  }
0x29d: {  	[sflag:s5] =	ssyncset.done $0x0  }
0x29e: {  	s21 =	rddreg [dreg:$0x14];
	[sflag:s5] =	ssyncadd.s32 $0xFFFFF800  }
0x29f: {  	[hbm4b:s21+s6] =	stream.strided.scatter [tilespmem:s18], [sflag:$0x2], $0x800, s3, s6, $0x38;
	[tilespmem:$0xDD00] =	vst v63  }
0x2a0: {  	_ =	swait.ge [sflag:s5], $0x800  }
0x2a1: {  	[sflag:s5] =	ssyncset.done $0x0  }
0x2a2: {  	s22 =	rddreg [dreg:$0x15];
	[sflag:s5] =	ssyncadd.s32 $0xFFFFF800  }
0x2a3: {  	[hbm4b:s22+s6] =	stream.strided.scatter [tilespmem:s17], [sflag:$0x2], $0x800, s3, s6, $0x38;
	[tilespmem:$0xDD00] =	vst v63  }
0x2a4: {  	_ =	swait.ge [sflag:s5], $0x800  }
0x2a5: {  	[sflag:s5] =	ssyncset.done $0x0  }
0x2a6: {  	s23 =	rddreg [dreg:$0x16];
	[sflag:s5] =	ssyncadd.s32 $0xFFFFF800  }
0x2a7: {  	[hbm4b:s23+s6] =	stream.strided.scatter [tilespmem:s16], [sflag:$0x2], $0x800, s3, s6, $0x38;
	[tilespmem:$0xDD00] =	vst v63  }
0x2a8: {  	_ =	swait.ge [sflag:s5], $0x800  }
0x2a9: {  	[sflag:s5] =	ssyncset.done $0x0  }
0x2aa: {  	s24 =	rddreg [dreg:$0x17];
	[sflag:s5] =	ssyncadd.s32 $0xFFFFF800  }
0x2ab: {  	[hbm4b:s24+s6] =	stream.strided.scatter [tilespmem:s15], [sflag:$0x2], $0x800, s3, s6, $0x38;
	[tilespmem:$0xDD00] =	vst v63  }
0x2ac: {  	_ =	swait.ge [sflag:s5], $0x800  }
0x2ad: {  	[sflag:s5] =	ssyncset.done $0x0  }
0x2ae: {  	s25 =	rddreg [dreg:$0x18];
	[sflag:s5] =	ssyncadd.s32 $0xFFFFF800  }
0x2af: {  	[hbm4b:s25+s6] =	stream.strided.scatter [tilespmem:s14], [sflag:$0x2], $0x800, s3, s6, $0x38;
	[tilespmem:$0xDD00] =	vst v63  }
0x2b0: {  	_ =	swait.ge [sflag:s5], $0x800  }
0x2b1: {  	[sflag:s5] =	ssyncset.done $0x0  }
0x2b2: {  	s26 =	rddreg [dreg:$0x19];
	[sflag:s5] =	ssyncadd.s32 $0xFFFFF800  }
0x2b3: {  	[hbm4b:s26+s6] =	stream.strided.scatter [tilespmem:s13], [sflag:$0x2], $0x800, s3, s6, $0x38;
	[tilespmem:$0xDD00] =	vst v63  }
0x2b4: {  	_ =	swait.ge [sflag:s5], $0x800  }
0x2b5: {  	[sflag:s5] =	ssyncset.done $0x0  }
0x2b6: {  	s28 =	rddreg [dreg:$0x1a];
	[sflag:s5] =	ssyncadd.s32 $0xFFFFF800  }
0x2b7: {  	[hbm4b:s28+s6] =	stream.strided.scatter [tilespmem:s12], [sflag:$0x2], $0x800, s3, s6, $0x38;
	[tilespmem:$0xDD00] =	vst v63  }
0x2b8: {  	_ =	swait.ge [sflag:s5], $0x800  }
0x2b9: {  	[sflag:s5] =	ssyncset.done $0x0  }
0x2ba: {  	s29 =	rddreg [dreg:$0x1b];
	[sflag:s5] =	ssyncadd.s32 $0xFFFFF800  }
0x2bb: {  	[hbm4b:s29+s6] =	stream.strided.scatter [tilespmem:s10], [sflag:$0x2], $0x800, s3, s6, $0x38;
	[tilespmem:$0xDD00] =	vst v63  }
0x2bc: {  	_ =	swait.ge [sflag:s5], $0x800  }
0x2bd: {  	[sflag:s5] =	ssyncset.done $0x0  }
0x2be: {  	s30 =	rddreg [dreg:$0x1c];
	[sflag:s5] =	ssyncadd.s32 $0xFFFFF800  }
0x2bf: {  	[hbm4b:s30+s6] =	stream.strided.scatter [tilespmem:s9], [sflag:$0x2], $0x800, s3, s6, $0x38;
	[tilespmem:$0xDD00] =	vst v63  }
0x2c0: {  	_ =	swait.ge [sflag:s2], $0x800  }
0x2c1: {  	[sflag:s2] =	ssyncset.done $0x0  }
0x2c2: {  	[sflag:s2] =	ssyncadd.s32 $0xFFFFF800  }
0x2c3: {  	_ =	swait.ge [sflag:s2], $0x800  }
0x2c4: {  	[sflag:s2] =	ssyncset.done $0x0  }
0x2c5: {  	[sflag:s2] =	ssyncadd.s32 $0xFFFFF800  }
0x2c6: {  	_ =	swait.ge [sflag:s2], $0x800  }
0x2c7: {  	[sflag:s2] =	ssyncset.done $0x0  }
0x2c8: {  	[sflag:s2] =	ssyncadd.s32 $0xFFFFF800  }
0x2c9: {  	_ =	swait.ge [sflag:s2], $0x800  }
0x2ca: {  	[sflag:s2] =	ssyncset.done $0x0  }
0x2cb: {  	[sflag:s2] =	ssyncadd.s32 $0xFFFFF800  }
0x2cc: {  	_ =	swait.ge [sflag:s2], $0x800  }
0x2cd: {  	[sflag:s2] =	ssyncset.done $0x0  }
0x2ce: {  	[sflag:s2] =	ssyncadd.s32 $0xFFFFF800  }
0x2cf: {  	_ =	swait.ge [sflag:s2], $0x800  }
0x2d0: {  	[sflag:s2] =	ssyncset.done $0x0  }
0x2d1: {  	[sflag:s2] =	ssyncadd.s32 $0xFFFFF800  }
0x2d2: {  	_ =	swait.ge [sflag:s2], $0x800  }
0x2d3: {  	[sflag:s2] =	ssyncset.done $0x0  }
0x2d4: {  	[sflag:s2] =	ssyncadd.s32 $0xFFFFF800  }
0x2d5: {  	_ =	swait.ge [sflag:s2], $0x800  }
0x2d6: {  	[sflag:s2] =	ssyncset.done $0x0  }
0x2d7: {  	[sflag:s2] =	ssyncadd.s32 $0xFFFFF800  }
0x2d8: {  	_ =	swait.ge [sflag:s2], $0x800  }
0x2d9: {  	[sflag:s2] =	ssyncset.done $0x0  }
0x2da: {  	[sflag:s2] =	ssyncadd.s32 $0xFFFFF800  }
0x2db: {  	_ =	swait.ge [sflag:s2], $0x800  }
0x2dc: {  	[sflag:s2] =	ssyncset.done $0x0  }
0x2dd: {  	[sflag:s2] =	ssyncadd.s32 $0xFFFFF800  }
0x2de: {  	_ =	swait.ge [sflag:s2], $0x800  }
0x2df: {  	[sflag:s2] =	ssyncset.done $0x0  }
0x2e0: {  	[sflag:s2] =	ssyncadd.s32 $0xFFFFF800  }
0x2e1: {  	_ =	swait.ge [sflag:s2], $0x800  }
0x2e2: {  	[sflag:s2] =	ssyncset.done $0x0  }
0x2e3: {  	[sflag:s2] =	ssyncadd.s32 $0xFFFFF800  }
0x2e4: {  	_ =	swait.ge [sflag:s2], $0x800  }
0x2e5: {  	[sflag:s2] =	ssyncset.done $0x0  }
0x2e6: {  	[sflag:s2] =	ssyncadd.s32 $0xFFFFF800  }
0x2e7: {  	_ =	swait.ge [sflag:s2], $0x800  }
0x2e8: {  	[sflag:s2] =	ssyncset.done $0x0  }
0x2e9: {  	[sflag:s2] =	ssyncadd.s32 $0xFFFFF800  }
0x2ea: {  	_ =	swait.ge [sflag:s2], $0x800  }
0x2eb: {  	[sflag:s2] =	ssyncset.done $0x0  }
0x2ec: {  	[sflag:s2] =	ssyncadd.s32 $0xFFFFF800  }
0x2ed: {  	_ =	swait.ge [sflag:s2], $0x800  }
0x2ee: {  	[sflag:s2] =	ssyncset.done $0x0  }
0x2ef: {  	[sflag:s2] =	ssyncadd.s32 $0xFFFFF800  }
0x2f0: {  	_ =	swait.ge [sflag:s2], $0x800  }
0x2f1: {  	[sflag:s2] =	ssyncset.done $0x0  }
0x2f2: {  	[sflag:s2] =	ssyncadd.s32 $0xFFFFF800  }
0x2f3: {  	_ =	swait.ge [sflag:s2], $0x800  }
0x2f4: {  	[sflag:s2] =	ssyncset.done $0x0  }
0x2f5: {  	[sflag:s2] =	ssyncadd.s32 $0xFFFFF800  }
0x2f6: {  	_ =	swait.ge [sflag:s2], $0x800  }
0x2f7: {  	[sflag:s2] =	ssyncset.done $0x0  }
0x2f8: {  	[sflag:s2] =	ssyncadd.s32 $0xFFFFF800  }
0x2f9: {  	_ =	swait.ge [sflag:s2], $0x800  }
0x2fa: {  	[sflag:s2] =	ssyncset.done $0x0  }
0x2fb: {  	[sflag:s2] =	ssyncadd.s32 $0xFFFFF800  }
0x2fc: {  	_ =	swait.ge [sflag:s2], $0x800  }
0x2fd: {  	[sflag:s2] =	ssyncset.done $0x0  }
0x2fe: {  	[sflag:s2] =	ssyncadd.s32 $0xFFFFF800  }
0x2ff: {  	_ =	swait.ge [sflag:s2], $0x800  }
0x300: {  	[sflag:s2] =	ssyncset.done $0x0  }
0x301: {  	[sflag:s2] =	ssyncadd.s32 $0xFFFFF800  }
0x302: {  	_ =	swait.ge [sflag:s2], $0x800  }
0x303: {  	[sflag:s2] =	ssyncset.done $0x0  }
0x304: {  	[sflag:s2] =	ssyncadd.s32 $0xFFFFF800  }
0x305: {  	_ =	swait.ge [sflag:s2], $0x800  }
0x306: {  	[sflag:s2] =	ssyncset.done $0x0  }
0x307: {  	[sflag:s2] =	ssyncadd.s32 $0xFFFFF800  }
0x308: {  	_ =	swait.ge [sflag:s2], $0x800  }
0x309: {  	[sflag:s2] =	ssyncset.done $0x0  }
0x30a: {  	[sflag:s2] =	ssyncadd.s32 $0xFFFFF800  }
0x30b: {  	_ =	swait.ge [sflag:s2], $0x800  }
0x30c: {  	[sflag:s2] =	ssyncset.done $0x0  }
0x30d: {  	[sflag:s2] =	ssyncadd.s32 $0xFFFFF800  }
0x30e: {  	_ =	sfence.sel $0x180000  }
0x30f: {  	[bflag:$0x0] =	sbarrier.arrive $0xFFFF  }
0x310: {  	_ =	strace $0x90000047  }
0x311: {  	s31 =	stileid.u32;
	[bflag:$0x2] =	sbarrier.arrive $0xFFFF  }
0x312: {  	p0 =	sne.s32 s31, $0x0;
	s0 =	rddreg [dreg:$0x1]  }
0x313: {  	s0 =	sadd.s32 @!p0 $0x100000, s0  }
0x314: {  	[sflag:s0] =	ssyncadd.tile.s32 @!p0 $0x1;
	_ =	shalt  }
.LBB2_6:
0x315: {  	s9 =	simm.s32 $0x0;
	s24 =	simm.s32 $0x7D00  }
.Ltmp3:
0x316: {  	s25 =	simm.s32 $0x7500;
	s26 =	simm.s32 $0x6D00;
	(pc) =	sbr.rel .LBB2_5-.Ltmp3, $4  }
0x317: {  	s28 =	simm.s32 $0x6500;
	s29 =	simm.s32 $0x5D00;
	s30 =	simm.s32 $0x5500  }
0x318: {  	s1 =	simm.s32 $0x4D00;
	s31 =	simm.s32 $0x4500;
	s0 =	simm.s32 $0x3D00  }
0x319: {  	s4 =	simm.s32 $0x3500;
	s21 =	simm.s32 $0x2500;
	s22 =	simm.s32 $0x2D00  }
0x31a: {  	s14 =	simm.s32 $0x1D00;
	s15 =	simm.s32 $0xD00;
	s8 =	simm.s32 $0x3  }
.Lfunc_end2:
_tile_overlayer_lowered:
.L_overlay_start_2:
0x31b: {  	(tag) =	ssettag $0x2  }
0x31c: {  	s0 =	rddreg [dreg:$0x0];
	s2 =	stileid.u32  }
0x31d: {  	s1 =	rddreg [dreg:$0x1];
	p0 =	sne.s32 s2, $0x0  }
0x31e: {  	s3 =	rddreg [dreg:$0x2];
	[bflag:$0x3] =	sbarrier.arrive $0xFFFF;
	s2 =	simm.s32 @!p0 $0x1C03  }
0x31f: {  	[timem:s3], [sflag:s2] =	dma.local @!p0 [hbm:s0], s1  }
0x320: {  	s0 =	simm.s32 @!p0 $0x3  }
0x321: {  	_ =	swait.ge @!p0 [sflag:s0], s1  }
0x322: {  	s1 =	ssub.s32 @!p0 $0x0, s1;
	[sflag:s0] =	ssyncset.done @!p0 $0x0  }
0x323: {  	[sflag:s0] =	ssyncadd.s32 @!p0 s1  }
0x324: {  	[bflag:$0x3] =	sbarrier.arrive $0xFFFF  }
0x325: {  	_ =	shalt  }

// kernel: kernel.8.cloned.1.call-start
scs
__scs_entry_jumppad:
0x0: {  	(pc) =	sbr.rel $0x88, $3  }
0x1: {  	(tag) =	ssettag $0x0;
	lr =	simm.s32 $0x1  }
0x2: {  	[smem:$0x3F99] =	sst lr;
	_ =	strace $0xD0000000  }
0x3: {  	_ = 	snop  }
0x4: {  	_ = 	snop  }
0x5: {  	_ = 	snop  }
0x6: {  	_ = 	snop  }
0x7: {  	_ = 	snop  }
__scs_overlays_trampoline_lowered:
0x8: {  	[smem:$0x3FA8] =	sst s0  }
0x9: {  	[smem:$0x3FA9] =	sst s1  }
0xa: {  	[smem:$0x3FAA] =	sst s2  }
0xb: {  	[smem:$0x3FAB] =	sst s3  }
0xc: {  	[smem:$0x3FAC] =	sst s4  }
0xd: {  	[smem:$0x3FAD] =	sst s5  }
0xe: {  	[smem:$0x3FAE] =	sst s6  }
0xf: {  	[smem:$0x3FAF] =	sst s7  }
0x10: {  	[smem:$0x3FB0] =	sst s8  }
0x11: {  	[smem:$0x3FB1] =	sst s9;
	s0 =	simm.s32 @!p0 $0x0  }
0x12: {  	s1 =	sld [smem:$0x3F97];
	s0 =	simm.s32 @p0 $0x1  }
0x13: {  	[smem:$0x3FB2] =	sst s0;
	s0 =	simm.s32 @!p1 $0x0  }
0x14: {  	s2 =	sld [smem:$0x3F96];
	s0 =	simm.s32 @p1 $0x1  }
0x15: {  	[smem:$0x3FB3] =	sst s0;
	s0 =	simm.s32 @!p2 $0x0  }
0x16: {  	s3 =	sld [smem:$0x3FDB];
	s0 =	simm.s32 @p2 $0x1  }
0x17: {  	s4 =	simm.s32 $0x1BF5;
	[smem:$0x3FB5] =	sst s0  }
0x18: {  	s0 =	sld [smem:$0x3F98];
	_ =	swait.ge [sflag:s4], $0x0  }
0x19: {  	s7 =	sld [smem:$0x3F99]  }
0x1a: {  	s8 =	sadd.s32 $0xFFFFE003, lr  }
0x1b: {  	s9 =	sadd.s32 $0xFFFFFEF7, lr;
	s5 =	simm.s32 $0xFFFFFFFF;
	p2 =	slt.u32 s8, $0xFFFFF086  }
0x1c: {  	p1 =	slt.u32 s9, $0xF7A;
	s5 =	simm.s32 @!p2 $0x0  }
0x1d: {  	s5 =	simm.s32 @p1 $0x1;
	p0 =	seq.s32 s7, s2  }
0x1e: {  	s7 =	smul.u32 @!p0 $0xF7A, s2;
	p2 =	seq.s32 @!p0 s5, $0x0  }
0x1f: {  	s9 =	smul.u32 $0xF7A, s1;
	s8 =	simm.s32 @!p0 $0x1BF5;
	p2 =	por !p2, p0  }
0x20: {  	[sflag:s8] =	ssyncset.s32 @!p0 $0xFFFFF086;
	s6 =	sadd.s32 @!p0 s3, s7;
	s7 =	simm.s32 @!p0 $0x108  }
0x21: {  	s3 =	sadd.s32 s3, s9;
	s6 =	sadd.s32 @!p0 $0x88, s6;
	s7 =	simm.s32 @p2 $0x1082  }
0x22: {  	[simem:s7], [sflag:s8] =	dma.local @!p0 [hbm:s6], $0xF7A  }
0x23: {  	s9 =	sor.u32 $0xD0000000, s2;
	s6 =	simm.s32 $0x108;
	_ =	swait.ge @!p0 [sflag:s8], $0x0  }
0x24: {  	s3 =	sadd.s32 $0x88, s3;
	s6 =	simm.s32 @!p1 $0x1082;
	[sflag:s4] =	ssyncset.s32 $0xFFFFF086  }
0x25: {  	[simem:s6], [sflag:s4] =	dma.local [hbm:s3], $0xF7A  }
0x26: {  	[smem:$0x3F99] =	sst s1;
	(tag) =	ssettag s2;
	_ =	strace s9  }
0x27: {  	s1 =	sld [smem:$0x3FA9]  }
0x28: {  	s2 =	sld [smem:$0x3FAA]  }
0x29: {  	s4 =	sld [smem:$0x3FAC]  }
0x2a: {  	p0 =	seq.s32 s5, $0x0;
	s5 =	sld [smem:$0x3FAD]  }
0x2b: {  	s6 =	sld [smem:$0x3FAE]  }
0x2c: {  	s7 =	sld [smem:$0x3FAF]  }
0x2d: {  	s3 =	simm.s32 $0x108;
	s8 =	sld [smem:$0x3FB0]  }
0x2e: {  	s3 =	simm.s32 @!p0 $0x1082;
	s9 =	sld [smem:$0x3FB1]  }
0x2f: {  	lr =	sadd.s32 s0, s3;
	s0 =	sld [smem:$0x3FA8]  }
0x30: {  	s3 =	sld [smem:$0x3FAB]  }
0x31: {  	[smem:$0x3FB4] =	sst s10  }
0x32: {  	s10 =	sld [smem:$0x3FB2];
	_ =	sdelay $0x3  }
0x33: {  	p0 =	seq.s32 s10, $0x1;
	s10 =	sld [smem:$0x3FB4];
	_ =	sdelay $0x3  }
0x34: {  	[smem:$0x3FB4] =	sst s10  }
0x35: {  	s10 =	sld [smem:$0x3FB3];
	_ =	sdelay $0x3  }
0x36: {  	p1 =	seq.s32 s10, $0x1;
	s10 =	sld [smem:$0x3FB4];
	_ =	sdelay $0x3  }
0x37: {  	[smem:$0x3FB4] =	sst s10  }
0x38: {  	s10 =	sld [smem:$0x3FB5]  }
0x39: {  	_ = 	snop;
	(pc) =	sbr.ind lr, $3  }
0x3a: {  	_ = 	snop  }
0x3b: {  	_ = 	snop  }
0x3c: {  	p2 =	seq.s32 s10, $0x1;
	s10 =	sld [smem:$0x3FB4]  }
0x3d: {  	_ =	shalt  }
0x3e: {  	_ =	shalt  }
0x3f: {  	_ =	shalt  }
0x40: {  	_ =	shalt  }
0x41: {  	_ =	shalt  }
0x42: {  	_ =	shalt  }
0x43: {  	_ =	shalt  }
0x44: {  	_ =	shalt  }
0x45: {  	_ =	shalt  }
0x46: {  	_ =	shalt  }
0x47: {  	_ =	shalt  }
0x48: {  	_ =	shalt  }
0x49: {  	_ =	shalt  }
0x4a: {  	_ =	shalt  }
0x4b: {  	_ =	shalt  }
0x4c: {  	_ =	shalt  }
0x4d: {  	_ =	shalt  }
0x4e: {  	_ =	shalt  }
0x4f: {  	_ =	shalt  }
0x50: {  	_ =	shalt  }
0x51: {  	_ =	shalt  }
0x52: {  	_ =	shalt  }
0x53: {  	_ =	shalt  }
0x54: {  	_ =	shalt  }
0x55: {  	_ =	shalt  }
0x56: {  	_ =	shalt  }
0x57: {  	_ =	shalt  }
0x58: {  	_ =	shalt  }
0x59: {  	_ =	shalt  }
0x5a: {  	_ =	shalt  }
0x5b: {  	_ =	shalt  }
0x5c: {  	_ =	shalt  }
0x5d: {  	_ =	shalt  }
0x5e: {  	_ =	shalt  }
0x5f: {  	_ =	shalt  }
0x60: {  	_ =	shalt  }
0x61: {  	_ =	shalt  }
0x62: {  	_ =	shalt  }
0x63: {  	_ =	shalt  }
0x64: {  	_ =	shalt  }
0x65: {  	_ =	shalt  }
0x66: {  	_ =	shalt  }
0x67: {  	_ =	shalt  }
0x68: {  	_ =	shalt  }
0x69: {  	_ =	shalt  }
0x6a: {  	_ =	shalt  }
0x6b: {  	_ =	shalt  }
0x6c: {  	_ =	shalt  }
0x6d: {  	_ =	shalt  }
0x6e: {  	_ =	shalt  }
0x6f: {  	_ =	shalt  }
0x70: {  	_ =	shalt  }
0x71: {  	_ =	shalt  }
0x72: {  	_ =	shalt  }
0x73: {  	_ =	shalt  }
0x74: {  	_ =	shalt  }
0x75: {  	_ =	shalt  }
0x76: {  	_ =	shalt  }
0x77: {  	_ =	shalt  }
0x78: {  	_ =	shalt  }
0x79: {  	_ =	shalt  }
0x7a: {  	_ =	shalt  }
0x7b: {  	_ =	shalt  }
0x7c: {  	_ =	shalt  }
0x7d: {  	_ =	shalt  }
0x7e: {  	_ =	shalt  }
0x7f: {  	_ =	shalt  }
0x80: {  	_ =	shalt  }
0x81: {  	_ =	shalt  }
0x82: {  	_ =	shalt  }
0x83: {  	_ =	shalt  }
0x84: {  	_ =	shalt  }
0x85: {  	_ =	shalt  }
0x86: {  	_ =	shalt  }
0x87: {  	_ =	shalt  }
.Lfunc_end0:
.L_simem_size_0:
called_computation.1_lowered:
.L_overlay_start_0:
0x88: {  	s2 =	sld [smem:$0x3FD9]  }
0x89: {  	s3 =	sld [smem:$0x3FFE];
	_ =	sdelay $0x1  }
0x8a: {  	s1 =	srdreg.scid  }
0x8b: {  	s0 =	sand.u32 $0x1, s1  }
0x8c: {  	s17 =	sshll.u32 s0, $0xA;
	s2 =	sadd.s32 s3, s2  }
0x8d: {  	s2 =	sadd.s32 s2, s17  }
0x8e: {  	[smem:$0x3FC0] =	sst s2  }
0x8f: {  	_ = 	snop  }
0x90: {  	(tm) =	ssettm $0x1  }
0x91: {  	s18 =	sld [smem:$0x3FFB];
	_ =	sdelay $0x3  }
0x92: {  	_ =	strace s18  }
0x93: {  	s2 =	sld [smem:$0x3FFC];
	_ =	sdelay $0x3  }
0x94: {  	_ =	strace s2  }
0x95: {  	s2 =	sld [smem:$0x3FFD];
	_ =	sdelay $0x3  }
0x96: {  	_ =	strace s2  }
0x97: {  	_ =	strace $0x8FFFFFFF  }
0x98: {  	s19 =	sld [smem:$0x3FDB];
	_ =	sdelay $0x1  }
0x99: {  	s20 =	simm.s32 $_scs_section_size  }
0x9a: {  	s4 =	simm.s32 $_size__tile_overlayer_lowered;
	s5 =	simm.s32 $_tile_overlayer_lowered  }
0x9b: {  	s6 =	simm.s32 $0x1BFF;
	s21 =	sshll.u32 s5, $0x1;
	s3 =	sadd.s32 s20, s19  }
0x9c: {  	s22 =	simm.s32 $0x0;
	s4 =	sshll.u32 s4, $0x1;
	s5 =	sadd.s32 s21, s3  }
0x9d: {  	[timem:s22], [sflag:s6] =	dma.local [hbm:s5], s4  }
0x9e: {  	_ =	swait.ge [sflag:s6], s4  }
0x9f: {  	s4 =	ssub.s32 $0x0, s4;
	[sflag:s6] =	ssyncset.done $0x0  }
0xa0: {  	[sflag:s6] =	ssyncadd.s32 s4;
	_ =	sdelay $0x1  }
0xa1: {  	s23 =	simm.s32 $0x1B8B  }
0xa2: {  	_ =	swait.ge [sflag:s23], $0x1  }
0xa3: {  	[sflag:s23] =	ssyncset.done $0x0  }
0xa4: {  	[sflag:s23] =	ssyncadd.s32 $0xFFFFFFFF  }
0xa5: {  	s4 =	sld [smem:$0x0]  }
0xa6: {  	s5 =	sand.u32 $0xFFFFFFFE, s1  }
0xa7: {  	p0 =	sne.s32 s1, s5  }
0xa8: {  	s5 =	sshll.u32 @p0 s5, $0xE  }
0xa9: {  	s5 =	sadd.s32 @p0 $0x11B8D, s5;
	s6 =	sshll.u32 @p0 s4, $0x11  }
0xaa: {  	s5 =	sor.u32 @p0 s6, s5  }
0xab: {  	[sflag:s5] =	ssyncadd.remote.s32 @p0 $0x1;
	_ =	sdelay $0x1  }
0xac: {  	s5 =	simm.s32 @p0 $0x1B8D  }
0xad: {  	_ =	swait.eq @p0 [sflag:s5], $0x1  }
0xae: {  	[sflag:s5] =	ssyncadd.s32 @p0 $0xFFFFFFFF  }
0xaf: {  	s6 =	sshll.u32 @!p0 s1, $0xE  }
0xb0: {  	s6 =	sor.u32 @!p0 $0x4000, s6;
	s5 =	simm.s32 @!p0 $0x1B8D  }
0xb1: {  	s4 =	sshll.u32 @!p0 s4, $0x11;
	s6 =	sadd.s32 @!p0 $0x11B8D, s6;
	_ =	swait.eq @!p0 [sflag:s5], $0x1  }
0xb2: {  	s4 =	sor.u32 @!p0 s4, s6;
	[sflag:s5] =	ssyncadd.s32 @!p0 $0xFFFFFFFF  }
0xb3: {  	s25 =	simm.s32 $0x1B8E;
	s24 =	sld [smem:$0x3FFE];
	[sflag:s4] =	ssyncadd.remote.s32 @!p0 $0x1  }
0xb4: {  	s26 =	simm.s32 $execute0_lowered;
	[smem:$0x3FD2] =	sst s25  }
0xb5: {  	s5 =	sshll.u32 s26, $0x1;
	_ =	strace $0x80000049;
	[dreg:$0x1] =	wrdreg $0xFFFFFFFF  }
0xb6: {  	s28 =	simm.s32 $_size_execute0_lowered;
	s3 =	sadd.s32 s3, s5;
	[dreg:$0x0] =	wrdreg $0x0  }
0xb7: {  	s5 =	sshll.u32 s28, $0x1;
	[dreg:$0x2] =	wrdreg s3  }
0xb8: {  	[dreg:$0x3] =	wrdreg s5  }
0xb9: {  	[dreg:$0x4] =	wrdreg $0xC0  }
0xba: {  	_ =	task [dreg:s22], $0x5FFFF  }
0xbb: {  	[dreg:$0x1] =	wrdreg $0xFFFFFFFF  }
0xbc: {  	[dreg:$0x0] =	wrdreg $0x60  }
0xbd: {  	[dreg:$0x2] =	wrdreg s24  }
0xbe: {  	[dreg:$0x3] =	wrdreg $0xA  }
0xbf: {  	_ =	task.clear_ibuf [dreg:s22], $0x4FFFF;
	_ =	strace $0x90000049  }
0xc0: {  	s29 =	simm.s32 $0xA;
	_ =	strace $0x8000004B  }
0xc1: {  	_ =	swait.ge [sflag:s29], $0x1  }
0xc2: {  	[sflag:s29] =	ssyncadd.s32 $0xFFFFFFFF  }
0xc3: {  	_ =	strace $0x9000004B  }
0xc4: {  	_ =	sfence  }
0xc5: {  	s30 =	sld [smem:$0x0];
	_ =	sdelay $0x2  }
0xc6: {  	s31 =	sshll.u32 s1, $0xD;
	s1 =	sshrl.u32 s1, $0x2  }
0xc7: {  	s4 =	sand.u32 $0x4000, s31;
	s1 =	sadd.s32 s1, s30  }
0xc8: {  	s0 =	sor.u32 s4, s0;
	s1 =	sshll.u32 s1, $0x11  }
0xc9: {  	s0 =	sor.u32 s1, s0  }
0xca: {  	s0 =	sadd.s32 $0x8F2B, s0  }
0xcb: {  	[sflag:s0] =	ssyncadd.remote.s32 $0x1  }
0xcc: {  	_ =	sfence.sel $0xFFFF  }
0xcd: {  	[dreg:$0x0] =	wrdreg $0xFFFFFFFF;
	(pc) =	sbr.abs _section_cstart, $3  }
0xce: {  	[dreg:$0x1] =	wrdreg $0xFFFFFFFF  }
0xcf: {  	_ =	task.clear_ibuf [dreg:s22], $0x2FFFF;
	_ =	strace $0x9FFFFFFF  }
0xd0: {  	(tm) =	ssettm $0x7FFFFFFF  }
0xd1: {  	_ =	shalt  }
tec
execute0_lowered:
.L_overlay_start_1:
0x0: {  	(tag) =	ssettag $0x1  }
0x1: {  	s1 =	srdreg.scid;
	s0 =	stileid.u32  }
0x2: {  	s6 =	sand.u32 $0x1, s1;
	s31 =	sshll.u32 s0, $0x1  }
0x3: {  	s1 =	sor.u32 s6, s31  }
0x4: {  	s5 =	rddreg [dreg:$0x0];
	s2 =	simm.s32 $0x0;
	s3 =	smul.u32 $0x1A0, s1  }
0x5: {  	[smem:$0x7FF] =	sst s2  }
0x6: {  	s9 =	ssub.s32 $0x2, s6;
	s1 =	rddreg [dreg:$0x1];
	s8 =	sadd.s32 s3, s5  }
0x7: {  	_ =	strace $0x8000004A;
	s3 =	simm.s32 $0x2;
	s4 =	sadd.s32 $0x93E00, s8  }
0x8: {  	[tilespmem:s2], [sflag:$0x2] =	stream.linear.gather [hbm4b:s4+s2], $0xD00, $0x38;
	[tilespmem:$0x1A00] =	vst v63  }
0x9: {  	s7 =	simm.s32 $0x1;
	s10 =	sshrl.u32 s9, $0x1;
	_ =	swait.ge [sflag:s3], $0xD00  }
0xa: {  	s6 =	simm.s32 $0xD00;
	s9 =	ssub.s32 s9, s10;
	[sflag:s3] =	ssyncset.done $0x0  }
0xb: {  	s5 =	sadd.s32 $0x44800, s5;
	s9 =	smax.u32 s9, $0x1;
	[sflag:s3] =	ssyncadd.s32 $0xFFFFF300  }
0xc: {  	[tilespmem:s6], [sflag:$0x1] =	stream.indirect.gather [hbm4b:s5+s6], $0x1, s2, s6, $0xb8;
	[tilespmem:$0x1A00] =	vst v63  }
0xd: {  	p0 =	sne.s32 s9, $0x1;
	_ =	swait.ge [sflag:s7], $0xD00  }
.Ltmp0:
0xe: {  	[sflag:s7] =	ssyncset.done $0x0;
	(pc) =	sbr.rel @!p0 .LBB2_2-.Ltmp0, $4  }
0xf: {  	s8 =	sadd.s32 $0x97200, s8;
	[sflag:s7] =	ssyncadd.s32 $0xFFFFF300  }
0x10: {  	[hbm4b:s8+s2] =	stream.linear.scatter [tilespmem:s6], [sflag:$0x2], $0xD00, $0x38;
	[tilespmem:$0x1A00] =	vst v63  }
0x11: {  	_ =	swait.ge [sflag:s3], $0xD00  }
0x12: {  	s9 =	sadd.s32 $0xFFFFFFFF, s9;
	[sflag:s3] =	ssyncset.done $0x0  }
.LBB2_1:
0x13: {  	p0 =	sne.s32 s9, $0x1;
	s9 =	sadd.s32 $0xFFFFFFFF, s9;
	[sflag:s3] =	ssyncadd.s32 $0xFFFFF300  }
0x14: {  	[tilespmem:s2], [sflag:$0x2] =	stream.linear.gather [hbm4b:s4+s2], $0xD00, $0x38;
	[tilespmem:$0x1A00] =	vst v63  }
0x15: {  	_ =	swait.ge [sflag:s3], $0xD00  }
0x16: {  	[sflag:s3] =	ssyncset.done $0x0  }
0x17: {  	[sflag:s3] =	ssyncadd.s32 $0xFFFFF300  }
0x18: {  	[tilespmem:s6], [sflag:$0x1] =	stream.indirect.gather [hbm4b:s5+s6], $0x1, s2, s6, $0xb8;
	[tilespmem:$0x1A00] =	vst v63  }
0x19: {  	_ =	swait.ge [sflag:s7], $0xD00  }
.Ltmp1:
0x1a: {  	[sflag:s7] =	ssyncset.done $0x0;
	(pc) =	sbr.rel @p0 .LBB2_1-.Ltmp1, $4  }
0x1b: {  	[sflag:s7] =	ssyncadd.s32 $0xFFFFF300  }
0x1c: {  	[hbm4b:s8+s2] =	stream.linear.scatter [tilespmem:s6], [sflag:$0x2], $0xD00, $0x38;
	[tilespmem:$0x1A00] =	vst v63  }
0x1d: {  	_ =	swait.ge [sflag:s3], $0xD00  }
0x1e: {  	[sflag:s3] =	ssyncset.done $0x0  }
.LBB2_2:
0x1f: {  	[sflag:s3] =	ssyncadd.s32 $0xFFFFF300  }
0x20: {  	_ =	sfence.sel $0x180000  }
0x21: {  	[bflag:$0x0] =	sbarrier.arrive $0xFFFF  }
0x22: {  	p0 =	sne.s32 s0, $0x0;
	_ =	strace $0x9000004A  }
0x23: {  	s0 =	sadd.s32 @!p0 $0x100000, s1;
	[bflag:$0x2] =	sbarrier.arrive $0xFFFF  }
0x24: {  	[sflag:s0] =	ssyncadd.tile.s32 @!p0 $0x1;
	_ =	shalt  }
.Lfunc_end2:
_tile_overlayer_lowered:
.L_overlay_start_2:
0x25: {  	(tag) =	ssettag $0x2  }
0x26: {  	s0 =	rddreg [dreg:$0x0];
	s2 =	stileid.u32  }
0x27: {  	s1 =	rddreg [dreg:$0x1];
	p0 =	sne.s32 s2, $0x0  }
0x28: {  	s3 =	rddreg [dreg:$0x2];
	[bflag:$0x3] =	sbarrier.arrive $0xFFFF;
	s2 =	simm.s32 @!p0 $0x1C02  }
0x29: {  	[timem:s3], [sflag:s2] =	dma.local @!p0 [hbm:s0], s1  }
0x2a: {  	s0 =	simm.s32 @!p0 $0x2  }
0x2b: {  	_ =	swait.ge @!p0 [sflag:s0], s1  }
0x2c: {  	s1 =	ssub.s32 @!p0 $0x0, s1;
	[sflag:s0] =	ssyncset.done @!p0 $0x0  }
0x2d: {  	[sflag:s0] =	ssyncadd.s32 @!p0 s1  }
0x2e: {  	[bflag:$0x3] =	sbarrier.arrive $0xFFFF  }
0x2f: {  	_ =	shalt  }

</sc_bundles>
